<compile_context>
chip_gen: v7x
topology: tpu7x:2x2x1
jax: 0.10.2.dev20260603
libtpu: 0.0.44.dev20260713+nightly
codegen_flags: <defaults>
</compile_context>

<pallas_src>
import functools

import jax
import jax.numpy as jnp
from jax import lax
from jax.experimental import pallas as pl
from jax.experimental.pallas import tpu as pltpu
from jax.experimental.pallas import tpu_sc as plsc

IN_FEATURES = 4096
OUT_FEATURES = 4096
GROUPS = 32
PACK = 8
MAXQ = 15
L = 16
NC = 2
NS = 16
NW = NC * NS
RPW = IN_FEATURES // NW
PPW = RPW // PACK
PZ = OUT_FEATURES // PACK
SLAB = PACK * OUT_FEATURES
HALF = SLAB // 2
KH = HALF // PACK // L


@functools.partial(
    pl.kernel,
    mesh=plsc.VectorSubcoreMesh(core_axis_name="c", subcore_axis_name="s"),
    out_type=jax.ShapeDtypeStruct((IN_FEATURES * OUT_FEATURES,), jnp.float32),
    scratch_types=[
        pltpu.VMEM((RPW + 2 * L,), jnp.int32),
        pltpu.VMEM((L,), jnp.int32),
        pltpu.VMEM((OUT_FEATURES,), jnp.float32),
        pltpu.VMEM((OUT_FEATURES,), jnp.float32),
        pltpu.VMEM((PZ,), jnp.int32),
        pltpu.VMEM((HALF,), jnp.int32),
        pltpu.VMEM((HALF,), jnp.int32),
        pltpu.VMEM((HALF,), jnp.int32),
        pltpu.VMEM((HALF,), jnp.int32),
        pltpu.VMEM((HALF,), jnp.float32),
        pltpu.VMEM((HALF,), jnp.float32),
        pltpu.SemaphoreType.DMA,
        pltpu.SemaphoreType.DMA,
        pltpu.SemaphoreType.DMA,
        pltpu.SemaphoreType.DMA,
        pltpu.SemaphoreType.DMA,
        pltpu.SemaphoreType.DMA,
    ],
)
def _dequant(qw_hbm, qz_hbm, sc_hbm, g_hbm, ni_hbm, out_hbm,
             g_v, ni_v, sc_v, z_v, qz_v, qw00, qw01, qw10, qw11, ov0, ov1,
             si00, si01, si10, si11, so0, so1):
    wid = lax.axis_index("s") * NC + lax.axis_index("c")
    row0 = wid * RPW
    iota = lax.iota(jnp.int32, L)
    zshift = 4 * (iota & 7)

    qwb = ((qw00, qw01), (qw10, qw11))
    sib = ((si00, si01), (si10, si11))
    ovb, sob = (ov0, ov1), (so0, so1)

    def qw_src(slab, h):
        return qw_hbm.at[pl.ds((2 * wid + slab) * SLAB + h * HALF, HALF)]

    def out_dst(slab, jj, h):
        s = PACK * (2 * wid + slab) + jj
        return out_hbm.at[pl.ds(s * SLAB + h * HALF, HALF)]

    for slab in range(2):
        for h in range(2):
            pltpu.async_copy(qw_src(slab, h), qwb[slab][h], sib[slab][h])

    pltpu.sync_copy(ni_hbm, ni_v)
    pltpu.sync_copy(g_hbm.at[pl.ds(row0, RPW)], g_v.at[pl.ds(0, RPW)])
    ni0 = ni_v[pl.ds(0, L)][0]
    for m in range(RPW // L):
        gv = g_v[pl.ds(m * L, L)] + ni0
        g_v[pl.ds(m * L, L)] = jnp.clip(gv, 0, GROUPS - 1)

    def refill(gr):
        pltpu.sync_copy(sc_hbm.at[pl.ds(gr * OUT_FEATURES, OUT_FEATURES)], sc_v)
        pltpu.sync_copy(qz_hbm.at[pl.ds(gr * PZ, PZ)], qz_v)

        def zm(m, c):
            win = qz_v[pl.ds(m * L, L)]
            for t in range(PACK):
                w0 = win[2 * t]
                w1 = win[2 * t + 1]
                qzv = jnp.where(iota < PACK, w0, w1)
                z = ((qzv >> zshift) & MAXQ).astype(jnp.float32)
                z_v[pl.ds((m * PACK + t) * L, L)] = z
            return c

        lax.fori_loop(0, PZ // L, zm, 0)
        return gr

    def maybe_refill(gr, gc):
        return lax.cond(gr != gc, lambda: refill(gr), lambda: gc)

    def tile_base(k):
        return 896 * (k // 8) + 16 * k

    def emit_rows(jj, j, coff, qw_v, out_v):
        def fk(k, c2):
            qv = qw_v[pl.ds(tile_base(k) + 128 * jj, L)]
            shift = 4 * j
            wf = ((qv >> shift) & MAXQ).astype(jnp.float32)
            sv = sc_v[pl.ds(coff + k * L, L)]
            zv = z_v[pl.ds(coff + k * L, L)]
            out_v[pl.ds(tile_base(k) + 128 * j, L)] = sv * (wf - zv)
            return c2

        lax.fori_loop(0, KH, fk, 0)

    def fast_block(jj, coff, qw_v, out_v):
        def fk(k, c):
            qv = qw_v[pl.ds(tile_base(k) + 128 * jj, L)]
            sv = sc_v[pl.ds(coff + k * L, L)]
            zv = z_v[pl.ds(coff + k * L, L)]
            base = tile_base(k)
            for j in range(PACK):
                wf = ((qv >> (4 * j)) & MAXQ).astype(jnp.float32)
                out_v[pl.ds(base + 128 * j, L)] = sv * (wf - zv)
            return c

        lax.fori_loop(0, KH, fk, 0)

    gc = jnp.int32(-1)
    for slab in range(2):
        pltpu.make_async_copy(qw_src(0, 0), qwb[slab][0], sib[slab][0]).wait()
        pltpu.make_async_copy(qw_src(0, 0), qwb[slab][1], sib[slab][1]).wait()

        def jblock(jj, gc, slab=slab):
            lr0 = slab * (PACK * PACK) + jj * PACK
            gwin = g_v[pl.ds(lr0, L)]
            g0 = gwin[0]
            g7 = gwin[PACK - 1]

            for h in range(2):
                coff = h * (OUT_FEATURES // 2)

                if slab == 0:
                    @pl.when(jj > 0)
                    def _wait_out(h=h):
                        pltpu.make_async_copy(ovb[h], out_dst(0, 0, 0),
                                              sob[h]).wait()
                else:
                    pltpu.make_async_copy(ovb[h], out_dst(0, 0, 0),
                                          sob[h]).wait()

                def uniform(gc, h=h, coff=coff, jj=jj, g0=g0, slab=slab):
                    gc = maybe_refill(g0, gc)
                    fast_block(jj, coff, qwb[slab][h], ovb[h])
                    return gc

                def mixed(gc, h=h, coff=coff, jj=jj, lr0=lr0, slab=slab):
                    def fj(j, gc):
                        gj = g_v[pl.ds(lr0 + j, L)][0]
                        gc = maybe_refill(gj, gc)
                        emit_rows(jj, j, coff, qwb[slab][h], ovb[h])
                        return gc

                    return lax.fori_loop(0, PACK, fj, gc)

                gc = lax.cond(g0 == g7, uniform, mixed, gc)
                pltpu.async_copy(ovb[h], out_dst(slab, jj, h), sob[h])
            return gc

        gc = lax.fori_loop(0, PACK, jblock, gc)

    pltpu.make_async_copy(ov0, out_dst(0, 0, 0), so0).wait()
    pltpu.make_async_copy(ov1, out_dst(0, 0, 0), so1).wait()


def kernel(qweight, qzeros, scales, g_idx, num_itr=1):
    ni = jnp.full((L,), jnp.asarray(num_itr, jnp.int32) - 1, jnp.int32)
    qwt = qweight.reshape(IN_FEATURES // PACK // PACK, PACK, OUT_FEATURES // 128, 128)
    qwt = qwt.transpose(0, 2, 1, 3).reshape(-1)
    out = _dequant(qwt, qzeros.reshape(-1), scales.reshape(-1),
                   g_idx.astype(jnp.int32), ni)
    out = out.reshape(IN_FEATURES // PACK, OUT_FEATURES // 128, PACK, 128)
    out = out.transpose(0, 2, 1, 3)
    return out.reshape(IN_FEATURES, OUT_FEATURES)

# --- scband reference (transcript-rebuilt; emitter-appended) ---
"""Pipeline reference for scband-de-quantizer-63900523430425 (READ-ONLY COPY).

The authoritative reference and input builder live on the scoring server;
editing this copy changes nothing except your own understanding.
"""

import jax, jax.numpy as jnp
import numpy as np

BITS = 4
PACK_FACTOR = 8
MAXQ = 15
PACK_DTYPE_BITS = 32
IN_FEATURES = 4096
OUT_FEATURES = 4096
GROUPS = 32


def setup_inputs(seed: int = 0) -> dict:
    key = jax.random.key(seed)
    k1, k2, k3, k4 = jax.random.split(key, 4)
    qweight = jax.random.randint(k1, (IN_FEATURES // PACK_FACTOR, OUT_FEATURES), 0, 1000000000, dtype=jnp.int32)
    qzeros = jax.random.randint(k2, (GROUPS, OUT_FEATURES // PACK_FACTOR), 0, 1000000000, dtype=jnp.int32)
    scales = jax.random.uniform(k3, (GROUPS, OUT_FEATURES), dtype=jnp.float32)
    g_idx = jnp.sort(jax.random.randint(k4, (IN_FEATURES,), 0, GROUPS, dtype=jnp.int32))
    return {"qweight": qweight, "qzeros": qzeros, "scales": scales, "g_idx": g_idx, "num_itr": 1}


def reference(qweight, qzeros, scales, g_idx, num_itr=1):
    wf = jnp.arange(0, PACK_DTYPE_BITS, BITS, dtype=jnp.int32)  # [pack_factor]
    # unpack zeros: [G, out//pf, pf] -> [G, out]
    zeros = jnp.right_shift(qzeros[:, :, None], wf[None, None, :]) & MAXQ
    zeros = zeros.reshape(scales.shape)
    # unpack weights: [in//pf, pf, out] -> [in, out]
    weight = jnp.right_shift(qweight[:, None, :], wf[None, :, None]) & MAXQ
    weight = weight.reshape(weight.shape[0] * weight.shape[1], weight.shape[2])
    g = g_idx.astype(jnp.int32) + (jnp.asarray(num_itr, dtype=jnp.int32) - 1)
    out = scales[g] * (weight.astype(scales.dtype) - zeros[g].astype(scales.dtype))
    return out

if __name__ == "__main__":
    import jax
    _d = setup_inputs()
    print(jax.jit(kernel)(*tuple(_d.values())))

</pallas_src>

<mosaic_0001>
#map = affine_map<(d0, d1) -> (0)>
module attributes {stable_mosaic.version = 14 : i64} {
  func.func @_dequant(%arg0: i32, %arg1: i32, %arg2: memref<2097152xi32, #tpu.memory_space<hbm>>, %arg3: memref<16384xi32, #tpu.memory_space<hbm>>, %arg4: memref<131072xf32, #tpu.memory_space<hbm>>, %arg5: memref<4096xi32, #tpu.memory_space<hbm>>, %arg6: memref<16xi32, #tpu.memory_space<hbm>>, %arg7: memref<16777216xf32, #tpu.memory_space<hbm>>, %arg8: memref<160xi32, #tpu.memory_space<vmem>>, %arg9: memref<16xi32, #tpu.memory_space<vmem>>, %arg10: memref<4096xf32, #tpu.memory_space<vmem>>, %arg11: memref<4096xf32, #tpu.memory_space<vmem>>, %arg12: memref<512xi32, #tpu.memory_space<vmem>>, %arg13: memref<16384xi32, #tpu.memory_space<vmem>>, %arg14: memref<16384xi32, #tpu.memory_space<vmem>>, %arg15: memref<16384xi32, #tpu.memory_space<vmem>>, %arg16: memref<16384xi32, #tpu.memory_space<vmem>>, %arg17: memref<16384xf32, #tpu.memory_space<vmem>>, %arg18: memref<16384xf32, #tpu.memory_space<vmem>>, %arg19: memref<!tpu.dma_semaphore, #tpu.memory_space<semaphore_mem>>, %arg20: memref<!tpu.dma_semaphore, #tpu.memory_space<semaphore_mem>>, %arg21: memref<!tpu.dma_semaphore, #tpu.memory_space<semaphore_mem>>, %arg22: memref<!tpu.dma_semaphore, #tpu.memory_space<semaphore_mem>>, %arg23: memref<!tpu.dma_semaphore, #tpu.memory_space<semaphore_mem>>, %arg24: memref<!tpu.dma_semaphore, #tpu.memory_space<semaphore_mem>>) attributes {dimension_semantics = [#tpu.dimension_semantics<core_parallel>, #tpu.dimension_semantics<subcore_parallel>], iteration_bounds = array<i64: 2, 16>, scalar_prefetch = 0 : i64, scratch_operands = 17 : i64, tpu.core_type = #tpu.core_type<sc_vector_subcore>, window_params = [{transform_indices = #map}, {transform_indices = #map}, {transform_indices = #map}, {transform_indices = #map}, {transform_indices = #map}, {transform_indices = #map}]} {
    %mul3A = arith.constant 2 : i32
    %mul3A_0 = arith.muli %arg1, %mul3A : i32
    %add3A = arith.addi %mul3A_0, %arg0 : i32
    %mul3A_1 = arith.constant 128 : i32
    %mul3A_2 = arith.muli %add3A, %mul3A_1 : i32
    %iota3A = tpu.iota {dimensions = array<i32: 0>} : vector<16xi32>
    %and3A = arith.constant 7 : i32
    %and3A_3 = vector.broadcast %and3A : i32 to vector<16xi32>
    %and3A_4 = arith.andi %iota3A, %and3A_3 : vector<16xi32>
    %mul3A_5 = arith.constant 4 : i32
    %mul3A_6 = vector.broadcast %mul3A_5 : i32 to vector<16xi32>
    %mul3A_7 = arith.muli %mul3A_6, %and3A_4 : vector<16xi32>
    %mul3A_8 = arith.constant 2 : i32
    %mul3A_9 = arith.muli %mul3A_8, %add3A : i32
    %add3A_10 = arith.constant 0 : i32
    %add3A_11 = arith.addi %mul3A_9, %add3A_10 : i32
    %mul3A_12 = arith.constant 32768 : i32
    %mul3A_13 = arith.muli %add3A_11, %mul3A_12 : i32
    %add3A_14 = arith.constant 0 : i32
    %add3A_15 = arith.addi %mul3A_13, %add3A_14 : i32
    %dma_start3A = tpu.memref_slice %arg2[%add3A_15] : memref<2097152xi32, #tpu.memory_space<hbm>> -> memref<16384xi32, #tpu.memory_space<hbm>>
    %dma_start3A_16 = tpu.memref_slice %arg2[%add3A_15] : memref<2097152xi32, #tpu.memory_space<hbm>> -> memref<16384xi32, #tpu.memory_space<hbm>>
    tpu.enqueue_dma source(%dma_start3A_16 : memref<16384xi32, #tpu.memory_space<hbm>>) target(%arg13 : memref<16384xi32, #tpu.memory_space<vmem>>) target_semaphore(%arg19 : memref<!tpu.dma_semaphore, #tpu.memory_space<semaphore_mem>>)
    %mul3A_17 = arith.constant 2 : i32
    %mul3A_18 = arith.muli %mul3A_17, %add3A : i32
    %add3A_19 = arith.constant 0 : i32
    %add3A_20 = arith.addi %mul3A_18, %add3A_19 : i32
    %mul3A_21 = arith.constant 32768 : i32
    %mul3A_22 = arith.muli %add3A_20, %mul3A_21 : i32
    %add3A_23 = arith.constant 16384 : i32
    %add3A_24 = arith.addi %mul3A_22, %add3A_23 : i32
    %dma_start3A_25 = tpu.memref_slice %arg2[%add3A_24] : memref<2097152xi32, #tpu.memory_space<hbm>> -> memref<16384xi32, #tpu.memory_space<hbm>>
    %dma_start3A_26 = tpu.memref_slice %arg2[%add3A_24] : memref<2097152xi32, #tpu.memory_space<hbm>> -> memref<16384xi32, #tpu.memory_space<hbm>>
    tpu.enqueue_dma source(%dma_start3A_26 : memref<16384xi32, #tpu.memory_space<hbm>>) target(%arg14 : memref<16384xi32, #tpu.memory_space<vmem>>) target_semaphore(%arg20 : memref<!tpu.dma_semaphore, #tpu.memory_space<semaphore_mem>>)
    %mul3A_27 = arith.constant 2 : i32
    %mul3A_28 = arith.muli %mul3A_27, %add3A : i32
    %add3A_29 = arith.constant 1 : i32
    %add3A_30 = arith.addi %mul3A_28, %add3A_29 : i32
    %mul3A_31 = arith.constant 32768 : i32
    %mul3A_32 = arith.muli %add3A_30, %mul3A_31 : i32
    %add3A_33 = arith.constant 0 : i32
    %add3A_34 = arith.addi %mul3A_32, %add3A_33 : i32
    %dma_start3A_35 = tpu.memref_slice %arg2[%add3A_34] : memref<2097152xi32, #tpu.memory_space<hbm>> -> memref<16384xi32, #tpu.memory_space<hbm>>
    %dma_start3A_36 = tpu.memref_slice %arg2[%add3A_34] : memref<2097152xi32, #tpu.memory_space<hbm>> -> memref<16384xi32, #tpu.memory_space<hbm>>
    tpu.enqueue_dma source(%dma_start3A_36 : memref<16384xi32, #tpu.memory_space<hbm>>) target(%arg15 : memref<16384xi32, #tpu.memory_space<vmem>>) target_semaphore(%arg21 : memref<!tpu.dma_semaphore, #tpu.memory_space<semaphore_mem>>)
    %mul3A_37 = arith.constant 2 : i32
    %mul3A_38 = arith.muli %mul3A_37, %add3A : i32
    %add3A_39 = arith.constant 1 : i32
    %add3A_40 = arith.addi %mul3A_38, %add3A_39 : i32
    %mul3A_41 = arith.constant 32768 : i32
    %mul3A_42 = arith.muli %add3A_40, %mul3A_41 : i32
    %add3A_43 = arith.constant 16384 : i32
    %add3A_44 = arith.addi %mul3A_42, %add3A_43 : i32
    %dma_start3A_45 = tpu.memref_slice %arg2[%add3A_44] : memref<2097152xi32, #tpu.memory_space<hbm>> -> memref<16384xi32, #tpu.memory_space<hbm>>
    %dma_start3A_46 = tpu.memref_slice %arg2[%add3A_44] : memref<2097152xi32, #tpu.memory_space<hbm>> -> memref<16384xi32, #tpu.memory_space<hbm>>
    tpu.enqueue_dma source(%dma_start3A_46 : memref<16384xi32, #tpu.memory_space<hbm>>) target(%arg16 : memref<16384xi32, #tpu.memory_space<vmem>>) target_semaphore(%arg22 : memref<!tpu.dma_semaphore, #tpu.memory_space<semaphore_mem>>)
    "tpu.region"() ({
      %run_scoped3A = tpu.sem_alloc : memref<!tpu.dma_semaphore, #tpu.memory_space<semaphore_mem>>
      tpu.enqueue_dma source(%arg6 : memref<16xi32, #tpu.memory_space<hbm>>) target(%arg9 : memref<16xi32, #tpu.memory_space<vmem>>) target_semaphore(%run_scoped3A : memref<!tpu.dma_semaphore, #tpu.memory_space<semaphore_mem>>)
      tpu.wait_dma2 semaphore(%run_scoped3A : memref<!tpu.dma_semaphore, #tpu.memory_space<semaphore_mem>>) src(%arg6 : memref<16xi32, #tpu.memory_space<hbm>>) dst(%arg9 : memref<16xi32, #tpu.memory_space<vmem>>)
      tpu.yield
    }) : () -> ()
    "tpu.region"() ({
      %run_scoped3A = tpu.sem_alloc : memref<!tpu.dma_semaphore, #tpu.memory_space<semaphore_mem>>
      %dma_start3A_244 = arith.constant 0 : i32
      %dma_start3A_245 = tpu.memref_slice %arg8[%dma_start3A_244] : memref<160xi32, #tpu.memory_space<vmem>> -> memref<128xi32, #tpu.memory_space<vmem>>
      %dma_start3A_246 = tpu.memref_slice %arg5[%mul3A_2] : memref<4096xi32, #tpu.memory_space<hbm>> -> memref<128xi32, #tpu.memory_space<hbm>>
      %dma_start3A_247 = arith.constant 0 : i32
      %dma_start3A_248 = tpu.memref_slice %arg8[%dma_start3A_247] : memref<160xi32, #tpu.memory_space<vmem>> -> memref<128xi32, #tpu.memory_space<vmem>>
      %dma_start3A_249 = tpu.memref_slice %arg5[%mul3A_2] : memref<4096xi32, #tpu.memory_space<hbm>> -> memref<128xi32, #tpu.memory_space<hbm>>
      tpu.enqueue_dma source(%dma_start3A_249 : memref<128xi32, #tpu.memory_space<hbm>>) target(%dma_start3A_248 : memref<128xi32, #tpu.memory_space<vmem>>) target_semaphore(%run_scoped3A : memref<!tpu.dma_semaphore, #tpu.memory_space<semaphore_mem>>)
      %dma_wait3A_250 = arith.constant 0 : i32
      %dma_wait3A_251 = tpu.memref_slice %arg8[%dma_wait3A_250] : memref<160xi32, #tpu.memory_space<vmem>> -> memref<128xi32, #tpu.memory_space<vmem>>
      %dma_wait3A_252 = tpu.memref_slice %arg5[%mul3A_2] : memref<4096xi32, #tpu.memory_space<hbm>> -> memref<128xi32, #tpu.memory_space<hbm>>
      %dma_wait3A_253 = arith.constant 0 : i32
      %dma_wait3A_254 = tpu.memref_slice %arg8[%dma_wait3A_253] : memref<160xi32, #tpu.memory_space<vmem>> -> memref<128xi32, #tpu.memory_space<vmem>>
      %dma_wait3A_255 = tpu.memref_slice %arg5[%mul3A_2] : memref<4096xi32, #tpu.memory_space<hbm>> -> memref<128xi32, #tpu.memory_space<hbm>>
      tpu.wait_dma2 semaphore(%run_scoped3A : memref<!tpu.dma_semaphore, #tpu.memory_space<semaphore_mem>>) src(%dma_wait3A_255 : memref<128xi32, #tpu.memory_space<hbm>>) dst(%dma_wait3A_254 : memref<128xi32, #tpu.memory_space<vmem>>)
      tpu.yield
    }) : () -> ()
    %get3A = arith.constant 0 : index
    %get3A_47 = tpu.vector_load %arg9[%get3A] {strides = array<i32>} : memref<16xi32, #tpu.memory_space<vmem>>, vector<16xi32>,
    %get3A_48 = vector.shape_cast %get3A_47 : vector<16xi32> to vector<16xi32>
    %slice3A = vector.extract_strided_slice %get3A_48 {offsets = [0], sizes = [1], strides = [1]} : vector<16xi32> to vector<1xi32>
    %squeeze3A = vector.extract %slice3A[0] : i32 from vector<1xi32>
    %get3A_49 = arith.constant 0 : index
    %get3A_50 = tpu.vector_load %arg8[%get3A_49] {strides = array<i32>} : memref<160xi32, #tpu.memory_space<vmem>>, vector<16xi32>,
    %get3A_51 = vector.shape_cast %get3A_50 : vector<16xi32> to vector<16xi32>
    %add3A_52 = vector.broadcast %squeeze3A : i32 to vector<16xi32>
    %add3A_53 = arith.addi %get3A_51, %add3A_52 : vector<16xi32>
    %jit3A = arith.constant 0 : i32
    %jit3A_54 = arith.constant 31 : i32
    %max3A = vector.broadcast %jit3A : i32 to vector<16xi32>
    %max3A_55 = arith.maxsi %max3A, %add3A_53 : vector<16xi32>
    %min3A = vector.broadcast %jit3A_54 : i32 to vector<16xi32>
    %min3A_56 = arith.minsi %min3A, %max3A_55 : vector<16xi32>
    %swap3A = arith.constant 0 : index
    %swap3A_57 = tpu.vector_load %arg8[%swap3A] {strides = array<i32>} : memref<160xi32, #tpu.memory_space<vmem>>, vector<16xi32>,
    %swap3A_58 = vector.shape_cast %swap3A_57 : vector<16xi32> to vector<16xi32>
    %swap3A_59 = vector.shape_cast %min3A_56 : vector<16xi32> to vector<16xi32>
    tpu.vector_store %arg8[%swap3A], %swap3A_59 {strides = array<i32>} : memref<160xi32, #tpu.memory_space<vmem>>, vector<16xi32>,
    %get3A_60 = arith.constant 16 : index
    %get3A_61 = tpu.vector_load %arg8[%get3A_60] {strides = array<i32>} : memref<160xi32, #tpu.memory_space<vmem>>, vector<16xi32>,
    %get3A_62 = vector.shape_cast %get3A_61 : vector<16xi32> to vector<16xi32>
    %add3A_63 = vector.broadcast %squeeze3A : i32 to vector<16xi32>
    %add3A_64 = arith.addi %get3A_62, %add3A_63 : vector<16xi32>
    %jit3A_65 = arith.constant 0 : i32
    %jit3A_66 = arith.constant 31 : i32
    %max3A_67 = vector.broadcast %jit3A_65 : i32 to vector<16xi32>
    %max3A_68 = arith.maxsi %max3A_67, %add3A_64 : vector<16xi32>
    %min3A_69 = vector.broadcast %jit3A_66 : i32 to vector<16xi32>
    %min3A_70 = arith.minsi %min3A_69, %max3A_68 : vector<16xi32>
    %swap3A_71 = arith.constant 16 : index
    %swap3A_72 = tpu.vector_load %arg8[%swap3A_71] {strides = array<i32>} : memref<160xi32, #tpu.memory_space<vmem>>, vector<16xi32>,
    %swap3A_73 = vector.shape_cast %swap3A_72 : vector<16xi32> to vector<16xi32>
    %swap3A_74 = vector.shape_cast %min3A_70 : vector<16xi32> to vector<16xi32>
    tpu.vector_store %arg8[%swap3A_71], %swap3A_74 {strides = array<i32>} : memref<160xi32, #tpu.memory_space<vmem>>, vector<16xi32>,
    %get3A_75 = arith.constant 32 : index
    %get3A_76 = tpu.vector_load %arg8[%get3A_75] {strides = array<i32>} : memref<160xi32, #tpu.memory_space<vmem>>, vector<16xi32>,
    %get3A_77 = vector.shape_cast %get3A_76 : vector<16xi32> to vector<16xi32>
    %add3A_78 = vector.broadcast %squeeze3A : i32 to vector<16xi32>
    %add3A_79 = arith.addi %get3A_77, %add3A_78 : vector<16xi32>
    %jit3A_80 = arith.constant 0 : i32
    %jit3A_81 = arith.constant 31 : i32
    %max3A_82 = vector.broadcast %jit3A_80 : i32 to vector<16xi32>
    %max3A_83 = arith.maxsi %max3A_82, %add3A_79 : vector<16xi32>
    %min3A_84 = vector.broadcast %jit3A_81 : i32 to vector<16xi32>
    %min3A_85 = arith.minsi %min3A_84, %max3A_83 : vector<16xi32>
    %swap3A_86 = arith.constant 32 : index
    %swap3A_87 = tpu.vector_load %arg8[%swap3A_86] {strides = array<i32>} : memref<160xi32, #tpu.memory_space<vmem>>, vector<16xi32>,
    %swap3A_88 = vector.shape_cast %swap3A_87 : vector<16xi32> to vector<16xi32>
    %swap3A_89 = vector.shape_cast %min3A_85 : vector<16xi32> to vector<16xi32>
    tpu.vector_store %arg8[%swap3A_86], %swap3A_89 {strides = array<i32>} : memref<160xi32, #tpu.memory_space<vmem>>, vector<16xi32>,
    %get3A_90 = arith.constant 48 : index
    %get3A_91 = tpu.vector_load %arg8[%get3A_90] {strides = array<i32>} : memref<160xi32, #tpu.memory_space<vmem>>, vector<16xi32>,
    %get3A_92 = vector.shape_cast %get3A_91 : vector<16xi32> to vector<16xi32>
    %add3A_93 = vector.broadcast %squeeze3A : i32 to vector<16xi32>
    %add3A_94 = arith.addi %get3A_92, %add3A_93 : vector<16xi32>
    %jit3A_95 = arith.constant 0 : i32
    %jit3A_96 = arith.constant 31 : i32
    %max3A_97 = vector.broadcast %jit3A_95 : i32 to vector<16xi32>
    %max3A_98 = arith.maxsi %max3A_97, %add3A_94 : vector<16xi32>
    %min3A_99 = vector.broadcast %jit3A_96 : i32 to vector<16xi32>
    %min3A_100 = arith.minsi %min3A_99, %max3A_98 : vector<16xi32>
    %swap3A_101 = arith.constant 48 : index
    %swap3A_102 = tpu.vector_load %arg8[%swap3A_101] {strides = array<i32>} : memref<160xi32, #tpu.memory_space<vmem>>, vector<16xi32>,
    %swap3A_103 = vector.shape_cast %swap3A_102 : vector<16xi32> to vector<16xi32>
    %swap3A_104 = vector.shape_cast %min3A_100 : vector<16xi32> to vector<16xi32>
    tpu.vector_store %arg8[%swap3A_101], %swap3A_104 {strides = array<i32>} : memref<160xi32, #tpu.memory_space<vmem>>, vector<16xi32>,
    %get3A_105 = arith.constant 64 : index
    %get3A_106 = tpu.vector_load %arg8[%get3A_105] {strides = array<i32>} : memref<160xi32, #tpu.memory_space<vmem>>, vector<16xi32>,
    %get3A_107 = vector.shape_cast %get3A_106 : vector<16xi32> to vector<16xi32>
    %add3A_108 = vector.broadcast %squeeze3A : i32 to vector<16xi32>
    %add3A_109 = arith.addi %get3A_107, %add3A_108 : vector<16xi32>
    %jit3A_110 = arith.constant 0 : i32
    %jit3A_111 = arith.constant 31 : i32
    %max3A_112 = vector.broadcast %jit3A_110 : i32 to vector<16xi32>
    %max3A_113 = arith.maxsi %max3A_112, %add3A_109 : vector<16xi32>
    %min3A_114 = vector.broadcast %jit3A_111 : i32 to vector<16xi32>
    %min3A_115 = arith.minsi %min3A_114, %max3A_113 : vector<16xi32>
    %swap3A_116 = arith.constant 64 : index
    %swap3A_117 = tpu.vector_load %arg8[%swap3A_116] {strides = array<i32>} : memref<160xi32, #tpu.memory_space<vmem>>, vector<16xi32>,
    %swap3A_118 = vector.shape_cast %swap3A_117 : vector<16xi32> to vector<16xi32>
    %swap3A_119 = vector.shape_cast %min3A_115 : vector<16xi32> to vector<16xi32>
    tpu.vector_store %arg8[%swap3A_116], %swap3A_119 {strides = array<i32>} : memref<160xi32, #tpu.memory_space<vmem>>, vector<16xi32>,
    %get3A_120 = arith.constant 80 : index
    %get3A_121 = tpu.vector_load %arg8[%get3A_120] {strides = array<i32>} : memref<160xi32, #tpu.memory_space<vmem>>, vector<16xi32>,
    %get3A_122 = vector.shape_cast %get3A_121 : vector<16xi32> to vector<16xi32>
    %add3A_123 = vector.broadcast %squeeze3A : i32 to vector<16xi32>
    %add3A_124 = arith.addi %get3A_122, %add3A_123 : vector<16xi32>
    %jit3A_125 = arith.constant 0 : i32
    %jit3A_126 = arith.constant 31 : i32
    %max3A_127 = vector.broadcast %jit3A_125 : i32 to vector<16xi32>
    %max3A_128 = arith.maxsi %max3A_127, %add3A_124 : vector<16xi32>
    %min3A_129 = vector.broadcast %jit3A_126 : i32 to vector<16xi32>
    %min3A_130 = arith.minsi %min3A_129, %max3A_128 : vector<16xi32>
    %swap3A_131 = arith.constant 80 : index
    %swap3A_132 = tpu.vector_load %arg8[%swap3A_131] {strides = array<i32>} : memref<160xi32, #tpu.memory_space<vmem>>, vector<16xi32>,
    %swap3A_133 = vector.shape_cast %swap3A_132 : vector<16xi32> to vector<16xi32>
    %swap3A_134 = vector.shape_cast %min3A_130 : vector<16xi32> to vector<16xi32>
    tpu.vector_store %arg8[%swap3A_131], %swap3A_134 {strides = array<i32>} : memref<160xi32, #tpu.memory_space<vmem>>, vector<16xi32>,
    %get3A_135 = arith.constant 96 : index
    %get3A_136 = tpu.vector_load %arg8[%get3A_135] {strides = array<i32>} : memref<160xi32, #tpu.memory_space<vmem>>, vector<16xi32>,
    %get3A_137 = vector.shape_cast %get3A_136 : vector<16xi32> to vector<16xi32>
    %add3A_138 = vector.broadcast %squeeze3A : i32 to vector<16xi32>
    %add3A_139 = arith.addi %get3A_137, %add3A_138 : vector<16xi32>
    %jit3A_140 = arith.constant 0 : i32
    %jit3A_141 = arith.constant 31 : i32
    %max3A_142 = vector.broadcast %jit3A_140 : i32 to vector<16xi32>
    %max3A_143 = arith.maxsi %max3A_142, %add3A_139 : vector<16xi32>
    %min3A_144 = vector.broadcast %jit3A_141 : i32 to vector<16xi32>
    %min3A_145 = arith.minsi %min3A_144, %max3A_143 : vector<16xi32>
    %swap3A_146 = arith.constant 96 : index
    %swap3A_147 = tpu.vector_load %arg8[%swap3A_146] {strides = array<i32>} : memref<160xi32, #tpu.memory_space<vmem>>, vector<16xi32>,
    %swap3A_148 = vector.shape_cast %swap3A_147 : vector<16xi32> to vector<16xi32>
    %swap3A_149 = vector.shape_cast %min3A_145 : vector<16xi32> to vector<16xi32>
    tpu.vector_store %arg8[%swap3A_146], %swap3A_149 {strides = array<i32>} : memref<160xi32, #tpu.memory_space<vmem>>, vector<16xi32>,
    %get3A_150 = arith.constant 112 : index
    %get3A_151 = tpu.vector_load %arg8[%get3A_150] {strides = array<i32>} : memref<160xi32, #tpu.memory_space<vmem>>, vector<16xi32>,
    %get3A_152 = vector.shape_cast %get3A_151 : vector<16xi32> to vector<16xi32>
    %add3A_153 = vector.broadcast %squeeze3A : i32 to vector<16xi32>
    %add3A_154 = arith.addi %get3A_152, %add3A_153 : vector<16xi32>
    %jit3A_155 = arith.constant 0 : i32
    %jit3A_156 = arith.constant 31 : i32
    %max3A_157 = vector.broadcast %jit3A_155 : i32 to vector<16xi32>
    %max3A_158 = arith.maxsi %max3A_157, %add3A_154 : vector<16xi32>
    %min3A_159 = vector.broadcast %jit3A_156 : i32 to vector<16xi32>
    %min3A_160 = arith.minsi %min3A_159, %max3A_158 : vector<16xi32>
    %swap3A_161 = arith.constant 112 : index
    %swap3A_162 = tpu.vector_load %arg8[%swap3A_161] {strides = array<i32>} : memref<160xi32, #tpu.memory_space<vmem>>, vector<16xi32>,
    %swap3A_163 = vector.shape_cast %swap3A_162 : vector<16xi32> to vector<16xi32>
    %swap3A_164 = vector.shape_cast %min3A_160 : vector<16xi32> to vector<16xi32>
    tpu.vector_store %arg8[%swap3A_161], %swap3A_164 {strides = array<i32>} : memref<160xi32, #tpu.memory_space<vmem>>, vector<16xi32>,
    %mul3A_165 = arith.constant 2 : i32
    %mul3A_166 = arith.muli %mul3A_165, %add3A : i32
    %add3A_167 = arith.constant 0 : i32
    %add3A_168 = arith.addi %mul3A_166, %add3A_167 : i32
    %mul3A_169 = arith.constant 32768 : i32
    %mul3A_170 = arith.muli %add3A_168, %mul3A_169 : i32
    %add3A_171 = arith.constant 0 : i32
    %add3A_172 = arith.addi %mul3A_170, %add3A_171 : i32
    %dma_wait3A = tpu.memref_slice %arg2[%add3A_172] : memref<2097152xi32, #tpu.memory_space<hbm>> -> memref<16384xi32, #tpu.memory_space<hbm>>
    %dma_wait3A_173 = tpu.memref_slice %arg2[%add3A_172] : memref<2097152xi32, #tpu.memory_space<hbm>> -> memref<16384xi32, #tpu.memory_space<hbm>>
    tpu.wait_dma2 semaphore(%arg19 : memref<!tpu.dma_semaphore, #tpu.memory_space<semaphore_mem>>) src(%dma_wait3A_173 : memref<16384xi32, #tpu.memory_space<hbm>>) dst(%arg13 : memref<16384xi32, #tpu.memory_space<vmem>>)
    %mul3A_174 = arith.constant 2 : i32
    %mul3A_175 = arith.muli %mul3A_174, %add3A : i32
    %add3A_176 = arith.constant 0 : i32
    %add3A_177 = arith.addi %mul3A_175, %add3A_176 : i32
    %mul3A_178 = arith.constant 32768 : i32
    %mul3A_179 = arith.muli %add3A_177, %mul3A_178 : i32
    %add3A_180 = arith.constant 0 : i32
    %add3A_181 = arith.addi %mul3A_179, %add3A_180 : i32
    %dma_wait3A_182 = tpu.memref_slice %arg2[%add3A_181] : memref<2097152xi32, #tpu.memory_space<hbm>> -> memref<16384xi32, #tpu.memory_space<hbm>>
    %dma_wait3A_183 = tpu.memref_slice %arg2[%add3A_181] : memref<2097152xi32, #tpu.memory_space<hbm>> -> memref<16384xi32, #tpu.memory_space<hbm>>
    tpu.wait_dma2 semaphore(%arg20 : memref<!tpu.dma_semaphore, #tpu.memory_space<semaphore_mem>>) src(%dma_wait3A_183 : memref<16384xi32, #tpu.memory_space<hbm>>) dst(%arg14 : memref<16384xi32, #tpu.memory_space<vmem>>)
    %scan3A = arith.constant -1 : i32
    %scan3A_184 = arith.constant 0 : i32
    %scan3A_185 = arith.constant 8 : i32
    %scan3A_186 = arith.addi %scan3A_184, %scan3A_185 : i32
    %scan3A_187 = arith.constant 1 : i32
    %scan3A_188 = scf.for %scan3A_244 = %scan3A_184 to %scan3A_186 step %scan3A_187 iter_args(%scan3A_245 = %scan3A) -> (i32)  : i32 {
      %mul3A_246 = arith.constant 8 : i32
      %mul3A_247 = arith.muli %scan3A_244, %mul3A_246 : i32
      %add3A_248 = arith.constant 0 : i32
      %add3A_249 = arith.addi %add3A_248, %mul3A_247 : i32
      %get3A_250 = arith.index_cast %add3A_249 : i32 to index
      %get3A_251 = tpu.vector_load %arg8[%get3A_250] {strides = array<i32>} : memref<160xi32, #tpu.memory_space<vmem>>, vector<16xi32>,
      %get3A_252 = vector.shape_cast %get3A_251 : vector<16xi32> to vector<16xi32>
      %slice3A_253 = vector.extract_strided_slice %get3A_252 {offsets = [0], sizes = [1], strides = [1]} : vector<16xi32> to vector<1xi32>
      %squeeze3A_254 = vector.extract %slice3A_253[0] : i32 from vector<1xi32>
      %slice3A_255 = vector.extract_strided_slice %get3A_252 {offsets = [7], sizes = [1], strides = [1]} : vector<16xi32> to vector<1xi32>
      %squeeze3A_256 = vector.extract %slice3A_255[0] : i32 from vector<1xi32>
      %gt3A = arith.constant 0 : i32
      %gt3A_257 = arith.cmpi sgt, %scan3A_244, %gt3A : i32
      %convert_element_type3A = arith.extui %gt3A_257 : i1 to i32
      %cond3A = arith.constant 0 : i32
      %cond3A_258 = arith.cmpi ne, %convert_element_type3A, %cond3A : i32
      scf.if %cond3A_258 {
        %mul3A_299 = arith.constant 2 : i32
        %mul3A_300 = arith.muli %mul3A_299, %add3A : i32
        %add3A_301 = arith.constant 0 : i32
        %add3A_302 = arith.addi %mul3A_300, %add3A_301 : i32
        %mul3A_303 = arith.constant 8 : i32
        %mul3A_304 = arith.muli %mul3A_303, %add3A_302 : i32
        %add3A_305 = arith.constant 0 : i32
        %add3A_306 = arith.addi %mul3A_304, %add3A_305 : i32
        %mul3A_307 = arith.constant 32768 : i32
        %mul3A_308 = arith.muli %add3A_306, %mul3A_307 : i32
        %add3A_309 = arith.constant 0 : i32
        %add3A_310 = arith.addi %mul3A_308, %add3A_309 : i32
        %dma_wait3A_311 = tpu.memref_slice %arg7[%add3A_310] : memref<16777216xf32, #tpu.memory_space<hbm>> -> memref<16384xf32, #tpu.memory_space<hbm>>
        %dma_wait3A_312 = tpu.memref_slice %arg7[%add3A_310] : memref<16777216xf32, #tpu.memory_space<hbm>> -> memref<16384xf32, #tpu.memory_space<hbm>>
        tpu.wait_dma2 semaphore(%arg23 : memref<!tpu.dma_semaphore, #tpu.memory_space<semaphore_mem>>) src(%arg17 : memref<16384xf32, #tpu.memory_space<vmem>>) dst(%dma_wait3A_312 : memref<16384xf32, #tpu.memory_space<hbm>>)
      } else {
      }
      %eq3A = arith.cmpi eq, %squeeze3A_254, %squeeze3A_256 : i32
      %convert_element_type3A_259 = arith.extui %eq3A : i1 to i32
      %cond3A_260 = arith.constant 0 : i32
      %cond3A_261 = arith.cmpi ne, %convert_element_type3A_259, %cond3A_260 : i32
      %cond3A_262 = scf.if %cond3A_261 -> (i32) {
        %ne3A = arith.cmpi ne, %squeeze3A_254, %scan3A_245 : i32
        %convert_element_type3A_299 = arith.extui %ne3A : i1 to i32
        %cond3A_300 = arith.constant 0 : i32
        %cond3A_301 = arith.cmpi ne, %convert_element_type3A_299, %cond3A_300 : i32
        %cond3A_302 = scf.if %cond3A_301 -> (i32) {
          %mul3A_309 = arith.constant 4096 : i32
          %mul3A_310 = arith.muli %squeeze3A_254, %mul3A_309 : i32
          "tpu.region"() ({
            %run_scoped3A = tpu.sem_alloc : memref<!tpu.dma_semaphore, #tpu.memory_space<semaphore_mem>>
            %dma_start3A_319 = tpu.memref_slice %arg4[%mul3A_310] : memref<131072xf32, #tpu.memory_space<hbm>> -> memref<4096xf32, #tpu.memory_space<hbm>>
            %dma_start3A_320 = tpu.memref_slice %arg4[%mul3A_310] : memref<131072xf32, #tpu.memory_space<hbm>> -> memref<4096xf32, #tpu.memory_space<hbm>>
            tpu.enqueue_dma source(%dma_start3A_320 : memref<4096xf32, #tpu.memory_space<hbm>>) target(%arg10 : memref<4096xf32, #tpu.memory_space<vmem>>) target_semaphore(%run_scoped3A : memref<!tpu.dma_semaphore, #tpu.memory_space<semaphore_mem>>)
            %dma_wait3A_321 = tpu.memref_slice %arg4[%mul3A_310] : memref<131072xf32, #tpu.memory_space<hbm>> -> memref<4096xf32, #tpu.memory_space<hbm>>
            %dma_wait3A_322 = tpu.memref_slice %arg4[%mul3A_310] : memref<131072xf32, #tpu.memory_space<hbm>> -> memref<4096xf32, #tpu.memory_space<hbm>>
            tpu.wait_dma2 semaphore(%run_scoped3A : memref<!tpu.dma_semaphore, #tpu.memory_space<semaphore_mem>>) src(%dma_wait3A_322 : memref<4096xf32, #tpu.memory_space<hbm>>) dst(%arg10 : memref<4096xf32, #tpu.memory_space<vmem>>)
            tpu.yield
          }) : () -> ()
          %mul3A_311 = arith.constant 512 : i32
          %mul3A_312 = arith.muli %squeeze3A_254, %mul3A_311 : i32
          "tpu.region"() ({
            %run_scoped3A = tpu.sem_alloc : memref<!tpu.dma_semaphore, #tpu.memory_space<semaphore_mem>>
            %dma_start3A_319 = tpu.memref_slice %arg3[%mul3A_312] : memref<16384xi32, #tpu.memory_space<hbm>> -> memref<512xi32, #tpu.memory_space<hbm>>
            %dma_start3A_320 = tpu.memref_slice %arg3[%mul3A_312] : memref<16384xi32, #tpu.memory_space<hbm>> -> memref<512xi32, #tpu.memory_space<hbm>>
            tpu.enqueue_dma source(%dma_start3A_320 : memref<512xi32, #tpu.memory_space<hbm>>) target(%arg12 : memref<512xi32, #tpu.memory_space<vmem>>) target_semaphore(%run_scoped3A : memref<!tpu.dma_semaphore, #tpu.memory_space<semaphore_mem>>)
            %dma_wait3A_321 = tpu.memref_slice %arg3[%mul3A_312] : memref<16384xi32, #tpu.memory_space<hbm>> -> memref<512xi32, #tpu.memory_space<hbm>>
            %dma_wait3A_322 = tpu.memref_slice %arg3[%mul3A_312] : memref<16384xi32, #tpu.memory_space<hbm>> -> memref<512xi32, #tpu.memory_space<hbm>>
            tpu.wait_dma2 semaphore(%run_scoped3A : memref<!tpu.dma_semaphore, #tpu.memory_space<semaphore_mem>>) src(%dma_wait3A_322 : memref<512xi32, #tpu.memory_space<hbm>>) dst(%arg12 : memref<512xi32, #tpu.memory_space<vmem>>)
            tpu.yield
          }) : () -> ()
          %scan3A_313 = arith.constant 0 : i32
          %scan3A_314 = arith.constant 0 : i32
          %scan3A_315 = arith.constant 32 : i32
          %scan3A_316 = arith.addi %scan3A_314, %scan3A_315 : i32
          %scan3A_317 = arith.constant 1 : i32
          scf.for %scan3A_319 = %scan3A_314 to %scan3A_316 step %scan3A_317  : i32 {
            %mul3A_320 = arith.constant 16 : i32
            %mul3A_321 = arith.muli %scan3A_319, %mul3A_320 : i32
            %get3A_322 = arith.index_cast %mul3A_321 : i32 to index
            %get3A_323 = tpu.vector_load %arg12[%get3A_322] {strides = array<i32>} : memref<512xi32, #tpu.memory_space<vmem>>, vector<16xi32>,
            %get3A_324 = vector.shape_cast %get3A_323 : vector<16xi32> to vector<16xi32>
            %slice3A_325 = vector.extract_strided_slice %get3A_324 {offsets = [0], sizes = [1], strides = [1]} : vector<16xi32> to vector<1xi32>
            %squeeze3A_326 = vector.extract %slice3A_325[0] : i32 from vector<1xi32>
            %slice3A_327 = vector.extract_strided_slice %get3A_324 {offsets = [1], sizes = [1], strides = [1]} : vector<16xi32> to vector<1xi32>
            %squeeze3A_328 = vector.extract %slice3A_327[0] : i32 from vector<1xi32>
            %lt3A = arith.constant 8 : i32
            %lt3A_329 = vector.broadcast %lt3A : i32 to vector<16xi32>
            %lt3A_330 = arith.cmpi slt, %iota3A, %lt3A_329 : vector<16xi32>
            %broadcast_in_dim3A = vector.broadcast %squeeze3A_326 : i32 to vector<16xi32>
            %broadcast_in_dim3A_331 = vector.broadcast %squeeze3A_328 : i32 to vector<16xi32>
            %select_n3A = arith.select %lt3A_330, %broadcast_in_dim3A, %broadcast_in_dim3A_331 : vector<16xi1>, vector<16xi32>
            %shift_right_arithmetic3A = arith.shrsi %select_n3A, %mul3A_7 : vector<16xi32>
            %and3A_332 = arith.constant 15 : i32
            %and3A_333 = vector.broadcast %and3A_332 : i32 to vector<16xi32>
            %and3A_334 = arith.andi %shift_right_arithmetic3A, %and3A_333 : vector<16xi32>
            %convert_element_type3A_335 = arith.sitofp %and3A_334 : vector<16xi32> to vector<16xf32>
            %mul3A_336 = arith.constant 8 : i32
            %mul3A_337 = arith.muli %scan3A_319, %mul3A_336 : i32
            %add3A_338 = arith.constant 0 : i32
            %add3A_339 = arith.addi %mul3A_337, %add3A_338 : i32
            %mul3A_340 = arith.constant 16 : i32
            %mul3A_341 = arith.muli %add3A_339, %mul3A_340 : i32
            %swap3A_342 = arith.index_cast %mul3A_341 : i32 to index
            %swap3A_343 = tpu.vector_load %arg11[%swap3A_342] {strides = array<i32>} : memref<4096xf32, #tpu.memory_space<vmem>>, vector<16xf32>,
            %swap3A_344 = vector.shape_cast %swap3A_343 : vector<16xf32> to vector<16xf32>
            %swap3A_345 = vector.shape_cast %convert_element_type3A_335 : vector<16xf32> to vector<16xf32>
            tpu.vector_store %arg11[%swap3A_342], %swap3A_345 {strides = array<i32>} : memref<4096xf32, #tpu.memory_space<vmem>>, vector<16xf32>,
            %slice3A_346 = vector.extract_strided_slice %get3A_324 {offsets = [2], sizes = [1], strides = [1]} : vector<16xi32> to vector<1xi32>
            %squeeze3A_347 = vector.extract %slice3A_346[0] : i32 from vector<1xi32>
            %slice3A_348 = vector.extract_strided_slice %get3A_324 {offsets = [3], sizes = [1], strides = [1]} : vector<16xi32> to vector<1xi32>
            %squeeze3A_349 = vector.extract %slice3A_348[0] : i32 from vector<1xi32>
            %lt3A_350 = arith.constant 8 : i32
            %lt3A_351 = vector.broadcast %lt3A_350 : i32 to vector<16xi32>
            %lt3A_352 = arith.cmpi slt, %iota3A, %lt3A_351 : vector<16xi32>
            %broadcast_in_dim3A_353 = vector.broadcast %squeeze3A_347 : i32 to vector<16xi32>
            %broadcast_in_dim3A_354 = vector.broadcast %squeeze3A_349 : i32 to vector<16xi32>
            %select_n3A_355 = arith.select %lt3A_352, %broadcast_in_dim3A_353, %broadcast_in_dim3A_354 : vector<16xi1>, vector<16xi32>
            %shift_right_arithmetic3A_356 = arith.shrsi %select_n3A_355, %mul3A_7 : vector<16xi32>
            %and3A_357 = arith.constant 15 : i32
            %and3A_358 = vector.broadcast %and3A_357 : i32 to vector<16xi32>
            %and3A_359 = arith.andi %shift_right_arithmetic3A_356, %and3A_358 : vector<16xi32>
            %convert_element_type3A_360 = arith.sitofp %and3A_359 : vector<16xi32> to vector<16xf32>
            %mul3A_361 = arith.constant 8 : i32
            %mul3A_362 = arith.muli %scan3A_319, %mul3A_361 : i32
            %add3A_363 = arith.constant 1 : i32
            %add3A_364 = arith.addi %mul3A_362, %add3A_363 : i32
            %mul3A_365 = arith.constant 16 : i32
            %mul3A_366 = arith.muli %add3A_364, %mul3A_365 : i32
            %swap3A_367 = arith.index_cast %mul3A_366 : i32 to index
            %swap3A_368 = tpu.vector_load %arg11[%swap3A_367] {strides = array<i32>} : memref<4096xf32, #tpu.memory_space<vmem>>, vector<16xf32>,
            %swap3A_369 = vector.shape_cast %swap3A_368 : vector<16xf32> to vector<16xf32>
            %swap3A_370 = vector.shape_cast %convert_element_type3A_360 : vector<16xf32> to vector<16xf32>
            tpu.vector_store %arg11[%swap3A_367], %swap3A_370 {strides = array<i32>} : memref<4096xf32, #tpu.memory_space<vmem>>, vector<16xf32>,
            %slice3A_371 = vector.extract_strided_slice %get3A_324 {offsets = [4], sizes = [1], strides = [1]} : vector<16xi32> to vector<1xi32>
            %squeeze3A_372 = vector.extract %slice3A_371[0] : i32 from vector<1xi32>
            %slice3A_373 = vector.extract_strided_slice %get3A_324 {offsets = [5], sizes = [1], strides = [1]} : vector<16xi32> to vector<1xi32>
            %squeeze3A_374 = vector.extract %slice3A_373[0] : i32 from vector<1xi32>
            %lt3A_375 = arith.constant 8 : i32
            %lt3A_376 = vector.broadcast %lt3A_375 : i32 to vector<16xi32>
            %lt3A_377 = arith.cmpi slt, %iota3A, %lt3A_376 : vector<16xi32>
            %broadcast_in_dim3A_378 = vector.broadcast %squeeze3A_372 : i32 to vector<16xi32>
            %broadcast_in_dim3A_379 = vector.broadcast %squeeze3A_374 : i32 to vector<16xi32>
            %select_n3A_380 = arith.select %lt3A_377, %broadcast_in_dim3A_378, %broadcast_in_dim3A_379 : vector<16xi1>, vector<16xi32>
            %shift_right_arithmetic3A_381 = arith.shrsi %select_n3A_380, %mul3A_7 : vector<16xi32>
            %and3A_382 = arith.constant 15 : i32
            %and3A_383 = vector.broadcast %and3A_382 : i32 to vector<16xi32>
            %and3A_384 = arith.andi %shift_right_arithmetic3A_381, %and3A_383 : vector<16xi32>
            %convert_element_type3A_385 = arith.sitofp %and3A_384 : vector<16xi32> to vector<16xf32>
            %mul3A_386 = arith.constant 8 : i32
            %mul3A_387 = arith.muli %scan3A_319, %mul3A_386 : i32
            %add3A_388 = arith.constant 2 : i32
            %add3A_389 = arith.addi %mul3A_387, %add3A_388 : i32
            %mul3A_390 = arith.constant 16 : i32
            %mul3A_391 = arith.muli %add3A_389, %mul3A_390 : i32
            %swap3A_392 = arith.index_cast %mul3A_391 : i32 to index
            %swap3A_393 = tpu.vector_load %arg11[%swap3A_392] {strides = array<i32>} : memref<4096xf32, #tpu.memory_space<vmem>>, vector<16xf32>,
            %swap3A_394 = vector.shape_cast %swap3A_393 : vector<16xf32> to vector<16xf32>
            %swap3A_395 = vector.shape_cast %convert_element_type3A_385 : vector<16xf32> to vector<16xf32>
            tpu.vector_store %arg11[%swap3A_392], %swap3A_395 {strides = array<i32>} : memref<4096xf32, #tpu.memory_space<vmem>>, vector<16xf32>,
            %slice3A_396 = vector.extract_strided_slice %get3A_324 {offsets = [6], sizes = [1], strides = [1]} : vector<16xi32> to vector<1xi32>
            %squeeze3A_397 = vector.extract %slice3A_396[0] : i32 from vector<1xi32>
            %slice3A_398 = vector.extract_strided_slice %get3A_324 {offsets = [7], sizes = [1], strides = [1]} : vector<16xi32> to vector<1xi32>
            %squeeze3A_399 = vector.extract %slice3A_398[0] : i32 from vector<1xi32>
            %lt3A_400 = arith.constant 8 : i32
            %lt3A_401 = vector.broadcast %lt3A_400 : i32 to vector<16xi32>
            %lt3A_402 = arith.cmpi slt, %iota3A, %lt3A_401 : vector<16xi32>
            %broadcast_in_dim3A_403 = vector.broadcast %squeeze3A_397 : i32 to vector<16xi32>
            %broadcast_in_dim3A_404 = vector.broadcast %squeeze3A_399 : i32 to vector<16xi32>
            %select_n3A_405 = arith.select %lt3A_402, %broadcast_in_dim3A_403, %broadcast_in_dim3A_404 : vector<16xi1>, vector<16xi32>
            %shift_right_arithmetic3A_406 = arith.shrsi %select_n3A_405, %mul3A_7 : vector<16xi32>
            %and3A_407 = arith.constant 15 : i32
            %and3A_408 = vector.broadcast %and3A_407 : i32 to vector<16xi32>
            %and3A_409 = arith.andi %shift_right_arithmetic3A_406, %and3A_408 : vector<16xi32>
            %convert_element_type3A_410 = arith.sitofp %and3A_409 : vector<16xi32> to vector<16xf32>
            %mul3A_411 = arith.constant 8 : i32
            %mul3A_412 = arith.muli %scan3A_319, %mul3A_411 : i32
            %add3A_413 = arith.constant 3 : i32
            %add3A_414 = arith.addi %mul3A_412, %add3A_413 : i32
            %mul3A_415 = arith.constant 16 : i32
            %mul3A_416 = arith.muli %add3A_414, %mul3A_415 : i32
            %swap3A_417 = arith.index_cast %mul3A_416 : i32 to index
            %swap3A_418 = tpu.vector_load %arg11[%swap3A_417] {strides = array<i32>} : memref<4096xf32, #tpu.memory_space<vmem>>, vector<16xf32>,
            %swap3A_419 = vector.shape_cast %swap3A_418 : vector<16xf32> to vector<16xf32>
            %swap3A_420 = vector.shape_cast %convert_element_type3A_410 : vector<16xf32> to vector<16xf32>
            tpu.vector_store %arg11[%swap3A_417], %swap3A_420 {strides = array<i32>} : memref<4096xf32, #tpu.memory_space<vmem>>, vector<16xf32>,
            %slice3A_421 = vector.extract_strided_slice %get3A_324 {offsets = [8], sizes = [1], strides = [1]} : vector<16xi32> to vector<1xi32>
            %squeeze3A_422 = vector.extract %slice3A_421[0] : i32 from vector<1xi32>
            %slice3A_423 = vector.extract_strided_slice %get3A_324 {offsets = [9], sizes = [1], strides = [1]} : vector<16xi32> to vector<1xi32>
            %squeeze3A_424 = vector.extract %slice3A_423[0] : i32 from vector<1xi32>
            %lt3A_425 = arith.constant 8 : i32
            %lt3A_426 = vector.broadcast %lt3A_425 : i32 to vector<16xi32>
            %lt3A_427 = arith.cmpi slt, %iota3A, %lt3A_426 : vector<16xi32>
            %broadcast_in_dim3A_428 = vector.broadcast %squeeze3A_422 : i32 to vector<16xi32>
            %broadcast_in_dim3A_429 = vector.broadcast %squeeze3A_424 : i32 to vector<16xi32>
            %select_n3A_430 = arith.select %lt3A_427, %broadcast_in_dim3A_428, %broadcast_in_dim3A_429 : vector<16xi1>, vector<16xi32>
            %shift_right_arithmetic3A_431 = arith.shrsi %select_n3A_430, %mul3A_7 : vector<16xi32>
            %and3A_432 = arith.constant 15 : i32
            %and3A_433 = vector.broadcast %and3A_432 : i32 to vector<16xi32>
            %and3A_434 = arith.andi %shift_right_arithmetic3A_431, %and3A_433 : vector<16xi32>
            %convert_element_type3A_435 = arith.sitofp %and3A_434 : vector<16xi32> to vector<16xf32>
            %mul3A_436 = arith.constant 8 : i32
            %mul3A_437 = arith.muli %scan3A_319, %mul3A_436 : i32
            %add3A_438 = arith.constant 4 : i32
            %add3A_439 = arith.addi %mul3A_437, %add3A_438 : i32
            %mul3A_440 = arith.constant 16 : i32
            %mul3A_441 = arith.muli %add3A_439, %mul3A_440 : i32
            %swap3A_442 = arith.index_cast %mul3A_441 : i32 to index
            %swap3A_443 = tpu.vector_load %arg11[%swap3A_442] {strides = array<i32>} : memref<4096xf32, #tpu.memory_space<vmem>>, vector<16xf32>,
            %swap3A_444 = vector.shape_cast %swap3A_443 : vector<16xf32> to vector<16xf32>
            %swap3A_445 = vector.shape_cast %convert_element_type3A_435 : vector<16xf32> to vector<16xf32>
            tpu.vector_store %arg11[%swap3A_442], %swap3A_445 {strides = array<i32>} : memref<4096xf32, #tpu.memory_space<vmem>>, vector<16xf32>,
            %slice3A_446 = vector.extract_strided_slice %get3A_324 {offsets = [10], sizes = [1], strides = [1]} : vector<16xi32> to vector<1xi32>
            %squeeze3A_447 = vector.extract %slice3A_446[0] : i32 from vector<1xi32>
            %slice3A_448 = vector.extract_strided_slice %get3A_324 {offsets = [11], sizes = [1], strides = [1]} : vector<16xi32> to vector<1xi32>
            %squeeze3A_449 = vector.extract %slice3A_448[0] : i32 from vector<1xi32>
            %lt3A_450 = arith.constant 8 : i32
            %lt3A_451 = vector.broadcast %lt3A_450 : i32 to vector<16xi32>
            %lt3A_452 = arith.cmpi slt, %iota3A, %lt3A_451 : vector<16xi32>
            %broadcast_in_dim3A_453 = vector.broadcast %squeeze3A_447 : i32 to vector<16xi32>
            %broadcast_in_dim3A_454 = vector.broadcast %squeeze3A_449 : i32 to vector<16xi32>
            %select_n3A_455 = arith.select %lt3A_452, %broadcast_in_dim3A_453, %broadcast_in_dim3A_454 : vector<16xi1>, vector<16xi32>
            %shift_right_arithmetic3A_456 = arith.shrsi %select_n3A_455, %mul3A_7 : vector<16xi32>
            %and3A_457 = arith.constant 15 : i32
            %and3A_458 = vector.broadcast %and3A_457 : i32 to vector<16xi32>
            %and3A_459 = arith.andi %shift_right_arithmetic3A_456, %and3A_458 : vector<16xi32>
            %convert_element_type3A_460 = arith.sitofp %and3A_459 : vector<16xi32> to vector<16xf32>
            %mul3A_461 = arith.constant 8 : i32
            %mul3A_462 = arith.muli %scan3A_319, %mul3A_461 : i32
            %add3A_463 = arith.constant 5 : i32
            %add3A_464 = arith.addi %mul3A_462, %add3A_463 : i32
            %mul3A_465 = arith.constant 16 : i32
            %mul3A_466 = arith.muli %add3A_464, %mul3A_465 : i32
            %swap3A_467 = arith.index_cast %mul3A_466 : i32 to index
            %swap3A_468 = tpu.vector_load %arg11[%swap3A_467] {strides = array<i32>} : memref<4096xf32, #tpu.memory_space<vmem>>, vector<16xf32>,
            %swap3A_469 = vector.shape_cast %swap3A_468 : vector<16xf32> to vector<16xf32>
            %swap3A_470 = vector.shape_cast %convert_element_type3A_460 : vector<16xf32> to vector<16xf32>
            tpu.vector_store %arg11[%swap3A_467], %swap3A_470 {strides = array<i32>} : memref<4096xf32, #tpu.memory_space<vmem>>, vector<16xf32>,
            %slice3A_471 = vector.extract_strided_slice %get3A_324 {offsets = [12], sizes = [1], strides = [1]} : vector<16xi32> to vector<1xi32>
            %squeeze3A_472 = vector.extract %slice3A_471[0] : i32 from vector<1xi32>
            %slice3A_473 = vector.extract_strided_slice %get3A_324 {offsets = [13], sizes = [1], strides = [1]} : vector<16xi32> to vector<1xi32>
            %squeeze3A_474 = vector.extract %slice3A_473[0] : i32 from vector<1xi32>
            %lt3A_475 = arith.constant 8 : i32
            %lt3A_476 = vector.broadcast %lt3A_475 : i32 to vector<16xi32>
            %lt3A_477 = arith.cmpi slt, %iota3A, %lt3A_476 : vector<16xi32>
            %broadcast_in_dim3A_478 = vector.broadcast %squeeze3A_472 : i32 to vector<16xi32>
            %broadcast_in_dim3A_479 = vector.broadcast %squeeze3A_474 : i32 to vector<16xi32>
            %select_n3A_480 = arith.select %lt3A_477, %broadcast_in_dim3A_478, %broadcast_in_dim3A_479 : vector<16xi1>, vector<16xi32>
            %shift_right_arithmetic3A_481 = arith.shrsi %select_n3A_480, %mul3A_7 : vector<16xi32>
            %and3A_482 = arith.constant 15 : i32
            %and3A_483 = vector.broadcast %and3A_482 : i32 to vector<16xi32>
            %and3A_484 = arith.andi %shift_right_arithmetic3A_481, %and3A_483 : vector<16xi32>
            %convert_element_type3A_485 = arith.sitofp %and3A_484 : vector<16xi32> to vector<16xf32>
            %mul3A_486 = arith.constant 8 : i32
            %mul3A_487 = arith.muli %scan3A_319, %mul3A_486 : i32
            %add3A_488 = arith.constant 6 : i32
            %add3A_489 = arith.addi %mul3A_487, %add3A_488 : i32
            %mul3A_490 = arith.constant 16 : i32
            %mul3A_491 = arith.muli %add3A_489, %mul3A_490 : i32
            %swap3A_492 = arith.index_cast %mul3A_491 : i32 to index
            %swap3A_493 = tpu.vector_load %arg11[%swap3A_492] {strides = array<i32>} : memref<4096xf32, #tpu.memory_space<vmem>>, vector<16xf32>,
            %swap3A_494 = vector.shape_cast %swap3A_493 : vector<16xf32> to vector<16xf32>
            %swap3A_495 = vector.shape_cast %convert_element_type3A_485 : vector<16xf32> to vector<16xf32>
            tpu.vector_store %arg11[%swap3A_492], %swap3A_495 {strides = array<i32>} : memref<4096xf32, #tpu.memory_space<vmem>>, vector<16xf32>,
            %slice3A_496 = vector.extract_strided_slice %get3A_324 {offsets = [14], sizes = [1], strides = [1]} : vector<16xi32> to vector<1xi32>
            %squeeze3A_497 = vector.extract %slice3A_496[0] : i32 from vector<1xi32>
            %slice3A_498 = vector.extract_strided_slice %get3A_324 {offsets = [15], sizes = [1], strides = [1]} : vector<16xi32> to vector<1xi32>
            %squeeze3A_499 = vector.extract %slice3A_498[0] : i32 from vector<1xi32>
            %lt3A_500 = arith.constant 8 : i32
            %lt3A_501 = vector.broadcast %lt3A_500 : i32 to vector<16xi32>
            %lt3A_502 = arith.cmpi slt, %iota3A, %lt3A_501 : vector<16xi32>
            %broadcast_in_dim3A_503 = vector.broadcast %squeeze3A_497 : i32 to vector<16xi32>
            %broadcast_in_dim3A_504 = vector.broadcast %squeeze3A_499 : i32 to vector<16xi32>
            %select_n3A_505 = arith.select %lt3A_502, %broadcast_in_dim3A_503, %broadcast_in_dim3A_504 : vector<16xi1>, vector<16xi32>
            %shift_right_arithmetic3A_506 = arith.shrsi %select_n3A_505, %mul3A_7 : vector<16xi32>
            %and3A_507 = arith.constant 15 : i32
            %and3A_508 = vector.broadcast %and3A_507 : i32 to vector<16xi32>
            %and3A_509 = arith.andi %shift_right_arithmetic3A_506, %and3A_508 : vector<16xi32>
            %convert_element_type3A_510 = arith.sitofp %and3A_509 : vector<16xi32> to vector<16xf32>
            %mul3A_511 = arith.constant 8 : i32
            %mul3A_512 = arith.muli %scan3A_319, %mul3A_511 : i32
            %add3A_513 = arith.constant 7 : i32
            %add3A_514 = arith.addi %mul3A_512, %add3A_513 : i32
            %mul3A_515 = arith.constant 16 : i32
            %mul3A_516 = arith.muli %add3A_514, %mul3A_515 : i32
            %swap3A_517 = arith.index_cast %mul3A_516 : i32 to index
            %swap3A_518 = tpu.vector_load %arg11[%swap3A_517] {strides = array<i32>} : memref<4096xf32, #tpu.memory_space<vmem>>, vector<16xf32>,
            %swap3A_519 = vector.shape_cast %swap3A_518 : vector<16xf32> to vector<16xf32>
            %swap3A_520 = vector.shape_cast %convert_element_type3A_510 : vector<16xf32> to vector<16xf32>
            tpu.vector_store %arg11[%swap3A_517], %swap3A_520 {strides = array<i32>} : memref<4096xf32, #tpu.memory_space<vmem>>, vector<16xf32>,
          }
          %scan3A_318 = arith.constant 32 : i32
          scf.yield %squeeze3A_254 : i32
        } else {
          scf.yield %scan3A_245 : i32
        }
        %scan3A_303 = arith.constant 0 : i32
        %scan3A_304 = arith.constant 0 : i32
        %scan3A_305 = arith.constant 128 : i32
        %scan3A_306 = arith.addi %scan3A_304, %scan3A_305 : i32
        %scan3A_307 = arith.constant 1 : i32
        scf.for %scan3A_309 = %scan3A_304 to %scan3A_306 step %scan3A_307  : i32 {
          %jit3A_310 = arith.constant 8 : i32
          %div3A = arith.divsi %scan3A_309, %jit3A_310 : i32
          %sign3A = arith.constant 0 : i32
          %sign3A_311 = arith.cmpi sgt, %scan3A_309, %sign3A : i32
          %sign3A_312 = arith.extui %sign3A_311 : i1 to i32
          %sign3A_313 = arith.constant 0 : i32
          %sign3A_314 = arith.cmpi slt, %scan3A_309, %sign3A_313 : i32
          %sign3A_315 = arith.extui %sign3A_314 : i1 to i32
          %sign3A_316 = arith.subi %sign3A_312, %sign3A_315 : i32
          %sign3A_317 = arith.constant 0 : i32
          %sign3A_318 = arith.cmpi sgt, %jit3A_310, %sign3A_317 : i32
          %sign3A_319 = arith.extui %sign3A_318 : i1 to i32
          %sign3A_320 = arith.constant 0 : i32
          %sign3A_321 = arith.cmpi slt, %jit3A_310, %sign3A_320 : i32
          %sign3A_322 = arith.extui %sign3A_321 : i1 to i32
          %sign3A_323 = arith.subi %sign3A_319, %sign3A_322 : i32
          %ne3A_324 = arith.cmpi ne, %sign3A_316, %sign3A_323 : i32
          %rem3A = arith.remsi %scan3A_309, %jit3A_310 : i32
          %ne3A_325 = arith.constant 0 : i32
          %ne3A_326 = arith.cmpi ne, %rem3A, %ne3A_325 : i32
          %and3A_327 = arith.andi %ne3A_324, %ne3A_326 : i1
          %sub3A = arith.constant 1 : i32
          %sub3A_328 = arith.subi %div3A, %sub3A : i32
          %select_n3A = arith.select %and3A_327, %sub3A_328, %div3A : i32
          %mul3A_329 = arith.constant 896 : i32
          %mul3A_330 = arith.muli %mul3A_329, %select_n3A : i32
          %mul3A_331 = arith.constant 16 : i32
          %mul3A_332 = arith.muli %mul3A_331, %scan3A_309 : i32
          %add3A_333 = arith.addi %mul3A_330, %mul3A_332 : i32
          %mul3A_334 = arith.constant 128 : i32
          %mul3A_335 = arith.muli %mul3A_334, %scan3A_244 : i32
          %add3A_336 = arith.addi %add3A_333, %mul3A_335 : i32
          %get3A_337 = arith.index_cast %add3A_336 : i32 to index
          %get3A_338 = tpu.vector_load %arg13[%get3A_337] {strides = array<i32>} : memref<16384xi32, #tpu.memory_space<vmem>>, vector<16xi32>,
          %get3A_339 = vector.shape_cast %get3A_338 : vector<16xi32> to vector<16xi32>
          %mul3A_340 = arith.constant 16 : i32
          %mul3A_341 = arith.muli %scan3A_309, %mul3A_340 : i32
          %add3A_342 = arith.constant 0 : i32
          %add3A_343 = arith.addi %add3A_342, %mul3A_341 : i32
          %get3A_344 = arith.index_cast %add3A_343 : i32 to index
          %get3A_345 = tpu.vector_load %arg10[%get3A_344] {strides = array<i32>} : memref<4096xf32, #tpu.memory_space<vmem>>, vector<16xf32>,
          %get3A_346 = vector.shape_cast %get3A_345 : vector<16xf32> to vector<16xf32>
          %mul3A_347 = arith.constant 16 : i32
          %mul3A_348 = arith.muli %scan3A_309, %mul3A_347 : i32
          %add3A_349 = arith.constant 0 : i32
          %add3A_350 = arith.addi %add3A_349, %mul3A_348 : i32
          %get3A_351 = arith.index_cast %add3A_350 : i32 to index
          %get3A_352 = tpu.vector_load %arg11[%get3A_351] {strides = array<i32>} : memref<4096xf32, #tpu.memory_space<vmem>>, vector<16xf32>,
          %get3A_353 = vector.shape_cast %get3A_352 : vector<16xf32> to vector<16xf32>
          %jit3A_354 = arith.constant 8 : i32
          %div3A_355 = arith.divsi %scan3A_309, %jit3A_354 : i32
          %sign3A_356 = arith.constant 0 : i32
          %sign3A_357 = arith.cmpi sgt, %scan3A_309, %sign3A_356 : i32
          %sign3A_358 = arith.extui %sign3A_357 : i1 to i32
          %sign3A_359 = arith.constant 0 : i32
          %sign3A_360 = arith.cmpi slt, %scan3A_309, %sign3A_359 : i32
          %sign3A_361 = arith.extui %sign3A_360 : i1 to i32
          %sign3A_362 = arith.subi %sign3A_358, %sign3A_361 : i32
          %sign3A_363 = arith.constant 0 : i32
          %sign3A_364 = arith.cmpi sgt, %jit3A_354, %sign3A_363 : i32
          %sign3A_365 = arith.extui %sign3A_364 : i1 to i32
          %sign3A_366 = arith.constant 0 : i32
          %sign3A_367 = arith.cmpi slt, %jit3A_354, %sign3A_366 : i32
          %sign3A_368 = arith.extui %sign3A_367 : i1 to i32
          %sign3A_369 = arith.subi %sign3A_365, %sign3A_368 : i32
          %ne3A_370 = arith.cmpi ne, %sign3A_362, %sign3A_369 : i32
          %rem3A_371 = arith.remsi %scan3A_309, %jit3A_354 : i32
          %ne3A_372 = arith.constant 0 : i32
          %ne3A_373 = arith.cmpi ne, %rem3A_371, %ne3A_372 : i32
          %and3A_374 = arith.andi %ne3A_370, %ne3A_373 : i1
          %sub3A_375 = arith.constant 1 : i32
          %sub3A_376 = arith.subi %div3A_355, %sub3A_375 : i32
          %select_n3A_377 = arith.select %and3A_374, %sub3A_376, %div3A_355 : i32
          %mul3A_378 = arith.constant 896 : i32
          %mul3A_379 = arith.muli %mul3A_378, %select_n3A_377 : i32
          %mul3A_380 = arith.constant 16 : i32
          %mul3A_381 = arith.muli %mul3A_380, %scan3A_309 : i32
          %add3A_382 = arith.addi %mul3A_379, %mul3A_381 : i32
          %shift_right_arithmetic3A = arith.constant 0 : i32
          %shift_right_arithmetic3A_383 = vector.broadcast %shift_right_arithmetic3A : i32 to vector<16xi32>
          %shift_right_arithmetic3A_384 = arith.shrsi %get3A_339, %shift_right_arithmetic3A_383 : vector<16xi32>
          %and3A_385 = arith.constant 15 : i32
          %and3A_386 = vector.broadcast %and3A_385 : i32 to vector<16xi32>
          %and3A_387 = arith.andi %shift_right_arithmetic3A_384, %and3A_386 : vector<16xi32>
          %convert_element_type3A_388 = arith.sitofp %and3A_387 : vector<16xi32> to vector<16xf32>
          %sub3A_389 = arith.subf %convert_element_type3A_388, %get3A_353 : vector<16xf32>
          %mul3A_390 = arith.mulf %get3A_346, %sub3A_389 : vector<16xf32>
          %add3A_391 = arith.constant 0 : i32
          %add3A_392 = arith.addi %add3A_382, %add3A_391 : i32
          %swap3A_393 = arith.index_cast %add3A_392 : i32 to index
          %swap3A_394 = tpu.vector_load %arg17[%swap3A_393] {strides = array<i32>} : memref<16384xf32, #tpu.memory_space<vmem>>, vector<16xf32>,
          %swap3A_395 = vector.shape_cast %swap3A_394 : vector<16xf32> to vector<16xf32>
          %swap3A_396 = vector.shape_cast %mul3A_390 : vector<16xf32> to vector<16xf32>
          tpu.vector_store %arg17[%swap3A_393], %swap3A_396 {strides = array<i32>} : memref<16384xf32, #tpu.memory_space<vmem>>, vector<16xf32>,
          %shift_right_arithmetic3A_397 = arith.constant 4 : i32
          %shift_right_arithmetic3A_398 = vector.broadcast %shift_right_arithmetic3A_397 : i32 to vector<16xi32>
          %shift_right_arithmetic3A_399 = arith.shrsi %get3A_339, %shift_right_arithmetic3A_398 : vector<16xi32>
          %and3A_400 = arith.constant 15 : i32
          %and3A_401 = vector.broadcast %and3A_400 : i32 to vector<16xi32>
          %and3A_402 = arith.andi %shift_right_arithmetic3A_399, %and3A_401 : vector<16xi32>
          %convert_element_type3A_403 = arith.sitofp %and3A_402 : vector<16xi32> to vector<16xf32>
          %sub3A_404 = arith.subf %convert_element_type3A_403, %get3A_353 : vector<16xf32>
          %mul3A_405 = arith.mulf %get3A_346, %sub3A_404 : vector<16xf32>
          %add3A_406 = arith.constant 128 : i32
          %add3A_407 = arith.addi %add3A_382, %add3A_406 : i32
          %swap3A_408 = arith.index_cast %add3A_407 : i32 to index
          %swap3A_409 = tpu.vector_load %arg17[%swap3A_408] {strides = array<i32>} : memref<16384xf32, #tpu.memory_space<vmem>>, vector<16xf32>,
          %swap3A_410 = vector.shape_cast %swap3A_409 : vector<16xf32> to vector<16xf32>
          %swap3A_411 = vector.shape_cast %mul3A_405 : vector<16xf32> to vector<16xf32>
          tpu.vector_store %arg17[%swap3A_408], %swap3A_411 {strides = array<i32>} : memref<16384xf32, #tpu.memory_space<vmem>>, vector<16xf32>,
          %shift_right_arithmetic3A_412 = arith.constant 8 : i32
          %shift_right_arithmetic3A_413 = vector.broadcast %shift_right_arithmetic3A_412 : i32 to vector<16xi32>
          %shift_right_arithmetic3A_414 = arith.shrsi %get3A_339, %shift_right_arithmetic3A_413 : vector<16xi32>
          %and3A_415 = arith.constant 15 : i32
          %and3A_416 = vector.broadcast %and3A_415 : i32 to vector<16xi32>
          %and3A_417 = arith.andi %shift_right_arithmetic3A_414, %and3A_416 : vector<16xi32>
          %convert_element_type3A_418 = arith.sitofp %and3A_417 : vector<16xi32> to vector<16xf32>
          %sub3A_419 = arith.subf %convert_element_type3A_418, %get3A_353 : vector<16xf32>
          %mul3A_420 = arith.mulf %get3A_346, %sub3A_419 : vector<16xf32>
          %add3A_421 = arith.constant 256 : i32
          %add3A_422 = arith.addi %add3A_382, %add3A_421 : i32
          %swap3A_423 = arith.index_cast %add3A_422 : i32 to index
          %swap3A_424 = tpu.vector_load %arg17[%swap3A_423] {strides = array<i32>} : memref<16384xf32, #tpu.memory_space<vmem>>, vector<16xf32>,
          %swap3A_425 = vector.shape_cast %swap3A_424 : vector<16xf32> to vector<16xf32>
          %swap3A_426 = vector.shape_cast %mul3A_420 : vector<16xf32> to vector<16xf32>
          tpu.vector_store %arg17[%swap3A_423], %swap3A_426 {strides = array<i32>} : memref<16384xf32, #tpu.memory_space<vmem>>, vector<16xf32>,
          %shift_right_arithmetic3A_427 = arith.constant 12 : i32
          %shift_right_arithmetic3A_428 = vector.broadcast %shift_right_arithmetic3A_427 : i32 to vector<16xi32>
          %shift_right_arithmetic3A_429 = arith.shrsi %get3A_339, %shift_right_arithmetic3A_428 : vector<16xi32>
          %and3A_430 = arith.constant 15 : i32
          %and3A_431 = vector.broadcast %and3A_430 : i32 to vector<16xi32>
          %and3A_432 = arith.andi %shift_right_arithmetic3A_429, %and3A_431 : vector<16xi32>
          %convert_element_type3A_433 = arith.sitofp %and3A_432 : vector<16xi32> to vector<16xf32>
          %sub3A_434 = arith.subf %convert_element_type3A_433, %get3A_353 : vector<16xf32>
          %mul3A_435 = arith.mulf %get3A_346, %sub3A_434 : vector<16xf32>
          %add3A_436 = arith.constant 384 : i32
          %add3A_437 = arith.addi %add3A_382, %add3A_436 : i32
          %swap3A_438 = arith.index_cast %add3A_437 : i32 to index
          %swap3A_439 = tpu.vector_load %arg17[%swap3A_438] {strides = array<i32>} : memref<16384xf32, #tpu.memory_space<vmem>>, vector<16xf32>,
          %swap3A_440 = vector.shape_cast %swap3A_439 : vector<16xf32> to vector<16xf32>
          %swap3A_441 = vector.shape_cast %mul3A_435 : vector<16xf32> to vector<16xf32>
          tpu.vector_store %arg17[%swap3A_438], %swap3A_441 {strides = array<i32>} : memref<16384xf32, #tpu.memory_space<vmem>>, vector<16xf32>,
          %shift_right_arithmetic3A_442 = arith.constant 16 : i32
          %shift_right_arithmetic3A_443 = vector.broadcast %shift_right_arithmetic3A_442 : i32 to vector<16xi32>
          %shift_right_arithmetic3A_444 = arith.shrsi %get3A_339, %shift_right_arithmetic3A_443 : vector<16xi32>
          %and3A_445 = arith.constant 15 : i32
          %and3A_446 = vector.broadcast %and3A_445 : i32 to vector<16xi32>
          %and3A_447 = arith.andi %shift_right_arithmetic3A_444, %and3A_446 : vector<16xi32>
          %convert_element_type3A_448 = arith.sitofp %and3A_447 : vector<16xi32> to vector<16xf32>
          %sub3A_449 = arith.subf %convert_element_type3A_448, %get3A_353 : vector<16xf32>
          %mul3A_450 = arith.mulf %get3A_346, %sub3A_449 : vector<16xf32>
          %add3A_451 = arith.constant 512 : i32
          %add3A_452 = arith.addi %add3A_382, %add3A_451 : i32
          %swap3A_453 = arith.index_cast %add3A_452 : i32 to index
          %swap3A_454 = tpu.vector_load %arg17[%swap3A_453] {strides = array<i32>} : memref<16384xf32, #tpu.memory_space<vmem>>, vector<16xf32>,
          %swap3A_455 = vector.shape_cast %swap3A_454 : vector<16xf32> to vector<16xf32>
          %swap3A_456 = vector.shape_cast %mul3A_450 : vector<16xf32> to vector<16xf32>
          tpu.vector_store %arg17[%swap3A_453], %swap3A_456 {strides = array<i32>} : memref<16384xf32, #tpu.memory_space<vmem>>, vector<16xf32>,
          %shift_right_arithmetic3A_457 = arith.constant 20 : i32
          %shift_right_arithmetic3A_458 = vector.broadcast %shift_right_arithmetic3A_457 : i32 to vector<16xi32>
          %shift_right_arithmetic3A_459 = arith.shrsi %get3A_339, %shift_right_arithmetic3A_458 : vector<16xi32>
          %and3A_460 = arith.constant 15 : i32
          %and3A_461 = vector.broadcast %and3A_460 : i32 to vector<16xi32>
          %and3A_462 = arith.andi %shift_right_arithmetic3A_459, %and3A_461 : vector<16xi32>
          %convert_element_type3A_463 = arith.sitofp %and3A_462 : vector<16xi32> to vector<16xf32>
          %sub3A_464 = arith.subf %convert_element_type3A_463, %get3A_353 : vector<16xf32>
          %mul3A_465 = arith.mulf %get3A_346, %sub3A_464 : vector<16xf32>
          %add3A_466 = arith.constant 640 : i32
          %add3A_467 = arith.addi %add3A_382, %add3A_466 : i32
          %swap3A_468 = arith.index_cast %add3A_467 : i32 to index
          %swap3A_469 = tpu.vector_load %arg17[%swap3A_468] {strides = array<i32>} : memref<16384xf32, #tpu.memory_space<vmem>>, vector<16xf32>,
          %swap3A_470 = vector.shape_cast %swap3A_469 : vector<16xf32> to vector<16xf32>
          %swap3A_471 = vector.shape_cast %mul3A_465 : vector<16xf32> to vector<16xf32>
          tpu.vector_store %arg17[%swap3A_468], %swap3A_471 {strides = array<i32>} : memref<16384xf32, #tpu.memory_space<vmem>>, vector<16xf32>,
          %shift_right_arithmetic3A_472 = arith.constant 24 : i32
          %shift_right_arithmetic3A_473 = vector.broadcast %shift_right_arithmetic3A_472 : i32 to vector<16xi32>
          %shift_right_arithmetic3A_474 = arith.shrsi %get3A_339, %shift_right_arithmetic3A_473 : vector<16xi32>
          %and3A_475 = arith.constant 15 : i32
          %and3A_476 = vector.broadcast %and3A_475 : i32 to vector<16xi32>
          %and3A_477 = arith.andi %shift_right_arithmetic3A_474, %and3A_476 : vector<16xi32>
          %convert_element_type3A_478 = arith.sitofp %and3A_477 : vector<16xi32> to vector<16xf32>
          %sub3A_479 = arith.subf %convert_element_type3A_478, %get3A_353 : vector<16xf32>
          %mul3A_480 = arith.mulf %get3A_346, %sub3A_479 : vector<16xf32>
          %add3A_481 = arith.constant 768 : i32
          %add3A_482 = arith.addi %add3A_382, %add3A_481 : i32
          %swap3A_483 = arith.index_cast %add3A_482 : i32 to index
          %swap3A_484 = tpu.vector_load %arg17[%swap3A_483] {strides = array<i32>} : memref<16384xf32, #tpu.memory_space<vmem>>, vector<16xf32>,
          %swap3A_485 = vector.shape_cast %swap3A_484 : vector<16xf32> to vector<16xf32>
          %swap3A_486 = vector.shape_cast %mul3A_480 : vector<16xf32> to vector<16xf32>
          tpu.vector_store %arg17[%swap3A_483], %swap3A_486 {strides = array<i32>} : memref<16384xf32, #tpu.memory_space<vmem>>, vector<16xf32>,
          %shift_right_arithmetic3A_487 = arith.constant 28 : i32
          %shift_right_arithmetic3A_488 = vector.broadcast %shift_right_arithmetic3A_487 : i32 to vector<16xi32>
          %shift_right_arithmetic3A_489 = arith.shrsi %get3A_339, %shift_right_arithmetic3A_488 : vector<16xi32>
          %and3A_490 = arith.constant 15 : i32
          %and3A_491 = vector.broadcast %and3A_490 : i32 to vector<16xi32>
          %and3A_492 = arith.andi %shift_right_arithmetic3A_489, %and3A_491 : vector<16xi32>
          %convert_element_type3A_493 = arith.sitofp %and3A_492 : vector<16xi32> to vector<16xf32>
          %sub3A_494 = arith.subf %convert_element_type3A_493, %get3A_353 : vector<16xf32>
          %mul3A_495 = arith.mulf %get3A_346, %sub3A_494 : vector<16xf32>
          %add3A_496 = arith.constant 896 : i32
          %add3A_497 = arith.addi %add3A_382, %add3A_496 : i32
          %swap3A_498 = arith.index_cast %add3A_497 : i32 to index
          %swap3A_499 = tpu.vector_load %arg17[%swap3A_498] {strides = array<i32>} : memref<16384xf32, #tpu.memory_space<vmem>>, vector<16xf32>,
          %swap3A_500 = vector.shape_cast %swap3A_499 : vector<16xf32> to vector<16xf32>
          %swap3A_501 = vector.shape_cast %mul3A_495 : vector<16xf32> to vector<16xf32>
          tpu.vector_store %arg17[%swap3A_498], %swap3A_501 {strides = array<i32>} : memref<16384xf32, #tpu.memory_space<vmem>>, vector<16xf32>,
        }
        %scan3A_308 = arith.constant 128 : i32
        scf.yield %cond3A_302 : i32
      } else {
        %scan3A_299 = arith.constant 0 : i32
        %scan3A_300 = arith.constant 8 : i32
        %scan3A_301 = arith.addi %scan3A_299, %scan3A_300 : i32
        %scan3A_302 = arith.constant 1 : i32
        %scan3A_303 = scf.for %scan3A_305 = %scan3A_299 to %scan3A_301 step %scan3A_302 iter_args(%scan3A_306 = %scan3A_245) -> (i32)  : i32 {
          %add3A_307 = arith.addi %add3A_249, %scan3A_305 : i32
          %get3A_308 = arith.index_cast %add3A_307 : i32 to index
          %get3A_309 = tpu.vector_load %arg8[%get3A_308] {strides = array<i32>} : memref<160xi32, #tpu.memory_space<vmem>>, vector<16xi32>,
          %get3A_310 = vector.shape_cast %get3A_309 : vector<16xi32> to vector<16xi32>
          %slice3A_311 = vector.extract_strided_slice %get3A_310 {offsets = [0], sizes = [1], strides = [1]} : vector<16xi32> to vector<1xi32>
          %squeeze3A_312 = vector.extract %slice3A_311[0] : i32 from vector<1xi32>
          %ne3A = arith.cmpi ne, %squeeze3A_312, %scan3A_306 : i32
          %convert_element_type3A_313 = arith.extui %ne3A : i1 to i32
          %cond3A_314 = arith.constant 0 : i32
          %cond3A_315 = arith.cmpi ne, %convert_element_type3A_313, %cond3A_314 : i32
          %cond3A_316 = scf.if %cond3A_315 -> (i32) {
            %mul3A_323 = arith.constant 4096 : i32
            %mul3A_324 = arith.muli %squeeze3A_312, %mul3A_323 : i32
            "tpu.region"() ({
              %run_scoped3A = tpu.sem_alloc : memref<!tpu.dma_semaphore, #tpu.memory_space<semaphore_mem>>
              %dma_start3A_333 = tpu.memref_slice %arg4[%mul3A_324] : memref<131072xf32, #tpu.memory_space<hbm>> -> memref<4096xf32, #tpu.memory_space<hbm>>
              %dma_start3A_334 = tpu.memref_slice %arg4[%mul3A_324] : memref<131072xf32, #tpu.memory_space<hbm>> -> memref<4096xf32, #tpu.memory_space<hbm>>
              tpu.enqueue_dma source(%dma_start3A_334 : memref<4096xf32, #tpu.memory_space<hbm>>) target(%arg10 : memref<4096xf32, #tpu.memory_space<vmem>>) target_semaphore(%run_scoped3A : memref<!tpu.dma_semaphore, #tpu.memory_space<semaphore_mem>>)
              %dma_wait3A_335 = tpu.memref_slice %arg4[%mul3A_324] : memref<131072xf32, #tpu.memory_space<hbm>> -> memref<4096xf32, #tpu.memory_space<hbm>>
              %dma_wait3A_336 = tpu.memref_slice %arg4[%mul3A_324] : memref<131072xf32, #tpu.memory_space<hbm>> -> memref<4096xf32, #tpu.memory_space<hbm>>
              tpu.wait_dma2 semaphore(%run_scoped3A : memref<!tpu.dma_semaphore, #tpu.memory_space<semaphore_mem>>) src(%dma_wait3A_336 : memref<4096xf32, #tpu.memory_space<hbm>>) dst(%arg10 : memref<4096xf32, #tpu.memory_space<vmem>>)
              tpu.yield
            }) : () -> ()
            %mul3A_325 = arith.constant 512 : i32
            %mul3A_326 = arith.muli %squeeze3A_312, %mul3A_325 : i32
            "tpu.region"() ({
              %run_scoped3A = tpu.sem_alloc : memref<!tpu.dma_semaphore, #tpu.memory_space<semaphore_mem>>
              %dma_start3A_333 = tpu.memref_slice %arg3[%mul3A_326] : memref<16384xi32, #tpu.memory_space<hbm>> -> memref<512xi32, #tpu.memory_space<hbm>>
              %dma_start3A_334 = tpu.memref_slice %arg3[%mul3A_326] : memref<16384xi32, #tpu.memory_space<hbm>> -> memref<512xi32, #tpu.memory_space<hbm>>
              tpu.enqueue_dma source(%dma_start3A_334 : memref<512xi32, #tpu.memory_space<hbm>>) target(%arg12 : memref<512xi32, #tpu.memory_space<vmem>>) target_semaphore(%run_scoped3A : memref<!tpu.dma_semaphore, #tpu.memory_space<semaphore_mem>>)
              %dma_wait3A_335 = tpu.memref_slice %arg3[%mul3A_326] : memref<16384xi32, #tpu.memory_space<hbm>> -> memref<512xi32, #tpu.memory_space<hbm>>
              %dma_wait3A_336 = tpu.memref_slice %arg3[%mul3A_326] : memref<16384xi32, #tpu.memory_space<hbm>> -> memref<512xi32, #tpu.memory_space<hbm>>
              tpu.wait_dma2 semaphore(%run_scoped3A : memref<!tpu.dma_semaphore, #tpu.memory_space<semaphore_mem>>) src(%dma_wait3A_336 : memref<512xi32, #tpu.memory_space<hbm>>) dst(%arg12 : memref<512xi32, #tpu.memory_space<vmem>>)
              tpu.yield
            }) : () -> ()
            %scan3A_327 = arith.constant 0 : i32
            %scan3A_328 = arith.constant 0 : i32
            %scan3A_329 = arith.constant 32 : i32
            %scan3A_330 = arith.addi %scan3A_328, %scan3A_329 : i32
            %scan3A_331 = arith.constant 1 : i32
            scf.for %scan3A_333 = %scan3A_328 to %scan3A_330 step %scan3A_331  : i32 {
              %mul3A_334 = arith.constant 16 : i32
              %mul3A_335 = arith.muli %scan3A_333, %mul3A_334 : i32
              %get3A_336 = arith.index_cast %mul3A_335 : i32 to index
              %get3A_337 = tpu.vector_load %arg12[%get3A_336] {strides = array<i32>} : memref<512xi32, #tpu.memory_space<vmem>>, vector<16xi32>,
              %get3A_338 = vector.shape_cast %get3A_337 : vector<16xi32> to vector<16xi32>
              %slice3A_339 = vector.extract_strided_slice %get3A_338 {offsets = [0], sizes = [1], strides = [1]} : vector<16xi32> to vector<1xi32>
              %squeeze3A_340 = vector.extract %slice3A_339[0] : i32 from vector<1xi32>
              %slice3A_341 = vector.extract_strided_slice %get3A_338 {offsets = [1], sizes = [1], strides = [1]} : vector<16xi32> to vector<1xi32>
              %squeeze3A_342 = vector.extract %slice3A_341[0] : i32 from vector<1xi32>
              %lt3A = arith.constant 8 : i32
              %lt3A_343 = vector.broadcast %lt3A : i32 to vector<16xi32>
              %lt3A_344 = arith.cmpi slt, %iota3A, %lt3A_343 : vector<16xi32>
              %broadcast_in_dim3A = vector.broadcast %squeeze3A_340 : i32 to vector<16xi32>
              %broadcast_in_dim3A_345 = vector.broadcast %squeeze3A_342 : i32 to vector<16xi32>
              %select_n3A = arith.select %lt3A_344, %broadcast_in_dim3A, %broadcast_in_dim3A_345 : vector<16xi1>, vector<16xi32>
              %shift_right_arithmetic3A = arith.shrsi %select_n3A, %mul3A_7 : vector<16xi32>
              %and3A_346 = arith.constant 15 : i32
              %and3A_347 = vector.broadcast %and3A_346 : i32 to vector<16xi32>
              %and3A_348 = arith.andi %shift_right_arithmetic3A, %and3A_347 : vector<16xi32>
              %convert_element_type3A_349 = arith.sitofp %and3A_348 : vector<16xi32> to vector<16xf32>
              %mul3A_350 = arith.constant 8 : i32
              %mul3A_351 = arith.muli %scan3A_333, %mul3A_350 : i32
              %add3A_352 = arith.constant 0 : i32
              %add3A_353 = arith.addi %mul3A_351, %add3A_352 : i32
              %mul3A_354 = arith.constant 16 : i32
              %mul3A_355 = arith.muli %add3A_353, %mul3A_354 : i32
              %swap3A_356 = arith.index_cast %mul3A_355 : i32 to index
              %swap3A_357 = tpu.vector_load %arg11[%swap3A_356] {strides = array<i32>} : memref<4096xf32, #tpu.memory_space<vmem>>, vector<16xf32>,
              %swap3A_358 = vector.shape_cast %swap3A_357 : vector<16xf32> to vector<16xf32>
              %swap3A_359 = vector.shape_cast %convert_element_type3A_349 : vector<16xf32> to vector<16xf32>
              tpu.vector_store %arg11[%swap3A_356], %swap3A_359 {strides = array<i32>} : memref<4096xf32, #tpu.memory_space<vmem>>, vector<16xf32>,
              %slice3A_360 = vector.extract_strided_slice %get3A_338 {offsets = [2], sizes = [1], strides = [1]} : vector<16xi32> to vector<1xi32>
              %squeeze3A_361 = vector.extract %slice3A_360[0] : i32 from vector<1xi32>
              %slice3A_362 = vector.extract_strided_slice %get3A_338 {offsets = [3], sizes = [1], strides = [1]} : vector<16xi32> to vector<1xi32>
              %squeeze3A_363 = vector.extract %slice3A_362[0] : i32 from vector<1xi32>
              %lt3A_364 = arith.constant 8 : i32
              %lt3A_365 = vector.broadcast %lt3A_364 : i32 to vector<16xi32>
              %lt3A_366 = arith.cmpi slt, %iota3A, %lt3A_365 : vector<16xi32>
              %broadcast_in_dim3A_367 = vector.broadcast %squeeze3A_361 : i32 to vector<16xi32>
              %broadcast_in_dim3A_368 = vector.broadcast %squeeze3A_363 : i32 to vector<16xi32>
              %select_n3A_369 = arith.select %lt3A_366, %broadcast_in_dim3A_367, %broadcast_in_dim3A_368 : vector<16xi1>, vector<16xi32>
              %shift_right_arithmetic3A_370 = arith.shrsi %select_n3A_369, %mul3A_7 : vector<16xi32>
              %and3A_371 = arith.constant 15 : i32
              %and3A_372 = vector.broadcast %and3A_371 : i32 to vector<16xi32>
              %and3A_373 = arith.andi %shift_right_arithmetic3A_370, %and3A_372 : vector<16xi32>
              %convert_element_type3A_374 = arith.sitofp %and3A_373 : vector<16xi32> to vector<16xf32>
              %mul3A_375 = arith.constant 8 : i32
              %mul3A_376 = arith.muli %scan3A_333, %mul3A_375 : i32
              %add3A_377 = arith.constant 1 : i32
              %add3A_378 = arith.addi %mul3A_376, %add3A_377 : i32
              %mul3A_379 = arith.constant 16 : i32
              %mul3A_380 = arith.muli %add3A_378, %mul3A_379 : i32
              %swap3A_381 = arith.index_cast %mul3A_380 : i32 to index
              %swap3A_382 = tpu.vector_load %arg11[%swap3A_381] {strides = array<i32>} : memref<4096xf32, #tpu.memory_space<vmem>>, vector<16xf32>,
              %swap3A_383 = vector.shape_cast %swap3A_382 : vector<16xf32> to vector<16xf32>
              %swap3A_384 = vector.shape_cast %convert_element_type3A_374 : vector<16xf32> to vector<16xf32>
              tpu.vector_store %arg11[%swap3A_381], %swap3A_384 {strides = array<i32>} : memref<4096xf32, #tpu.memory_space<vmem>>, vector<16xf32>,
              %slice3A_385 = vector.extract_strided_slice %get3A_338 {offsets = [4], sizes = [1], strides = [1]} : vector<16xi32> to vector<1xi32>
              %squeeze3A_386 = vector.extract %slice3A_385[0] : i32 from vector<1xi32>
              %slice3A_387 = vector.extract_strided_slice %get3A_338 {offsets = [5], sizes = [1], strides = [1]} : vector<16xi32> to vector<1xi32>
              %squeeze3A_388 = vector.extract %slice3A_387[0] : i32 from vector<1xi32>
              %lt3A_389 = arith.constant 8 : i32
              %lt3A_390 = vector.broadcast %lt3A_389 : i32 to vector<16xi32>
              %lt3A_391 = arith.cmpi slt, %iota3A, %lt3A_390 : vector<16xi32>
              %broadcast_in_dim3A_392 = vector.broadcast %squeeze3A_386 : i32 to vector<16xi32>
              %broadcast_in_dim3A_393 = vector.broadcast %squeeze3A_388 : i32 to vector<16xi32>
              %select_n3A_394 = arith.select %lt3A_391, %broadcast_in_dim3A_392, %broadcast_in_dim3A_393 : vector<16xi1>, vector<16xi32>
              %shift_right_arithmetic3A_395 = arith.shrsi %select_n3A_394, %mul3A_7 : vector<16xi32>
              %and3A_396 = arith.constant 15 : i32
              %and3A_397 = vector.broadcast %and3A_396 : i32 to vector<16xi32>
              %and3A_398 = arith.andi %shift_right_arithmetic3A_395, %and3A_397 : vector<16xi32>
              %convert_element_type3A_399 = arith.sitofp %and3A_398 : vector<16xi32> to vector<16xf32>
              %mul3A_400 = arith.constant 8 : i32
              %mul3A_401 = arith.muli %scan3A_333, %mul3A_400 : i32
              %add3A_402 = arith.constant 2 : i32
              %add3A_403 = arith.addi %mul3A_401, %add3A_402 : i32
              %mul3A_404 = arith.constant 16 : i32
              %mul3A_405 = arith.muli %add3A_403, %mul3A_404 : i32
              %swap3A_406 = arith.index_cast %mul3A_405 : i32 to index
              %swap3A_407 = tpu.vector_load %arg11[%swap3A_406] {strides = array<i32>} : memref<4096xf32, #tpu.memory_space<vmem>>, vector<16xf32>,
              %swap3A_408 = vector.shape_cast %swap3A_407 : vector<16xf32> to vector<16xf32>
              %swap3A_409 = vector.shape_cast %convert_element_type3A_399 : vector<16xf32> to vector<16xf32>
              tpu.vector_store %arg11[%swap3A_406], %swap3A_409 {strides = array<i32>} : memref<4096xf32, #tpu.memory_space<vmem>>, vector<16xf32>,
              %slice3A_410 = vector.extract_strided_slice %get3A_338 {offsets = [6], sizes = [1], strides = [1]} : vector<16xi32> to vector<1xi32>
              %squeeze3A_411 = vector.extract %slice3A_410[0] : i32 from vector<1xi32>
              %slice3A_412 = vector.extract_strided_slice %get3A_338 {offsets = [7], sizes = [1], strides = [1]} : vector<16xi32> to vector<1xi32>
              %squeeze3A_413 = vector.extract %slice3A_412[0] : i32 from vector<1xi32>
              %lt3A_414 = arith.constant 8 : i32
              %lt3A_415 = vector.broadcast %lt3A_414 : i32 to vector<16xi32>
              %lt3A_416 = arith.cmpi slt, %iota3A, %lt3A_415 : vector<16xi32>
              %broadcast_in_dim3A_417 = vector.broadcast %squeeze3A_411 : i32 to vector<16xi32>
              %broadcast_in_dim3A_418 = vector.broadcast %squeeze3A_413 : i32 to vector<16xi32>
              %select_n3A_419 = arith.select %lt3A_416, %broadcast_in_dim3A_417, %broadcast_in_dim3A_418 : vector<16xi1>, vector<16xi32>
              %shift_right_arithmetic3A_420 = arith.shrsi %select_n3A_419, %mul3A_7 : vector<16xi32>
              %and3A_421 = arith.constant 15 : i32
              %and3A_422 = vector.broadcast %and3A_421 : i32 to vector<16xi32>
              %and3A_423 = arith.andi %shift_right_arithmetic3A_420, %and3A_422 : vector<16xi32>
              %convert_element_type3A_424 = arith.sitofp %and3A_423 : vector<16xi32> to vector<16xf32>
              %mul3A_425 = arith.constant 8 : i32
              %mul3A_426 = arith.muli %scan3A_333, %mul3A_425 : i32
              %add3A_427 = arith.constant 3 : i32
              %add3A_428 = arith.addi %mul3A_426, %add3A_427 : i32
              %mul3A_429 = arith.constant 16 : i32
              %mul3A_430 = arith.muli %add3A_428, %mul3A_429 : i32
              %swap3A_431 = arith.index_cast %mul3A_430 : i32 to index
              %swap3A_432 = tpu.vector_load %arg11[%swap3A_431] {strides = array<i32>} : memref<4096xf32, #tpu.memory_space<vmem>>, vector<16xf32>,
              %swap3A_433 = vector.shape_cast %swap3A_432 : vector<16xf32> to vector<16xf32>
              %swap3A_434 = vector.shape_cast %convert_element_type3A_424 : vector<16xf32> to vector<16xf32>
              tpu.vector_store %arg11[%swap3A_431], %swap3A_434 {strides = array<i32>} : memref<4096xf32, #tpu.memory_space<vmem>>, vector<16xf32>,
              %slice3A_435 = vector.extract_strided_slice %get3A_338 {offsets = [8], sizes = [1], strides = [1]} : vector<16xi32> to vector<1xi32>
              %squeeze3A_436 = vector.extract %slice3A_435[0] : i32 from vector<1xi32>
              %slice3A_437 = vector.extract_strided_slice %get3A_338 {offsets = [9], sizes = [1], strides = [1]} : vector<16xi32> to vector<1xi32>
              %squeeze3A_438 = vector.extract %slice3A_437[0] : i32 from vector<1xi32>
              %lt3A_439 = arith.constant 8 : i32
              %lt3A_440 = vector.broadcast %lt3A_439 : i32 to vector<16xi32>
              %lt3A_441 = arith.cmpi slt, %iota3A, %lt3A_440 : vector<16xi32>
              %broadcast_in_dim3A_442 = vector.broadcast %squeeze3A_436 : i32 to vector<16xi32>
              %broadcast_in_dim3A_443 = vector.broadcast %squeeze3A_438 : i32 to vector<16xi32>
              %select_n3A_444 = arith.select %lt3A_441, %broadcast_in_dim3A_442, %broadcast_in_dim3A_443 : vector<16xi1>, vector<16xi32>
              %shift_right_arithmetic3A_445 = arith.shrsi %select_n3A_444, %mul3A_7 : vector<16xi32>
              %and3A_446 = arith.constant 15 : i32
              %and3A_447 = vector.broadcast %and3A_446 : i32 to vector<16xi32>
              %and3A_448 = arith.andi %shift_right_arithmetic3A_445, %and3A_447 : vector<16xi32>
              %convert_element_type3A_449 = arith.sitofp %and3A_448 : vector<16xi32> to vector<16xf32>
              %mul3A_450 = arith.constant 8 : i32
              %mul3A_451 = arith.muli %scan3A_333, %mul3A_450 : i32
              %add3A_452 = arith.constant 4 : i32
              %add3A_453 = arith.addi %mul3A_451, %add3A_452 : i32
              %mul3A_454 = arith.constant 16 : i32
              %mul3A_455 = arith.muli %add3A_453, %mul3A_454 : i32
              %swap3A_456 = arith.index_cast %mul3A_455 : i32 to index
              %swap3A_457 = tpu.vector_load %arg11[%swap3A_456] {strides = array<i32>} : memref<4096xf32, #tpu.memory_space<vmem>>, vector<16xf32>,
              %swap3A_458 = vector.shape_cast %swap3A_457 : vector<16xf32> to vector<16xf32>
              %swap3A_459 = vector.shape_cast %convert_element_type3A_449 : vector<16xf32> to vector<16xf32>
              tpu.vector_store %arg11[%swap3A_456], %swap3A_459 {strides = array<i32>} : memref<4096xf32, #tpu.memory_space<vmem>>, vector<16xf32>,
              %slice3A_460 = vector.extract_strided_slice %get3A_338 {offsets = [10], sizes = [1], strides = [1]} : vector<16xi32> to vector<1xi32>
              %squeeze3A_461 = vector.extract %slice3A_460[0] : i32 from vector<1xi32>
              %slice3A_462 = vector.extract_strided_slice %get3A_338 {offsets = [11], sizes = [1], strides = [1]} : vector<16xi32> to vector<1xi32>
              %squeeze3A_463 = vector.extract %slice3A_462[0] : i32 from vector<1xi32>
              %lt3A_464 = arith.constant 8 : i32
              %lt3A_465 = vector.broadcast %lt3A_464 : i32 to vector<16xi32>
              %lt3A_466 = arith.cmpi slt, %iota3A, %lt3A_465 : vector<16xi32>
              %broadcast_in_dim3A_467 = vector.broadcast %squeeze3A_461 : i32 to vector<16xi32>
              %broadcast_in_dim3A_468 = vector.broadcast %squeeze3A_463 : i32 to vector<16xi32>
              %select_n3A_469 = arith.select %lt3A_466, %broadcast_in_dim3A_467, %broadcast_in_dim3A_468 : vector<16xi1>, vector<16xi32>
              %shift_right_arithmetic3A_470 = arith.shrsi %select_n3A_469, %mul3A_7 : vector<16xi32>
              %and3A_471 = arith.constant 15 : i32
              %and3A_472 = vector.broadcast %and3A_471 : i32 to vector<16xi32>
              %and3A_473 = arith.andi %shift_right_arithmetic3A_470, %and3A_472 : vector<16xi32>
              %convert_element_type3A_474 = arith.sitofp %and3A_473 : vector<16xi32> to vector<16xf32>
              %mul3A_475 = arith.constant 8 : i32
              %mul3A_476 = arith.muli %scan3A_333, %mul3A_475 : i32
              %add3A_477 = arith.constant 5 : i32
              %add3A_478 = arith.addi %mul3A_476, %add3A_477 : i32
              %mul3A_479 = arith.constant 16 : i32
              %mul3A_480 = arith.muli %add3A_478, %mul3A_479 : i32
              %swap3A_481 = arith.index_cast %mul3A_480 : i32 to index
              %swap3A_482 = tpu.vector_load %arg11[%swap3A_481] {strides = array<i32>} : memref<4096xf32, #tpu.memory_space<vmem>>, vector<16xf32>,
              %swap3A_483 = vector.shape_cast %swap3A_482 : vector<16xf32> to vector<16xf32>
              %swap3A_484 = vector.shape_cast %convert_element_type3A_474 : vector<16xf32> to vector<16xf32>
              tpu.vector_store %arg11[%swap3A_481], %swap3A_484 {strides = array<i32>} : memref<4096xf32, #tpu.memory_space<vmem>>, vector<16xf32>,
              %slice3A_485 = vector.extract_strided_slice %get3A_338 {offsets = [12], sizes = [1], strides = [1]} : vector<16xi32> to vector<1xi32>
              %squeeze3A_486 = vector.extract %slice3A_485[0] : i32 from vector<1xi32>
              %slice3A_487 = vector.extract_strided_slice %get3A_338 {offsets = [13], sizes = [1], strides = [1]} : vector<16xi32> to vector<1xi32>
              %squeeze3A_488 = vector.extract %slice3A_487[0] : i32 from vector<1xi32>
              %lt3A_489 = arith.constant 8 : i32
              %lt3A_490 = vector.broadcast %lt3A_489 : i32 to vector<16xi32>
              %lt3A_491 = arith.cmpi slt, %iota3A, %lt3A_490 : vector<16xi32>
              %broadcast_in_dim3A_492 = vector.broadcast %squeeze3A_486 : i32 to vector<16xi32>
              %broadcast_in_dim3A_493 = vector.broadcast %squeeze3A_488 : i32 to vector<16xi32>
              %select_n3A_494 = arith.select %lt3A_491, %broadcast_in_dim3A_492, %broadcast_in_dim3A_493 : vector<16xi1>, vector<16xi32>
              %shift_right_arithmetic3A_495 = arith.shrsi %select_n3A_494, %mul3A_7 : vector<16xi32>
              %and3A_496 = arith.constant 15 : i32
              %and3A_497 = vector.broadcast %and3A_496 : i32 to vector<16xi32>
              %and3A_498 = arith.andi %shift_right_arithmetic3A_495, %and3A_497 : vector<16xi32>
              %convert_element_type3A_499 = arith.sitofp %and3A_498 : vector<16xi32> to vector<16xf32>
              %mul3A_500 = arith.constant 8 : i32
              %mul3A_501 = arith.muli %scan3A_333, %mul3A_500 : i32
              %add3A_502 = arith.constant 6 : i32
              %add3A_503 = arith.addi %mul3A_501, %add3A_502 : i32
              %mul3A_504 = arith.constant 16 : i32
              %mul3A_505 = arith.muli %add3A_503, %mul3A_504 : i32
              %swap3A_506 = arith.index_cast %mul3A_505 : i32 to index
              %swap3A_507 = tpu.vector_load %arg11[%swap3A_506] {strides = array<i32>} : memref<4096xf32, #tpu.memory_space<vmem>>, vector<16xf32>,
              %swap3A_508 = vector.shape_cast %swap3A_507 : vector<16xf32> to vector<16xf32>
              %swap3A_509 = vector.shape_cast %convert_element_type3A_499 : vector<16xf32> to vector<16xf32>
              tpu.vector_store %arg11[%swap3A_506], %swap3A_509 {strides = array<i32>} : memref<4096xf32, #tpu.memory_space<vmem>>, vector<16xf32>,
              %slice3A_510 = vector.extract_strided_slice %get3A_338 {offsets = [14], sizes = [1], strides = [1]} : vector<16xi32> to vector<1xi32>
              %squeeze3A_511 = vector.extract %slice3A_510[0] : i32 from vector<1xi32>
              %slice3A_512 = vector.extract_strided_slice %get3A_338 {offsets = [15], sizes = [1], strides = [1]} : vector<16xi32> to vector<1xi32>
              %squeeze3A_513 = vector.extract %slice3A_512[0] : i32 from vector<1xi32>
              %lt3A_514 = arith.constant 8 : i32
              %lt3A_515 = vector.broadcast %lt3A_514 : i32 to vector<16xi32>
              %lt3A_516 = arith.cmpi slt, %iota3A, %lt3A_515 : vector<16xi32>
              %broadcast_in_dim3A_517 = vector.broadcast %squeeze3A_511 : i32 to vector<16xi32>
              %broadcast_in_dim3A_518 = vector.broadcast %squeeze3A_513 : i32 to vector<16xi32>
              %select_n3A_519 = arith.select %lt3A_516, %broadcast_in_dim3A_517, %broadcast_in_dim3A_518 : vector<16xi1>, vector<16xi32>
              %shift_right_arithmetic3A_520 = arith.shrsi %select_n3A_519, %mul3A_7 : vector<16xi32>
              %and3A_521 = arith.constant 15 : i32
              %and3A_522 = vector.broadcast %and3A_521 : i32 to vector<16xi32>
              %and3A_523 = arith.andi %shift_right_arithmetic3A_520, %and3A_522 : vector<16xi32>
              %convert_element_type3A_524 = arith.sitofp %and3A_523 : vector<16xi32> to vector<16xf32>
              %mul3A_525 = arith.constant 8 : i32
              %mul3A_526 = arith.muli %scan3A_333, %mul3A_525 : i32
              %add3A_527 = arith.constant 7 : i32
              %add3A_528 = arith.addi %mul3A_526, %add3A_527 : i32
              %mul3A_529 = arith.constant 16 : i32
              %mul3A_530 = arith.muli %add3A_528, %mul3A_529 : i32
              %swap3A_531 = arith.index_cast %mul3A_530 : i32 to index
              %swap3A_532 = tpu.vector_load %arg11[%swap3A_531] {strides = array<i32>} : memref<4096xf32, #tpu.memory_space<vmem>>, vector<16xf32>,
              %swap3A_533 = vector.shape_cast %swap3A_532 : vector<16xf32> to vector<16xf32>
              %swap3A_534 = vector.shape_cast %convert_element_type3A_524 : vector<16xf32> to vector<16xf32>
              tpu.vector_store %arg11[%swap3A_531], %swap3A_534 {strides = array<i32>} : memref<4096xf32, #tpu.memory_space<vmem>>, vector<16xf32>,
            }
            %scan3A_332 = arith.constant 32 : i32
            scf.yield %squeeze3A_312 : i32
          } else {
            scf.yield %scan3A_306 : i32
          }
          %scan3A_317 = arith.constant 0 : i32
          %scan3A_318 = arith.constant 0 : i32
          %scan3A_319 = arith.constant 128 : i32
          %scan3A_320 = arith.addi %scan3A_318, %scan3A_319 : i32
          %scan3A_321 = arith.constant 1 : i32
          scf.for %scan3A_323 = %scan3A_318 to %scan3A_320 step %scan3A_321  : i32 {
            %jit3A_324 = arith.constant 8 : i32
            %div3A = arith.divsi %scan3A_323, %jit3A_324 : i32
            %sign3A = arith.constant 0 : i32
            %sign3A_325 = arith.cmpi sgt, %scan3A_323, %sign3A : i32
            %sign3A_326 = arith.extui %sign3A_325 : i1 to i32
            %sign3A_327 = arith.constant 0 : i32
            %sign3A_328 = arith.cmpi slt, %scan3A_323, %sign3A_327 : i32
            %sign3A_329 = arith.extui %sign3A_328 : i1 to i32
            %sign3A_330 = arith.subi %sign3A_326, %sign3A_329 : i32
            %sign3A_331 = arith.constant 0 : i32
            %sign3A_332 = arith.cmpi sgt, %jit3A_324, %sign3A_331 : i32
            %sign3A_333 = arith.extui %sign3A_332 : i1 to i32
            %sign3A_334 = arith.constant 0 : i32
            %sign3A_335 = arith.cmpi slt, %jit3A_324, %sign3A_334 : i32
            %sign3A_336 = arith.extui %sign3A_335 : i1 to i32
            %sign3A_337 = arith.subi %sign3A_333, %sign3A_336 : i32
            %ne3A_338 = arith.cmpi ne, %sign3A_330, %sign3A_337 : i32
            %rem3A = arith.remsi %scan3A_323, %jit3A_324 : i32
            %ne3A_339 = arith.constant 0 : i32
            %ne3A_340 = arith.cmpi ne, %rem3A, %ne3A_339 : i32
            %and3A_341 = arith.andi %ne3A_338, %ne3A_340 : i1
            %sub3A = arith.constant 1 : i32
            %sub3A_342 = arith.subi %div3A, %sub3A : i32
            %select_n3A = arith.select %and3A_341, %sub3A_342, %div3A : i32
            %mul3A_343 = arith.constant 896 : i32
            %mul3A_344 = arith.muli %mul3A_343, %select_n3A : i32
            %mul3A_345 = arith.constant 16 : i32
            %mul3A_346 = arith.muli %mul3A_345, %scan3A_323 : i32
            %add3A_347 = arith.addi %mul3A_344, %mul3A_346 : i32
            %mul3A_348 = arith.constant 128 : i32
            %mul3A_349 = arith.muli %mul3A_348, %scan3A_244 : i32
            %add3A_350 = arith.addi %add3A_347, %mul3A_349 : i32
            %get3A_351 = arith.index_cast %add3A_350 : i32 to index
            %get3A_352 = tpu.vector_load %arg13[%get3A_351] {strides = array<i32>} : memref<16384xi32, #tpu.memory_space<vmem>>, vector<16xi32>,
            %get3A_353 = vector.shape_cast %get3A_352 : vector<16xi32> to vector<16xi32>
            %mul3A_354 = arith.constant 4 : i32
            %mul3A_355 = arith.muli %mul3A_354, %scan3A_305 : i32
            %shift_right_arithmetic3A = vector.broadcast %mul3A_355 : i32 to vector<16xi32>
            %shift_right_arithmetic3A_356 = arith.shrsi %get3A_353, %shift_right_arithmetic3A : vector<16xi32>
            %and3A_357 = arith.constant 15 : i32
            %and3A_358 = vector.broadcast %and3A_357 : i32 to vector<16xi32>
            %and3A_359 = arith.andi %shift_right_arithmetic3A_356, %and3A_358 : vector<16xi32>
            %convert_element_type3A_360 = arith.sitofp %and3A_359 : vector<16xi32> to vector<16xf32>
            %mul3A_361 = arith.constant 16 : i32
            %mul3A_362 = arith.muli %scan3A_323, %mul3A_361 : i32
            %add3A_363 = arith.constant 0 : i32
            %add3A_364 = arith.addi %add3A_363, %mul3A_362 : i32
            %get3A_365 = arith.index_cast %add3A_364 : i32 to index
            %get3A_366 = tpu.vector_load %arg10[%get3A_365] {strides = array<i32>} : memref<4096xf32, #tpu.memory_space<vmem>>, vector<16xf32>,
            %get3A_367 = vector.shape_cast %get3A_366 : vector<16xf32> to vector<16xf32>
            %mul3A_368 = arith.constant 16 : i32
            %mul3A_369 = arith.muli %scan3A_323, %mul3A_368 : i32
            %add3A_370 = arith.constant 0 : i32
            %add3A_371 = arith.addi %add3A_370, %mul3A_369 : i32
            %get3A_372 = arith.index_cast %add3A_371 : i32 to index
            %get3A_373 = tpu.vector_load %arg11[%get3A_372] {strides = array<i32>} : memref<4096xf32, #tpu.memory_space<vmem>>, vector<16xf32>,
            %get3A_374 = vector.shape_cast %get3A_373 : vector<16xf32> to vector<16xf32>
            %sub3A_375 = arith.subf %convert_element_type3A_360, %get3A_374 : vector<16xf32>
            %mul3A_376 = arith.mulf %get3A_367, %sub3A_375 : vector<16xf32>
            %jit3A_377 = arith.constant 8 : i32
            %div3A_378 = arith.divsi %scan3A_323, %jit3A_377 : i32
            %sign3A_379 = arith.constant 0 : i32
            %sign3A_380 = arith.cmpi sgt, %scan3A_323, %sign3A_379 : i32
            %sign3A_381 = arith.extui %sign3A_380 : i1 to i32
            %sign3A_382 = arith.constant 0 : i32
            %sign3A_383 = arith.cmpi slt, %scan3A_323, %sign3A_382 : i32
            %sign3A_384 = arith.extui %sign3A_383 : i1 to i32
            %sign3A_385 = arith.subi %sign3A_381, %sign3A_384 : i32
            %sign3A_386 = arith.constant 0 : i32
            %sign3A_387 = arith.cmpi sgt, %jit3A_377, %sign3A_386 : i32
            %sign3A_388 = arith.extui %sign3A_387 : i1 to i32
            %sign3A_389 = arith.constant 0 : i32
            %sign3A_390 = arith.cmpi slt, %jit3A_377, %sign3A_389 : i32
            %sign3A_391 = arith.extui %sign3A_390 : i1 to i32
            %sign3A_392 = arith.subi %sign3A_388, %sign3A_391 : i32
            %ne3A_393 = arith.cmpi ne, %sign3A_385, %sign3A_392 : i32
            %rem3A_394 = arith.remsi %scan3A_323, %jit3A_377 : i32
            %ne3A_395 = arith.constant 0 : i32
            %ne3A_396 = arith.cmpi ne, %rem3A_394, %ne3A_395 : i32
            %and3A_397 = arith.andi %ne3A_393, %ne3A_396 : i1
            %sub3A_398 = arith.constant 1 : i32
            %sub3A_399 = arith.subi %div3A_378, %sub3A_398 : i32
            %select_n3A_400 = arith.select %and3A_397, %sub3A_399, %div3A_378 : i32
            %mul3A_401 = arith.constant 896 : i32
            %mul3A_402 = arith.muli %mul3A_401, %select_n3A_400 : i32
            %mul3A_403 = arith.constant 16 : i32
            %mul3A_404 = arith.muli %mul3A_403, %scan3A_323 : i32
            %add3A_405 = arith.addi %mul3A_402, %mul3A_404 : i32
            %mul3A_406 = arith.constant 128 : i32
            %mul3A_407 = arith.muli %mul3A_406, %scan3A_305 : i32
            %add3A_408 = arith.addi %add3A_405, %mul3A_407 : i32
            %swap3A_409 = arith.index_cast %add3A_408 : i32 to index
            %swap3A_410 = tpu.vector_load %arg17[%swap3A_409] {strides = array<i32>} : memref<16384xf32, #tpu.memory_space<vmem>>, vector<16xf32>,
            %swap3A_411 = vector.shape_cast %swap3A_410 : vector<16xf32> to vector<16xf32>
            %swap3A_412 = vector.shape_cast %mul3A_376 : vector<16xf32> to vector<16xf32>
            tpu.vector_store %arg17[%swap3A_409], %swap3A_412 {strides = array<i32>} : memref<16384xf32, #tpu.memory_space<vmem>>, vector<16xf32>,
          }
          %scan3A_322 = arith.constant 128 : i32
          scf.yield %cond3A_316 : i32
        }
        %scan3A_304 = arith.constant 8 : i32
        scf.yield %scan3A_303 : i32
      }
      %mul3A_263 = arith.constant 2 : i32
      %mul3A_264 = arith.muli %mul3A_263, %add3A : i32
      %add3A_265 = arith.constant 0 : i32
      %add3A_266 = arith.addi %mul3A_264, %add3A_265 : i32
      %mul3A_267 = arith.constant 8 : i32
      %mul3A_268 = arith.muli %mul3A_267, %add3A_266 : i32
      %add3A_269 = arith.addi %mul3A_268, %scan3A_244 : i32
      %mul3A_270 = arith.constant 32768 : i32
      %mul3A_271 = arith.muli %add3A_269, %mul3A_270 : i32
      %add3A_272 = arith.constant 0 : i32
      %add3A_273 = arith.addi %mul3A_271, %add3A_272 : i32
      %dma_start3A_274 = tpu.memref_slice %arg7[%add3A_273] : memref<16777216xf32, #tpu.memory_space<hbm>> -> memref<16384xf32, #tpu.memory_space<hbm>>
      %dma_start3A_275 = tpu.memref_slice %arg7[%add3A_273] : memref<16777216xf32, #tpu.memory_space<hbm>> -> memref<16384xf32, #tpu.memory_space<hbm>>
      tpu.enqueue_dma source(%arg17 : memref<16384xf32, #tpu.memory_space<vmem>>) target(%dma_start3A_275 : memref<16384xf32, #tpu.memory_space<hbm>>) target_semaphore(%arg23 : memref<!tpu.dma_semaphore, #tpu.memory_space<semaphore_mem>>)
      %gt3A_276 = arith.constant 0 : i32
      %gt3A_277 = arith.cmpi sgt, %scan3A_244, %gt3A_276 : i32
      %convert_element_type3A_278 = arith.extui %gt3A_277 : i1 to i32
      %cond3A_279 = arith.constant 0 : i32
      %cond3A_280 = arith.cmpi ne, %convert_element_type3A_278, %cond3A_279 : i32
      scf.if %cond3A_280 {
        %mul3A_299 = arith.constant 2 : i32
        %mul3A_300 = arith.muli %mul3A_299, %add3A : i32
        %add3A_301 = arith.constant 0 : i32
        %add3A_302 = arith.addi %mul3A_300, %add3A_301 : i32
        %mul3A_303 = arith.constant 8 : i32
        %mul3A_304 = arith.muli %mul3A_303, %add3A_302 : i32
        %add3A_305 = arith.constant 0 : i32
        %add3A_306 = arith.addi %mul3A_304, %add3A_305 : i32
        %mul3A_307 = arith.constant 32768 : i32
        %mul3A_308 = arith.muli %add3A_306, %mul3A_307 : i32
        %add3A_309 = arith.constant 0 : i32
        %add3A_310 = arith.addi %mul3A_308, %add3A_309 : i32
        %dma_wait3A_311 = tpu.memref_slice %arg7[%add3A_310] : memref<16777216xf32, #tpu.memory_space<hbm>> -> memref<16384xf32, #tpu.memory_space<hbm>>
        %dma_wait3A_312 = tpu.memref_slice %arg7[%add3A_310] : memref<16777216xf32, #tpu.memory_space<hbm>> -> memref<16384xf32, #tpu.memory_space<hbm>>
        tpu.wait_dma2 semaphore(%arg24 : memref<!tpu.dma_semaphore, #tpu.memory_space<semaphore_mem>>) src(%arg18 : memref<16384xf32, #tpu.memory_space<vmem>>) dst(%dma_wait3A_312 : memref<16384xf32, #tpu.memory_space<hbm>>)
      } else {
      }
      %eq3A_281 = arith.cmpi eq, %squeeze3A_254, %squeeze3A_256 : i32
      %convert_element_type3A_282 = arith.extui %eq3A_281 : i1 to i32
      %cond3A_283 = arith.constant 0 : i32
      %cond3A_284 = arith.cmpi ne, %convert_element_type3A_282, %cond3A_283 : i32
      %cond3A_285 = scf.if %cond3A_284 -> (i32) {
        %ne3A = arith.cmpi ne, %squeeze3A_254, %cond3A_262 : i32
        %convert_element_type3A_299 = arith.extui %ne3A : i1 to i32
        %cond3A_300 = arith.constant 0 : i32
        %cond3A_301 = arith.cmpi ne, %convert_element_type3A_299, %cond3A_300 : i32
        %cond3A_302 = scf.if %cond3A_301 -> (i32) {
          %mul3A_309 = arith.constant 4096 : i32
          %mul3A_310 = arith.muli %squeeze3A_254, %mul3A_309 : i32
          "tpu.region"() ({
            %run_scoped3A = tpu.sem_alloc : memref<!tpu.dma_semaphore, #tpu.memory_space<semaphore_mem>>
            %dma_start3A_319 = tpu.memref_slice %arg4[%mul3A_310] : memref<131072xf32, #tpu.memory_space<hbm>> -> memref<4096xf32, #tpu.memory_space<hbm>>
            %dma_start3A_320 = tpu.memref_slice %arg4[%mul3A_310] : memref<131072xf32, #tpu.memory_space<hbm>> -> memref<4096xf32, #tpu.memory_space<hbm>>
            tpu.enqueue_dma source(%dma_start3A_320 : memref<4096xf32, #tpu.memory_space<hbm>>) target(%arg10 : memref<4096xf32, #tpu.memory_space<vmem>>) target_semaphore(%run_scoped3A : memref<!tpu.dma_semaphore, #tpu.memory_space<semaphore_mem>>)
            %dma_wait3A_321 = tpu.memref_slice %arg4[%mul3A_310] : memref<131072xf32, #tpu.memory_space<hbm>> -> memref<4096xf32, #tpu.memory_space<hbm>>
            %dma_wait3A_322 = tpu.memref_slice %arg4[%mul3A_310] : memref<131072xf32, #tpu.memory_space<hbm>> -> memref<4096xf32, #tpu.memory_space<hbm>>
            tpu.wait_dma2 semaphore(%run_scoped3A : memref<!tpu.dma_semaphore, #tpu.memory_space<semaphore_mem>>) src(%dma_wait3A_322 : memref<4096xf32, #tpu.memory_space<hbm>>) dst(%arg10 : memref<4096xf32, #tpu.memory_space<vmem>>)
            tpu.yield
          }) : () -> ()
          %mul3A_311 = arith.constant 512 : i32
          %mul3A_312 = arith.muli %squeeze3A_254, %mul3A_311 : i32
          "tpu.region"() ({
            %run_scoped3A = tpu.sem_alloc : memref<!tpu.dma_semaphore, #tpu.memory_space<semaphore_mem>>
            %dma_start3A_319 = tpu.memref_slice %arg3[%mul3A_312] : memref<16384xi32, #tpu.memory_space<hbm>> -> memref<512xi32, #tpu.memory_space<hbm>>
            %dma_start3A_320 = tpu.memref_slice %arg3[%mul3A_312] : memref<16384xi32, #tpu.memory_space<hbm>> -> memref<512xi32, #tpu.memory_space<hbm>>
            tpu.enqueue_dma source(%dma_start3A_320 : memref<512xi32, #tpu.memory_space<hbm>>) target(%arg12 : memref<512xi32, #tpu.memory_space<vmem>>) target_semaphore(%run_scoped3A : memref<!tpu.dma_semaphore, #tpu.memory_space<semaphore_mem>>)
            %dma_wait3A_321 = tpu.memref_slice %arg3[%mul3A_312] : memref<16384xi32, #tpu.memory_space<hbm>> -> memref<512xi32, #tpu.memory_space<hbm>>
            %dma_wait3A_322 = tpu.memref_slice %arg3[%mul3A_312] : memref<16384xi32, #tpu.memory_space<hbm>> -> memref<512xi32, #tpu.memory_space<hbm>>
            tpu.wait_dma2 semaphore(%run_scoped3A : memref<!tpu.dma_semaphore, #tpu.memory_space<semaphore_mem>>) src(%dma_wait3A_322 : memref<512xi32, #tpu.memory_space<hbm>>) dst(%arg12 : memref<512xi32, #tpu.memory_space<vmem>>)
            tpu.yield
          }) : () -> ()
          %scan3A_313 = arith.constant 0 : i32
          %scan3A_314 = arith.constant 0 : i32
          %scan3A_315 = arith.constant 32 : i32
          %scan3A_316 = arith.addi %scan3A_314, %scan3A_315 : i32
          %scan3A_317 = arith.constant 1 : i32
          scf.for %scan3A_319 = %scan3A_314 to %scan3A_316 step %scan3A_317  : i32 {
            %mul3A_320 = arith.constant 16 : i32
            %mul3A_321 = arith.muli %scan3A_319, %mul3A_320 : i32
            %get3A_322 = arith.index_cast %mul3A_321 : i32 to index
            %get3A_323 = tpu.vector_load %arg12[%get3A_322] {strides = array<i32>} : memref<512xi32, #tpu.memory_space<vmem>>, vector<16xi32>,
            %get3A_324 = vector.shape_cast %get3A_323 : vector<16xi32> to vector<16xi32>
            %slice3A_325 = vector.extract_strided_slice %get3A_324 {offsets = [0], sizes = [1], strides = [1]} : vector<16xi32> to vector<1xi32>
            %squeeze3A_326 = vector.extract %slice3A_325[0] : i32 from vector<1xi32>
            %slice3A_327 = vector.extract_strided_slice %get3A_324 {offsets = [1], sizes = [1], strides = [1]} : vector<16xi32> to vector<1xi32>
            %squeeze3A_328 = vector.extract %slice3A_327[0] : i32 from vector<1xi32>
            %lt3A = arith.constant 8 : i32
            %lt3A_329 = vector.broadcast %lt3A : i32 to vector<16xi32>
            %lt3A_330 = arith.cmpi slt, %iota3A, %lt3A_329 : vector<16xi32>
            %broadcast_in_dim3A = vector.broadcast %squeeze3A_326 : i32 to vector<16xi32>
            %broadcast_in_dim3A_331 = vector.broadcast %squeeze3A_328 : i32 to vector<16xi32>
            %select_n3A = arith.select %lt3A_330, %broadcast_in_dim3A, %broadcast_in_dim3A_331 : vector<16xi1>, vector<16xi32>
            %shift_right_arithmetic3A = arith.shrsi %select_n3A, %mul3A_7 : vector<16xi32>
            %and3A_332 = arith.constant 15 : i32
            %and3A_333 = vector.broadcast %and3A_332 : i32 to vector<16xi32>
            %and3A_334 = arith.andi %shift_right_arithmetic3A, %and3A_333 : vector<16xi32>
            %convert_element_type3A_335 = arith.sitofp %and3A_334 : vector<16xi32> to vector<16xf32>
            %mul3A_336 = arith.constant 8 : i32
            %mul3A_337 = arith.muli %scan3A_319, %mul3A_336 : i32
            %add3A_338 = arith.constant 0 : i32
            %add3A_339 = arith.addi %mul3A_337, %add3A_338 : i32
            %mul3A_340 = arith.constant 16 : i32
            %mul3A_341 = arith.muli %add3A_339, %mul3A_340 : i32
            %swap3A_342 = arith.index_cast %mul3A_341 : i32 to index
            %swap3A_343 = tpu.vector_load %arg11[%swap3A_342] {strides = array<i32>} : memref<4096xf32, #tpu.memory_space<vmem>>, vector<16xf32>,
            %swap3A_344 = vector.shape_cast %swap3A_343 : vector<16xf32> to vector<16xf32>
            %swap3A_345 = vector.shape_cast %convert_element_type3A_335 : vector<16xf32> to vector<16xf32>
            tpu.vector_store %arg11[%swap3A_342], %swap3A_345 {strides = array<i32>} : memref<4096xf32, #tpu.memory_space<vmem>>, vector<16xf32>,
            %slice3A_346 = vector.extract_strided_slice %get3A_324 {offsets = [2], sizes = [1], strides = [1]} : vector<16xi32> to vector<1xi32>
            %squeeze3A_347 = vector.extract %slice3A_346[0] : i32 from vector<1xi32>
            %slice3A_348 = vector.extract_strided_slice %get3A_324 {offsets = [3], sizes = [1], strides = [1]} : vector<16xi32> to vector<1xi32>
            %squeeze3A_349 = vector.extract %slice3A_348[0] : i32 from vector<1xi32>
            %lt3A_350 = arith.constant 8 : i32
            %lt3A_351 = vector.broadcast %lt3A_350 : i32 to vector<16xi32>
            %lt3A_352 = arith.cmpi slt, %iota3A, %lt3A_351 : vector<16xi32>
            %broadcast_in_dim3A_353 = vector.broadcast %squeeze3A_347 : i32 to vector<16xi32>
            %broadcast_in_dim3A_354 = vector.broadcast %squeeze3A_349 : i32 to vector<16xi32>
            %select_n3A_355 = arith.select %lt3A_352, %broadcast_in_dim3A_353, %broadcast_in_dim3A_354 : vector<16xi1>, vector<16xi32>
            %shift_right_arithmetic3A_356 = arith.shrsi %select_n3A_355, %mul3A_7 : vector<16xi32>
            %and3A_357 = arith.constant 15 : i32
            %and3A_358 = vector.broadcast %and3A_357 : i32 to vector<16xi32>
            %and3A_359 = arith.andi %shift_right_arithmetic3A_356, %and3A_358 : vector<16xi32>
            %convert_element_type3A_360 = arith.sitofp %and3A_359 : vector<16xi32> to vector<16xf32>
            %mul3A_361 = arith.constant 8 : i32
            %mul3A_362 = arith.muli %scan3A_319, %mul3A_361 : i32
            %add3A_363 = arith.constant 1 : i32
            %add3A_364 = arith.addi %mul3A_362, %add3A_363 : i32
            %mul3A_365 = arith.constant 16 : i32
            %mul3A_366 = arith.muli %add3A_364, %mul3A_365 : i32
            %swap3A_367 = arith.index_cast %mul3A_366 : i32 to index
            %swap3A_368 = tpu.vector_load %arg11[%swap3A_367] {strides = array<i32>} : memref<4096xf32, #tpu.memory_space<vmem>>, vector<16xf32>,
            %swap3A_369 = vector.shape_cast %swap3A_368 : vector<16xf32> to vector<16xf32>
            %swap3A_370 = vector.shape_cast %convert_element_type3A_360 : vector<16xf32> to vector<16xf32>
            tpu.vector_store %arg11[%swap3A_367], %swap3A_370 {strides = array<i32>} : memref<4096xf32, #tpu.memory_space<vmem>>, vector<16xf32>,
            %slice3A_371 = vector.extract_strided_slice %get3A_324 {offsets = [4], sizes = [1], strides = [1]} : vector<16xi32> to vector<1xi32>
            %squeeze3A_372 = vector.extract %slice3A_371[0] : i32 from vector<1xi32>
            %slice3A_373 = vector.extract_strided_slice %get3A_324 {offsets = [5], sizes = [1], strides = [1]} : vector<16xi32> to vector<1xi32>
            %squeeze3A_374 = vector.extract %slice3A_373[0] : i32 from vector<1xi32>
            %lt3A_375 = arith.constant 8 : i32
            %lt3A_376 = vector.broadcast %lt3A_375 : i32 to vector<16xi32>
            %lt3A_377 = arith.cmpi slt, %iota3A, %lt3A_376 : vector<16xi32>
            %broadcast_in_dim3A_378 = vector.broadcast %squeeze3A_372 : i32 to vector<16xi32>
            %broadcast_in_dim3A_379 = vector.broadcast %squeeze3A_374 : i32 to vector<16xi32>
            %select_n3A_380 = arith.select %lt3A_377, %broadcast_in_dim3A_378, %broadcast_in_dim3A_379 : vector<16xi1>, vector<16xi32>
            %shift_right_arithmetic3A_381 = arith.shrsi %select_n3A_380, %mul3A_7 : vector<16xi32>
            %and3A_382 = arith.constant 15 : i32
            %and3A_383 = vector.broadcast %and3A_382 : i32 to vector<16xi32>
            %and3A_384 = arith.andi %shift_right_arithmetic3A_381, %and3A_383 : vector<16xi32>
            %convert_element_type3A_385 = arith.sitofp %and3A_384 : vector<16xi32> to vector<16xf32>
            %mul3A_386 = arith.constant 8 : i32
            %mul3A_387 = arith.muli %scan3A_319, %mul3A_386 : i32
            %add3A_388 = arith.constant 2 : i32
            %add3A_389 = arith.addi %mul3A_387, %add3A_388 : i32
            %mul3A_390 = arith.constant 16 : i32
            %mul3A_391 = arith.muli %add3A_389, %mul3A_390 : i32
            %swap3A_392 = arith.index_cast %mul3A_391 : i32 to index
            %swap3A_393 = tpu.vector_load %arg11[%swap3A_392] {strides = array<i32>} : memref<4096xf32, #tpu.memory_space<vmem>>, vector<16xf32>,
            %swap3A_394 = vector.shape_cast %swap3A_393 : vector<16xf32> to vector<16xf32>
            %swap3A_395 = vector.shape_cast %convert_element_type3A_385 : vector<16xf32> to vector<16xf32>
            tpu.vector_store %arg11[%swap3A_392], %swap3A_395 {strides = array<i32>} : memref<4096xf32, #tpu.memory_space<vmem>>, vector<16xf32>,
            %slice3A_396 = vector.extract_strided_slice %get3A_324 {offsets = [6], sizes = [1], strides = [1]} : vector<16xi32> to vector<1xi32>
            %squeeze3A_397 = vector.extract %slice3A_396[0] : i32 from vector<1xi32>
            %slice3A_398 = vector.extract_strided_slice %get3A_324 {offsets = [7], sizes = [1], strides = [1]} : vector<16xi32> to vector<1xi32>
            %squeeze3A_399 = vector.extract %slice3A_398[0] : i32 from vector<1xi32>
            %lt3A_400 = arith.constant 8 : i32
            %lt3A_401 = vector.broadcast %lt3A_400 : i32 to vector<16xi32>
            %lt3A_402 = arith.cmpi slt, %iota3A, %lt3A_401 : vector<16xi32>
            %broadcast_in_dim3A_403 = vector.broadcast %squeeze3A_397 : i32 to vector<16xi32>
            %broadcast_in_dim3A_404 = vector.broadcast %squeeze3A_399 : i32 to vector<16xi32>
            %select_n3A_405 = arith.select %lt3A_402, %broadcast_in_dim3A_403, %broadcast_in_dim3A_404 : vector<16xi1>, vector<16xi32>
            %shift_right_arithmetic3A_406 = arith.shrsi %select_n3A_405, %mul3A_7 : vector<16xi32>
            %and3A_407 = arith.constant 15 : i32
            %and3A_408 = vector.broadcast %and3A_407 : i32 to vector<16xi32>
            %and3A_409 = arith.andi %shift_right_arithmetic3A_406, %and3A_408 : vector<16xi32>
            %convert_element_type3A_410 = arith.sitofp %and3A_409 : vector<16xi32> to vector<16xf32>
            %mul3A_411 = arith.constant 8 : i32
            %mul3A_412 = arith.muli %scan3A_319, %mul3A_411 : i32
            %add3A_413 = arith.constant 3 : i32
            %add3A_414 = arith.addi %mul3A_412, %add3A_413 : i32
            %mul3A_415 = arith.constant 16 : i32
            %mul3A_416 = arith.muli %add3A_414, %mul3A_415 : i32
            %swap3A_417 = arith.index_cast %mul3A_416 : i32 to index
            %swap3A_418 = tpu.vector_load %arg11[%swap3A_417] {strides = array<i32>} : memref<4096xf32, #tpu.memory_space<vmem>>, vector<16xf32>,
            %swap3A_419 = vector.shape_cast %swap3A_418 : vector<16xf32> to vector<16xf32>
            %swap3A_420 = vector.shape_cast %convert_element_type3A_410 : vector<16xf32> to vector<16xf32>
            tpu.vector_store %arg11[%swap3A_417], %swap3A_420 {strides = array<i32>} : memref<4096xf32, #tpu.memory_space<vmem>>, vector<16xf32>,
            %slice3A_421 = vector.extract_strided_slice %get3A_324 {offsets = [8], sizes = [1], strides = [1]} : vector<16xi32> to vector<1xi32>
            %squeeze3A_422 = vector.extract %slice3A_421[0] : i32 from vector<1xi32>
            %slice3A_423 = vector.extract_strided_slice %get3A_324 {offsets = [9], sizes = [1], strides = [1]} : vector<16xi32> to vector<1xi32>
            %squeeze3A_424 = vector.extract %slice3A_423[0] : i32 from vector<1xi32>
            %lt3A_425 = arith.constant 8 : i32
            %lt3A_426 = vector.broadcast %lt3A_425 : i32 to vector<16xi32>
            %lt3A_427 = arith.cmpi slt, %iota3A, %lt3A_426 : vector<16xi32>
            %broadcast_in_dim3A_428 = vector.broadcast %squeeze3A_422 : i32 to vector<16xi32>
            %broadcast_in_dim3A_429 = vector.broadcast %squeeze3A_424 : i32 to vector<16xi32>
            %select_n3A_430 = arith.select %lt3A_427, %broadcast_in_dim3A_428, %broadcast_in_dim3A_429 : vector<16xi1>, vector<16xi32>
            %shift_right_arithmetic3A_431 = arith.shrsi %select_n3A_430, %mul3A_7 : vector<16xi32>
            %and3A_432 = arith.constant 15 : i32
            %and3A_433 = vector.broadcast %and3A_432 : i32 to vector<16xi32>
            %and3A_434 = arith.andi %shift_right_arithmetic3A_431, %and3A_433 : vector<16xi32>
            %convert_element_type3A_435 = arith.sitofp %and3A_434 : vector<16xi32> to vector<16xf32>
            %mul3A_436 = arith.constant 8 : i32
            %mul3A_437 = arith.muli %scan3A_319, %mul3A_436 : i32
            %add3A_438 = arith.constant 4 : i32
            %add3A_439 = arith.addi %mul3A_437, %add3A_438 : i32
            %mul3A_440 = arith.constant 16 : i32
            %mul3A_441 = arith.muli %add3A_439, %mul3A_440 : i32
            %swap3A_442 = arith.index_cast %mul3A_441 : i32 to index
            %swap3A_443 = tpu.vector_load %arg11[%swap3A_442] {strides = array<i32>} : memref<4096xf32, #tpu.memory_space<vmem>>, vector<16xf32>,
            %swap3A_444 = vector.shape_cast %swap3A_443 : vector<16xf32> to vector<16xf32>
            %swap3A_445 = vector.shape_cast %convert_element_type3A_435 : vector<16xf32> to vector<16xf32>
            tpu.vector_store %arg11[%swap3A_442], %swap3A_445 {strides = array<i32>} : memref<4096xf32, #tpu.memory_space<vmem>>, vector<16xf32>,
            %slice3A_446 = vector.extract_strided_slice %get3A_324 {offsets = [10], sizes = [1], strides = [1]} : vector<16xi32> to vector<1xi32>
            %squeeze3A_447 = vector.extract %slice3A_446[0] : i32 from vector<1xi32>
            %slice3A_448 = vector.extract_strided_slice %get3A_324 {offsets = [11], sizes = [1], strides = [1]} : vector<16xi32> to vector<1xi32>
            %squeeze3A_449 = vector.extract %slice3A_448[0] : i32 from vector<1xi32>
            %lt3A_450 = arith.constant 8 : i32
            %lt3A_451 = vector.broadcast %lt3A_450 : i32 to vector<16xi32>
            %lt3A_452 = arith.cmpi slt, %iota3A, %lt3A_451 : vector<16xi32>
            %broadcast_in_dim3A_453 = vector.broadcast %squeeze3A_447 : i32 to vector<16xi32>
            %broadcast_in_dim3A_454 = vector.broadcast %squeeze3A_449 : i32 to vector<16xi32>
            %select_n3A_455 = arith.select %lt3A_452, %broadcast_in_dim3A_453, %broadcast_in_dim3A_454 : vector<16xi1>, vector<16xi32>
            %shift_right_arithmetic3A_456 = arith.shrsi %select_n3A_455, %mul3A_7 : vector<16xi32>
            %and3A_457 = arith.constant 15 : i32
            %and3A_458 = vector.broadcast %and3A_457 : i32 to vector<16xi32>
            %and3A_459 = arith.andi %shift_right_arithmetic3A_456, %and3A_458 : vector<16xi32>
            %convert_element_type3A_460 = arith.sitofp %and3A_459 : vector<16xi32> to vector<16xf32>
            %mul3A_461 = arith.constant 8 : i32
            %mul3A_462 = arith.muli %scan3A_319, %mul3A_461 : i32
            %add3A_463 = arith.constant 5 : i32
            %add3A_464 = arith.addi %mul3A_462, %add3A_463 : i32
            %mul3A_465 = arith.constant 16 : i32
            %mul3A_466 = arith.muli %add3A_464, %mul3A_465 : i32
            %swap3A_467 = arith.index_cast %mul3A_466 : i32 to index
            %swap3A_468 = tpu.vector_load %arg11[%swap3A_467] {strides = array<i32>} : memref<4096xf32, #tpu.memory_space<vmem>>, vector<16xf32>,
            %swap3A_469 = vector.shape_cast %swap3A_468 : vector<16xf32> to vector<16xf32>
            %swap3A_470 = vector.shape_cast %convert_element_type3A_460 : vector<16xf32> to vector<16xf32>
            tpu.vector_store %arg11[%swap3A_467], %swap3A_470 {strides = array<i32>} : memref<4096xf32, #tpu.memory_space<vmem>>, vector<16xf32>,
            %slice3A_471 = vector.extract_strided_slice %get3A_324 {offsets = [12], sizes = [1], strides = [1]} : vector<16xi32> to vector<1xi32>
            %squeeze3A_472 = vector.extract %slice3A_471[0] : i32 from vector<1xi32>
            %slice3A_473 = vector.extract_strided_slice %get3A_324 {offsets = [13], sizes = [1], strides = [1]} : vector<16xi32> to vector<1xi32>
            %squeeze3A_474 = vector.extract %slice3A_473[0] : i32 from vector<1xi32>
            %lt3A_475 = arith.constant 8 : i32
            %lt3A_476 = vector.broadcast %lt3A_475 : i32 to vector<16xi32>
            %lt3A_477 = arith.cmpi slt, %iota3A, %lt3A_476 : vector<16xi32>
            %broadcast_in_dim3A_478 = vector.broadcast %squeeze3A_472 : i32 to vector<16xi32>
            %broadcast_in_dim3A_479 = vector.broadcast %squeeze3A_474 : i32 to vector<16xi32>
            %select_n3A_480 = arith.select %lt3A_477, %broadcast_in_dim3A_478, %broadcast_in_dim3A_479 : vector<16xi1>, vector<16xi32>
            %shift_right_arithmetic3A_481 = arith.shrsi %select_n3A_480, %mul3A_7 : vector<16xi32>
            %and3A_482 = arith.constant 15 : i32
            %and3A_483 = vector.broadcast %and3A_482 : i32 to vector<16xi32>
            %and3A_484 = arith.andi %shift_right_arithmetic3A_481, %and3A_483 : vector<16xi32>
            %convert_element_type3A_485 = arith.sitofp %and3A_484 : vector<16xi32> to vector<16xf32>
            %mul3A_486 = arith.constant 8 : i32
            %mul3A_487 = arith.muli %scan3A_319, %mul3A_486 : i32
            %add3A_488 = arith.constant 6 : i32
            %add3A_489 = arith.addi %mul3A_487, %add3A_488 : i32
            %mul3A_490 = arith.constant 16 : i32
            %mul3A_491 = arith.muli %add3A_489, %mul3A_490 : i32
            %swap3A_492 = arith.index_cast %mul3A_491 : i32 to index
            %swap3A_493 = tpu.vector_load %arg11[%swap3A_492] {strides = array<i32>} : memref<4096xf32, #tpu.memory_space<vmem>>, vector<16xf32>,
            %swap3A_494 = vector.shape_cast %swap3A_493 : vector<16xf32> to vector<16xf32>
            %swap3A_495 = vector.shape_cast %convert_element_type3A_485 : vector<16xf32> to vector<16xf32>
            tpu.vector_store %arg11[%swap3A_492], %swap3A_495 {strides = array<i32>} : memref<4096xf32, #tpu.memory_space<vmem>>, vector<16xf32>,
            %slice3A_496 = vector.extract_strided_slice %get3A_324 {offsets = [14], sizes = [1], strides = [1]} : vector<16xi32> to vector<1xi32>
            %squeeze3A_497 = vector.extract %slice3A_496[0] : i32 from vector<1xi32>
            %slice3A_498 = vector.extract_strided_slice %get3A_324 {offsets = [15], sizes = [1], strides = [1]} : vector<16xi32> to vector<1xi32>
            %squeeze3A_499 = vector.extract %slice3A_498[0] : i32 from vector<1xi32>
            %lt3A_500 = arith.constant 8 : i32
            %lt3A_501 = vector.broadcast %lt3A_500 : i32 to vector<16xi32>
            %lt3A_502 = arith.cmpi slt, %iota3A, %lt3A_501 : vector<16xi32>
            %broadcast_in_dim3A_503 = vector.broadcast %squeeze3A_497 : i32 to vector<16xi32>
            %broadcast_in_dim3A_504 = vector.broadcast %squeeze3A_499 : i32 to vector<16xi32>
            %select_n3A_505 = arith.select %lt3A_502, %broadcast_in_dim3A_503, %broadcast_in_dim3A_504 : vector<16xi1>, vector<16xi32>
            %shift_right_arithmetic3A_506 = arith.shrsi %select_n3A_505, %mul3A_7 : vector<16xi32>
            %and3A_507 = arith.constant 15 : i32
            %and3A_508 = vector.broadcast %and3A_507 : i32 to vector<16xi32>
            %and3A_509 = arith.andi %shift_right_arithmetic3A_506, %and3A_508 : vector<16xi32>
            %convert_element_type3A_510 = arith.sitofp %and3A_509 : vector<16xi32> to vector<16xf32>
            %mul3A_511 = arith.constant 8 : i32
            %mul3A_512 = arith.muli %scan3A_319, %mul3A_511 : i32
            %add3A_513 = arith.constant 7 : i32
            %add3A_514 = arith.addi %mul3A_512, %add3A_513 : i32
            %mul3A_515 = arith.constant 16 : i32
            %mul3A_516 = arith.muli %add3A_514, %mul3A_515 : i32
            %swap3A_517 = arith.index_cast %mul3A_516 : i32 to index
            %swap3A_518 = tpu.vector_load %arg11[%swap3A_517] {strides = array<i32>} : memref<4096xf32, #tpu.memory_space<vmem>>, vector<16xf32>,
            %swap3A_519 = vector.shape_cast %swap3A_518 : vector<16xf32> to vector<16xf32>
            %swap3A_520 = vector.shape_cast %convert_element_type3A_510 : vector<16xf32> to vector<16xf32>
            tpu.vector_store %arg11[%swap3A_517], %swap3A_520 {strides = array<i32>} : memref<4096xf32, #tpu.memory_space<vmem>>, vector<16xf32>,
          }
          %scan3A_318 = arith.constant 32 : i32
          scf.yield %squeeze3A_254 : i32
        } else {
          scf.yield %cond3A_262 : i32
        }
        %scan3A_303 = arith.constant 0 : i32
        %scan3A_304 = arith.constant 0 : i32
        %scan3A_305 = arith.constant 128 : i32
        %scan3A_306 = arith.addi %scan3A_304, %scan3A_305 : i32
        %scan3A_307 = arith.constant 1 : i32
        scf.for %scan3A_309 = %scan3A_304 to %scan3A_306 step %scan3A_307  : i32 {
          %jit3A_310 = arith.constant 8 : i32
          %div3A = arith.divsi %scan3A_309, %jit3A_310 : i32
          %sign3A = arith.constant 0 : i32
          %sign3A_311 = arith.cmpi sgt, %scan3A_309, %sign3A : i32
          %sign3A_312 = arith.extui %sign3A_311 : i1 to i32
          %sign3A_313 = arith.constant 0 : i32
          %sign3A_314 = arith.cmpi slt, %scan3A_309, %sign3A_313 : i32
          %sign3A_315 = arith.extui %sign3A_314 : i1 to i32
          %sign3A_316 = arith.subi %sign3A_312, %sign3A_315 : i32
          %sign3A_317 = arith.constant 0 : i32
          %sign3A_318 = arith.cmpi sgt, %jit3A_310, %sign3A_317 : i32
          %sign3A_319 = arith.extui %sign3A_318 : i1 to i32
          %sign3A_320 = arith.constant 0 : i32
          %sign3A_321 = arith.cmpi slt, %jit3A_310, %sign3A_320 : i32
          %sign3A_322 = arith.extui %sign3A_321 : i1 to i32
          %sign3A_323 = arith.subi %sign3A_319, %sign3A_322 : i32
          %ne3A_324 = arith.cmpi ne, %sign3A_316, %sign3A_323 : i32
          %rem3A = arith.remsi %scan3A_309, %jit3A_310 : i32
          %ne3A_325 = arith.constant 0 : i32
          %ne3A_326 = arith.cmpi ne, %rem3A, %ne3A_325 : i32
          %and3A_327 = arith.andi %ne3A_324, %ne3A_326 : i1
          %sub3A = arith.constant 1 : i32
          %sub3A_328 = arith.subi %div3A, %sub3A : i32
          %select_n3A = arith.select %and3A_327, %sub3A_328, %div3A : i32
          %mul3A_329 = arith.constant 896 : i32
          %mul3A_330 = arith.muli %mul3A_329, %select_n3A : i32
          %mul3A_331 = arith.constant 16 : i32
          %mul3A_332 = arith.muli %mul3A_331, %scan3A_309 : i32
          %add3A_333 = arith.addi %mul3A_330, %mul3A_332 : i32
          %mul3A_334 = arith.constant 128 : i32
          %mul3A_335 = arith.muli %mul3A_334, %scan3A_244 : i32
          %add3A_336 = arith.addi %add3A_333, %mul3A_335 : i32
          %get3A_337 = arith.index_cast %add3A_336 : i32 to index
          %get3A_338 = tpu.vector_load %arg14[%get3A_337] {strides = array<i32>} : memref<16384xi32, #tpu.memory_space<vmem>>, vector<16xi32>,
          %get3A_339 = vector.shape_cast %get3A_338 : vector<16xi32> to vector<16xi32>
          %mul3A_340 = arith.constant 16 : i32
          %mul3A_341 = arith.muli %scan3A_309, %mul3A_340 : i32
          %add3A_342 = arith.constant 2048 : i32
          %add3A_343 = arith.addi %add3A_342, %mul3A_341 : i32
          %get3A_344 = arith.index_cast %add3A_343 : i32 to index
          %get3A_345 = tpu.vector_load %arg10[%get3A_344] {strides = array<i32>} : memref<4096xf32, #tpu.memory_space<vmem>>, vector<16xf32>,
          %get3A_346 = vector.shape_cast %get3A_345 : vector<16xf32> to vector<16xf32>
          %mul3A_347 = arith.constant 16 : i32
          %mul3A_348 = arith.muli %scan3A_309, %mul3A_347 : i32
          %add3A_349 = arith.constant 2048 : i32
          %add3A_350 = arith.addi %add3A_349, %mul3A_348 : i32
          %get3A_351 = arith.index_cast %add3A_350 : i32 to index
          %get3A_352 = tpu.vector_load %arg11[%get3A_351] {strides = array<i32>} : memref<4096xf32, #tpu.memory_space<vmem>>, vector<16xf32>,
          %get3A_353 = vector.shape_cast %get3A_352 : vector<16xf32> to vector<16xf32>
          %jit3A_354 = arith.constant 8 : i32
          %div3A_355 = arith.divsi %scan3A_309, %jit3A_354 : i32
          %sign3A_356 = arith.constant 0 : i32
          %sign3A_357 = arith.cmpi sgt, %scan3A_309, %sign3A_356 : i32
          %sign3A_358 = arith.extui %sign3A_357 : i1 to i32
          %sign3A_359 = arith.constant 0 : i32
          %sign3A_360 = arith.cmpi slt, %scan3A_309, %sign3A_359 : i32
          %sign3A_361 = arith.extui %sign3A_360 : i1 to i32
          %sign3A_362 = arith.subi %sign3A_358, %sign3A_361 : i32
          %sign3A_363 = arith.constant 0 : i32
          %sign3A_364 = arith.cmpi sgt, %jit3A_354, %sign3A_363 : i32
          %sign3A_365 = arith.extui %sign3A_364 : i1 to i32
          %sign3A_366 = arith.constant 0 : i32
          %sign3A_367 = arith.cmpi slt, %jit3A_354, %sign3A_366 : i32
          %sign3A_368 = arith.extui %sign3A_367 : i1 to i32
          %sign3A_369 = arith.subi %sign3A_365, %sign3A_368 : i32
          %ne3A_370 = arith.cmpi ne, %sign3A_362, %sign3A_369 : i32
          %rem3A_371 = arith.remsi %scan3A_309, %jit3A_354 : i32
          %ne3A_372 = arith.constant 0 : i32
          %ne3A_373 = arith.cmpi ne, %rem3A_371, %ne3A_372 : i32
          %and3A_374 = arith.andi %ne3A_370, %ne3A_373 : i1
          %sub3A_375 = arith.constant 1 : i32
          %sub3A_376 = arith.subi %div3A_355, %sub3A_375 : i32
          %select_n3A_377 = arith.select %and3A_374, %sub3A_376, %div3A_355 : i32
          %mul3A_378 = arith.constant 896 : i32
          %mul3A_379 = arith.muli %mul3A_378, %select_n3A_377 : i32
          %mul3A_380 = arith.constant 16 : i32
          %mul3A_381 = arith.muli %mul3A_380, %scan3A_309 : i32
          %add3A_382 = arith.addi %mul3A_379, %mul3A_381 : i32
          %shift_right_arithmetic3A = arith.constant 0 : i32
          %shift_right_arithmetic3A_383 = vector.broadcast %shift_right_arithmetic3A : i32 to vector<16xi32>
          %shift_right_arithmetic3A_384 = arith.shrsi %get3A_339, %shift_right_arithmetic3A_383 : vector<16xi32>
          %and3A_385 = arith.constant 15 : i32
          %and3A_386 = vector.broadcast %and3A_385 : i32 to vector<16xi32>
          %and3A_387 = arith.andi %shift_right_arithmetic3A_384, %and3A_386 : vector<16xi32>
          %convert_element_type3A_388 = arith.sitofp %and3A_387 : vector<16xi32> to vector<16xf32>
          %sub3A_389 = arith.subf %convert_element_type3A_388, %get3A_353 : vector<16xf32>
          %mul3A_390 = arith.mulf %get3A_346, %sub3A_389 : vector<16xf32>
          %add3A_391 = arith.constant 0 : i32
          %add3A_392 = arith.addi %add3A_382, %add3A_391 : i32
          %swap3A_393 = arith.index_cast %add3A_392 : i32 to index
          %swap3A_394 = tpu.vector_load %arg18[%swap3A_393] {strides = array<i32>} : memref<16384xf32, #tpu.memory_space<vmem>>, vector<16xf32>,
          %swap3A_395 = vector.shape_cast %swap3A_394 : vector<16xf32> to vector<16xf32>
          %swap3A_396 = vector.shape_cast %mul3A_390 : vector<16xf32> to vector<16xf32>
          tpu.vector_store %arg18[%swap3A_393], %swap3A_396 {strides = array<i32>} : memref<16384xf32, #tpu.memory_space<vmem>>, vector<16xf32>,
          %shift_right_arithmetic3A_397 = arith.constant 4 : i32
          %shift_right_arithmetic3A_398 = vector.broadcast %shift_right_arithmetic3A_397 : i32 to vector<16xi32>
          %shift_right_arithmetic3A_399 = arith.shrsi %get3A_339, %shift_right_arithmetic3A_398 : vector<16xi32>
          %and3A_400 = arith.constant 15 : i32
          %and3A_401 = vector.broadcast %and3A_400 : i32 to vector<16xi32>
          %and3A_402 = arith.andi %shift_right_arithmetic3A_399, %and3A_401 : vector<16xi32>
          %convert_element_type3A_403 = arith.sitofp %and3A_402 : vector<16xi32> to vector<16xf32>
          %sub3A_404 = arith.subf %convert_element_type3A_403, %get3A_353 : vector<16xf32>
          %mul3A_405 = arith.mulf %get3A_346, %sub3A_404 : vector<16xf32>
          %add3A_406 = arith.constant 128 : i32
          %add3A_407 = arith.addi %add3A_382, %add3A_406 : i32
          %swap3A_408 = arith.index_cast %add3A_407 : i32 to index
          %swap3A_409 = tpu.vector_load %arg18[%swap3A_408] {strides = array<i32>} : memref<16384xf32, #tpu.memory_space<vmem>>, vector<16xf32>,
          %swap3A_410 = vector.shape_cast %swap3A_409 : vector<16xf32> to vector<16xf32>
          %swap3A_411 = vector.shape_cast %mul3A_405 : vector<16xf32> to vector<16xf32>
          tpu.vector_store %arg18[%swap3A_408], %swap3A_411 {strides = array<i32>} : memref<16384xf32, #tpu.memory_space<vmem>>, vector<16xf32>,
          %shift_right_arithmetic3A_412 = arith.constant 8 : i32
          %shift_right_arithmetic3A_413 = vector.broadcast %shift_right_arithmetic3A_412 : i32 to vector<16xi32>
          %shift_right_arithmetic3A_414 = arith.shrsi %get3A_339, %shift_right_arithmetic3A_413 : vector<16xi32>
          %and3A_415 = arith.constant 15 : i32
          %and3A_416 = vector.broadcast %and3A_415 : i32 to vector<16xi32>
          %and3A_417 = arith.andi %shift_right_arithmetic3A_414, %and3A_416 : vector<16xi32>
          %convert_element_type3A_418 = arith.sitofp %and3A_417 : vector<16xi32> to vector<16xf32>
          %sub3A_419 = arith.subf %convert_element_type3A_418, %get3A_353 : vector<16xf32>
          %mul3A_420 = arith.mulf %get3A_346, %sub3A_419 : vector<16xf32>
          %add3A_421 = arith.constant 256 : i32
          %add3A_422 = arith.addi %add3A_382, %add3A_421 : i32
          %swap3A_423 = arith.index_cast %add3A_422 : i32 to index
          %swap3A_424 = tpu.vector_load %arg18[%swap3A_423] {strides = array<i32>} : memref<16384xf32, #tpu.memory_space<vmem>>, vector<16xf32>,
          %swap3A_425 = vector.shape_cast %swap3A_424 : vector<16xf32> to vector<16xf32>
          %swap3A_426 = vector.shape_cast %mul3A_420 : vector<16xf32> to vector<16xf32>
          tpu.vector_store %arg18[%swap3A_423], %swap3A_426 {strides = array<i32>} : memref<16384xf32, #tpu.memory_space<vmem>>, vector<16xf32>,
          %shift_right_arithmetic3A_427 = arith.constant 12 : i32
          %shift_right_arithmetic3A_428 = vector.broadcast %shift_right_arithmetic3A_427 : i32 to vector<16xi32>
          %shift_right_arithmetic3A_429 = arith.shrsi %get3A_339, %shift_right_arithmetic3A_428 : vector<16xi32>
          %and3A_430 = arith.constant 15 : i32
          %and3A_431 = vector.broadcast %and3A_430 : i32 to vector<16xi32>
          %and3A_432 = arith.andi %shift_right_arithmetic3A_429, %and3A_431 : vector<16xi32>
          %convert_element_type3A_433 = arith.sitofp %and3A_432 : vector<16xi32> to vector<16xf32>
          %sub3A_434 = arith.subf %convert_element_type3A_433, %get3A_353 : vector<16xf32>
          %mul3A_435 = arith.mulf %get3A_346, %sub3A_434 : vector<16xf32>
          %add3A_436 = arith.constant 384 : i32
          %add3A_437 = arith.addi %add3A_382, %add3A_436 : i32
          %swap3A_438 = arith.index_cast %add3A_437 : i32 to index
          %swap3A_439 = tpu.vector_load %arg18[%swap3A_438] {strides = array<i32>} : memref<16384xf32, #tpu.memory_space<vmem>>, vector<16xf32>,
          %swap3A_440 = vector.shape_cast %swap3A_439 : vector<16xf32> to vector<16xf32>
          %swap3A_441 = vector.shape_cast %mul3A_435 : vector<16xf32> to vector<16xf32>
          tpu.vector_store %arg18[%swap3A_438], %swap3A_441 {strides = array<i32>} : memref<16384xf32, #tpu.memory_space<vmem>>, vector<16xf32>,
          %shift_right_arithmetic3A_442 = arith.constant 16 : i32
          %shift_right_arithmetic3A_443 = vector.broadcast %shift_right_arithmetic3A_442 : i32 to vector<16xi32>
          %shift_right_arithmetic3A_444 = arith.shrsi %get3A_339, %shift_right_arithmetic3A_443 : vector<16xi32>
          %and3A_445 = arith.constant 15 : i32
          %and3A_446 = vector.broadcast %and3A_445 : i32 to vector<16xi32>
          %and3A_447 = arith.andi %shift_right_arithmetic3A_444, %and3A_446 : vector<16xi32>
          %convert_element_type3A_448 = arith.sitofp %and3A_447 : vector<16xi32> to vector<16xf32>
          %sub3A_449 = arith.subf %convert_element_type3A_448, %get3A_353 : vector<16xf32>
          %mul3A_450 = arith.mulf %get3A_346, %sub3A_449 : vector<16xf32>
          %add3A_451 = arith.constant 512 : i32
          %add3A_452 = arith.addi %add3A_382, %add3A_451 : i32
          %swap3A_453 = arith.index_cast %add3A_452 : i32 to index
          %swap3A_454 = tpu.vector_load %arg18[%swap3A_453] {strides = array<i32>} : memref<16384xf32, #tpu.memory_space<vmem>>, vector<16xf32>,
          %swap3A_455 = vector.shape_cast %swap3A_454 : vector<16xf32> to vector<16xf32>
          %swap3A_456 = vector.shape_cast %mul3A_450 : vector<16xf32> to vector<16xf32>
          tpu.vector_store %arg18[%swap3A_453], %swap3A_456 {strides = array<i32>} : memref<16384xf32, #tpu.memory_space<vmem>>, vector<16xf32>,
          %shift_right_arithmetic3A_457 = arith.constant 20 : i32
          %shift_right_arithmetic3A_458 = vector.broadcast %shift_right_arithmetic3A_457 : i32 to vector<16xi32>
          %shift_right_arithmetic3A_459 = arith.shrsi %get3A_339, %shift_right_arithmetic3A_458 : vector<16xi32>
          %and3A_460 = arith.constant 15 : i32
          %and3A_461 = vector.broadcast %and3A_460 : i32 to vector<16xi32>
          %and3A_462 = arith.andi %shift_right_arithmetic3A_459, %and3A_461 : vector<16xi32>
          %convert_element_type3A_463 = arith.sitofp %and3A_462 : vector<16xi32> to vector<16xf32>
          %sub3A_464 = arith.subf %convert_element_type3A_463, %get3A_353 : vector<16xf32>
          %mul3A_465 = arith.mulf %get3A_346, %sub3A_464 : vector<16xf32>
          %add3A_466 = arith.constant 640 : i32
          %add3A_467 = arith.addi %add3A_382, %add3A_466 : i32
          %swap3A_468 = arith.index_cast %add3A_467 : i32 to index
          %swap3A_469 = tpu.vector_load %arg18[%swap3A_468] {strides = array<i32>} : memref<16384xf32, #tpu.memory_space<vmem>>, vector<16xf32>,
          %swap3A_470 = vector.shape_cast %swap3A_469 : vector<16xf32> to vector<16xf32>
          %swap3A_471 = vector.shape_cast %mul3A_465 : vector<16xf32> to vector<16xf32>
          tpu.vector_store %arg18[%swap3A_468], %swap3A_471 {strides = array<i32>} : memref<16384xf32, #tpu.memory_space<vmem>>, vector<16xf32>,
          %shift_right_arithmetic3A_472 = arith.constant 24 : i32
          %shift_right_arithmetic3A_473 = vector.broadcast %shift_right_arithmetic3A_472 : i32 to vector<16xi32>
          %shift_right_arithmetic3A_474 = arith.shrsi %get3A_339, %shift_right_arithmetic3A_473 : vector<16xi32>
          %and3A_475 = arith.constant 15 : i32
          %and3A_476 = vector.broadcast %and3A_475 : i32 to vector<16xi32>
          %and3A_477 = arith.andi %shift_right_arithmetic3A_474, %and3A_476 : vector<16xi32>
          %convert_element_type3A_478 = arith.sitofp %and3A_477 : vector<16xi32> to vector<16xf32>
          %sub3A_479 = arith.subf %convert_element_type3A_478, %get3A_353 : vector<16xf32>
          %mul3A_480 = arith.mulf %get3A_346, %sub3A_479 : vector<16xf32>
          %add3A_481 = arith.constant 768 : i32
          %add3A_482 = arith.addi %add3A_382, %add3A_481 : i32
          %swap3A_483 = arith.index_cast %add3A_482 : i32 to index
          %swap3A_484 = tpu.vector_load %arg18[%swap3A_483] {strides = array<i32>} : memref<16384xf32, #tpu.memory_space<vmem>>, vector<16xf32>,
          %swap3A_485 = vector.shape_cast %swap3A_484 : vector<16xf32> to vector<16xf32>
          %swap3A_486 = vector.shape_cast %mul3A_480 : vector<16xf32> to vector<16xf32>
          tpu.vector_store %arg18[%swap3A_483], %swap3A_486 {strides = array<i32>} : memref<16384xf32, #tpu.memory_space<vmem>>, vector<16xf32>,
          %shift_right_arithmetic3A_487 = arith.constant 28 : i32
          %shift_right_arithmetic3A_488 = vector.broadcast %shift_right_arithmetic3A_487 : i32 to vector<16xi32>
          %shift_right_arithmetic3A_489 = arith.shrsi %get3A_339, %shift_right_arithmetic3A_488 : vector<16xi32>
          %and3A_490 = arith.constant 15 : i32
          %and3A_491 = vector.broadcast %and3A_490 : i32 to vector<16xi32>
          %and3A_492 = arith.andi %shift_right_arithmetic3A_489, %and3A_491 : vector<16xi32>
          %convert_element_type3A_493 = arith.sitofp %and3A_492 : vector<16xi32> to vector<16xf32>
          %sub3A_494 = arith.subf %convert_element_type3A_493, %get3A_353 : vector<16xf32>
          %mul3A_495 = arith.mulf %get3A_346, %sub3A_494 : vector<16xf32>
          %add3A_496 = arith.constant 896 : i32
          %add3A_497 = arith.addi %add3A_382, %add3A_496 : i32
          %swap3A_498 = arith.index_cast %add3A_497 : i32 to index
          %swap3A_499 = tpu.vector_load %arg18[%swap3A_498] {strides = array<i32>} : memref<16384xf32, #tpu.memory_space<vmem>>, vector<16xf32>,
          %swap3A_500 = vector.shape_cast %swap3A_499 : vector<16xf32> to vector<16xf32>
          %swap3A_501 = vector.shape_cast %mul3A_495 : vector<16xf32> to vector<16xf32>
          tpu.vector_store %arg18[%swap3A_498], %swap3A_501 {strides = array<i32>} : memref<16384xf32, #tpu.memory_space<vmem>>, vector<16xf32>,
        }
        %scan3A_308 = arith.constant 128 : i32
        scf.yield %cond3A_302 : i32
      } else {
        %scan3A_299 = arith.constant 0 : i32
        %scan3A_300 = arith.constant 8 : i32
        %scan3A_301 = arith.addi %scan3A_299, %scan3A_300 : i32
        %scan3A_302 = arith.constant 1 : i32
        %scan3A_303 = scf.for %scan3A_305 = %scan3A_299 to %scan3A_301 step %scan3A_302 iter_args(%scan3A_306 = %cond3A_262) -> (i32)  : i32 {
          %add3A_307 = arith.addi %add3A_249, %scan3A_305 : i32
          %get3A_308 = arith.index_cast %add3A_307 : i32 to index
          %get3A_309 = tpu.vector_load %arg8[%get3A_308] {strides = array<i32>} : memref<160xi32, #tpu.memory_space<vmem>>, vector<16xi32>,
          %get3A_310 = vector.shape_cast %get3A_309 : vector<16xi32> to vector<16xi32>
          %slice3A_311 = vector.extract_strided_slice %get3A_310 {offsets = [0], sizes = [1], strides = [1]} : vector<16xi32> to vector<1xi32>
          %squeeze3A_312 = vector.extract %slice3A_311[0] : i32 from vector<1xi32>
          %ne3A = arith.cmpi ne, %squeeze3A_312, %scan3A_306 : i32
          %convert_element_type3A_313 = arith.extui %ne3A : i1 to i32
          %cond3A_314 = arith.constant 0 : i32
          %cond3A_315 = arith.cmpi ne, %convert_element_type3A_313, %cond3A_314 : i32
          %cond3A_316 = scf.if %cond3A_315 -> (i32) {
            %mul3A_323 = arith.constant 4096 : i32
            %mul3A_324 = arith.muli %squeeze3A_312, %mul3A_323 : i32
            "tpu.region"() ({
              %run_scoped3A = tpu.sem_alloc : memref<!tpu.dma_semaphore, #tpu.memory_space<semaphore_mem>>
              %dma_start3A_333 = tpu.memref_slice %arg4[%mul3A_324] : memref<131072xf32, #tpu.memory_space<hbm>> -> memref<4096xf32, #tpu.memory_space<hbm>>
              %dma_start3A_334 = tpu.memref_slice %arg4[%mul3A_324] : memref<131072xf32, #tpu.memory_space<hbm>> -> memref<4096xf32, #tpu.memory_space<hbm>>
              tpu.enqueue_dma source(%dma_start3A_334 : memref<4096xf32, #tpu.memory_space<hbm>>) target(%arg10 : memref<4096xf32, #tpu.memory_space<vmem>>) target_semaphore(%run_scoped3A : memref<!tpu.dma_semaphore, #tpu.memory_space<semaphore_mem>>)
              %dma_wait3A_335 = tpu.memref_slice %arg4[%mul3A_324] : memref<131072xf32, #tpu.memory_space<hbm>> -> memref<4096xf32, #tpu.memory_space<hbm>>
              %dma_wait3A_336 = tpu.memref_slice %arg4[%mul3A_324] : memref<131072xf32, #tpu.memory_space<hbm>> -> memref<4096xf32, #tpu.memory_space<hbm>>
              tpu.wait_dma2 semaphore(%run_scoped3A : memref<!tpu.dma_semaphore, #tpu.memory_space<semaphore_mem>>) src(%dma_wait3A_336 : memref<4096xf32, #tpu.memory_space<hbm>>) dst(%arg10 : memref<4096xf32, #tpu.memory_space<vmem>>)
              tpu.yield
            }) : () -> ()
            %mul3A_325 = arith.constant 512 : i32
            %mul3A_326 = arith.muli %squeeze3A_312, %mul3A_325 : i32
            "tpu.region"() ({
              %run_scoped3A = tpu.sem_alloc : memref<!tpu.dma_semaphore, #tpu.memory_space<semaphore_mem>>
              %dma_start3A_333 = tpu.memref_slice %arg3[%mul3A_326] : memref<16384xi32, #tpu.memory_space<hbm>> -> memref<512xi32, #tpu.memory_space<hbm>>
              %dma_start3A_334 = tpu.memref_slice %arg3[%mul3A_326] : memref<16384xi32, #tpu.memory_space<hbm>> -> memref<512xi32, #tpu.memory_space<hbm>>
              tpu.enqueue_dma source(%dma_start3A_334 : memref<512xi32, #tpu.memory_space<hbm>>) target(%arg12 : memref<512xi32, #tpu.memory_space<vmem>>) target_semaphore(%run_scoped3A : memref<!tpu.dma_semaphore, #tpu.memory_space<semaphore_mem>>)
              %dma_wait3A_335 = tpu.memref_slice %arg3[%mul3A_326] : memref<16384xi32, #tpu.memory_space<hbm>> -> memref<512xi32, #tpu.memory_space<hbm>>
              %dma_wait3A_336 = tpu.memref_slice %arg3[%mul3A_326] : memref<16384xi32, #tpu.memory_space<hbm>> -> memref<512xi32, #tpu.memory_space<hbm>>
              tpu.wait_dma2 semaphore(%run_scoped3A : memref<!tpu.dma_semaphore, #tpu.memory_space<semaphore_mem>>) src(%dma_wait3A_336 : memref<512xi32, #tpu.memory_space<hbm>>) dst(%arg12 : memref<512xi32, #tpu.memory_space<vmem>>)
              tpu.yield
            }) : () -> ()
            %scan3A_327 = arith.constant 0 : i32
            %scan3A_328 = arith.constant 0 : i32
            %scan3A_329 = arith.constant 32 : i32
            %scan3A_330 = arith.addi %scan3A_328, %scan3A_329 : i32
            %scan3A_331 = arith.constant 1 : i32
            scf.for %scan3A_333 = %scan3A_328 to %scan3A_330 step %scan3A_331  : i32 {
              %mul3A_334 = arith.constant 16 : i32
              %mul3A_335 = arith.muli %scan3A_333, %mul3A_334 : i32
              %get3A_336 = arith.index_cast %mul3A_335 : i32 to index
              %get3A_337 = tpu.vector_load %arg12[%get3A_336] {strides = array<i32>} : memref<512xi32, #tpu.memory_space<vmem>>, vector<16xi32>,
              %get3A_338 = vector.shape_cast %get3A_337 : vector<16xi32> to vector<16xi32>
              %slice3A_339 = vector.extract_strided_slice %get3A_338 {offsets = [0], sizes = [1], strides = [1]} : vector<16xi32> to vector<1xi32>
              %squeeze3A_340 = vector.extract %slice3A_339[0] : i32 from vector<1xi32>
              %slice3A_341 = vector.extract_strided_slice %get3A_338 {offsets = [1], sizes = [1], strides = [1]} : vector<16xi32> to vector<1xi32>
              %squeeze3A_342 = vector.extract %slice3A_341[0] : i32 from vector<1xi32>
              %lt3A = arith.constant 8 : i32
              %lt3A_343 = vector.broadcast %lt3A : i32 to vector<16xi32>
              %lt3A_344 = arith.cmpi slt, %iota3A, %lt3A_343 : vector<16xi32>
              %broadcast_in_dim3A = vector.broadcast %squeeze3A_340 : i32 to vector<16xi32>
              %broadcast_in_dim3A_345 = vector.broadcast %squeeze3A_342 : i32 to vector<16xi32>
              %select_n3A = arith.select %lt3A_344, %broadcast_in_dim3A, %broadcast_in_dim3A_345 : vector<16xi1>, vector<16xi32>
              %shift_right_arithmetic3A = arith.shrsi %select_n3A, %mul3A_7 : vector<16xi32>
              %and3A_346 = arith.constant 15 : i32
              %and3A_347 = vector.broadcast %and3A_346 : i32 to vector<16xi32>
              %and3A_348 = arith.andi %shift_right_arithmetic3A, %and3A_347 : vector<16xi32>
              %convert_element_type3A_349 = arith.sitofp %and3A_348 : vector<16xi32> to vector<16xf32>
              %mul3A_350 = arith.constant 8 : i32
              %mul3A_351 = arith.muli %scan3A_333, %mul3A_350 : i32
              %add3A_352 = arith.constant 0 : i32
              %add3A_353 = arith.addi %mul3A_351, %add3A_352 : i32
              %mul3A_354 = arith.constant 16 : i32
              %mul3A_355 = arith.muli %add3A_353, %mul3A_354 : i32
              %swap3A_356 = arith.index_cast %mul3A_355 : i32 to index
              %swap3A_357 = tpu.vector_load %arg11[%swap3A_356] {strides = array<i32>} : memref<4096xf32, #tpu.memory_space<vmem>>, vector<16xf32>,
              %swap3A_358 = vector.shape_cast %swap3A_357 : vector<16xf32> to vector<16xf32>
              %swap3A_359 = vector.shape_cast %convert_element_type3A_349 : vector<16xf32> to vector<16xf32>
              tpu.vector_store %arg11[%swap3A_356], %swap3A_359 {strides = array<i32>} : memref<4096xf32, #tpu.memory_space<vmem>>, vector<16xf32>,
              %slice3A_360 = vector.extract_strided_slice %get3A_338 {offsets = [2], sizes = [1], strides = [1]} : vector<16xi32> to vector<1xi32>
              %squeeze3A_361 = vector.extract %slice3A_360[0] : i32 from vector<1xi32>
              %slice3A_362 = vector.extract_strided_slice %get3A_338 {offsets = [3], sizes = [1], strides = [1]} : vector<16xi32> to vector<1xi32>
              %squeeze3A_363 = vector.extract %slice3A_362[0] : i32 from vector<1xi32>
              %lt3A_364 = arith.constant 8 : i32
              %lt3A_365 = vector.broadcast %lt3A_364 : i32 to vector<16xi32>
              %lt3A_366 = arith.cmpi slt, %iota3A, %lt3A_365 : vector<16xi32>
              %broadcast_in_dim3A_367 = vector.broadcast %squeeze3A_361 : i32 to vector<16xi32>
              %broadcast_in_dim3A_368 = vector.broadcast %squeeze3A_363 : i32 to vector<16xi32>
              %select_n3A_369 = arith.select %lt3A_366, %broadcast_in_dim3A_367, %broadcast_in_dim3A_368 : vector<16xi1>, vector<16xi32>
              %shift_right_arithmetic3A_370 = arith.shrsi %select_n3A_369, %mul3A_7 : vector<16xi32>
              %and3A_371 = arith.constant 15 : i32
              %and3A_372 = vector.broadcast %and3A_371 : i32 to vector<16xi32>
              %and3A_373 = arith.andi %shift_right_arithmetic3A_370, %and3A_372 : vector<16xi32>
              %convert_element_type3A_374 = arith.sitofp %and3A_373 : vector<16xi32> to vector<16xf32>
              %mul3A_375 = arith.constant 8 : i32
              %mul3A_376 = arith.muli %scan3A_333, %mul3A_375 : i32
              %add3A_377 = arith.constant 1 : i32
              %add3A_378 = arith.addi %mul3A_376, %add3A_377 : i32
              %mul3A_379 = arith.constant 16 : i32
              %mul3A_380 = arith.muli %add3A_378, %mul3A_379 : i32
              %swap3A_381 = arith.index_cast %mul3A_380 : i32 to index
              %swap3A_382 = tpu.vector_load %arg11[%swap3A_381] {strides = array<i32>} : memref<4096xf32, #tpu.memory_space<vmem>>, vector<16xf32>,
              %swap3A_383 = vector.shape_cast %swap3A_382 : vector<16xf32> to vector<16xf32>
              %swap3A_384 = vector.shape_cast %convert_element_type3A_374 : vector<16xf32> to vector<16xf32>
              tpu.vector_store %arg11[%swap3A_381], %swap3A_384 {strides = array<i32>} : memref<4096xf32, #tpu.memory_space<vmem>>, vector<16xf32>,
              %slice3A_385 = vector.extract_strided_slice %get3A_338 {offsets = [4], sizes = [1], strides = [1]} : vector<16xi32> to vector<1xi32>
              %squeeze3A_386 = vector.extract %slice3A_385[0] : i32 from vector<1xi32>
              %slice3A_387 = vector.extract_strided_slice %get3A_338 {offsets = [5], sizes = [1], strides = [1]} : vector<16xi32> to vector<1xi32>
              %squeeze3A_388 = vector.extract %slice3A_387[0] : i32 from vector<1xi32>
              %lt3A_389 = arith.constant 8 : i32
              %lt3A_390 = vector.broadcast %lt3A_389 : i32 to vector<16xi32>
              %lt3A_391 = arith.cmpi slt, %iota3A, %lt3A_390 : vector<16xi32>
              %broadcast_in_dim3A_392 = vector.broadcast %squeeze3A_386 : i32 to vector<16xi32>
              %broadcast_in_dim3A_393 = vector.broadcast %squeeze3A_388 : i32 to vector<16xi32>
              %select_n3A_394 = arith.select %lt3A_391, %broadcast_in_dim3A_392, %broadcast_in_dim3A_393 : vector<16xi1>, vector<16xi32>
              %shift_right_arithmetic3A_395 = arith.shrsi %select_n3A_394, %mul3A_7 : vector<16xi32>
              %and3A_396 = arith.constant 15 : i32
              %and3A_397 = vector.broadcast %and3A_396 : i32 to vector<16xi32>
              %and3A_398 = arith.andi %shift_right_arithmetic3A_395, %and3A_397 : vector<16xi32>
              %convert_element_type3A_399 = arith.sitofp %and3A_398 : vector<16xi32> to vector<16xf32>
              %mul3A_400 = arith.constant 8 : i32
              %mul3A_401 = arith.muli %scan3A_333, %mul3A_400 : i32
              %add3A_402 = arith.constant 2 : i32
              %add3A_403 = arith.addi %mul3A_401, %add3A_402 : i32
              %mul3A_404 = arith.constant 16 : i32
              %mul3A_405 = arith.muli %add3A_403, %mul3A_404 : i32
              %swap3A_406 = arith.index_cast %mul3A_405 : i32 to index
              %swap3A_407 = tpu.vector_load %arg11[%swap3A_406] {strides = array<i32>} : memref<4096xf32, #tpu.memory_space<vmem>>, vector<16xf32>,
              %swap3A_408 = vector.shape_cast %swap3A_407 : vector<16xf32> to vector<16xf32>
              %swap3A_409 = vector.shape_cast %convert_element_type3A_399 : vector<16xf32> to vector<16xf32>
              tpu.vector_store %arg11[%swap3A_406], %swap3A_409 {strides = array<i32>} : memref<4096xf32, #tpu.memory_space<vmem>>, vector<16xf32>,
              %slice3A_410 = vector.extract_strided_slice %get3A_338 {offsets = [6], sizes = [1], strides = [1]} : vector<16xi32> to vector<1xi32>
              %squeeze3A_411 = vector.extract %slice3A_410[0] : i32 from vector<1xi32>
              %slice3A_412 = vector.extract_strided_slice %get3A_338 {offsets = [7], sizes = [1], strides = [1]} : vector<16xi32> to vector<1xi32>
              %squeeze3A_413 = vector.extract %slice3A_412[0] : i32 from vector<1xi32>
              %lt3A_414 = arith.constant 8 : i32
              %lt3A_415 = vector.broadcast %lt3A_414 : i32 to vector<16xi32>
              %lt3A_416 = arith.cmpi slt, %iota3A, %lt3A_415 : vector<16xi32>
              %broadcast_in_dim3A_417 = vector.broadcast %squeeze3A_411 : i32 to vector<16xi32>
              %broadcast_in_dim3A_418 = vector.broadcast %squeeze3A_413 : i32 to vector<16xi32>
              %select_n3A_419 = arith.select %lt3A_416, %broadcast_in_dim3A_417, %broadcast_in_dim3A_418 : vector<16xi1>, vector<16xi32>
              %shift_right_arithmetic3A_420 = arith.shrsi %select_n3A_419, %mul3A_7 : vector<16xi32>
              %and3A_421 = arith.constant 15 : i32
              %and3A_422 = vector.broadcast %and3A_421 : i32 to vector<16xi32>
              %and3A_423 = arith.andi %shift_right_arithmetic3A_420, %and3A_422 : vector<16xi32>
              %convert_element_type3A_424 = arith.sitofp %and3A_423 : vector<16xi32> to vector<16xf32>
              %mul3A_425 = arith.constant 8 : i32
              %mul3A_426 = arith.muli %scan3A_333, %mul3A_425 : i32
              %add3A_427 = arith.constant 3 : i32
              %add3A_428 = arith.addi %mul3A_426, %add3A_427 : i32
              %mul3A_429 = arith.constant 16 : i32
              %mul3A_430 = arith.muli %add3A_428, %mul3A_429 : i32
              %swap3A_431 = arith.index_cast %mul3A_430 : i32 to index
              %swap3A_432 = tpu.vector_load %arg11[%swap3A_431] {strides = array<i32>} : memref<4096xf32, #tpu.memory_space<vmem>>, vector<16xf32>,
              %swap3A_433 = vector.shape_cast %swap3A_432 : vector<16xf32> to vector<16xf32>
              %swap3A_434 = vector.shape_cast %convert_element_type3A_424 : vector<16xf32> to vector<16xf32>
              tpu.vector_store %arg11[%swap3A_431], %swap3A_434 {strides = array<i32>} : memref<4096xf32, #tpu.memory_space<vmem>>, vector<16xf32>,
              %slice3A_435 = vector.extract_strided_slice %get3A_338 {offsets = [8], sizes = [1], strides = [1]} : vector<16xi32> to vector<1xi32>
              %squeeze3A_436 = vector.extract %slice3A_435[0] : i32 from vector<1xi32>
              %slice3A_437 = vector.extract_strided_slice %get3A_338 {offsets = [9], sizes = [1], strides = [1]} : vector<16xi32> to vector<1xi32>
              %squeeze3A_438 = vector.extract %slice3A_437[0] : i32 from vector<1xi32>
              %lt3A_439 = arith.constant 8 : i32
              %lt3A_440 = vector.broadcast %lt3A_439 : i32 to vector<16xi32>
              %lt3A_441 = arith.cmpi slt, %iota3A, %lt3A_440 : vector<16xi32>
              %broadcast_in_dim3A_442 = vector.broadcast %squeeze3A_436 : i32 to vector<16xi32>
              %broadcast_in_dim3A_443 = vector.broadcast %squeeze3A_438 : i32 to vector<16xi32>
              %select_n3A_444 = arith.select %lt3A_441, %broadcast_in_dim3A_442, %broadcast_in_dim3A_443 : vector<16xi1>, vector<16xi32>
              %shift_right_arithmetic3A_445 = arith.shrsi %select_n3A_444, %mul3A_7 : vector<16xi32>
              %and3A_446 = arith.constant 15 : i32
              %and3A_447 = vector.broadcast %and3A_446 : i32 to vector<16xi32>
              %and3A_448 = arith.andi %shift_right_arithmetic3A_445, %and3A_447 : vector<16xi32>
              %convert_element_type3A_449 = arith.sitofp %and3A_448 : vector<16xi32> to vector<16xf32>
              %mul3A_450 = arith.constant 8 : i32
              %mul3A_451 = arith.muli %scan3A_333, %mul3A_450 : i32
              %add3A_452 = arith.constant 4 : i32
              %add3A_453 = arith.addi %mul3A_451, %add3A_452 : i32
              %mul3A_454 = arith.constant 16 : i32
              %mul3A_455 = arith.muli %add3A_453, %mul3A_454 : i32
              %swap3A_456 = arith.index_cast %mul3A_455 : i32 to index
              %swap3A_457 = tpu.vector_load %arg11[%swap3A_456] {strides = array<i32>} : memref<4096xf32, #tpu.memory_space<vmem>>, vector<16xf32>,
              %swap3A_458 = vector.shape_cast %swap3A_457 : vector<16xf32> to vector<16xf32>
              %swap3A_459 = vector.shape_cast %convert_element_type3A_449 : vector<16xf32> to vector<16xf32>
              tpu.vector_store %arg11[%swap3A_456], %swap3A_459 {strides = array<i32>} : memref<4096xf32, #tpu.memory_space<vmem>>, vector<16xf32>,
              %slice3A_460 = vector.extract_strided_slice %get3A_338 {offsets = [10], sizes = [1], strides = [1]} : vector<16xi32> to vector<1xi32>
              %squeeze3A_461 = vector.extract %slice3A_460[0] : i32 from vector<1xi32>
              %slice3A_462 = vector.extract_strided_slice %get3A_338 {offsets = [11], sizes = [1], strides = [1]} : vector<16xi32> to vector<1xi32>
              %squeeze3A_463 = vector.extract %slice3A_462[0] : i32 from vector<1xi32>
              %lt3A_464 = arith.constant 8 : i32
              %lt3A_465 = vector.broadcast %lt3A_464 : i32 to vector<16xi32>
              %lt3A_466 = arith.cmpi slt, %iota3A, %lt3A_465 : vector<16xi32>
              %broadcast_in_dim3A_467 = vector.broadcast %squeeze3A_461 : i32 to vector<16xi32>
              %broadcast_in_dim3A_468 = vector.broadcast %squeeze3A_463 : i32 to vector<16xi32>
              %select_n3A_469 = arith.select %lt3A_466, %broadcast_in_dim3A_467, %broadcast_in_dim3A_468 : vector<16xi1>, vector<16xi32>
              %shift_right_arithmetic3A_470 = arith.shrsi %select_n3A_469, %mul3A_7 : vector<16xi32>
              %and3A_471 = arith.constant 15 : i32
              %and3A_472 = vector.broadcast %and3A_471 : i32 to vector<16xi32>
              %and3A_473 = arith.andi %shift_right_arithmetic3A_470, %and3A_472 : vector<16xi32>
              %convert_element_type3A_474 = arith.sitofp %and3A_473 : vector<16xi32> to vector<16xf32>
              %mul3A_475 = arith.constant 8 : i32
              %mul3A_476 = arith.muli %scan3A_333, %mul3A_475 : i32
              %add3A_477 = arith.constant 5 : i32
              %add3A_478 = arith.addi %mul3A_476, %add3A_477 : i32
              %mul3A_479 = arith.constant 16 : i32
              %mul3A_480 = arith.muli %add3A_478, %mul3A_479 : i32
              %swap3A_481 = arith.index_cast %mul3A_480 : i32 to index
              %swap3A_482 = tpu.vector_load %arg11[%swap3A_481] {strides = array<i32>} : memref<4096xf32, #tpu.memory_space<vmem>>, vector<16xf32>,
              %swap3A_483 = vector.shape_cast %swap3A_482 : vector<16xf32> to vector<16xf32>
              %swap3A_484 = vector.shape_cast %convert_element_type3A_474 : vector<16xf32> to vector<16xf32>
              tpu.vector_store %arg11[%swap3A_481], %swap3A_484 {strides = array<i32>} : memref<4096xf32, #tpu.memory_space<vmem>>, vector<16xf32>,
              %slice3A_485 = vector.extract_strided_slice %get3A_338 {offsets = [12], sizes = [1], strides = [1]} : vector<16xi32> to vector<1xi32>
              %squeeze3A_486 = vector.extract %slice3A_485[0] : i32 from vector<1xi32>
              %slice3A_487 = vector.extract_strided_slice %get3A_338 {offsets = [13], sizes = [1], strides = [1]} : vector<16xi32> to vector<1xi32>
              %squeeze3A_488 = vector.extract %slice3A_487[0] : i32 from vector<1xi32>
              %lt3A_489 = arith.constant 8 : i32
              %lt3A_490 = vector.broadcast %lt3A_489 : i32 to vector<16xi32>
              %lt3A_491 = arith.cmpi slt, %iota3A, %lt3A_490 : vector<16xi32>
              %broadcast_in_dim3A_492 = vector.broadcast %squeeze3A_486 : i32 to vector<16xi32>
              %broadcast_in_dim3A_493 = vector.broadcast %squeeze3A_488 : i32 to vector<16xi32>
              %select_n3A_494 = arith.select %lt3A_491, %broadcast_in_dim3A_492, %broadcast_in_dim3A_493 : vector<16xi1>, vector<16xi32>
              %shift_right_arithmetic3A_495 = arith.shrsi %select_n3A_494, %mul3A_7 : vector<16xi32>
              %and3A_496 = arith.constant 15 : i32
              %and3A_497 = vector.broadcast %and3A_496 : i32 to vector<16xi32>
              %and3A_498 = arith.andi %shift_right_arithmetic3A_495, %and3A_497 : vector<16xi32>
              %convert_element_type3A_499 = arith.sitofp %and3A_498 : vector<16xi32> to vector<16xf32>
              %mul3A_500 = arith.constant 8 : i32
              %mul3A_501 = arith.muli %scan3A_333, %mul3A_500 : i32
              %add3A_502 = arith.constant 6 : i32
              %add3A_503 = arith.addi %mul3A_501, %add3A_502 : i32
              %mul3A_504 = arith.constant 16 : i32
              %mul3A_505 = arith.muli %add3A_503, %mul3A_504 : i32
              %swap3A_506 = arith.index_cast %mul3A_505 : i32 to index
              %swap3A_507 = tpu.vector_load %arg11[%swap3A_506] {strides = array<i32>} : memref<4096xf32, #tpu.memory_space<vmem>>, vector<16xf32>,
              %swap3A_508 = vector.shape_cast %swap3A_507 : vector<16xf32> to vector<16xf32>
              %swap3A_509 = vector.shape_cast %convert_element_type3A_499 : vector<16xf32> to vector<16xf32>
              tpu.vector_store %arg11[%swap3A_506], %swap3A_509 {strides = array<i32>} : memref<4096xf32, #tpu.memory_space<vmem>>, vector<16xf32>,
              %slice3A_510 = vector.extract_strided_slice %get3A_338 {offsets = [14], sizes = [1], strides = [1]} : vector<16xi32> to vector<1xi32>
              %squeeze3A_511 = vector.extract %slice3A_510[0] : i32 from vector<1xi32>
              %slice3A_512 = vector.extract_strided_slice %get3A_338 {offsets = [15], sizes = [1], strides = [1]} : vector<16xi32> to vector<1xi32>
              %squeeze3A_513 = vector.extract %slice3A_512[0] : i32 from vector<1xi32>
              %lt3A_514 = arith.constant 8 : i32
              %lt3A_515 = vector.broadcast %lt3A_514 : i32 to vector<16xi32>
              %lt3A_516 = arith.cmpi slt, %iota3A, %lt3A_515 : vector<16xi32>
              %broadcast_in_dim3A_517 = vector.broadcast %squeeze3A_511 : i32 to vector<16xi32>
              %broadcast_in_dim3A_518 = vector.broadcast %squeeze3A_513 : i32 to vector<16xi32>
              %select_n3A_519 = arith.select %lt3A_516, %broadcast_in_dim3A_517, %broadcast_in_dim3A_518 : vector<16xi1>, vector<16xi32>
              %shift_right_arithmetic3A_520 = arith.shrsi %select_n3A_519, %mul3A_7 : vector<16xi32>
              %and3A_521 = arith.constant 15 : i32
              %and3A_522 = vector.broadcast %and3A_521 : i32 to vector<16xi32>
              %and3A_523 = arith.andi %shift_right_arithmetic3A_520, %and3A_522 : vector<16xi32>
              %convert_element_type3A_524 = arith.sitofp %and3A_523 : vector<16xi32> to vector<16xf32>
              %mul3A_525 = arith.constant 8 : i32
              %mul3A_526 = arith.muli %scan3A_333, %mul3A_525 : i32
              %add3A_527 = arith.constant 7 : i32
              %add3A_528 = arith.addi %mul3A_526, %add3A_527 : i32
              %mul3A_529 = arith.constant 16 : i32
              %mul3A_530 = arith.muli %add3A_528, %mul3A_529 : i32
              %swap3A_531 = arith.index_cast %mul3A_530 : i32 to index
              %swap3A_532 = tpu.vector_load %arg11[%swap3A_531] {strides = array<i32>} : memref<4096xf32, #tpu.memory_space<vmem>>, vector<16xf32>,
              %swap3A_533 = vector.shape_cast %swap3A_532 : vector<16xf32> to vector<16xf32>
              %swap3A_534 = vector.shape_cast %convert_element_type3A_524 : vector<16xf32> to vector<16xf32>
              tpu.vector_store %arg11[%swap3A_531], %swap3A_534 {strides = array<i32>} : memref<4096xf32, #tpu.memory_space<vmem>>, vector<16xf32>,
            }
            %scan3A_332 = arith.constant 32 : i32
            scf.yield %squeeze3A_312 : i32
          } else {
            scf.yield %scan3A_306 : i32
          }
          %scan3A_317 = arith.constant 0 : i32
          %scan3A_318 = arith.constant 0 : i32
          %scan3A_319 = arith.constant 128 : i32
          %scan3A_320 = arith.addi %scan3A_318, %scan3A_319 : i32
          %scan3A_321 = arith.constant 1 : i32
          scf.for %scan3A_323 = %scan3A_318 to %scan3A_320 step %scan3A_321  : i32 {
            %jit3A_324 = arith.constant 8 : i32
            %div3A = arith.divsi %scan3A_323, %jit3A_324 : i32
            %sign3A = arith.constant 0 : i32
            %sign3A_325 = arith.cmpi sgt, %scan3A_323, %sign3A : i32
            %sign3A_326 = arith.extui %sign3A_325 : i1 to i32
            %sign3A_327 = arith.constant 0 : i32
            %sign3A_328 = arith.cmpi slt, %scan3A_323, %sign3A_327 : i32
            %sign3A_329 = arith.extui %sign3A_328 : i1 to i32
            %sign3A_330 = arith.subi %sign3A_326, %sign3A_329 : i32
            %sign3A_331 = arith.constant 0 : i32
            %sign3A_332 = arith.cmpi sgt, %jit3A_324, %sign3A_331 : i32
            %sign3A_333 = arith.extui %sign3A_332 : i1 to i32
            %sign3A_334 = arith.constant 0 : i32
            %sign3A_335 = arith.cmpi slt, %jit3A_324, %sign3A_334 : i32
            %sign3A_336 = arith.extui %sign3A_335 : i1 to i32
            %sign3A_337 = arith.subi %sign3A_333, %sign3A_336 : i32
            %ne3A_338 = arith.cmpi ne, %sign3A_330, %sign3A_337 : i32
            %rem3A = arith.remsi %scan3A_323, %jit3A_324 : i32
            %ne3A_339 = arith.constant 0 : i32
            %ne3A_340 = arith.cmpi ne, %rem3A, %ne3A_339 : i32
            %and3A_341 = arith.andi %ne3A_338, %ne3A_340 : i1
            %sub3A = arith.constant 1 : i32
            %sub3A_342 = arith.subi %div3A, %sub3A : i32
            %select_n3A = arith.select %and3A_341, %sub3A_342, %div3A : i32
            %mul3A_343 = arith.constant 896 : i32
            %mul3A_344 = arith.muli %mul3A_343, %select_n3A : i32
            %mul3A_345 = arith.constant 16 : i32
            %mul3A_346 = arith.muli %mul3A_345, %scan3A_323 : i32
            %add3A_347 = arith.addi %mul3A_344, %mul3A_346 : i32
            %mul3A_348 = arith.constant 128 : i32
            %mul3A_349 = arith.muli %mul3A_348, %scan3A_244 : i32
            %add3A_350 = arith.addi %add3A_347, %mul3A_349 : i32
            %get3A_351 = arith.index_cast %add3A_350 : i32 to index
            %get3A_352 = tpu.vector_load %arg14[%get3A_351] {strides = array<i32>} : memref<16384xi32, #tpu.memory_space<vmem>>, vector<16xi32>,
            %get3A_353 = vector.shape_cast %get3A_352 : vector<16xi32> to vector<16xi32>
            %mul3A_354 = arith.constant 4 : i32
            %mul3A_355 = arith.muli %mul3A_354, %scan3A_305 : i32
            %shift_right_arithmetic3A = vector.broadcast %mul3A_355 : i32 to vector<16xi32>
            %shift_right_arithmetic3A_356 = arith.shrsi %get3A_353, %shift_right_arithmetic3A : vector<16xi32>
            %and3A_357 = arith.constant 15 : i32
            %and3A_358 = vector.broadcast %and3A_357 : i32 to vector<16xi32>
            %and3A_359 = arith.andi %shift_right_arithmetic3A_356, %and3A_358 : vector<16xi32>
            %convert_element_type3A_360 = arith.sitofp %and3A_359 : vector<16xi32> to vector<16xf32>
            %mul3A_361 = arith.constant 16 : i32
            %mul3A_362 = arith.muli %scan3A_323, %mul3A_361 : i32
            %add3A_363 = arith.constant 2048 : i32
            %add3A_364 = arith.addi %add3A_363, %mul3A_362 : i32
            %get3A_365 = arith.index_cast %add3A_364 : i32 to index
            %get3A_366 = tpu.vector_load %arg10[%get3A_365] {strides = array<i32>} : memref<4096xf32, #tpu.memory_space<vmem>>, vector<16xf32>,
            %get3A_367 = vector.shape_cast %get3A_366 : vector<16xf32> to vector<16xf32>
            %mul3A_368 = arith.constant 16 : i32
            %mul3A_369 = arith.muli %scan3A_323, %mul3A_368 : i32
            %add3A_370 = arith.constant 2048 : i32
            %add3A_371 = arith.addi %add3A_370, %mul3A_369 : i32
            %get3A_372 = arith.index_cast %add3A_371 : i32 to index
            %get3A_373 = tpu.vector_load %arg11[%get3A_372] {strides = array<i32>} : memref<4096xf32, #tpu.memory_space<vmem>>, vector<16xf32>,
            %get3A_374 = vector.shape_cast %get3A_373 : vector<16xf32> to vector<16xf32>
            %sub3A_375 = arith.subf %convert_element_type3A_360, %get3A_374 : vector<16xf32>
            %mul3A_376 = arith.mulf %get3A_367, %sub3A_375 : vector<16xf32>
            %jit3A_377 = arith.constant 8 : i32
            %div3A_378 = arith.divsi %scan3A_323, %jit3A_377 : i32
            %sign3A_379 = arith.constant 0 : i32
            %sign3A_380 = arith.cmpi sgt, %scan3A_323, %sign3A_379 : i32
            %sign3A_381 = arith.extui %sign3A_380 : i1 to i32
            %sign3A_382 = arith.constant 0 : i32
            %sign3A_383 = arith.cmpi slt, %scan3A_323, %sign3A_382 : i32
            %sign3A_384 = arith.extui %sign3A_383 : i1 to i32
            %sign3A_385 = arith.subi %sign3A_381, %sign3A_384 : i32
            %sign3A_386 = arith.constant 0 : i32
            %sign3A_387 = arith.cmpi sgt, %jit3A_377, %sign3A_386 : i32
            %sign3A_388 = arith.extui %sign3A_387 : i1 to i32
            %sign3A_389 = arith.constant 0 : i32
            %sign3A_390 = arith.cmpi slt, %jit3A_377, %sign3A_389 : i32
            %sign3A_391 = arith.extui %sign3A_390 : i1 to i32
            %sign3A_392 = arith.subi %sign3A_388, %sign3A_391 : i32
            %ne3A_393 = arith.cmpi ne, %sign3A_385, %sign3A_392 : i32
            %rem3A_394 = arith.remsi %scan3A_323, %jit3A_377 : i32
            %ne3A_395 = arith.constant 0 : i32
            %ne3A_396 = arith.cmpi ne, %rem3A_394, %ne3A_395 : i32
            %and3A_397 = arith.andi %ne3A_393, %ne3A_396 : i1
            %sub3A_398 = arith.constant 1 : i32
            %sub3A_399 = arith.subi %div3A_378, %sub3A_398 : i32
            %select_n3A_400 = arith.select %and3A_397, %sub3A_399, %div3A_378 : i32
            %mul3A_401 = arith.constant 896 : i32
            %mul3A_402 = arith.muli %mul3A_401, %select_n3A_400 : i32
            %mul3A_403 = arith.constant 16 : i32
            %mul3A_404 = arith.muli %mul3A_403, %scan3A_323 : i32
            %add3A_405 = arith.addi %mul3A_402, %mul3A_404 : i32
            %mul3A_406 = arith.constant 128 : i32
            %mul3A_407 = arith.muli %mul3A_406, %scan3A_305 : i32
            %add3A_408 = arith.addi %add3A_405, %mul3A_407 : i32
            %swap3A_409 = arith.index_cast %add3A_408 : i32 to index
            %swap3A_410 = tpu.vector_load %arg18[%swap3A_409] {strides = array<i32>} : memref<16384xf32, #tpu.memory_space<vmem>>, vector<16xf32>,
            %swap3A_411 = vector.shape_cast %swap3A_410 : vector<16xf32> to vector<16xf32>
            %swap3A_412 = vector.shape_cast %mul3A_376 : vector<16xf32> to vector<16xf32>
            tpu.vector_store %arg18[%swap3A_409], %swap3A_412 {strides = array<i32>} : memref<16384xf32, #tpu.memory_space<vmem>>, vector<16xf32>,
          }
          %scan3A_322 = arith.constant 128 : i32
          scf.yield %cond3A_316 : i32
        }
        %scan3A_304 = arith.constant 8 : i32
        scf.yield %scan3A_303 : i32
      }
      %mul3A_286 = arith.constant 2 : i32
      %mul3A_287 = arith.muli %mul3A_286, %add3A : i32
      %add3A_288 = arith.constant 0 : i32
      %add3A_289 = arith.addi %mul3A_287, %add3A_288 : i32
      %mul3A_290 = arith.constant 8 : i32
      %mul3A_291 = arith.muli %mul3A_290, %add3A_289 : i32
      %add3A_292 = arith.addi %mul3A_291, %scan3A_244 : i32
      %mul3A_293 = arith.constant 32768 : i32
      %mul3A_294 = arith.muli %add3A_292, %mul3A_293 : i32
      %add3A_295 = arith.constant 16384 : i32
      %add3A_296 = arith.addi %mul3A_294, %add3A_295 : i32
      %dma_start3A_297 = tpu.memref_slice %arg7[%add3A_296] : memref<16777216xf32, #tpu.memory_space<hbm>> -> memref<16384xf32, #tpu.memory_space<hbm>>
      %dma_start3A_298 = tpu.memref_slice %arg7[%add3A_296] : memref<16777216xf32, #tpu.memory_space<hbm>> -> memref<16384xf32, #tpu.memory_space<hbm>>
      tpu.enqueue_dma source(%arg18 : memref<16384xf32, #tpu.memory_space<vmem>>) target(%dma_start3A_298 : memref<16384xf32, #tpu.memory_space<hbm>>) target_semaphore(%arg24 : memref<!tpu.dma_semaphore, #tpu.memory_space<semaphore_mem>>)
      scf.yield %cond3A_285 : i32
    }
    %scan3A_189 = arith.constant 8 : i32
    %mul3A_190 = arith.constant 2 : i32
    %mul3A_191 = arith.muli %mul3A_190, %add3A : i32
    %add3A_192 = arith.constant 0 : i32
    %add3A_193 = arith.addi %mul3A_191, %add3A_192 : i32
    %mul3A_194 = arith.constant 32768 : i32
    %mul3A_195 = arith.muli %add3A_193, %mul3A_194 : i32
    %add3A_196 = arith.constant 0 : i32
    %add3A_197 = arith.addi %mul3A_195, %add3A_196 : i32
    %dma_wait3A_198 = tpu.memref_slice %arg2[%add3A_197] : memref<2097152xi32, #tpu.memory_space<hbm>> -> memref<16384xi32, #tpu.memory_space<hbm>>
    %dma_wait3A_199 = tpu.memref_slice %arg2[%add3A_197] : memref<2097152xi32, #tpu.memory_space<hbm>> -> memref<16384xi32, #tpu.memory_space<hbm>>
    tpu.wait_dma2 semaphore(%arg21 : memref<!tpu.dma_semaphore, #tpu.memory_space<semaphore_mem>>) src(%dma_wait3A_199 : memref<16384xi32, #tpu.memory_space<hbm>>) dst(%arg15 : memref<16384xi32, #tpu.memory_space<vmem>>)
    %mul3A_200 = arith.constant 2 : i32
    %mul3A_201 = arith.muli %mul3A_200, %add3A : i32
    %add3A_202 = arith.constant 0 : i32
    %add3A_203 = arith.addi %mul3A_201, %add3A_202 : i32
    %mul3A_204 = arith.constant 32768 : i32
    %mul3A_205 = arith.muli %add3A_203, %mul3A_204 : i32
    %add3A_206 = arith.constant 0 : i32
    %add3A_207 = arith.addi %mul3A_205, %add3A_206 : i32
    %dma_wait3A_208 = tpu.memref_slice %arg2[%add3A_207] : memref<2097152xi32, #tpu.memory_space<hbm>> -> memref<16384xi32, #tpu.memory_space<hbm>>
    %dma_wait3A_209 = tpu.memref_slice %arg2[%add3A_207] : memref<2097152xi32, #tpu.memory_space<hbm>> -> memref<16384xi32, #tpu.memory_space<hbm>>
    tpu.wait_dma2 semaphore(%arg22 : memref<!tpu.dma_semaphore, #tpu.memory_space<semaphore_mem>>) src(%dma_wait3A_209 : memref<16384xi32, #tpu.memory_space<hbm>>) dst(%arg16 : memref<16384xi32, #tpu.memory_space<vmem>>)
    %scan3A_210 = arith.constant 0 : i32
    %scan3A_211 = arith.constant 8 : i32
    %scan3A_212 = arith.addi %scan3A_210, %scan3A_211 : i32
    %scan3A_213 = arith.constant 1 : i32
    %scan3A_214 = scf.for %scan3A_244 = %scan3A_210 to %scan3A_212 step %scan3A_213 iter_args(%scan3A_245 = %scan3A_188) -> (i32)  : i32 {
      %mul3A_246 = arith.constant 8 : i32
      %mul3A_247 = arith.muli %scan3A_244, %mul3A_246 : i32
      %add3A_248 = arith.constant 64 : i32
      %add3A_249 = arith.addi %add3A_248, %mul3A_247 : i32
      %get3A_250 = arith.index_cast %add3A_249 : i32 to index
      %get3A_251 = tpu.vector_load %arg8[%get3A_250] {strides = array<i32>} : memref<160xi32, #tpu.memory_space<vmem>>, vector<16xi32>,
      %get3A_252 = vector.shape_cast %get3A_251 : vector<16xi32> to vector<16xi32>
      %slice3A_253 = vector.extract_strided_slice %get3A_252 {offsets = [0], sizes = [1], strides = [1]} : vector<16xi32> to vector<1xi32>
      %squeeze3A_254 = vector.extract %slice3A_253[0] : i32 from vector<1xi32>
      %slice3A_255 = vector.extract_strided_slice %get3A_252 {offsets = [7], sizes = [1], strides = [1]} : vector<16xi32> to vector<1xi32>
      %squeeze3A_256 = vector.extract %slice3A_255[0] : i32 from vector<1xi32>
      %mul3A_257 = arith.constant 2 : i32
      %mul3A_258 = arith.muli %mul3A_257, %add3A : i32
      %add3A_259 = arith.constant 0 : i32
      %add3A_260 = arith.addi %mul3A_258, %add3A_259 : i32
      %mul3A_261 = arith.constant 8 : i32
      %mul3A_262 = arith.muli %mul3A_261, %add3A_260 : i32
      %add3A_263 = arith.constant 0 : i32
      %add3A_264 = arith.addi %mul3A_262, %add3A_263 : i32
      %mul3A_265 = arith.constant 32768 : i32
      %mul3A_266 = arith.muli %add3A_264, %mul3A_265 : i32
      %add3A_267 = arith.constant 0 : i32
      %add3A_268 = arith.addi %mul3A_266, %add3A_267 : i32
      %dma_wait3A_269 = tpu.memref_slice %arg7[%add3A_268] : memref<16777216xf32, #tpu.memory_space<hbm>> -> memref<16384xf32, #tpu.memory_space<hbm>>
      %dma_wait3A_270 = tpu.memref_slice %arg7[%add3A_268] : memref<16777216xf32, #tpu.memory_space<hbm>> -> memref<16384xf32, #tpu.memory_space<hbm>>
      tpu.wait_dma2 semaphore(%arg23 : memref<!tpu.dma_semaphore, #tpu.memory_space<semaphore_mem>>) src(%arg17 : memref<16384xf32, #tpu.memory_space<vmem>>) dst(%dma_wait3A_270 : memref<16384xf32, #tpu.memory_space<hbm>>)
      %eq3A = arith.cmpi eq, %squeeze3A_254, %squeeze3A_256 : i32
      %convert_element_type3A = arith.extui %eq3A : i1 to i32
      %cond3A = arith.constant 0 : i32
      %cond3A_271 = arith.cmpi ne, %convert_element_type3A, %cond3A : i32
      %cond3A_272 = scf.if %cond3A_271 -> (i32) {
        %ne3A = arith.cmpi ne, %squeeze3A_254, %scan3A_245 : i32
        %convert_element_type3A_318 = arith.extui %ne3A : i1 to i32
        %cond3A_319 = arith.constant 0 : i32
        %cond3A_320 = arith.cmpi ne, %convert_element_type3A_318, %cond3A_319 : i32
        %cond3A_321 = scf.if %cond3A_320 -> (i32) {
          %mul3A_328 = arith.constant 4096 : i32
          %mul3A_329 = arith.muli %squeeze3A_254, %mul3A_328 : i32
          "tpu.region"() ({
            %run_scoped3A = tpu.sem_alloc : memref<!tpu.dma_semaphore, #tpu.memory_space<semaphore_mem>>
            %dma_start3A_338 = tpu.memref_slice %arg4[%mul3A_329] : memref<131072xf32, #tpu.memory_space<hbm>> -> memref<4096xf32, #tpu.memory_space<hbm>>
            %dma_start3A_339 = tpu.memref_slice %arg4[%mul3A_329] : memref<131072xf32, #tpu.memory_space<hbm>> -> memref<4096xf32, #tpu.memory_space<hbm>>
            tpu.enqueue_dma source(%dma_start3A_339 : memref<4096xf32, #tpu.memory_space<hbm>>) target(%arg10 : memref<4096xf32, #tpu.memory_space<vmem>>) target_semaphore(%run_scoped3A : memref<!tpu.dma_semaphore, #tpu.memory_space<semaphore_mem>>)
            %dma_wait3A_340 = tpu.memref_slice %arg4[%mul3A_329] : memref<131072xf32, #tpu.memory_space<hbm>> -> memref<4096xf32, #tpu.memory_space<hbm>>
            %dma_wait3A_341 = tpu.memref_slice %arg4[%mul3A_329] : memref<131072xf32, #tpu.memory_space<hbm>> -> memref<4096xf32, #tpu.memory_space<hbm>>
            tpu.wait_dma2 semaphore(%run_scoped3A : memref<!tpu.dma_semaphore, #tpu.memory_space<semaphore_mem>>) src(%dma_wait3A_341 : memref<4096xf32, #tpu.memory_space<hbm>>) dst(%arg10 : memref<4096xf32, #tpu.memory_space<vmem>>)
            tpu.yield
          }) : () -> ()
          %mul3A_330 = arith.constant 512 : i32
          %mul3A_331 = arith.muli %squeeze3A_254, %mul3A_330 : i32
          "tpu.region"() ({
            %run_scoped3A = tpu.sem_alloc : memref<!tpu.dma_semaphore, #tpu.memory_space<semaphore_mem>>
            %dma_start3A_338 = tpu.memref_slice %arg3[%mul3A_331] : memref<16384xi32, #tpu.memory_space<hbm>> -> memref<512xi32, #tpu.memory_space<hbm>>
            %dma_start3A_339 = tpu.memref_slice %arg3[%mul3A_331] : memref<16384xi32, #tpu.memory_space<hbm>> -> memref<512xi32, #tpu.memory_space<hbm>>
            tpu.enqueue_dma source(%dma_start3A_339 : memref<512xi32, #tpu.memory_space<hbm>>) target(%arg12 : memref<512xi32, #tpu.memory_space<vmem>>) target_semaphore(%run_scoped3A : memref<!tpu.dma_semaphore, #tpu.memory_space<semaphore_mem>>)
            %dma_wait3A_340 = tpu.memref_slice %arg3[%mul3A_331] : memref<16384xi32, #tpu.memory_space<hbm>> -> memref<512xi32, #tpu.memory_space<hbm>>
            %dma_wait3A_341 = tpu.memref_slice %arg3[%mul3A_331] : memref<16384xi32, #tpu.memory_space<hbm>> -> memref<512xi32, #tpu.memory_space<hbm>>
            tpu.wait_dma2 semaphore(%run_scoped3A : memref<!tpu.dma_semaphore, #tpu.memory_space<semaphore_mem>>) src(%dma_wait3A_341 : memref<512xi32, #tpu.memory_space<hbm>>) dst(%arg12 : memref<512xi32, #tpu.memory_space<vmem>>)
            tpu.yield
          }) : () -> ()
          %scan3A_332 = arith.constant 0 : i32
          %scan3A_333 = arith.constant 0 : i32
          %scan3A_334 = arith.constant 32 : i32
          %scan3A_335 = arith.addi %scan3A_333, %scan3A_334 : i32
          %scan3A_336 = arith.constant 1 : i32
          scf.for %scan3A_338 = %scan3A_333 to %scan3A_335 step %scan3A_336  : i32 {
            %mul3A_339 = arith.constant 16 : i32
            %mul3A_340 = arith.muli %scan3A_338, %mul3A_339 : i32
            %get3A_341 = arith.index_cast %mul3A_340 : i32 to index
            %get3A_342 = tpu.vector_load %arg12[%get3A_341] {strides = array<i32>} : memref<512xi32, #tpu.memory_space<vmem>>, vector<16xi32>,
            %get3A_343 = vector.shape_cast %get3A_342 : vector<16xi32> to vector<16xi32>
            %slice3A_344 = vector.extract_strided_slice %get3A_343 {offsets = [0], sizes = [1], strides = [1]} : vector<16xi32> to vector<1xi32>
            %squeeze3A_345 = vector.extract %slice3A_344[0] : i32 from vector<1xi32>
            %slice3A_346 = vector.extract_strided_slice %get3A_343 {offsets = [1], sizes = [1], strides = [1]} : vector<16xi32> to vector<1xi32>
            %squeeze3A_347 = vector.extract %slice3A_346[0] : i32 from vector<1xi32>
            %lt3A = arith.constant 8 : i32
            %lt3A_348 = vector.broadcast %lt3A : i32 to vector<16xi32>
            %lt3A_349 = arith.cmpi slt, %iota3A, %lt3A_348 : vector<16xi32>
            %broadcast_in_dim3A = vector.broadcast %squeeze3A_345 : i32 to vector<16xi32>
            %broadcast_in_dim3A_350 = vector.broadcast %squeeze3A_347 : i32 to vector<16xi32>
            %select_n3A = arith.select %lt3A_349, %broadcast_in_dim3A, %broadcast_in_dim3A_350 : vector<16xi1>, vector<16xi32>
            %shift_right_arithmetic3A = arith.shrsi %select_n3A, %mul3A_7 : vector<16xi32>
            %and3A_351 = arith.constant 15 : i32
            %and3A_352 = vector.broadcast %and3A_351 : i32 to vector<16xi32>
            %and3A_353 = arith.andi %shift_right_arithmetic3A, %and3A_352 : vector<16xi32>
            %convert_element_type3A_354 = arith.sitofp %and3A_353 : vector<16xi32> to vector<16xf32>
            %mul3A_355 = arith.constant 8 : i32
            %mul3A_356 = arith.muli %scan3A_338, %mul3A_355 : i32
            %add3A_357 = arith.constant 0 : i32
            %add3A_358 = arith.addi %mul3A_356, %add3A_357 : i32
            %mul3A_359 = arith.constant 16 : i32
            %mul3A_360 = arith.muli %add3A_358, %mul3A_359 : i32
            %swap3A_361 = arith.index_cast %mul3A_360 : i32 to index
            %swap3A_362 = tpu.vector_load %arg11[%swap3A_361] {strides = array<i32>} : memref<4096xf32, #tpu.memory_space<vmem>>, vector<16xf32>,
            %swap3A_363 = vector.shape_cast %swap3A_362 : vector<16xf32> to vector<16xf32>
            %swap3A_364 = vector.shape_cast %convert_element_type3A_354 : vector<16xf32> to vector<16xf32>
            tpu.vector_store %arg11[%swap3A_361], %swap3A_364 {strides = array<i32>} : memref<4096xf32, #tpu.memory_space<vmem>>, vector<16xf32>,
            %slice3A_365 = vector.extract_strided_slice %get3A_343 {offsets = [2], sizes = [1], strides = [1]} : vector<16xi32> to vector<1xi32>
            %squeeze3A_366 = vector.extract %slice3A_365[0] : i32 from vector<1xi32>
            %slice3A_367 = vector.extract_strided_slice %get3A_343 {offsets = [3], sizes = [1], strides = [1]} : vector<16xi32> to vector<1xi32>
            %squeeze3A_368 = vector.extract %slice3A_367[0] : i32 from vector<1xi32>
            %lt3A_369 = arith.constant 8 : i32
            %lt3A_370 = vector.broadcast %lt3A_369 : i32 to vector<16xi32>
            %lt3A_371 = arith.cmpi slt, %iota3A, %lt3A_370 : vector<16xi32>
            %broadcast_in_dim3A_372 = vector.broadcast %squeeze3A_366 : i32 to vector<16xi32>
            %broadcast_in_dim3A_373 = vector.broadcast %squeeze3A_368 : i32 to vector<16xi32>
            %select_n3A_374 = arith.select %lt3A_371, %broadcast_in_dim3A_372, %broadcast_in_dim3A_373 : vector<16xi1>, vector<16xi32>
            %shift_right_arithmetic3A_375 = arith.shrsi %select_n3A_374, %mul3A_7 : vector<16xi32>
            %and3A_376 = arith.constant 15 : i32
            %and3A_377 = vector.broadcast %and3A_376 : i32 to vector<16xi32>
            %and3A_378 = arith.andi %shift_right_arithmetic3A_375, %and3A_377 : vector<16xi32>
            %convert_element_type3A_379 = arith.sitofp %and3A_378 : vector<16xi32> to vector<16xf32>
            %mul3A_380 = arith.constant 8 : i32
            %mul3A_381 = arith.muli %scan3A_338, %mul3A_380 : i32
            %add3A_382 = arith.constant 1 : i32
            %add3A_383 = arith.addi %mul3A_381, %add3A_382 : i32
            %mul3A_384 = arith.constant 16 : i32
            %mul3A_385 = arith.muli %add3A_383, %mul3A_384 : i32
            %swap3A_386 = arith.index_cast %mul3A_385 : i32 to index
            %swap3A_387 = tpu.vector_load %arg11[%swap3A_386] {strides = array<i32>} : memref<4096xf32, #tpu.memory_space<vmem>>, vector<16xf32>,
            %swap3A_388 = vector.shape_cast %swap3A_387 : vector<16xf32> to vector<16xf32>
            %swap3A_389 = vector.shape_cast %convert_element_type3A_379 : vector<16xf32> to vector<16xf32>
            tpu.vector_store %arg11[%swap3A_386], %swap3A_389 {strides = array<i32>} : memref<4096xf32, #tpu.memory_space<vmem>>, vector<16xf32>,
            %slice3A_390 = vector.extract_strided_slice %get3A_343 {offsets = [4], sizes = [1], strides = [1]} : vector<16xi32> to vector<1xi32>
            %squeeze3A_391 = vector.extract %slice3A_390[0] : i32 from vector<1xi32>
            %slice3A_392 = vector.extract_strided_slice %get3A_343 {offsets = [5], sizes = [1], strides = [1]} : vector<16xi32> to vector<1xi32>
            %squeeze3A_393 = vector.extract %slice3A_392[0] : i32 from vector<1xi32>
            %lt3A_394 = arith.constant 8 : i32
            %lt3A_395 = vector.broadcast %lt3A_394 : i32 to vector<16xi32>
            %lt3A_396 = arith.cmpi slt, %iota3A, %lt3A_395 : vector<16xi32>
            %broadcast_in_dim3A_397 = vector.broadcast %squeeze3A_391 : i32 to vector<16xi32>
            %broadcast_in_dim3A_398 = vector.broadcast %squeeze3A_393 : i32 to vector<16xi32>
            %select_n3A_399 = arith.select %lt3A_396, %broadcast_in_dim3A_397, %broadcast_in_dim3A_398 : vector<16xi1>, vector<16xi32>
            %shift_right_arithmetic3A_400 = arith.shrsi %select_n3A_399, %mul3A_7 : vector<16xi32>
            %and3A_401 = arith.constant 15 : i32
            %and3A_402 = vector.broadcast %and3A_401 : i32 to vector<16xi32>
            %and3A_403 = arith.andi %shift_right_arithmetic3A_400, %and3A_402 : vector<16xi32>
            %convert_element_type3A_404 = arith.sitofp %and3A_403 : vector<16xi32> to vector<16xf32>
            %mul3A_405 = arith.constant 8 : i32
            %mul3A_406 = arith.muli %scan3A_338, %mul3A_405 : i32
            %add3A_407 = arith.constant 2 : i32
            %add3A_408 = arith.addi %mul3A_406, %add3A_407 : i32
            %mul3A_409 = arith.constant 16 : i32
            %mul3A_410 = arith.muli %add3A_408, %mul3A_409 : i32
            %swap3A_411 = arith.index_cast %mul3A_410 : i32 to index
            %swap3A_412 = tpu.vector_load %arg11[%swap3A_411] {strides = array<i32>} : memref<4096xf32, #tpu.memory_space<vmem>>, vector<16xf32>,
            %swap3A_413 = vector.shape_cast %swap3A_412 : vector<16xf32> to vector<16xf32>
            %swap3A_414 = vector.shape_cast %convert_element_type3A_404 : vector<16xf32> to vector<16xf32>
            tpu.vector_store %arg11[%swap3A_411], %swap3A_414 {strides = array<i32>} : memref<4096xf32, #tpu.memory_space<vmem>>, vector<16xf32>,
            %slice3A_415 = vector.extract_strided_slice %get3A_343 {offsets = [6], sizes = [1], strides = [1]} : vector<16xi32> to vector<1xi32>
            %squeeze3A_416 = vector.extract %slice3A_415[0] : i32 from vector<1xi32>
            %slice3A_417 = vector.extract_strided_slice %get3A_343 {offsets = [7], sizes = [1], strides = [1]} : vector<16xi32> to vector<1xi32>
            %squeeze3A_418 = vector.extract %slice3A_417[0] : i32 from vector<1xi32>
            %lt3A_419 = arith.constant 8 : i32
            %lt3A_420 = vector.broadcast %lt3A_419 : i32 to vector<16xi32>
            %lt3A_421 = arith.cmpi slt, %iota3A, %lt3A_420 : vector<16xi32>
            %broadcast_in_dim3A_422 = vector.broadcast %squeeze3A_416 : i32 to vector<16xi32>
            %broadcast_in_dim3A_423 = vector.broadcast %squeeze3A_418 : i32 to vector<16xi32>
            %select_n3A_424 = arith.select %lt3A_421, %broadcast_in_dim3A_422, %broadcast_in_dim3A_423 : vector<16xi1>, vector<16xi32>
            %shift_right_arithmetic3A_425 = arith.shrsi %select_n3A_424, %mul3A_7 : vector<16xi32>
            %and3A_426 = arith.constant 15 : i32
            %and3A_427 = vector.broadcast %and3A_426 : i32 to vector<16xi32>
            %and3A_428 = arith.andi %shift_right_arithmetic3A_425, %and3A_427 : vector<16xi32>
            %convert_element_type3A_429 = arith.sitofp %and3A_428 : vector<16xi32> to vector<16xf32>
            %mul3A_430 = arith.constant 8 : i32
            %mul3A_431 = arith.muli %scan3A_338, %mul3A_430 : i32
            %add3A_432 = arith.constant 3 : i32
            %add3A_433 = arith.addi %mul3A_431, %add3A_432 : i32
            %mul3A_434 = arith.constant 16 : i32
            %mul3A_435 = arith.muli %add3A_433, %mul3A_434 : i32
            %swap3A_436 = arith.index_cast %mul3A_435 : i32 to index
            %swap3A_437 = tpu.vector_load %arg11[%swap3A_436] {strides = array<i32>} : memref<4096xf32, #tpu.memory_space<vmem>>, vector<16xf32>,
            %swap3A_438 = vector.shape_cast %swap3A_437 : vector<16xf32> to vector<16xf32>
            %swap3A_439 = vector.shape_cast %convert_element_type3A_429 : vector<16xf32> to vector<16xf32>
            tpu.vector_store %arg11[%swap3A_436], %swap3A_439 {strides = array<i32>} : memref<4096xf32, #tpu.memory_space<vmem>>, vector<16xf32>,
            %slice3A_440 = vector.extract_strided_slice %get3A_343 {offsets = [8], sizes = [1], strides = [1]} : vector<16xi32> to vector<1xi32>
            %squeeze3A_441 = vector.extract %slice3A_440[0] : i32 from vector<1xi32>
            %slice3A_442 = vector.extract_strided_slice %get3A_343 {offsets = [9], sizes = [1], strides = [1]} : vector<16xi32> to vector<1xi32>
            %squeeze3A_443 = vector.extract %slice3A_442[0] : i32 from vector<1xi32>
            %lt3A_444 = arith.constant 8 : i32
            %lt3A_445 = vector.broadcast %lt3A_444 : i32 to vector<16xi32>
            %lt3A_446 = arith.cmpi slt, %iota3A, %lt3A_445 : vector<16xi32>
            %broadcast_in_dim3A_447 = vector.broadcast %squeeze3A_441 : i32 to vector<16xi32>
            %broadcast_in_dim3A_448 = vector.broadcast %squeeze3A_443 : i32 to vector<16xi32>
            %select_n3A_449 = arith.select %lt3A_446, %broadcast_in_dim3A_447, %broadcast_in_dim3A_448 : vector<16xi1>, vector<16xi32>
            %shift_right_arithmetic3A_450 = arith.shrsi %select_n3A_449, %mul3A_7 : vector<16xi32>
            %and3A_451 = arith.constant 15 : i32
            %and3A_452 = vector.broadcast %and3A_451 : i32 to vector<16xi32>
            %and3A_453 = arith.andi %shift_right_arithmetic3A_450, %and3A_452 : vector<16xi32>
            %convert_element_type3A_454 = arith.sitofp %and3A_453 : vector<16xi32> to vector<16xf32>
            %mul3A_455 = arith.constant 8 : i32
            %mul3A_456 = arith.muli %scan3A_338, %mul3A_455 : i32
            %add3A_457 = arith.constant 4 : i32
            %add3A_458 = arith.addi %mul3A_456, %add3A_457 : i32
            %mul3A_459 = arith.constant 16 : i32
            %mul3A_460 = arith.muli %add3A_458, %mul3A_459 : i32
            %swap3A_461 = arith.index_cast %mul3A_460 : i32 to index
            %swap3A_462 = tpu.vector_load %arg11[%swap3A_461] {strides = array<i32>} : memref<4096xf32, #tpu.memory_space<vmem>>, vector<16xf32>,
            %swap3A_463 = vector.shape_cast %swap3A_462 : vector<16xf32> to vector<16xf32>
            %swap3A_464 = vector.shape_cast %convert_element_type3A_454 : vector<16xf32> to vector<16xf32>
            tpu.vector_store %arg11[%swap3A_461], %swap3A_464 {strides = array<i32>} : memref<4096xf32, #tpu.memory_space<vmem>>, vector<16xf32>,
            %slice3A_465 = vector.extract_strided_slice %get3A_343 {offsets = [10], sizes = [1], strides = [1]} : vector<16xi32> to vector<1xi32>
            %squeeze3A_466 = vector.extract %slice3A_465[0] : i32 from vector<1xi32>
            %slice3A_467 = vector.extract_strided_slice %get3A_343 {offsets = [11], sizes = [1], strides = [1]} : vector<16xi32> to vector<1xi32>
            %squeeze3A_468 = vector.extract %slice3A_467[0] : i32 from vector<1xi32>
            %lt3A_469 = arith.constant 8 : i32
            %lt3A_470 = vector.broadcast %lt3A_469 : i32 to vector<16xi32>
            %lt3A_471 = arith.cmpi slt, %iota3A, %lt3A_470 : vector<16xi32>
            %broadcast_in_dim3A_472 = vector.broadcast %squeeze3A_466 : i32 to vector<16xi32>
            %broadcast_in_dim3A_473 = vector.broadcast %squeeze3A_468 : i32 to vector<16xi32>
            %select_n3A_474 = arith.select %lt3A_471, %broadcast_in_dim3A_472, %broadcast_in_dim3A_473 : vector<16xi1>, vector<16xi32>
            %shift_right_arithmetic3A_475 = arith.shrsi %select_n3A_474, %mul3A_7 : vector<16xi32>
            %and3A_476 = arith.constant 15 : i32
            %and3A_477 = vector.broadcast %and3A_476 : i32 to vector<16xi32>
            %and3A_478 = arith.andi %shift_right_arithmetic3A_475, %and3A_477 : vector<16xi32>
            %convert_element_type3A_479 = arith.sitofp %and3A_478 : vector<16xi32> to vector<16xf32>
            %mul3A_480 = arith.constant 8 : i32
            %mul3A_481 = arith.muli %scan3A_338, %mul3A_480 : i32
            %add3A_482 = arith.constant 5 : i32
            %add3A_483 = arith.addi %mul3A_481, %add3A_482 : i32
            %mul3A_484 = arith.constant 16 : i32
            %mul3A_485 = arith.muli %add3A_483, %mul3A_484 : i32
            %swap3A_486 = arith.index_cast %mul3A_485 : i32 to index
            %swap3A_487 = tpu.vector_load %arg11[%swap3A_486] {strides = array<i32>} : memref<4096xf32, #tpu.memory_space<vmem>>, vector<16xf32>,
            %swap3A_488 = vector.shape_cast %swap3A_487 : vector<16xf32> to vector<16xf32>
            %swap3A_489 = vector.shape_cast %convert_element_type3A_479 : vector<16xf32> to vector<16xf32>
            tpu.vector_store %arg11[%swap3A_486], %swap3A_489 {strides = array<i32>} : memref<4096xf32, #tpu.memory_space<vmem>>, vector<16xf32>,
            %slice3A_490 = vector.extract_strided_slice %get3A_343 {offsets = [12], sizes = [1], strides = [1]} : vector<16xi32> to vector<1xi32>
            %squeeze3A_491 = vector.extract %slice3A_490[0] : i32 from vector<1xi32>
            %slice3A_492 = vector.extract_strided_slice %get3A_343 {offsets = [13], sizes = [1], strides = [1]} : vector<16xi32> to vector<1xi32>
            %squeeze3A_493 = vector.extract %slice3A_492[0] : i32 from vector<1xi32>
            %lt3A_494 = arith.constant 8 : i32
            %lt3A_495 = vector.broadcast %lt3A_494 : i32 to vector<16xi32>
            %lt3A_496 = arith.cmpi slt, %iota3A, %lt3A_495 : vector<16xi32>
            %broadcast_in_dim3A_497 = vector.broadcast %squeeze3A_491 : i32 to vector<16xi32>
            %broadcast_in_dim3A_498 = vector.broadcast %squeeze3A_493 : i32 to vector<16xi32>
            %select_n3A_499 = arith.select %lt3A_496, %broadcast_in_dim3A_497, %broadcast_in_dim3A_498 : vector<16xi1>, vector<16xi32>
            %shift_right_arithmetic3A_500 = arith.shrsi %select_n3A_499, %mul3A_7 : vector<16xi32>
            %and3A_501 = arith.constant 15 : i32
            %and3A_502 = vector.broadcast %and3A_501 : i32 to vector<16xi32>
            %and3A_503 = arith.andi %shift_right_arithmetic3A_500, %and3A_502 : vector<16xi32>
            %convert_element_type3A_504 = arith.sitofp %and3A_503 : vector<16xi32> to vector<16xf32>
            %mul3A_505 = arith.constant 8 : i32
            %mul3A_506 = arith.muli %scan3A_338, %mul3A_505 : i32
            %add3A_507 = arith.constant 6 : i32
            %add3A_508 = arith.addi %mul3A_506, %add3A_507 : i32
            %mul3A_509 = arith.constant 16 : i32
            %mul3A_510 = arith.muli %add3A_508, %mul3A_509 : i32
            %swap3A_511 = arith.index_cast %mul3A_510 : i32 to index
            %swap3A_512 = tpu.vector_load %arg11[%swap3A_511] {strides = array<i32>} : memref<4096xf32, #tpu.memory_space<vmem>>, vector<16xf32>,
            %swap3A_513 = vector.shape_cast %swap3A_512 : vector<16xf32> to vector<16xf32>
            %swap3A_514 = vector.shape_cast %convert_element_type3A_504 : vector<16xf32> to vector<16xf32>
            tpu.vector_store %arg11[%swap3A_511], %swap3A_514 {strides = array<i32>} : memref<4096xf32, #tpu.memory_space<vmem>>, vector<16xf32>,
            %slice3A_515 = vector.extract_strided_slice %get3A_343 {offsets = [14], sizes = [1], strides = [1]} : vector<16xi32> to vector<1xi32>
            %squeeze3A_516 = vector.extract %slice3A_515[0] : i32 from vector<1xi32>
            %slice3A_517 = vector.extract_strided_slice %get3A_343 {offsets = [15], sizes = [1], strides = [1]} : vector<16xi32> to vector<1xi32>
            %squeeze3A_518 = vector.extract %slice3A_517[0] : i32 from vector<1xi32>
            %lt3A_519 = arith.constant 8 : i32
            %lt3A_520 = vector.broadcast %lt3A_519 : i32 to vector<16xi32>
            %lt3A_521 = arith.cmpi slt, %iota3A, %lt3A_520 : vector<16xi32>
            %broadcast_in_dim3A_522 = vector.broadcast %squeeze3A_516 : i32 to vector<16xi32>
            %broadcast_in_dim3A_523 = vector.broadcast %squeeze3A_518 : i32 to vector<16xi32>
            %select_n3A_524 = arith.select %lt3A_521, %broadcast_in_dim3A_522, %broadcast_in_dim3A_523 : vector<16xi1>, vector<16xi32>
            %shift_right_arithmetic3A_525 = arith.shrsi %select_n3A_524, %mul3A_7 : vector<16xi32>
            %and3A_526 = arith.constant 15 : i32
            %and3A_527 = vector.broadcast %and3A_526 : i32 to vector<16xi32>
            %and3A_528 = arith.andi %shift_right_arithmetic3A_525, %and3A_527 : vector<16xi32>
            %convert_element_type3A_529 = arith.sitofp %and3A_528 : vector<16xi32> to vector<16xf32>
            %mul3A_530 = arith.constant 8 : i32
            %mul3A_531 = arith.muli %scan3A_338, %mul3A_530 : i32
            %add3A_532 = arith.constant 7 : i32
            %add3A_533 = arith.addi %mul3A_531, %add3A_532 : i32
            %mul3A_534 = arith.constant 16 : i32
            %mul3A_535 = arith.muli %add3A_533, %mul3A_534 : i32
            %swap3A_536 = arith.index_cast %mul3A_535 : i32 to index
            %swap3A_537 = tpu.vector_load %arg11[%swap3A_536] {strides = array<i32>} : memref<4096xf32, #tpu.memory_space<vmem>>, vector<16xf32>,
            %swap3A_538 = vector.shape_cast %swap3A_537 : vector<16xf32> to vector<16xf32>
            %swap3A_539 = vector.shape_cast %convert_element_type3A_529 : vector<16xf32> to vector<16xf32>
            tpu.vector_store %arg11[%swap3A_536], %swap3A_539 {strides = array<i32>} : memref<4096xf32, #tpu.memory_space<vmem>>, vector<16xf32>,
          }
          %scan3A_337 = arith.constant 32 : i32
          scf.yield %squeeze3A_254 : i32
        } else {
          scf.yield %scan3A_245 : i32
        }
        %scan3A_322 = arith.constant 0 : i32
        %scan3A_323 = arith.constant 0 : i32
        %scan3A_324 = arith.constant 128 : i32
        %scan3A_325 = arith.addi %scan3A_323, %scan3A_324 : i32
        %scan3A_326 = arith.constant 1 : i32
        scf.for %scan3A_328 = %scan3A_323 to %scan3A_325 step %scan3A_326  : i32 {
          %jit3A_329 = arith.constant 8 : i32
          %div3A = arith.divsi %scan3A_328, %jit3A_329 : i32
          %sign3A = arith.constant 0 : i32
          %sign3A_330 = arith.cmpi sgt, %scan3A_328, %sign3A : i32
          %sign3A_331 = arith.extui %sign3A_330 : i1 to i32
          %sign3A_332 = arith.constant 0 : i32
          %sign3A_333 = arith.cmpi slt, %scan3A_328, %sign3A_332 : i32
          %sign3A_334 = arith.extui %sign3A_333 : i1 to i32
          %sign3A_335 = arith.subi %sign3A_331, %sign3A_334 : i32
          %sign3A_336 = arith.constant 0 : i32
          %sign3A_337 = arith.cmpi sgt, %jit3A_329, %sign3A_336 : i32
          %sign3A_338 = arith.extui %sign3A_337 : i1 to i32
          %sign3A_339 = arith.constant 0 : i32
          %sign3A_340 = arith.cmpi slt, %jit3A_329, %sign3A_339 : i32
          %sign3A_341 = arith.extui %sign3A_340 : i1 to i32
          %sign3A_342 = arith.subi %sign3A_338, %sign3A_341 : i32
          %ne3A_343 = arith.cmpi ne, %sign3A_335, %sign3A_342 : i32
          %rem3A = arith.remsi %scan3A_328, %jit3A_329 : i32
          %ne3A_344 = arith.constant 0 : i32
          %ne3A_345 = arith.cmpi ne, %rem3A, %ne3A_344 : i32
          %and3A_346 = arith.andi %ne3A_343, %ne3A_345 : i1
          %sub3A = arith.constant 1 : i32
          %sub3A_347 = arith.subi %div3A, %sub3A : i32
          %select_n3A = arith.select %and3A_346, %sub3A_347, %div3A : i32
          %mul3A_348 = arith.constant 896 : i32
          %mul3A_349 = arith.muli %mul3A_348, %select_n3A : i32
          %mul3A_350 = arith.constant 16 : i32
          %mul3A_351 = arith.muli %mul3A_350, %scan3A_328 : i32
          %add3A_352 = arith.addi %mul3A_349, %mul3A_351 : i32
          %mul3A_353 = arith.constant 128 : i32
          %mul3A_354 = arith.muli %mul3A_353, %scan3A_244 : i32
          %add3A_355 = arith.addi %add3A_352, %mul3A_354 : i32
          %get3A_356 = arith.index_cast %add3A_355 : i32 to index
          %get3A_357 = tpu.vector_load %arg15[%get3A_356] {strides = array<i32>} : memref<16384xi32, #tpu.memory_space<vmem>>, vector<16xi32>,
          %get3A_358 = vector.shape_cast %get3A_357 : vector<16xi32> to vector<16xi32>
          %mul3A_359 = arith.constant 16 : i32
          %mul3A_360 = arith.muli %scan3A_328, %mul3A_359 : i32
          %add3A_361 = arith.constant 0 : i32
          %add3A_362 = arith.addi %add3A_361, %mul3A_360 : i32
          %get3A_363 = arith.index_cast %add3A_362 : i32 to index
          %get3A_364 = tpu.vector_load %arg10[%get3A_363] {strides = array<i32>} : memref<4096xf32, #tpu.memory_space<vmem>>, vector<16xf32>,
          %get3A_365 = vector.shape_cast %get3A_364 : vector<16xf32> to vector<16xf32>
          %mul3A_366 = arith.constant 16 : i32
          %mul3A_367 = arith.muli %scan3A_328, %mul3A_366 : i32
          %add3A_368 = arith.constant 0 : i32
          %add3A_369 = arith.addi %add3A_368, %mul3A_367 : i32
          %get3A_370 = arith.index_cast %add3A_369 : i32 to index
          %get3A_371 = tpu.vector_load %arg11[%get3A_370] {strides = array<i32>} : memref<4096xf32, #tpu.memory_space<vmem>>, vector<16xf32>,
          %get3A_372 = vector.shape_cast %get3A_371 : vector<16xf32> to vector<16xf32>
          %jit3A_373 = arith.constant 8 : i32
          %div3A_374 = arith.divsi %scan3A_328, %jit3A_373 : i32
          %sign3A_375 = arith.constant 0 : i32
          %sign3A_376 = arith.cmpi sgt, %scan3A_328, %sign3A_375 : i32
          %sign3A_377 = arith.extui %sign3A_376 : i1 to i32
          %sign3A_378 = arith.constant 0 : i32
          %sign3A_379 = arith.cmpi slt, %scan3A_328, %sign3A_378 : i32
          %sign3A_380 = arith.extui %sign3A_379 : i1 to i32
          %sign3A_381 = arith.subi %sign3A_377, %sign3A_380 : i32
          %sign3A_382 = arith.constant 0 : i32
          %sign3A_383 = arith.cmpi sgt, %jit3A_373, %sign3A_382 : i32
          %sign3A_384 = arith.extui %sign3A_383 : i1 to i32
          %sign3A_385 = arith.constant 0 : i32
          %sign3A_386 = arith.cmpi slt, %jit3A_373, %sign3A_385 : i32
          %sign3A_387 = arith.extui %sign3A_386 : i1 to i32
          %sign3A_388 = arith.subi %sign3A_384, %sign3A_387 : i32
          %ne3A_389 = arith.cmpi ne, %sign3A_381, %sign3A_388 : i32
          %rem3A_390 = arith.remsi %scan3A_328, %jit3A_373 : i32
          %ne3A_391 = arith.constant 0 : i32
          %ne3A_392 = arith.cmpi ne, %rem3A_390, %ne3A_391 : i32
          %and3A_393 = arith.andi %ne3A_389, %ne3A_392 : i1
          %sub3A_394 = arith.constant 1 : i32
          %sub3A_395 = arith.subi %div3A_374, %sub3A_394 : i32
          %select_n3A_396 = arith.select %and3A_393, %sub3A_395, %div3A_374 : i32
          %mul3A_397 = arith.constant 896 : i32
          %mul3A_398 = arith.muli %mul3A_397, %select_n3A_396 : i32
          %mul3A_399 = arith.constant 16 : i32
          %mul3A_400 = arith.muli %mul3A_399, %scan3A_328 : i32
          %add3A_401 = arith.addi %mul3A_398, %mul3A_400 : i32
          %shift_right_arithmetic3A = arith.constant 0 : i32
          %shift_right_arithmetic3A_402 = vector.broadcast %shift_right_arithmetic3A : i32 to vector<16xi32>
          %shift_right_arithmetic3A_403 = arith.shrsi %get3A_358, %shift_right_arithmetic3A_402 : vector<16xi32>
          %and3A_404 = arith.constant 15 : i32
          %and3A_405 = vector.broadcast %and3A_404 : i32 to vector<16xi32>
          %and3A_406 = arith.andi %shift_right_arithmetic3A_403, %and3A_405 : vector<16xi32>
          %convert_element_type3A_407 = arith.sitofp %and3A_406 : vector<16xi32> to vector<16xf32>
          %sub3A_408 = arith.subf %convert_element_type3A_407, %get3A_372 : vector<16xf32>
          %mul3A_409 = arith.mulf %get3A_365, %sub3A_408 : vector<16xf32>
          %add3A_410 = arith.constant 0 : i32
          %add3A_411 = arith.addi %add3A_401, %add3A_410 : i32
          %swap3A_412 = arith.index_cast %add3A_411 : i32 to index
          %swap3A_413 = tpu.vector_load %arg17[%swap3A_412] {strides = array<i32>} : memref<16384xf32, #tpu.memory_space<vmem>>, vector<16xf32>,
          %swap3A_414 = vector.shape_cast %swap3A_413 : vector<16xf32> to vector<16xf32>
          %swap3A_415 = vector.shape_cast %mul3A_409 : vector<16xf32> to vector<16xf32>
          tpu.vector_store %arg17[%swap3A_412], %swap3A_415 {strides = array<i32>} : memref<16384xf32, #tpu.memory_space<vmem>>, vector<16xf32>,
          %shift_right_arithmetic3A_416 = arith.constant 4 : i32
          %shift_right_arithmetic3A_417 = vector.broadcast %shift_right_arithmetic3A_416 : i32 to vector<16xi32>
          %shift_right_arithmetic3A_418 = arith.shrsi %get3A_358, %shift_right_arithmetic3A_417 : vector<16xi32>
          %and3A_419 = arith.constant 15 : i32
          %and3A_420 = vector.broadcast %and3A_419 : i32 to vector<16xi32>
          %and3A_421 = arith.andi %shift_right_arithmetic3A_418, %and3A_420 : vector<16xi32>
          %convert_element_type3A_422 = arith.sitofp %and3A_421 : vector<16xi32> to vector<16xf32>
          %sub3A_423 = arith.subf %convert_element_type3A_422, %get3A_372 : vector<16xf32>
          %mul3A_424 = arith.mulf %get3A_365, %sub3A_423 : vector<16xf32>
          %add3A_425 = arith.constant 128 : i32
          %add3A_426 = arith.addi %add3A_401, %add3A_425 : i32
          %swap3A_427 = arith.index_cast %add3A_426 : i32 to index
          %swap3A_428 = tpu.vector_load %arg17[%swap3A_427] {strides = array<i32>} : memref<16384xf32, #tpu.memory_space<vmem>>, vector<16xf32>,
          %swap3A_429 = vector.shape_cast %swap3A_428 : vector<16xf32> to vector<16xf32>
          %swap3A_430 = vector.shape_cast %mul3A_424 : vector<16xf32> to vector<16xf32>
          tpu.vector_store %arg17[%swap3A_427], %swap3A_430 {strides = array<i32>} : memref<16384xf32, #tpu.memory_space<vmem>>, vector<16xf32>,
          %shift_right_arithmetic3A_431 = arith.constant 8 : i32
          %shift_right_arithmetic3A_432 = vector.broadcast %shift_right_arithmetic3A_431 : i32 to vector<16xi32>
          %shift_right_arithmetic3A_433 = arith.shrsi %get3A_358, %shift_right_arithmetic3A_432 : vector<16xi32>
          %and3A_434 = arith.constant 15 : i32
          %and3A_435 = vector.broadcast %and3A_434 : i32 to vector<16xi32>
          %and3A_436 = arith.andi %shift_right_arithmetic3A_433, %and3A_435 : vector<16xi32>
          %convert_element_type3A_437 = arith.sitofp %and3A_436 : vector<16xi32> to vector<16xf32>
          %sub3A_438 = arith.subf %convert_element_type3A_437, %get3A_372 : vector<16xf32>
          %mul3A_439 = arith.mulf %get3A_365, %sub3A_438 : vector<16xf32>
          %add3A_440 = arith.constant 256 : i32
          %add3A_441 = arith.addi %add3A_401, %add3A_440 : i32
          %swap3A_442 = arith.index_cast %add3A_441 : i32 to index
          %swap3A_443 = tpu.vector_load %arg17[%swap3A_442] {strides = array<i32>} : memref<16384xf32, #tpu.memory_space<vmem>>, vector<16xf32>,
          %swap3A_444 = vector.shape_cast %swap3A_443 : vector<16xf32> to vector<16xf32>
          %swap3A_445 = vector.shape_cast %mul3A_439 : vector<16xf32> to vector<16xf32>
          tpu.vector_store %arg17[%swap3A_442], %swap3A_445 {strides = array<i32>} : memref<16384xf32, #tpu.memory_space<vmem>>, vector<16xf32>,
          %shift_right_arithmetic3A_446 = arith.constant 12 : i32
          %shift_right_arithmetic3A_447 = vector.broadcast %shift_right_arithmetic3A_446 : i32 to vector<16xi32>
          %shift_right_arithmetic3A_448 = arith.shrsi %get3A_358, %shift_right_arithmetic3A_447 : vector<16xi32>
          %and3A_449 = arith.constant 15 : i32
          %and3A_450 = vector.broadcast %and3A_449 : i32 to vector<16xi32>
          %and3A_451 = arith.andi %shift_right_arithmetic3A_448, %and3A_450 : vector<16xi32>
          %convert_element_type3A_452 = arith.sitofp %and3A_451 : vector<16xi32> to vector<16xf32>
          %sub3A_453 = arith.subf %convert_element_type3A_452, %get3A_372 : vector<16xf32>
          %mul3A_454 = arith.mulf %get3A_365, %sub3A_453 : vector<16xf32>
          %add3A_455 = arith.constant 384 : i32
          %add3A_456 = arith.addi %add3A_401, %add3A_455 : i32
          %swap3A_457 = arith.index_cast %add3A_456 : i32 to index
          %swap3A_458 = tpu.vector_load %arg17[%swap3A_457] {strides = array<i32>} : memref<16384xf32, #tpu.memory_space<vmem>>, vector<16xf32>,
          %swap3A_459 = vector.shape_cast %swap3A_458 : vector<16xf32> to vector<16xf32>
          %swap3A_460 = vector.shape_cast %mul3A_454 : vector<16xf32> to vector<16xf32>
          tpu.vector_store %arg17[%swap3A_457], %swap3A_460 {strides = array<i32>} : memref<16384xf32, #tpu.memory_space<vmem>>, vector<16xf32>,
          %shift_right_arithmetic3A_461 = arith.constant 16 : i32
          %shift_right_arithmetic3A_462 = vector.broadcast %shift_right_arithmetic3A_461 : i32 to vector<16xi32>
          %shift_right_arithmetic3A_463 = arith.shrsi %get3A_358, %shift_right_arithmetic3A_462 : vector<16xi32>
          %and3A_464 = arith.constant 15 : i32
          %and3A_465 = vector.broadcast %and3A_464 : i32 to vector<16xi32>
          %and3A_466 = arith.andi %shift_right_arithmetic3A_463, %and3A_465 : vector<16xi32>
          %convert_element_type3A_467 = arith.sitofp %and3A_466 : vector<16xi32> to vector<16xf32>
          %sub3A_468 = arith.subf %convert_element_type3A_467, %get3A_372 : vector<16xf32>
          %mul3A_469 = arith.mulf %get3A_365, %sub3A_468 : vector<16xf32>
          %add3A_470 = arith.constant 512 : i32
          %add3A_471 = arith.addi %add3A_401, %add3A_470 : i32
          %swap3A_472 = arith.index_cast %add3A_471 : i32 to index
          %swap3A_473 = tpu.vector_load %arg17[%swap3A_472] {strides = array<i32>} : memref<16384xf32, #tpu.memory_space<vmem>>, vector<16xf32>,
          %swap3A_474 = vector.shape_cast %swap3A_473 : vector<16xf32> to vector<16xf32>
          %swap3A_475 = vector.shape_cast %mul3A_469 : vector<16xf32> to vector<16xf32>
          tpu.vector_store %arg17[%swap3A_472], %swap3A_475 {strides = array<i32>} : memref<16384xf32, #tpu.memory_space<vmem>>, vector<16xf32>,
          %shift_right_arithmetic3A_476 = arith.constant 20 : i32
          %shift_right_arithmetic3A_477 = vector.broadcast %shift_right_arithmetic3A_476 : i32 to vector<16xi32>
          %shift_right_arithmetic3A_478 = arith.shrsi %get3A_358, %shift_right_arithmetic3A_477 : vector<16xi32>
          %and3A_479 = arith.constant 15 : i32
          %and3A_480 = vector.broadcast %and3A_479 : i32 to vector<16xi32>
          %and3A_481 = arith.andi %shift_right_arithmetic3A_478, %and3A_480 : vector<16xi32>
          %convert_element_type3A_482 = arith.sitofp %and3A_481 : vector<16xi32> to vector<16xf32>
          %sub3A_483 = arith.subf %convert_element_type3A_482, %get3A_372 : vector<16xf32>
          %mul3A_484 = arith.mulf %get3A_365, %sub3A_483 : vector<16xf32>
          %add3A_485 = arith.constant 640 : i32
          %add3A_486 = arith.addi %add3A_401, %add3A_485 : i32
          %swap3A_487 = arith.index_cast %add3A_486 : i32 to index
          %swap3A_488 = tpu.vector_load %arg17[%swap3A_487] {strides = array<i32>} : memref<16384xf32, #tpu.memory_space<vmem>>, vector<16xf32>,
          %swap3A_489 = vector.shape_cast %swap3A_488 : vector<16xf32> to vector<16xf32>
          %swap3A_490 = vector.shape_cast %mul3A_484 : vector<16xf32> to vector<16xf32>
          tpu.vector_store %arg17[%swap3A_487], %swap3A_490 {strides = array<i32>} : memref<16384xf32, #tpu.memory_space<vmem>>, vector<16xf32>,
          %shift_right_arithmetic3A_491 = arith.constant 24 : i32
          %shift_right_arithmetic3A_492 = vector.broadcast %shift_right_arithmetic3A_491 : i32 to vector<16xi32>
          %shift_right_arithmetic3A_493 = arith.shrsi %get3A_358, %shift_right_arithmetic3A_492 : vector<16xi32>
          %and3A_494 = arith.constant 15 : i32
          %and3A_495 = vector.broadcast %and3A_494 : i32 to vector<16xi32>
          %and3A_496 = arith.andi %shift_right_arithmetic3A_493, %and3A_495 : vector<16xi32>
          %convert_element_type3A_497 = arith.sitofp %and3A_496 : vector<16xi32> to vector<16xf32>
          %sub3A_498 = arith.subf %convert_element_type3A_497, %get3A_372 : vector<16xf32>
          %mul3A_499 = arith.mulf %get3A_365, %sub3A_498 : vector<16xf32>
          %add3A_500 = arith.constant 768 : i32
          %add3A_501 = arith.addi %add3A_401, %add3A_500 : i32
          %swap3A_502 = arith.index_cast %add3A_501 : i32 to index
          %swap3A_503 = tpu.vector_load %arg17[%swap3A_502] {strides = array<i32>} : memref<16384xf32, #tpu.memory_space<vmem>>, vector<16xf32>,
          %swap3A_504 = vector.shape_cast %swap3A_503 : vector<16xf32> to vector<16xf32>
          %swap3A_505 = vector.shape_cast %mul3A_499 : vector<16xf32> to vector<16xf32>
          tpu.vector_store %arg17[%swap3A_502], %swap3A_505 {strides = array<i32>} : memref<16384xf32, #tpu.memory_space<vmem>>, vector<16xf32>,
          %shift_right_arithmetic3A_506 = arith.constant 28 : i32
          %shift_right_arithmetic3A_507 = vector.broadcast %shift_right_arithmetic3A_506 : i32 to vector<16xi32>
          %shift_right_arithmetic3A_508 = arith.shrsi %get3A_358, %shift_right_arithmetic3A_507 : vector<16xi32>
          %and3A_509 = arith.constant 15 : i32
          %and3A_510 = vector.broadcast %and3A_509 : i32 to vector<16xi32>
          %and3A_511 = arith.andi %shift_right_arithmetic3A_508, %and3A_510 : vector<16xi32>
          %convert_element_type3A_512 = arith.sitofp %and3A_511 : vector<16xi32> to vector<16xf32>
          %sub3A_513 = arith.subf %convert_element_type3A_512, %get3A_372 : vector<16xf32>
          %mul3A_514 = arith.mulf %get3A_365, %sub3A_513 : vector<16xf32>
          %add3A_515 = arith.constant 896 : i32
          %add3A_516 = arith.addi %add3A_401, %add3A_515 : i32
          %swap3A_517 = arith.index_cast %add3A_516 : i32 to index
          %swap3A_518 = tpu.vector_load %arg17[%swap3A_517] {strides = array<i32>} : memref<16384xf32, #tpu.memory_space<vmem>>, vector<16xf32>,
          %swap3A_519 = vector.shape_cast %swap3A_518 : vector<16xf32> to vector<16xf32>
          %swap3A_520 = vector.shape_cast %mul3A_514 : vector<16xf32> to vector<16xf32>
          tpu.vector_store %arg17[%swap3A_517], %swap3A_520 {strides = array<i32>} : memref<16384xf32, #tpu.memory_space<vmem>>, vector<16xf32>,
        }
        %scan3A_327 = arith.constant 128 : i32
        scf.yield %cond3A_321 : i32
      } else {
        %scan3A_318 = arith.constant 0 : i32
        %scan3A_319 = arith.constant 8 : i32
        %scan3A_320 = arith.addi %scan3A_318, %scan3A_319 : i32
        %scan3A_321 = arith.constant 1 : i32
        %scan3A_322 = scf.for %scan3A_324 = %scan3A_318 to %scan3A_320 step %scan3A_321 iter_args(%scan3A_325 = %scan3A_245) -> (i32)  : i32 {
          %add3A_326 = arith.addi %add3A_249, %scan3A_324 : i32
          %get3A_327 = arith.index_cast %add3A_326 : i32 to index
          %get3A_328 = tpu.vector_load %arg8[%get3A_327] {strides = array<i32>} : memref<160xi32, #tpu.memory_space<vmem>>, vector<16xi32>,
          %get3A_329 = vector.shape_cast %get3A_328 : vector<16xi32> to vector<16xi32>
          %slice3A_330 = vector.extract_strided_slice %get3A_329 {offsets = [0], sizes = [1], strides = [1]} : vector<16xi32> to vector<1xi32>
          %squeeze3A_331 = vector.extract %slice3A_330[0] : i32 from vector<1xi32>
          %ne3A = arith.cmpi ne, %squeeze3A_331, %scan3A_325 : i32
          %convert_element_type3A_332 = arith.extui %ne3A : i1 to i32
          %cond3A_333 = arith.constant 0 : i32
          %cond3A_334 = arith.cmpi ne, %convert_element_type3A_332, %cond3A_333 : i32
          %cond3A_335 = scf.if %cond3A_334 -> (i32) {
            %mul3A_342 = arith.constant 4096 : i32
            %mul3A_343 = arith.muli %squeeze3A_331, %mul3A_342 : i32
            "tpu.region"() ({
              %run_scoped3A = tpu.sem_alloc : memref<!tpu.dma_semaphore, #tpu.memory_space<semaphore_mem>>
              %dma_start3A_352 = tpu.memref_slice %arg4[%mul3A_343] : memref<131072xf32, #tpu.memory_space<hbm>> -> memref<4096xf32, #tpu.memory_space<hbm>>
              %dma_start3A_353 = tpu.memref_slice %arg4[%mul3A_343] : memref<131072xf32, #tpu.memory_space<hbm>> -> memref<4096xf32, #tpu.memory_space<hbm>>
              tpu.enqueue_dma source(%dma_start3A_353 : memref<4096xf32, #tpu.memory_space<hbm>>) target(%arg10 : memref<4096xf32, #tpu.memory_space<vmem>>) target_semaphore(%run_scoped3A : memref<!tpu.dma_semaphore, #tpu.memory_space<semaphore_mem>>)
              %dma_wait3A_354 = tpu.memref_slice %arg4[%mul3A_343] : memref<131072xf32, #tpu.memory_space<hbm>> -> memref<4096xf32, #tpu.memory_space<hbm>>
              %dma_wait3A_355 = tpu.memref_slice %arg4[%mul3A_343] : memref<131072xf32, #tpu.memory_space<hbm>> -> memref<4096xf32, #tpu.memory_space<hbm>>
              tpu.wait_dma2 semaphore(%run_scoped3A : memref<!tpu.dma_semaphore, #tpu.memory_space<semaphore_mem>>) src(%dma_wait3A_355 : memref<4096xf32, #tpu.memory_space<hbm>>) dst(%arg10 : memref<4096xf32, #tpu.memory_space<vmem>>)
              tpu.yield
            }) : () -> ()
            %mul3A_344 = arith.constant 512 : i32
            %mul3A_345 = arith.muli %squeeze3A_331, %mul3A_344 : i32
            "tpu.region"() ({
              %run_scoped3A = tpu.sem_alloc : memref<!tpu.dma_semaphore, #tpu.memory_space<semaphore_mem>>
              %dma_start3A_352 = tpu.memref_slice %arg3[%mul3A_345] : memref<16384xi32, #tpu.memory_space<hbm>> -> memref<512xi32, #tpu.memory_space<hbm>>
              %dma_start3A_353 = tpu.memref_slice %arg3[%mul3A_345] : memref<16384xi32, #tpu.memory_space<hbm>> -> memref<512xi32, #tpu.memory_space<hbm>>
              tpu.enqueue_dma source(%dma_start3A_353 : memref<512xi32, #tpu.memory_space<hbm>>) target(%arg12 : memref<512xi32, #tpu.memory_space<vmem>>) target_semaphore(%run_scoped3A : memref<!tpu.dma_semaphore, #tpu.memory_space<semaphore_mem>>)
              %dma_wait3A_354 = tpu.memref_slice %arg3[%mul3A_345] : memref<16384xi32, #tpu.memory_space<hbm>> -> memref<512xi32, #tpu.memory_space<hbm>>
              %dma_wait3A_355 = tpu.memref_slice %arg3[%mul3A_345] : memref<16384xi32, #tpu.memory_space<hbm>> -> memref<512xi32, #tpu.memory_space<hbm>>
              tpu.wait_dma2 semaphore(%run_scoped3A : memref<!tpu.dma_semaphore, #tpu.memory_space<semaphore_mem>>) src(%dma_wait3A_355 : memref<512xi32, #tpu.memory_space<hbm>>) dst(%arg12 : memref<512xi32, #tpu.memory_space<vmem>>)
              tpu.yield
            }) : () -> ()
            %scan3A_346 = arith.constant 0 : i32
            %scan3A_347 = arith.constant 0 : i32
            %scan3A_348 = arith.constant 32 : i32
            %scan3A_349 = arith.addi %scan3A_347, %scan3A_348 : i32
            %scan3A_350 = arith.constant 1 : i32
            scf.for %scan3A_352 = %scan3A_347 to %scan3A_349 step %scan3A_350  : i32 {
              %mul3A_353 = arith.constant 16 : i32
              %mul3A_354 = arith.muli %scan3A_352, %mul3A_353 : i32
              %get3A_355 = arith.index_cast %mul3A_354 : i32 to index
              %get3A_356 = tpu.vector_load %arg12[%get3A_355] {strides = array<i32>} : memref<512xi32, #tpu.memory_space<vmem>>, vector<16xi32>,
              %get3A_357 = vector.shape_cast %get3A_356 : vector<16xi32> to vector<16xi32>
              %slice3A_358 = vector.extract_strided_slice %get3A_357 {offsets = [0], sizes = [1], strides = [1]} : vector<16xi32> to vector<1xi32>
              %squeeze3A_359 = vector.extract %slice3A_358[0] : i32 from vector<1xi32>
              %slice3A_360 = vector.extract_strided_slice %get3A_357 {offsets = [1], sizes = [1], strides = [1]} : vector<16xi32> to vector<1xi32>
              %squeeze3A_361 = vector.extract %slice3A_360[0] : i32 from vector<1xi32>
              %lt3A = arith.constant 8 : i32
              %lt3A_362 = vector.broadcast %lt3A : i32 to vector<16xi32>
              %lt3A_363 = arith.cmpi slt, %iota3A, %lt3A_362 : vector<16xi32>
              %broadcast_in_dim3A = vector.broadcast %squeeze3A_359 : i32 to vector<16xi32>
              %broadcast_in_dim3A_364 = vector.broadcast %squeeze3A_361 : i32 to vector<16xi32>
              %select_n3A = arith.select %lt3A_363, %broadcast_in_dim3A, %broadcast_in_dim3A_364 : vector<16xi1>, vector<16xi32>
              %shift_right_arithmetic3A = arith.shrsi %select_n3A, %mul3A_7 : vector<16xi32>
              %and3A_365 = arith.constant 15 : i32
              %and3A_366 = vector.broadcast %and3A_365 : i32 to vector<16xi32>
              %and3A_367 = arith.andi %shift_right_arithmetic3A, %and3A_366 : vector<16xi32>
              %convert_element_type3A_368 = arith.sitofp %and3A_367 : vector<16xi32> to vector<16xf32>
              %mul3A_369 = arith.constant 8 : i32
              %mul3A_370 = arith.muli %scan3A_352, %mul3A_369 : i32
              %add3A_371 = arith.constant 0 : i32
              %add3A_372 = arith.addi %mul3A_370, %add3A_371 : i32
              %mul3A_373 = arith.constant 16 : i32
              %mul3A_374 = arith.muli %add3A_372, %mul3A_373 : i32
              %swap3A_375 = arith.index_cast %mul3A_374 : i32 to index
              %swap3A_376 = tpu.vector_load %arg11[%swap3A_375] {strides = array<i32>} : memref<4096xf32, #tpu.memory_space<vmem>>, vector<16xf32>,
              %swap3A_377 = vector.shape_cast %swap3A_376 : vector<16xf32> to vector<16xf32>
              %swap3A_378 = vector.shape_cast %convert_element_type3A_368 : vector<16xf32> to vector<16xf32>
              tpu.vector_store %arg11[%swap3A_375], %swap3A_378 {strides = array<i32>} : memref<4096xf32, #tpu.memory_space<vmem>>, vector<16xf32>,
              %slice3A_379 = vector.extract_strided_slice %get3A_357 {offsets = [2], sizes = [1], strides = [1]} : vector<16xi32> to vector<1xi32>
              %squeeze3A_380 = vector.extract %slice3A_379[0] : i32 from vector<1xi32>
              %slice3A_381 = vector.extract_strided_slice %get3A_357 {offsets = [3], sizes = [1], strides = [1]} : vector<16xi32> to vector<1xi32>
              %squeeze3A_382 = vector.extract %slice3A_381[0] : i32 from vector<1xi32>
              %lt3A_383 = arith.constant 8 : i32
              %lt3A_384 = vector.broadcast %lt3A_383 : i32 to vector<16xi32>
              %lt3A_385 = arith.cmpi slt, %iota3A, %lt3A_384 : vector<16xi32>
              %broadcast_in_dim3A_386 = vector.broadcast %squeeze3A_380 : i32 to vector<16xi32>
              %broadcast_in_dim3A_387 = vector.broadcast %squeeze3A_382 : i32 to vector<16xi32>
              %select_n3A_388 = arith.select %lt3A_385, %broadcast_in_dim3A_386, %broadcast_in_dim3A_387 : vector<16xi1>, vector<16xi32>
              %shift_right_arithmetic3A_389 = arith.shrsi %select_n3A_388, %mul3A_7 : vector<16xi32>
              %and3A_390 = arith.constant 15 : i32
              %and3A_391 = vector.broadcast %and3A_390 : i32 to vector<16xi32>
              %and3A_392 = arith.andi %shift_right_arithmetic3A_389, %and3A_391 : vector<16xi32>
              %convert_element_type3A_393 = arith.sitofp %and3A_392 : vector<16xi32> to vector<16xf32>
              %mul3A_394 = arith.constant 8 : i32
              %mul3A_395 = arith.muli %scan3A_352, %mul3A_394 : i32
              %add3A_396 = arith.constant 1 : i32
              %add3A_397 = arith.addi %mul3A_395, %add3A_396 : i32
              %mul3A_398 = arith.constant 16 : i32
              %mul3A_399 = arith.muli %add3A_397, %mul3A_398 : i32
              %swap3A_400 = arith.index_cast %mul3A_399 : i32 to index
              %swap3A_401 = tpu.vector_load %arg11[%swap3A_400] {strides = array<i32>} : memref<4096xf32, #tpu.memory_space<vmem>>, vector<16xf32>,
              %swap3A_402 = vector.shape_cast %swap3A_401 : vector<16xf32> to vector<16xf32>
              %swap3A_403 = vector.shape_cast %convert_element_type3A_393 : vector<16xf32> to vector<16xf32>
              tpu.vector_store %arg11[%swap3A_400], %swap3A_403 {strides = array<i32>} : memref<4096xf32, #tpu.memory_space<vmem>>, vector<16xf32>,
              %slice3A_404 = vector.extract_strided_slice %get3A_357 {offsets = [4], sizes = [1], strides = [1]} : vector<16xi32> to vector<1xi32>
              %squeeze3A_405 = vector.extract %slice3A_404[0] : i32 from vector<1xi32>
              %slice3A_406 = vector.extract_strided_slice %get3A_357 {offsets = [5], sizes = [1], strides = [1]} : vector<16xi32> to vector<1xi32>
              %squeeze3A_407 = vector.extract %slice3A_406[0] : i32 from vector<1xi32>
              %lt3A_408 = arith.constant 8 : i32
              %lt3A_409 = vector.broadcast %lt3A_408 : i32 to vector<16xi32>
              %lt3A_410 = arith.cmpi slt, %iota3A, %lt3A_409 : vector<16xi32>
              %broadcast_in_dim3A_411 = vector.broadcast %squeeze3A_405 : i32 to vector<16xi32>
              %broadcast_in_dim3A_412 = vector.broadcast %squeeze3A_407 : i32 to vector<16xi32>
              %select_n3A_413 = arith.select %lt3A_410, %broadcast_in_dim3A_411, %broadcast_in_dim3A_412 : vector<16xi1>, vector<16xi32>
              %shift_right_arithmetic3A_414 = arith.shrsi %select_n3A_413, %mul3A_7 : vector<16xi32>
              %and3A_415 = arith.constant 15 : i32
              %and3A_416 = vector.broadcast %and3A_415 : i32 to vector<16xi32>
              %and3A_417 = arith.andi %shift_right_arithmetic3A_414, %and3A_416 : vector<16xi32>
              %convert_element_type3A_418 = arith.sitofp %and3A_417 : vector<16xi32> to vector<16xf32>
              %mul3A_419 = arith.constant 8 : i32
              %mul3A_420 = arith.muli %scan3A_352, %mul3A_419 : i32
              %add3A_421 = arith.constant 2 : i32
              %add3A_422 = arith.addi %mul3A_420, %add3A_421 : i32
              %mul3A_423 = arith.constant 16 : i32
              %mul3A_424 = arith.muli %add3A_422, %mul3A_423 : i32
              %swap3A_425 = arith.index_cast %mul3A_424 : i32 to index
              %swap3A_426 = tpu.vector_load %arg11[%swap3A_425] {strides = array<i32>} : memref<4096xf32, #tpu.memory_space<vmem>>, vector<16xf32>,
              %swap3A_427 = vector.shape_cast %swap3A_426 : vector<16xf32> to vector<16xf32>
              %swap3A_428 = vector.shape_cast %convert_element_type3A_418 : vector<16xf32> to vector<16xf32>
              tpu.vector_store %arg11[%swap3A_425], %swap3A_428 {strides = array<i32>} : memref<4096xf32, #tpu.memory_space<vmem>>, vector<16xf32>,
              %slice3A_429 = vector.extract_strided_slice %get3A_357 {offsets = [6], sizes = [1], strides = [1]} : vector<16xi32> to vector<1xi32>
              %squeeze3A_430 = vector.extract %slice3A_429[0] : i32 from vector<1xi32>
              %slice3A_431 = vector.extract_strided_slice %get3A_357 {offsets = [7], sizes = [1], strides = [1]} : vector<16xi32> to vector<1xi32>
              %squeeze3A_432 = vector.extract %slice3A_431[0] : i32 from vector<1xi32>
              %lt3A_433 = arith.constant 8 : i32
              %lt3A_434 = vector.broadcast %lt3A_433 : i32 to vector<16xi32>
              %lt3A_435 = arith.cmpi slt, %iota3A, %lt3A_434 : vector<16xi32>
              %broadcast_in_dim3A_436 = vector.broadcast %squeeze3A_430 : i32 to vector<16xi32>
              %broadcast_in_dim3A_437 = vector.broadcast %squeeze3A_432 : i32 to vector<16xi32>
              %select_n3A_438 = arith.select %lt3A_435, %broadcast_in_dim3A_436, %broadcast_in_dim3A_437 : vector<16xi1>, vector<16xi32>
              %shift_right_arithmetic3A_439 = arith.shrsi %select_n3A_438, %mul3A_7 : vector<16xi32>
              %and3A_440 = arith.constant 15 : i32
              %and3A_441 = vector.broadcast %and3A_440 : i32 to vector<16xi32>
              %and3A_442 = arith.andi %shift_right_arithmetic3A_439, %and3A_441 : vector<16xi32>
              %convert_element_type3A_443 = arith.sitofp %and3A_442 : vector<16xi32> to vector<16xf32>
              %mul3A_444 = arith.constant 8 : i32
              %mul3A_445 = arith.muli %scan3A_352, %mul3A_444 : i32
              %add3A_446 = arith.constant 3 : i32
              %add3A_447 = arith.addi %mul3A_445, %add3A_446 : i32
              %mul3A_448 = arith.constant 16 : i32
              %mul3A_449 = arith.muli %add3A_447, %mul3A_448 : i32
              %swap3A_450 = arith.index_cast %mul3A_449 : i32 to index
              %swap3A_451 = tpu.vector_load %arg11[%swap3A_450] {strides = array<i32>} : memref<4096xf32, #tpu.memory_space<vmem>>, vector<16xf32>,
              %swap3A_452 = vector.shape_cast %swap3A_451 : vector<16xf32> to vector<16xf32>
              %swap3A_453 = vector.shape_cast %convert_element_type3A_443 : vector<16xf32> to vector<16xf32>
              tpu.vector_store %arg11[%swap3A_450], %swap3A_453 {strides = array<i32>} : memref<4096xf32, #tpu.memory_space<vmem>>, vector<16xf32>,
              %slice3A_454 = vector.extract_strided_slice %get3A_357 {offsets = [8], sizes = [1], strides = [1]} : vector<16xi32> to vector<1xi32>
              %squeeze3A_455 = vector.extract %slice3A_454[0] : i32 from vector<1xi32>
              %slice3A_456 = vector.extract_strided_slice %get3A_357 {offsets = [9], sizes = [1], strides = [1]} : vector<16xi32> to vector<1xi32>
              %squeeze3A_457 = vector.extract %slice3A_456[0] : i32 from vector<1xi32>
              %lt3A_458 = arith.constant 8 : i32
              %lt3A_459 = vector.broadcast %lt3A_458 : i32 to vector<16xi32>
              %lt3A_460 = arith.cmpi slt, %iota3A, %lt3A_459 : vector<16xi32>
              %broadcast_in_dim3A_461 = vector.broadcast %squeeze3A_455 : i32 to vector<16xi32>
              %broadcast_in_dim3A_462 = vector.broadcast %squeeze3A_457 : i32 to vector<16xi32>
              %select_n3A_463 = arith.select %lt3A_460, %broadcast_in_dim3A_461, %broadcast_in_dim3A_462 : vector<16xi1>, vector<16xi32>
              %shift_right_arithmetic3A_464 = arith.shrsi %select_n3A_463, %mul3A_7 : vector<16xi32>
              %and3A_465 = arith.constant 15 : i32
              %and3A_466 = vector.broadcast %and3A_465 : i32 to vector<16xi32>
              %and3A_467 = arith.andi %shift_right_arithmetic3A_464, %and3A_466 : vector<16xi32>
              %convert_element_type3A_468 = arith.sitofp %and3A_467 : vector<16xi32> to vector<16xf32>
              %mul3A_469 = arith.constant 8 : i32
              %mul3A_470 = arith.muli %scan3A_352, %mul3A_469 : i32
              %add3A_471 = arith.constant 4 : i32
              %add3A_472 = arith.addi %mul3A_470, %add3A_471 : i32
              %mul3A_473 = arith.constant 16 : i32
              %mul3A_474 = arith.muli %add3A_472, %mul3A_473 : i32
              %swap3A_475 = arith.index_cast %mul3A_474 : i32 to index
              %swap3A_476 = tpu.vector_load %arg11[%swap3A_475] {strides = array<i32>} : memref<4096xf32, #tpu.memory_space<vmem>>, vector<16xf32>,
              %swap3A_477 = vector.shape_cast %swap3A_476 : vector<16xf32> to vector<16xf32>
              %swap3A_478 = vector.shape_cast %convert_element_type3A_468 : vector<16xf32> to vector<16xf32>
              tpu.vector_store %arg11[%swap3A_475], %swap3A_478 {strides = array<i32>} : memref<4096xf32, #tpu.memory_space<vmem>>, vector<16xf32>,
              %slice3A_479 = vector.extract_strided_slice %get3A_357 {offsets = [10], sizes = [1], strides = [1]} : vector<16xi32> to vector<1xi32>
              %squeeze3A_480 = vector.extract %slice3A_479[0] : i32 from vector<1xi32>
              %slice3A_481 = vector.extract_strided_slice %get3A_357 {offsets = [11], sizes = [1], strides = [1]} : vector<16xi32> to vector<1xi32>
              %squeeze3A_482 = vector.extract %slice3A_481[0] : i32 from vector<1xi32>
              %lt3A_483 = arith.constant 8 : i32
              %lt3A_484 = vector.broadcast %lt3A_483 : i32 to vector<16xi32>
              %lt3A_485 = arith.cmpi slt, %iota3A, %lt3A_484 : vector<16xi32>
              %broadcast_in_dim3A_486 = vector.broadcast %squeeze3A_480 : i32 to vector<16xi32>
              %broadcast_in_dim3A_487 = vector.broadcast %squeeze3A_482 : i32 to vector<16xi32>
              %select_n3A_488 = arith.select %lt3A_485, %broadcast_in_dim3A_486, %broadcast_in_dim3A_487 : vector<16xi1>, vector<16xi32>
              %shift_right_arithmetic3A_489 = arith.shrsi %select_n3A_488, %mul3A_7 : vector<16xi32>
              %and3A_490 = arith.constant 15 : i32
              %and3A_491 = vector.broadcast %and3A_490 : i32 to vector<16xi32>
              %and3A_492 = arith.andi %shift_right_arithmetic3A_489, %and3A_491 : vector<16xi32>
              %convert_element_type3A_493 = arith.sitofp %and3A_492 : vector<16xi32> to vector<16xf32>
              %mul3A_494 = arith.constant 8 : i32
              %mul3A_495 = arith.muli %scan3A_352, %mul3A_494 : i32
              %add3A_496 = arith.constant 5 : i32
              %add3A_497 = arith.addi %mul3A_495, %add3A_496 : i32
              %mul3A_498 = arith.constant 16 : i32
              %mul3A_499 = arith.muli %add3A_497, %mul3A_498 : i32
              %swap3A_500 = arith.index_cast %mul3A_499 : i32 to index
              %swap3A_501 = tpu.vector_load %arg11[%swap3A_500] {strides = array<i32>} : memref<4096xf32, #tpu.memory_space<vmem>>, vector<16xf32>,
              %swap3A_502 = vector.shape_cast %swap3A_501 : vector<16xf32> to vector<16xf32>
              %swap3A_503 = vector.shape_cast %convert_element_type3A_493 : vector<16xf32> to vector<16xf32>
              tpu.vector_store %arg11[%swap3A_500], %swap3A_503 {strides = array<i32>} : memref<4096xf32, #tpu.memory_space<vmem>>, vector<16xf32>,
              %slice3A_504 = vector.extract_strided_slice %get3A_357 {offsets = [12], sizes = [1], strides = [1]} : vector<16xi32> to vector<1xi32>
              %squeeze3A_505 = vector.extract %slice3A_504[0] : i32 from vector<1xi32>
              %slice3A_506 = vector.extract_strided_slice %get3A_357 {offsets = [13], sizes = [1], strides = [1]} : vector<16xi32> to vector<1xi32>
              %squeeze3A_507 = vector.extract %slice3A_506[0] : i32 from vector<1xi32>
              %lt3A_508 = arith.constant 8 : i32
              %lt3A_509 = vector.broadcast %lt3A_508 : i32 to vector<16xi32>
              %lt3A_510 = arith.cmpi slt, %iota3A, %lt3A_509 : vector<16xi32>
              %broadcast_in_dim3A_511 = vector.broadcast %squeeze3A_505 : i32 to vector<16xi32>
              %broadcast_in_dim3A_512 = vector.broadcast %squeeze3A_507 : i32 to vector<16xi32>
              %select_n3A_513 = arith.select %lt3A_510, %broadcast_in_dim3A_511, %broadcast_in_dim3A_512 : vector<16xi1>, vector<16xi32>
              %shift_right_arithmetic3A_514 = arith.shrsi %select_n3A_513, %mul3A_7 : vector<16xi32>
              %and3A_515 = arith.constant 15 : i32
              %and3A_516 = vector.broadcast %and3A_515 : i32 to vector<16xi32>
              %and3A_517 = arith.andi %shift_right_arithmetic3A_514, %and3A_516 : vector<16xi32>
              %convert_element_type3A_518 = arith.sitofp %and3A_517 : vector<16xi32> to vector<16xf32>
              %mul3A_519 = arith.constant 8 : i32
              %mul3A_520 = arith.muli %scan3A_352, %mul3A_519 : i32
              %add3A_521 = arith.constant 6 : i32
              %add3A_522 = arith.addi %mul3A_520, %add3A_521 : i32
              %mul3A_523 = arith.constant 16 : i32
              %mul3A_524 = arith.muli %add3A_522, %mul3A_523 : i32
              %swap3A_525 = arith.index_cast %mul3A_524 : i32 to index
              %swap3A_526 = tpu.vector_load %arg11[%swap3A_525] {strides = array<i32>} : memref<4096xf32, #tpu.memory_space<vmem>>, vector<16xf32>,
              %swap3A_527 = vector.shape_cast %swap3A_526 : vector<16xf32> to vector<16xf32>
              %swap3A_528 = vector.shape_cast %convert_element_type3A_518 : vector<16xf32> to vector<16xf32>
              tpu.vector_store %arg11[%swap3A_525], %swap3A_528 {strides = array<i32>} : memref<4096xf32, #tpu.memory_space<vmem>>, vector<16xf32>,
              %slice3A_529 = vector.extract_strided_slice %get3A_357 {offsets = [14], sizes = [1], strides = [1]} : vector<16xi32> to vector<1xi32>
              %squeeze3A_530 = vector.extract %slice3A_529[0] : i32 from vector<1xi32>
              %slice3A_531 = vector.extract_strided_slice %get3A_357 {offsets = [15], sizes = [1], strides = [1]} : vector<16xi32> to vector<1xi32>
              %squeeze3A_532 = vector.extract %slice3A_531[0] : i32 from vector<1xi32>
              %lt3A_533 = arith.constant 8 : i32
              %lt3A_534 = vector.broadcast %lt3A_533 : i32 to vector<16xi32>
              %lt3A_535 = arith.cmpi slt, %iota3A, %lt3A_534 : vector<16xi32>
              %broadcast_in_dim3A_536 = vector.broadcast %squeeze3A_530 : i32 to vector<16xi32>
              %broadcast_in_dim3A_537 = vector.broadcast %squeeze3A_532 : i32 to vector<16xi32>
              %select_n3A_538 = arith.select %lt3A_535, %broadcast_in_dim3A_536, %broadcast_in_dim3A_537 : vector<16xi1>, vector<16xi32>
              %shift_right_arithmetic3A_539 = arith.shrsi %select_n3A_538, %mul3A_7 : vector<16xi32>
              %and3A_540 = arith.constant 15 : i32
              %and3A_541 = vector.broadcast %and3A_540 : i32 to vector<16xi32>
              %and3A_542 = arith.andi %shift_right_arithmetic3A_539, %and3A_541 : vector<16xi32>
              %convert_element_type3A_543 = arith.sitofp %and3A_542 : vector<16xi32> to vector<16xf32>
              %mul3A_544 = arith.constant 8 : i32
              %mul3A_545 = arith.muli %scan3A_352, %mul3A_544 : i32
              %add3A_546 = arith.constant 7 : i32
              %add3A_547 = arith.addi %mul3A_545, %add3A_546 : i32
              %mul3A_548 = arith.constant 16 : i32
              %mul3A_549 = arith.muli %add3A_547, %mul3A_548 : i32
              %swap3A_550 = arith.index_cast %mul3A_549 : i32 to index
              %swap3A_551 = tpu.vector_load %arg11[%swap3A_550] {strides = array<i32>} : memref<4096xf32, #tpu.memory_space<vmem>>, vector<16xf32>,
              %swap3A_552 = vector.shape_cast %swap3A_551 : vector<16xf32> to vector<16xf32>
              %swap3A_553 = vector.shape_cast %convert_element_type3A_543 : vector<16xf32> to vector<16xf32>
              tpu.vector_store %arg11[%swap3A_550], %swap3A_553 {strides = array<i32>} : memref<4096xf32, #tpu.memory_space<vmem>>, vector<16xf32>,
            }
            %scan3A_351 = arith.constant 32 : i32
            scf.yield %squeeze3A_331 : i32
          } else {
            scf.yield %scan3A_325 : i32
          }
          %scan3A_336 = arith.constant 0 : i32
          %scan3A_337 = arith.constant 0 : i32
          %scan3A_338 = arith.constant 128 : i32
          %scan3A_339 = arith.addi %scan3A_337, %scan3A_338 : i32
          %scan3A_340 = arith.constant 1 : i32
          scf.for %scan3A_342 = %scan3A_337 to %scan3A_339 step %scan3A_340  : i32 {
            %jit3A_343 = arith.constant 8 : i32
            %div3A = arith.divsi %scan3A_342, %jit3A_343 : i32
            %sign3A = arith.constant 0 : i32
            %sign3A_344 = arith.cmpi sgt, %scan3A_342, %sign3A : i32
            %sign3A_345 = arith.extui %sign3A_344 : i1 to i32
            %sign3A_346 = arith.constant 0 : i32
            %sign3A_347 = arith.cmpi slt, %scan3A_342, %sign3A_346 : i32
            %sign3A_348 = arith.extui %sign3A_347 : i1 to i32
            %sign3A_349 = arith.subi %sign3A_345, %sign3A_348 : i32
            %sign3A_350 = arith.constant 0 : i32
            %sign3A_351 = arith.cmpi sgt, %jit3A_343, %sign3A_350 : i32
            %sign3A_352 = arith.extui %sign3A_351 : i1 to i32
            %sign3A_353 = arith.constant 0 : i32
            %sign3A_354 = arith.cmpi slt, %jit3A_343, %sign3A_353 : i32
            %sign3A_355 = arith.extui %sign3A_354 : i1 to i32
            %sign3A_356 = arith.subi %sign3A_352, %sign3A_355 : i32
            %ne3A_357 = arith.cmpi ne, %sign3A_349, %sign3A_356 : i32
            %rem3A = arith.remsi %scan3A_342, %jit3A_343 : i32
            %ne3A_358 = arith.constant 0 : i32
            %ne3A_359 = arith.cmpi ne, %rem3A, %ne3A_358 : i32
            %and3A_360 = arith.andi %ne3A_357, %ne3A_359 : i1
            %sub3A = arith.constant 1 : i32
            %sub3A_361 = arith.subi %div3A, %sub3A : i32
            %select_n3A = arith.select %and3A_360, %sub3A_361, %div3A : i32
            %mul3A_362 = arith.constant 896 : i32
            %mul3A_363 = arith.muli %mul3A_362, %select_n3A : i32
            %mul3A_364 = arith.constant 16 : i32
            %mul3A_365 = arith.muli %mul3A_364, %scan3A_342 : i32
            %add3A_366 = arith.addi %mul3A_363, %mul3A_365 : i32
            %mul3A_367 = arith.constant 128 : i32
            %mul3A_368 = arith.muli %mul3A_367, %scan3A_244 : i32
            %add3A_369 = arith.addi %add3A_366, %mul3A_368 : i32
            %get3A_370 = arith.index_cast %add3A_369 : i32 to index
            %get3A_371 = tpu.vector_load %arg15[%get3A_370] {strides = array<i32>} : memref<16384xi32, #tpu.memory_space<vmem>>, vector<16xi32>,
            %get3A_372 = vector.shape_cast %get3A_371 : vector<16xi32> to vector<16xi32>
            %mul3A_373 = arith.constant 4 : i32
            %mul3A_374 = arith.muli %mul3A_373, %scan3A_324 : i32
            %shift_right_arithmetic3A = vector.broadcast %mul3A_374 : i32 to vector<16xi32>
            %shift_right_arithmetic3A_375 = arith.shrsi %get3A_372, %shift_right_arithmetic3A : vector<16xi32>
            %and3A_376 = arith.constant 15 : i32
            %and3A_377 = vector.broadcast %and3A_376 : i32 to vector<16xi32>
            %and3A_378 = arith.andi %shift_right_arithmetic3A_375, %and3A_377 : vector<16xi32>
            %convert_element_type3A_379 = arith.sitofp %and3A_378 : vector<16xi32> to vector<16xf32>
            %mul3A_380 = arith.constant 16 : i32
            %mul3A_381 = arith.muli %scan3A_342, %mul3A_380 : i32
            %add3A_382 = arith.constant 0 : i32
            %add3A_383 = arith.addi %add3A_382, %mul3A_381 : i32
            %get3A_384 = arith.index_cast %add3A_383 : i32 to index
            %get3A_385 = tpu.vector_load %arg10[%get3A_384] {strides = array<i32>} : memref<4096xf32, #tpu.memory_space<vmem>>, vector<16xf32>,
            %get3A_386 = vector.shape_cast %get3A_385 : vector<16xf32> to vector<16xf32>
            %mul3A_387 = arith.constant 16 : i32
            %mul3A_388 = arith.muli %scan3A_342, %mul3A_387 : i32
            %add3A_389 = arith.constant 0 : i32
            %add3A_390 = arith.addi %add3A_389, %mul3A_388 : i32
            %get3A_391 = arith.index_cast %add3A_390 : i32 to index
            %get3A_392 = tpu.vector_load %arg11[%get3A_391] {strides = array<i32>} : memref<4096xf32, #tpu.memory_space<vmem>>, vector<16xf32>,
            %get3A_393 = vector.shape_cast %get3A_392 : vector<16xf32> to vector<16xf32>
            %sub3A_394 = arith.subf %convert_element_type3A_379, %get3A_393 : vector<16xf32>
            %mul3A_395 = arith.mulf %get3A_386, %sub3A_394 : vector<16xf32>
            %jit3A_396 = arith.constant 8 : i32
            %div3A_397 = arith.divsi %scan3A_342, %jit3A_396 : i32
            %sign3A_398 = arith.constant 0 : i32
            %sign3A_399 = arith.cmpi sgt, %scan3A_342, %sign3A_398 : i32
            %sign3A_400 = arith.extui %sign3A_399 : i1 to i32
            %sign3A_401 = arith.constant 0 : i32
            %sign3A_402 = arith.cmpi slt, %scan3A_342, %sign3A_401 : i32
            %sign3A_403 = arith.extui %sign3A_402 : i1 to i32
            %sign3A_404 = arith.subi %sign3A_400, %sign3A_403 : i32
            %sign3A_405 = arith.constant 0 : i32
            %sign3A_406 = arith.cmpi sgt, %jit3A_396, %sign3A_405 : i32
            %sign3A_407 = arith.extui %sign3A_406 : i1 to i32
            %sign3A_408 = arith.constant 0 : i32
            %sign3A_409 = arith.cmpi slt, %jit3A_396, %sign3A_408 : i32
            %sign3A_410 = arith.extui %sign3A_409 : i1 to i32
            %sign3A_411 = arith.subi %sign3A_407, %sign3A_410 : i32
            %ne3A_412 = arith.cmpi ne, %sign3A_404, %sign3A_411 : i32
            %rem3A_413 = arith.remsi %scan3A_342, %jit3A_396 : i32
            %ne3A_414 = arith.constant 0 : i32
            %ne3A_415 = arith.cmpi ne, %rem3A_413, %ne3A_414 : i32
            %and3A_416 = arith.andi %ne3A_412, %ne3A_415 : i1
            %sub3A_417 = arith.constant 1 : i32
            %sub3A_418 = arith.subi %div3A_397, %sub3A_417 : i32
            %select_n3A_419 = arith.select %and3A_416, %sub3A_418, %div3A_397 : i32
            %mul3A_420 = arith.constant 896 : i32
            %mul3A_421 = arith.muli %mul3A_420, %select_n3A_419 : i32
            %mul3A_422 = arith.constant 16 : i32
            %mul3A_423 = arith.muli %mul3A_422, %scan3A_342 : i32
            %add3A_424 = arith.addi %mul3A_421, %mul3A_423 : i32
            %mul3A_425 = arith.constant 128 : i32
            %mul3A_426 = arith.muli %mul3A_425, %scan3A_324 : i32
            %add3A_427 = arith.addi %add3A_424, %mul3A_426 : i32
            %swap3A_428 = arith.index_cast %add3A_427 : i32 to index
            %swap3A_429 = tpu.vector_load %arg17[%swap3A_428] {strides = array<i32>} : memref<16384xf32, #tpu.memory_space<vmem>>, vector<16xf32>,
            %swap3A_430 = vector.shape_cast %swap3A_429 : vector<16xf32> to vector<16xf32>
            %swap3A_431 = vector.shape_cast %mul3A_395 : vector<16xf32> to vector<16xf32>
            tpu.vector_store %arg17[%swap3A_428], %swap3A_431 {strides = array<i32>} : memref<16384xf32, #tpu.memory_space<vmem>>, vector<16xf32>,
          }
          %scan3A_341 = arith.constant 128 : i32
          scf.yield %cond3A_335 : i32
        }
        %scan3A_323 = arith.constant 8 : i32
        scf.yield %scan3A_322 : i32
      }
      %mul3A_273 = arith.constant 2 : i32
      %mul3A_274 = arith.muli %mul3A_273, %add3A : i32
      %add3A_275 = arith.constant 1 : i32
      %add3A_276 = arith.addi %mul3A_274, %add3A_275 : i32
      %mul3A_277 = arith.constant 8 : i32
      %mul3A_278 = arith.muli %mul3A_277, %add3A_276 : i32
      %add3A_279 = arith.addi %mul3A_278, %scan3A_244 : i32
      %mul3A_280 = arith.constant 32768 : i32
      %mul3A_281 = arith.muli %add3A_279, %mul3A_280 : i32
      %add3A_282 = arith.constant 0 : i32
      %add3A_283 = arith.addi %mul3A_281, %add3A_282 : i32
      %dma_start3A_284 = tpu.memref_slice %arg7[%add3A_283] : memref<16777216xf32, #tpu.memory_space<hbm>> -> memref<16384xf32, #tpu.memory_space<hbm>>
      %dma_start3A_285 = tpu.memref_slice %arg7[%add3A_283] : memref<16777216xf32, #tpu.memory_space<hbm>> -> memref<16384xf32, #tpu.memory_space<hbm>>
      tpu.enqueue_dma source(%arg17 : memref<16384xf32, #tpu.memory_space<vmem>>) target(%dma_start3A_285 : memref<16384xf32, #tpu.memory_space<hbm>>) target_semaphore(%arg23 : memref<!tpu.dma_semaphore, #tpu.memory_space<semaphore_mem>>)
      %mul3A_286 = arith.constant 2 : i32
      %mul3A_287 = arith.muli %mul3A_286, %add3A : i32
      %add3A_288 = arith.constant 0 : i32
      %add3A_289 = arith.addi %mul3A_287, %add3A_288 : i32
      %mul3A_290 = arith.constant 8 : i32
      %mul3A_291 = arith.muli %mul3A_290, %add3A_289 : i32
      %add3A_292 = arith.constant 0 : i32
      %add3A_293 = arith.addi %mul3A_291, %add3A_292 : i32
      %mul3A_294 = arith.constant 32768 : i32
      %mul3A_295 = arith.muli %add3A_293, %mul3A_294 : i32
      %add3A_296 = arith.constant 0 : i32
      %add3A_297 = arith.addi %mul3A_295, %add3A_296 : i32
      %dma_wait3A_298 = tpu.memref_slice %arg7[%add3A_297] : memref<16777216xf32, #tpu.memory_space<hbm>> -> memref<16384xf32, #tpu.memory_space<hbm>>
      %dma_wait3A_299 = tpu.memref_slice %arg7[%add3A_297] : memref<16777216xf32, #tpu.memory_space<hbm>> -> memref<16384xf32, #tpu.memory_space<hbm>>
      tpu.wait_dma2 semaphore(%arg24 : memref<!tpu.dma_semaphore, #tpu.memory_space<semaphore_mem>>) src(%arg18 : memref<16384xf32, #tpu.memory_space<vmem>>) dst(%dma_wait3A_299 : memref<16384xf32, #tpu.memory_space<hbm>>)
      %eq3A_300 = arith.cmpi eq, %squeeze3A_254, %squeeze3A_256 : i32
      %convert_element_type3A_301 = arith.extui %eq3A_300 : i1 to i32
      %cond3A_302 = arith.constant 0 : i32
      %cond3A_303 = arith.cmpi ne, %convert_element_type3A_301, %cond3A_302 : i32
      %cond3A_304 = scf.if %cond3A_303 -> (i32) {
        %ne3A = arith.cmpi ne, %squeeze3A_254, %cond3A_272 : i32
        %convert_element_type3A_318 = arith.extui %ne3A : i1 to i32
        %cond3A_319 = arith.constant 0 : i32
        %cond3A_320 = arith.cmpi ne, %convert_element_type3A_318, %cond3A_319 : i32
        %cond3A_321 = scf.if %cond3A_320 -> (i32) {
          %mul3A_328 = arith.constant 4096 : i32
          %mul3A_329 = arith.muli %squeeze3A_254, %mul3A_328 : i32
          "tpu.region"() ({
            %run_scoped3A = tpu.sem_alloc : memref<!tpu.dma_semaphore, #tpu.memory_space<semaphore_mem>>
            %dma_start3A_338 = tpu.memref_slice %arg4[%mul3A_329] : memref<131072xf32, #tpu.memory_space<hbm>> -> memref<4096xf32, #tpu.memory_space<hbm>>
            %dma_start3A_339 = tpu.memref_slice %arg4[%mul3A_329] : memref<131072xf32, #tpu.memory_space<hbm>> -> memref<4096xf32, #tpu.memory_space<hbm>>
            tpu.enqueue_dma source(%dma_start3A_339 : memref<4096xf32, #tpu.memory_space<hbm>>) target(%arg10 : memref<4096xf32, #tpu.memory_space<vmem>>) target_semaphore(%run_scoped3A : memref<!tpu.dma_semaphore, #tpu.memory_space<semaphore_mem>>)
            %dma_wait3A_340 = tpu.memref_slice %arg4[%mul3A_329] : memref<131072xf32, #tpu.memory_space<hbm>> -> memref<4096xf32, #tpu.memory_space<hbm>>
            %dma_wait3A_341 = tpu.memref_slice %arg4[%mul3A_329] : memref<131072xf32, #tpu.memory_space<hbm>> -> memref<4096xf32, #tpu.memory_space<hbm>>
            tpu.wait_dma2 semaphore(%run_scoped3A : memref<!tpu.dma_semaphore, #tpu.memory_space<semaphore_mem>>) src(%dma_wait3A_341 : memref<4096xf32, #tpu.memory_space<hbm>>) dst(%arg10 : memref<4096xf32, #tpu.memory_space<vmem>>)
            tpu.yield
          }) : () -> ()
          %mul3A_330 = arith.constant 512 : i32
          %mul3A_331 = arith.muli %squeeze3A_254, %mul3A_330 : i32
          "tpu.region"() ({
            %run_scoped3A = tpu.sem_alloc : memref<!tpu.dma_semaphore, #tpu.memory_space<semaphore_mem>>
            %dma_start3A_338 = tpu.memref_slice %arg3[%mul3A_331] : memref<16384xi32, #tpu.memory_space<hbm>> -> memref<512xi32, #tpu.memory_space<hbm>>
            %dma_start3A_339 = tpu.memref_slice %arg3[%mul3A_331] : memref<16384xi32, #tpu.memory_space<hbm>> -> memref<512xi32, #tpu.memory_space<hbm>>
            tpu.enqueue_dma source(%dma_start3A_339 : memref<512xi32, #tpu.memory_space<hbm>>) target(%arg12 : memref<512xi32, #tpu.memory_space<vmem>>) target_semaphore(%run_scoped3A : memref<!tpu.dma_semaphore, #tpu.memory_space<semaphore_mem>>)
            %dma_wait3A_340 = tpu.memref_slice %arg3[%mul3A_331] : memref<16384xi32, #tpu.memory_space<hbm>> -> memref<512xi32, #tpu.memory_space<hbm>>
            %dma_wait3A_341 = tpu.memref_slice %arg3[%mul3A_331] : memref<16384xi32, #tpu.memory_space<hbm>> -> memref<512xi32, #tpu.memory_space<hbm>>
            tpu.wait_dma2 semaphore(%run_scoped3A : memref<!tpu.dma_semaphore, #tpu.memory_space<semaphore_mem>>) src(%dma_wait3A_341 : memref<512xi32, #tpu.memory_space<hbm>>) dst(%arg12 : memref<512xi32, #tpu.memory_space<vmem>>)
            tpu.yield
          }) : () -> ()
          %scan3A_332 = arith.constant 0 : i32
          %scan3A_333 = arith.constant 0 : i32
          %scan3A_334 = arith.constant 32 : i32
          %scan3A_335 = arith.addi %scan3A_333, %scan3A_334 : i32
          %scan3A_336 = arith.constant 1 : i32
          scf.for %scan3A_338 = %scan3A_333 to %scan3A_335 step %scan3A_336  : i32 {
            %mul3A_339 = arith.constant 16 : i32
            %mul3A_340 = arith.muli %scan3A_338, %mul3A_339 : i32
            %get3A_341 = arith.index_cast %mul3A_340 : i32 to index
            %get3A_342 = tpu.vector_load %arg12[%get3A_341] {strides = array<i32>} : memref<512xi32, #tpu.memory_space<vmem>>, vector<16xi32>,
            %get3A_343 = vector.shape_cast %get3A_342 : vector<16xi32> to vector<16xi32>
            %slice3A_344 = vector.extract_strided_slice %get3A_343 {offsets = [0], sizes = [1], strides = [1]} : vector<16xi32> to vector<1xi32>
            %squeeze3A_345 = vector.extract %slice3A_344[0] : i32 from vector<1xi32>
            %slice3A_346 = vector.extract_strided_slice %get3A_343 {offsets = [1], sizes = [1], strides = [1]} : vector<16xi32> to vector<1xi32>
            %squeeze3A_347 = vector.extract %slice3A_346[0] : i32 from vector<1xi32>
            %lt3A = arith.constant 8 : i32
            %lt3A_348 = vector.broadcast %lt3A : i32 to vector<16xi32>
            %lt3A_349 = arith.cmpi slt, %iota3A, %lt3A_348 : vector<16xi32>
            %broadcast_in_dim3A = vector.broadcast %squeeze3A_345 : i32 to vector<16xi32>
            %broadcast_in_dim3A_350 = vector.broadcast %squeeze3A_347 : i32 to vector<16xi32>
            %select_n3A = arith.select %lt3A_349, %broadcast_in_dim3A, %broadcast_in_dim3A_350 : vector<16xi1>, vector<16xi32>
            %shift_right_arithmetic3A = arith.shrsi %select_n3A, %mul3A_7 : vector<16xi32>
            %and3A_351 = arith.constant 15 : i32
            %and3A_352 = vector.broadcast %and3A_351 : i32 to vector<16xi32>
            %and3A_353 = arith.andi %shift_right_arithmetic3A, %and3A_352 : vector<16xi32>
            %convert_element_type3A_354 = arith.sitofp %and3A_353 : vector<16xi32> to vector<16xf32>
            %mul3A_355 = arith.constant 8 : i32
            %mul3A_356 = arith.muli %scan3A_338, %mul3A_355 : i32
            %add3A_357 = arith.constant 0 : i32
            %add3A_358 = arith.addi %mul3A_356, %add3A_357 : i32
            %mul3A_359 = arith.constant 16 : i32
            %mul3A_360 = arith.muli %add3A_358, %mul3A_359 : i32
            %swap3A_361 = arith.index_cast %mul3A_360 : i32 to index
            %swap3A_362 = tpu.vector_load %arg11[%swap3A_361] {strides = array<i32>} : memref<4096xf32, #tpu.memory_space<vmem>>, vector<16xf32>,
            %swap3A_363 = vector.shape_cast %swap3A_362 : vector<16xf32> to vector<16xf32>
            %swap3A_364 = vector.shape_cast %convert_element_type3A_354 : vector<16xf32> to vector<16xf32>
            tpu.vector_store %arg11[%swap3A_361], %swap3A_364 {strides = array<i32>} : memref<4096xf32, #tpu.memory_space<vmem>>, vector<16xf32>,
            %slice3A_365 = vector.extract_strided_slice %get3A_343 {offsets = [2], sizes = [1], strides = [1]} : vector<16xi32> to vector<1xi32>
            %squeeze3A_366 = vector.extract %slice3A_365[0] : i32 from vector<1xi32>
            %slice3A_367 = vector.extract_strided_slice %get3A_343 {offsets = [3], sizes = [1], strides = [1]} : vector<16xi32> to vector<1xi32>
            %squeeze3A_368 = vector.extract %slice3A_367[0] : i32 from vector<1xi32>
            %lt3A_369 = arith.constant 8 : i32
            %lt3A_370 = vector.broadcast %lt3A_369 : i32 to vector<16xi32>
            %lt3A_371 = arith.cmpi slt, %iota3A, %lt3A_370 : vector<16xi32>
            %broadcast_in_dim3A_372 = vector.broadcast %squeeze3A_366 : i32 to vector<16xi32>
            %broadcast_in_dim3A_373 = vector.broadcast %squeeze3A_368 : i32 to vector<16xi32>
            %select_n3A_374 = arith.select %lt3A_371, %broadcast_in_dim3A_372, %broadcast_in_dim3A_373 : vector<16xi1>, vector<16xi32>
            %shift_right_arithmetic3A_375 = arith.shrsi %select_n3A_374, %mul3A_7 : vector<16xi32>
            %and3A_376 = arith.constant 15 : i32
            %and3A_377 = vector.broadcast %and3A_376 : i32 to vector<16xi32>
            %and3A_378 = arith.andi %shift_right_arithmetic3A_375, %and3A_377 : vector<16xi32>
            %convert_element_type3A_379 = arith.sitofp %and3A_378 : vector<16xi32> to vector<16xf32>
            %mul3A_380 = arith.constant 8 : i32
            %mul3A_381 = arith.muli %scan3A_338, %mul3A_380 : i32
            %add3A_382 = arith.constant 1 : i32
            %add3A_383 = arith.addi %mul3A_381, %add3A_382 : i32
            %mul3A_384 = arith.constant 16 : i32
            %mul3A_385 = arith.muli %add3A_383, %mul3A_384 : i32
            %swap3A_386 = arith.index_cast %mul3A_385 : i32 to index
            %swap3A_387 = tpu.vector_load %arg11[%swap3A_386] {strides = array<i32>} : memref<4096xf32, #tpu.memory_space<vmem>>, vector<16xf32>,
            %swap3A_388 = vector.shape_cast %swap3A_387 : vector<16xf32> to vector<16xf32>
            %swap3A_389 = vector.shape_cast %convert_element_type3A_379 : vector<16xf32> to vector<16xf32>
            tpu.vector_store %arg11[%swap3A_386], %swap3A_389 {strides = array<i32>} : memref<4096xf32, #tpu.memory_space<vmem>>, vector<16xf32>,
            %slice3A_390 = vector.extract_strided_slice %get3A_343 {offsets = [4], sizes = [1], strides = [1]} : vector<16xi32> to vector<1xi32>
            %squeeze3A_391 = vector.extract %slice3A_390[0] : i32 from vector<1xi32>
            %slice3A_392 = vector.extract_strided_slice %get3A_343 {offsets = [5], sizes = [1], strides = [1]} : vector<16xi32> to vector<1xi32>
            %squeeze3A_393 = vector.extract %slice3A_392[0] : i32 from vector<1xi32>
            %lt3A_394 = arith.constant 8 : i32
            %lt3A_395 = vector.broadcast %lt3A_394 : i32 to vector<16xi32>
            %lt3A_396 = arith.cmpi slt, %iota3A, %lt3A_395 : vector<16xi32>
            %broadcast_in_dim3A_397 = vector.broadcast %squeeze3A_391 : i32 to vector<16xi32>
            %broadcast_in_dim3A_398 = vector.broadcast %squeeze3A_393 : i32 to vector<16xi32>
            %select_n3A_399 = arith.select %lt3A_396, %broadcast_in_dim3A_397, %broadcast_in_dim3A_398 : vector<16xi1>, vector<16xi32>
            %shift_right_arithmetic3A_400 = arith.shrsi %select_n3A_399, %mul3A_7 : vector<16xi32>
            %and3A_401 = arith.constant 15 : i32
            %and3A_402 = vector.broadcast %and3A_401 : i32 to vector<16xi32>
            %and3A_403 = arith.andi %shift_right_arithmetic3A_400, %and3A_402 : vector<16xi32>
            %convert_element_type3A_404 = arith.sitofp %and3A_403 : vector<16xi32> to vector<16xf32>
            %mul3A_405 = arith.constant 8 : i32
            %mul3A_406 = arith.muli %scan3A_338, %mul3A_405 : i32
            %add3A_407 = arith.constant 2 : i32
            %add3A_408 = arith.addi %mul3A_406, %add3A_407 : i32
            %mul3A_409 = arith.constant 16 : i32
            %mul3A_410 = arith.muli %add3A_408, %mul3A_409 : i32
            %swap3A_411 = arith.index_cast %mul3A_410 : i32 to index
            %swap3A_412 = tpu.vector_load %arg11[%swap3A_411] {strides = array<i32>} : memref<4096xf32, #tpu.memory_space<vmem>>, vector<16xf32>,
            %swap3A_413 = vector.shape_cast %swap3A_412 : vector<16xf32> to vector<16xf32>
            %swap3A_414 = vector.shape_cast %convert_element_type3A_404 : vector<16xf32> to vector<16xf32>
            tpu.vector_store %arg11[%swap3A_411], %swap3A_414 {strides = array<i32>} : memref<4096xf32, #tpu.memory_space<vmem>>, vector<16xf32>,
            %slice3A_415 = vector.extract_strided_slice %get3A_343 {offsets = [6], sizes = [1], strides = [1]} : vector<16xi32> to vector<1xi32>
            %squeeze3A_416 = vector.extract %slice3A_415[0] : i32 from vector<1xi32>
            %slice3A_417 = vector.extract_strided_slice %get3A_343 {offsets = [7], sizes = [1], strides = [1]} : vector<16xi32> to vector<1xi32>
            %squeeze3A_418 = vector.extract %slice3A_417[0] : i32 from vector<1xi32>
            %lt3A_419 = arith.constant 8 : i32
            %lt3A_420 = vector.broadcast %lt3A_419 : i32 to vector<16xi32>
            %lt3A_421 = arith.cmpi slt, %iota3A, %lt3A_420 : vector<16xi32>
            %broadcast_in_dim3A_422 = vector.broadcast %squeeze3A_416 : i32 to vector<16xi32>
            %broadcast_in_dim3A_423 = vector.broadcast %squeeze3A_418 : i32 to vector<16xi32>
            %select_n3A_424 = arith.select %lt3A_421, %broadcast_in_dim3A_422, %broadcast_in_dim3A_423 : vector<16xi1>, vector<16xi32>
            %shift_right_arithmetic3A_425 = arith.shrsi %select_n3A_424, %mul3A_7 : vector<16xi32>
            %and3A_426 = arith.constant 15 : i32
            %and3A_427 = vector.broadcast %and3A_426 : i32 to vector<16xi32>
            %and3A_428 = arith.andi %shift_right_arithmetic3A_425, %and3A_427 : vector<16xi32>
            %convert_element_type3A_429 = arith.sitofp %and3A_428 : vector<16xi32> to vector<16xf32>
            %mul3A_430 = arith.constant 8 : i32
            %mul3A_431 = arith.muli %scan3A_338, %mul3A_430 : i32
            %add3A_432 = arith.constant 3 : i32
            %add3A_433 = arith.addi %mul3A_431, %add3A_432 : i32
            %mul3A_434 = arith.constant 16 : i32
            %mul3A_435 = arith.muli %add3A_433, %mul3A_434 : i32
            %swap3A_436 = arith.index_cast %mul3A_435 : i32 to index
            %swap3A_437 = tpu.vector_load %arg11[%swap3A_436] {strides = array<i32>} : memref<4096xf32, #tpu.memory_space<vmem>>, vector<16xf32>,
            %swap3A_438 = vector.shape_cast %swap3A_437 : vector<16xf32> to vector<16xf32>
            %swap3A_439 = vector.shape_cast %convert_element_type3A_429 : vector<16xf32> to vector<16xf32>
            tpu.vector_store %arg11[%swap3A_436], %swap3A_439 {strides = array<i32>} : memref<4096xf32, #tpu.memory_space<vmem>>, vector<16xf32>,
            %slice3A_440 = vector.extract_strided_slice %get3A_343 {offsets = [8], sizes = [1], strides = [1]} : vector<16xi32> to vector<1xi32>
            %squeeze3A_441 = vector.extract %slice3A_440[0] : i32 from vector<1xi32>
            %slice3A_442 = vector.extract_strided_slice %get3A_343 {offsets = [9], sizes = [1], strides = [1]} : vector<16xi32> to vector<1xi32>
            %squeeze3A_443 = vector.extract %slice3A_442[0] : i32 from vector<1xi32>
            %lt3A_444 = arith.constant 8 : i32
            %lt3A_445 = vector.broadcast %lt3A_444 : i32 to vector<16xi32>
            %lt3A_446 = arith.cmpi slt, %iota3A, %lt3A_445 : vector<16xi32>
            %broadcast_in_dim3A_447 = vector.broadcast %squeeze3A_441 : i32 to vector<16xi32>
            %broadcast_in_dim3A_448 = vector.broadcast %squeeze3A_443 : i32 to vector<16xi32>
            %select_n3A_449 = arith.select %lt3A_446, %broadcast_in_dim3A_447, %broadcast_in_dim3A_448 : vector<16xi1>, vector<16xi32>
            %shift_right_arithmetic3A_450 = arith.shrsi %select_n3A_449, %mul3A_7 : vector<16xi32>
            %and3A_451 = arith.constant 15 : i32
            %and3A_452 = vector.broadcast %and3A_451 : i32 to vector<16xi32>
            %and3A_453 = arith.andi %shift_right_arithmetic3A_450, %and3A_452 : vector<16xi32>
            %convert_element_type3A_454 = arith.sitofp %and3A_453 : vector<16xi32> to vector<16xf32>
            %mul3A_455 = arith.constant 8 : i32
            %mul3A_456 = arith.muli %scan3A_338, %mul3A_455 : i32
            %add3A_457 = arith.constant 4 : i32
            %add3A_458 = arith.addi %mul3A_456, %add3A_457 : i32
            %mul3A_459 = arith.constant 16 : i32
            %mul3A_460 = arith.muli %add3A_458, %mul3A_459 : i32
            %swap3A_461 = arith.index_cast %mul3A_460 : i32 to index
            %swap3A_462 = tpu.vector_load %arg11[%swap3A_461] {strides = array<i32>} : memref<4096xf32, #tpu.memory_space<vmem>>, vector<16xf32>,
            %swap3A_463 = vector.shape_cast %swap3A_462 : vector<16xf32> to vector<16xf32>
            %swap3A_464 = vector.shape_cast %convert_element_type3A_454 : vector<16xf32> to vector<16xf32>
            tpu.vector_store %arg11[%swap3A_461], %swap3A_464 {strides = array<i32>} : memref<4096xf32, #tpu.memory_space<vmem>>, vector<16xf32>,
            %slice3A_465 = vector.extract_strided_slice %get3A_343 {offsets = [10], sizes = [1], strides = [1]} : vector<16xi32> to vector<1xi32>
            %squeeze3A_466 = vector.extract %slice3A_465[0] : i32 from vector<1xi32>
            %slice3A_467 = vector.extract_strided_slice %get3A_343 {offsets = [11], sizes = [1], strides = [1]} : vector<16xi32> to vector<1xi32>
            %squeeze3A_468 = vector.extract %slice3A_467[0] : i32 from vector<1xi32>
            %lt3A_469 = arith.constant 8 : i32
            %lt3A_470 = vector.broadcast %lt3A_469 : i32 to vector<16xi32>
            %lt3A_471 = arith.cmpi slt, %iota3A, %lt3A_470 : vector<16xi32>
            %broadcast_in_dim3A_472 = vector.broadcast %squeeze3A_466 : i32 to vector<16xi32>
            %broadcast_in_dim3A_473 = vector.broadcast %squeeze3A_468 : i32 to vector<16xi32>
            %select_n3A_474 = arith.select %lt3A_471, %broadcast_in_dim3A_472, %broadcast_in_dim3A_473 : vector<16xi1>, vector<16xi32>
            %shift_right_arithmetic3A_475 = arith.shrsi %select_n3A_474, %mul3A_7 : vector<16xi32>
            %and3A_476 = arith.constant 15 : i32
            %and3A_477 = vector.broadcast %and3A_476 : i32 to vector<16xi32>
            %and3A_478 = arith.andi %shift_right_arithmetic3A_475, %and3A_477 : vector<16xi32>
            %convert_element_type3A_479 = arith.sitofp %and3A_478 : vector<16xi32> to vector<16xf32>
            %mul3A_480 = arith.constant 8 : i32
            %mul3A_481 = arith.muli %scan3A_338, %mul3A_480 : i32
            %add3A_482 = arith.constant 5 : i32
            %add3A_483 = arith.addi %mul3A_481, %add3A_482 : i32
            %mul3A_484 = arith.constant 16 : i32
            %mul3A_485 = arith.muli %add3A_483, %mul3A_484 : i32
            %swap3A_486 = arith.index_cast %mul3A_485 : i32 to index
            %swap3A_487 = tpu.vector_load %arg11[%swap3A_486] {strides = array<i32>} : memref<4096xf32, #tpu.memory_space<vmem>>, vector<16xf32>,
            %swap3A_488 = vector.shape_cast %swap3A_487 : vector<16xf32> to vector<16xf32>
            %swap3A_489 = vector.shape_cast %convert_element_type3A_479 : vector<16xf32> to vector<16xf32>
            tpu.vector_store %arg11[%swap3A_486], %swap3A_489 {strides = array<i32>} : memref<4096xf32, #tpu.memory_space<vmem>>, vector<16xf32>,
            %slice3A_490 = vector.extract_strided_slice %get3A_343 {offsets = [12], sizes = [1], strides = [1]} : vector<16xi32> to vector<1xi32>
            %squeeze3A_491 = vector.extract %slice3A_490[0] : i32 from vector<1xi32>
            %slice3A_492 = vector.extract_strided_slice %get3A_343 {offsets = [13], sizes = [1], strides = [1]} : vector<16xi32> to vector<1xi32>
            %squeeze3A_493 = vector.extract %slice3A_492[0] : i32 from vector<1xi32>
            %lt3A_494 = arith.constant 8 : i32
            %lt3A_495 = vector.broadcast %lt3A_494 : i32 to vector<16xi32>
            %lt3A_496 = arith.cmpi slt, %iota3A, %lt3A_495 : vector<16xi32>
            %broadcast_in_dim3A_497 = vector.broadcast %squeeze3A_491 : i32 to vector<16xi32>
            %broadcast_in_dim3A_498 = vector.broadcast %squeeze3A_493 : i32 to vector<16xi32>
            %select_n3A_499 = arith.select %lt3A_496, %broadcast_in_dim3A_497, %broadcast_in_dim3A_498 : vector<16xi1>, vector<16xi32>
            %shift_right_arithmetic3A_500 = arith.shrsi %select_n3A_499, %mul3A_7 : vector<16xi32>
            %and3A_501 = arith.constant 15 : i32
            %and3A_502 = vector.broadcast %and3A_501 : i32 to vector<16xi32>
            %and3A_503 = arith.andi %shift_right_arithmetic3A_500, %and3A_502 : vector<16xi32>
            %convert_element_type3A_504 = arith.sitofp %and3A_503 : vector<16xi32> to vector<16xf32>
            %mul3A_505 = arith.constant 8 : i32
            %mul3A_506 = arith.muli %scan3A_338, %mul3A_505 : i32
            %add3A_507 = arith.constant 6 : i32
            %add3A_508 = arith.addi %mul3A_506, %add3A_507 : i32
            %mul3A_509 = arith.constant 16 : i32
            %mul3A_510 = arith.muli %add3A_508, %mul3A_509 : i32
            %swap3A_511 = arith.index_cast %mul3A_510 : i32 to index
            %swap3A_512 = tpu.vector_load %arg11[%swap3A_511] {strides = array<i32>} : memref<4096xf32, #tpu.memory_space<vmem>>, vector<16xf32>,
            %swap3A_513 = vector.shape_cast %swap3A_512 : vector<16xf32> to vector<16xf32>
            %swap3A_514 = vector.shape_cast %convert_element_type3A_504 : vector<16xf32> to vector<16xf32>
            tpu.vector_store %arg11[%swap3A_511], %swap3A_514 {strides = array<i32>} : memref<4096xf32, #tpu.memory_space<vmem>>, vector<16xf32>,
            %slice3A_515 = vector.extract_strided_slice %get3A_343 {offsets = [14], sizes = [1], strides = [1]} : vector<16xi32> to vector<1xi32>
            %squeeze3A_516 = vector.extract %slice3A_515[0] : i32 from vector<1xi32>
            %slice3A_517 = vector.extract_strided_slice %get3A_343 {offsets = [15], sizes = [1], strides = [1]} : vector<16xi32> to vector<1xi32>
            %squeeze3A_518 = vector.extract %slice3A_517[0] : i32 from vector<1xi32>
            %lt3A_519 = arith.constant 8 : i32
            %lt3A_520 = vector.broadcast %lt3A_519 : i32 to vector<16xi32>
            %lt3A_521 = arith.cmpi slt, %iota3A, %lt3A_520 : vector<16xi32>
            %broadcast_in_dim3A_522 = vector.broadcast %squeeze3A_516 : i32 to vector<16xi32>
            %broadcast_in_dim3A_523 = vector.broadcast %squeeze3A_518 : i32 to vector<16xi32>
            %select_n3A_524 = arith.select %lt3A_521, %broadcast_in_dim3A_522, %broadcast_in_dim3A_523 : vector<16xi1>, vector<16xi32>
            %shift_right_arithmetic3A_525 = arith.shrsi %select_n3A_524, %mul3A_7 : vector<16xi32>
            %and3A_526 = arith.constant 15 : i32
            %and3A_527 = vector.broadcast %and3A_526 : i32 to vector<16xi32>
            %and3A_528 = arith.andi %shift_right_arithmetic3A_525, %and3A_527 : vector<16xi32>
            %convert_element_type3A_529 = arith.sitofp %and3A_528 : vector<16xi32> to vector<16xf32>
            %mul3A_530 = arith.constant 8 : i32
            %mul3A_531 = arith.muli %scan3A_338, %mul3A_530 : i32
            %add3A_532 = arith.constant 7 : i32
            %add3A_533 = arith.addi %mul3A_531, %add3A_532 : i32
            %mul3A_534 = arith.constant 16 : i32
            %mul3A_535 = arith.muli %add3A_533, %mul3A_534 : i32
            %swap3A_536 = arith.index_cast %mul3A_535 : i32 to index
            %swap3A_537 = tpu.vector_load %arg11[%swap3A_536] {strides = array<i32>} : memref<4096xf32, #tpu.memory_space<vmem>>, vector<16xf32>,
            %swap3A_538 = vector.shape_cast %swap3A_537 : vector<16xf32> to vector<16xf32>
            %swap3A_539 = vector.shape_cast %convert_element_type3A_529 : vector<16xf32> to vector<16xf32>
            tpu.vector_store %arg11[%swap3A_536], %swap3A_539 {strides = array<i32>} : memref<4096xf32, #tpu.memory_space<vmem>>, vector<16xf32>,
          }
          %scan3A_337 = arith.constant 32 : i32
          scf.yield %squeeze3A_254 : i32
        } else {
          scf.yield %cond3A_272 : i32
        }
        %scan3A_322 = arith.constant 0 : i32
        %scan3A_323 = arith.constant 0 : i32
        %scan3A_324 = arith.constant 128 : i32
        %scan3A_325 = arith.addi %scan3A_323, %scan3A_324 : i32
        %scan3A_326 = arith.constant 1 : i32
        scf.for %scan3A_328 = %scan3A_323 to %scan3A_325 step %scan3A_326  : i32 {
          %jit3A_329 = arith.constant 8 : i32
          %div3A = arith.divsi %scan3A_328, %jit3A_329 : i32
          %sign3A = arith.constant 0 : i32
          %sign3A_330 = arith.cmpi sgt, %scan3A_328, %sign3A : i32
          %sign3A_331 = arith.extui %sign3A_330 : i1 to i32
          %sign3A_332 = arith.constant 0 : i32
          %sign3A_333 = arith.cmpi slt, %scan3A_328, %sign3A_332 : i32
          %sign3A_334 = arith.extui %sign3A_333 : i1 to i32
          %sign3A_335 = arith.subi %sign3A_331, %sign3A_334 : i32
          %sign3A_336 = arith.constant 0 : i32
          %sign3A_337 = arith.cmpi sgt, %jit3A_329, %sign3A_336 : i32
          %sign3A_338 = arith.extui %sign3A_337 : i1 to i32
          %sign3A_339 = arith.constant 0 : i32
          %sign3A_340 = arith.cmpi slt, %jit3A_329, %sign3A_339 : i32
          %sign3A_341 = arith.extui %sign3A_340 : i1 to i32
          %sign3A_342 = arith.subi %sign3A_338, %sign3A_341 : i32
          %ne3A_343 = arith.cmpi ne, %sign3A_335, %sign3A_342 : i32
          %rem3A = arith.remsi %scan3A_328, %jit3A_329 : i32
          %ne3A_344 = arith.constant 0 : i32
          %ne3A_345 = arith.cmpi ne, %rem3A, %ne3A_344 : i32
          %and3A_346 = arith.andi %ne3A_343, %ne3A_345 : i1
          %sub3A = arith.constant 1 : i32
          %sub3A_347 = arith.subi %div3A, %sub3A : i32
          %select_n3A = arith.select %and3A_346, %sub3A_347, %div3A : i32
          %mul3A_348 = arith.constant 896 : i32
          %mul3A_349 = arith.muli %mul3A_348, %select_n3A : i32
          %mul3A_350 = arith.constant 16 : i32
          %mul3A_351 = arith.muli %mul3A_350, %scan3A_328 : i32
          %add3A_352 = arith.addi %mul3A_349, %mul3A_351 : i32
          %mul3A_353 = arith.constant 128 : i32
          %mul3A_354 = arith.muli %mul3A_353, %scan3A_244 : i32
          %add3A_355 = arith.addi %add3A_352, %mul3A_354 : i32
          %get3A_356 = arith.index_cast %add3A_355 : i32 to index
          %get3A_357 = tpu.vector_load %arg16[%get3A_356] {strides = array<i32>} : memref<16384xi32, #tpu.memory_space<vmem>>, vector<16xi32>,
          %get3A_358 = vector.shape_cast %get3A_357 : vector<16xi32> to vector<16xi32>
          %mul3A_359 = arith.constant 16 : i32
          %mul3A_360 = arith.muli %scan3A_328, %mul3A_359 : i32
          %add3A_361 = arith.constant 2048 : i32
          %add3A_362 = arith.addi %add3A_361, %mul3A_360 : i32
          %get3A_363 = arith.index_cast %add3A_362 : i32 to index
          %get3A_364 = tpu.vector_load %arg10[%get3A_363] {strides = array<i32>} : memref<4096xf32, #tpu.memory_space<vmem>>, vector<16xf32>,
          %get3A_365 = vector.shape_cast %get3A_364 : vector<16xf32> to vector<16xf32>
          %mul3A_366 = arith.constant 16 : i32
          %mul3A_367 = arith.muli %scan3A_328, %mul3A_366 : i32
          %add3A_368 = arith.constant 2048 : i32
          %add3A_369 = arith.addi %add3A_368, %mul3A_367 : i32
          %get3A_370 = arith.index_cast %add3A_369 : i32 to index
          %get3A_371 = tpu.vector_load %arg11[%get3A_370] {strides = array<i32>} : memref<4096xf32, #tpu.memory_space<vmem>>, vector<16xf32>,
          %get3A_372 = vector.shape_cast %get3A_371 : vector<16xf32> to vector<16xf32>
          %jit3A_373 = arith.constant 8 : i32
          %div3A_374 = arith.divsi %scan3A_328, %jit3A_373 : i32
          %sign3A_375 = arith.constant 0 : i32
          %sign3A_376 = arith.cmpi sgt, %scan3A_328, %sign3A_375 : i32
          %sign3A_377 = arith.extui %sign3A_376 : i1 to i32
          %sign3A_378 = arith.constant 0 : i32
          %sign3A_379 = arith.cmpi slt, %scan3A_328, %sign3A_378 : i32
          %sign3A_380 = arith.extui %sign3A_379 : i1 to i32
          %sign3A_381 = arith.subi %sign3A_377, %sign3A_380 : i32
          %sign3A_382 = arith.constant 0 : i32
          %sign3A_383 = arith.cmpi sgt, %jit3A_373, %sign3A_382 : i32
          %sign3A_384 = arith.extui %sign3A_383 : i1 to i32
          %sign3A_385 = arith.constant 0 : i32
          %sign3A_386 = arith.cmpi slt, %jit3A_373, %sign3A_385 : i32
          %sign3A_387 = arith.extui %sign3A_386 : i1 to i32
          %sign3A_388 = arith.subi %sign3A_384, %sign3A_387 : i32
          %ne3A_389 = arith.cmpi ne, %sign3A_381, %sign3A_388 : i32
          %rem3A_390 = arith.remsi %scan3A_328, %jit3A_373 : i32
          %ne3A_391 = arith.constant 0 : i32
          %ne3A_392 = arith.cmpi ne, %rem3A_390, %ne3A_391 : i32
          %and3A_393 = arith.andi %ne3A_389, %ne3A_392 : i1
          %sub3A_394 = arith.constant 1 : i32
          %sub3A_395 = arith.subi %div3A_374, %sub3A_394 : i32
          %select_n3A_396 = arith.select %and3A_393, %sub3A_395, %div3A_374 : i32
          %mul3A_397 = arith.constant 896 : i32
          %mul3A_398 = arith.muli %mul3A_397, %select_n3A_396 : i32
          %mul3A_399 = arith.constant 16 : i32
          %mul3A_400 = arith.muli %mul3A_399, %scan3A_328 : i32
          %add3A_401 = arith.addi %mul3A_398, %mul3A_400 : i32
          %shift_right_arithmetic3A = arith.constant 0 : i32
          %shift_right_arithmetic3A_402 = vector.broadcast %shift_right_arithmetic3A : i32 to vector<16xi32>
          %shift_right_arithmetic3A_403 = arith.shrsi %get3A_358, %shift_right_arithmetic3A_402 : vector<16xi32>
          %and3A_404 = arith.constant 15 : i32
          %and3A_405 = vector.broadcast %and3A_404 : i32 to vector<16xi32>
          %and3A_406 = arith.andi %shift_right_arithmetic3A_403, %and3A_405 : vector<16xi32>
          %convert_element_type3A_407 = arith.sitofp %and3A_406 : vector<16xi32> to vector<16xf32>
          %sub3A_408 = arith.subf %convert_element_type3A_407, %get3A_372 : vector<16xf32>
          %mul3A_409 = arith.mulf %get3A_365, %sub3A_408 : vector<16xf32>
          %add3A_410 = arith.constant 0 : i32
          %add3A_411 = arith.addi %add3A_401, %add3A_410 : i32
          %swap3A_412 = arith.index_cast %add3A_411 : i32 to index
          %swap3A_413 = tpu.vector_load %arg18[%swap3A_412] {strides = array<i32>} : memref<16384xf32, #tpu.memory_space<vmem>>, vector<16xf32>,
          %swap3A_414 = vector.shape_cast %swap3A_413 : vector<16xf32> to vector<16xf32>
          %swap3A_415 = vector.shape_cast %mul3A_409 : vector<16xf32> to vector<16xf32>
          tpu.vector_store %arg18[%swap3A_412], %swap3A_415 {strides = array<i32>} : memref<16384xf32, #tpu.memory_space<vmem>>, vector<16xf32>,
          %shift_right_arithmetic3A_416 = arith.constant 4 : i32
          %shift_right_arithmetic3A_417 = vector.broadcast %shift_right_arithmetic3A_416 : i32 to vector<16xi32>
          %shift_right_arithmetic3A_418 = arith.shrsi %get3A_358, %shift_right_arithmetic3A_417 : vector<16xi32>
          %and3A_419 = arith.constant 15 : i32
          %and3A_420 = vector.broadcast %and3A_419 : i32 to vector<16xi32>
          %and3A_421 = arith.andi %shift_right_arithmetic3A_418, %and3A_420 : vector<16xi32>
          %convert_element_type3A_422 = arith.sitofp %and3A_421 : vector<16xi32> to vector<16xf32>
          %sub3A_423 = arith.subf %convert_element_type3A_422, %get3A_372 : vector<16xf32>
          %mul3A_424 = arith.mulf %get3A_365, %sub3A_423 : vector<16xf32>
          %add3A_425 = arith.constant 128 : i32
          %add3A_426 = arith.addi %add3A_401, %add3A_425 : i32
          %swap3A_427 = arith.index_cast %add3A_426 : i32 to index
          %swap3A_428 = tpu.vector_load %arg18[%swap3A_427] {strides = array<i32>} : memref<16384xf32, #tpu.memory_space<vmem>>, vector<16xf32>,
          %swap3A_429 = vector.shape_cast %swap3A_428 : vector<16xf32> to vector<16xf32>
          %swap3A_430 = vector.shape_cast %mul3A_424 : vector<16xf32> to vector<16xf32>
          tpu.vector_store %arg18[%swap3A_427], %swap3A_430 {strides = array<i32>} : memref<16384xf32, #tpu.memory_space<vmem>>, vector<16xf32>,
          %shift_right_arithmetic3A_431 = arith.constant 8 : i32
          %shift_right_arithmetic3A_432 = vector.broadcast %shift_right_arithmetic3A_431 : i32 to vector<16xi32>
          %shift_right_arithmetic3A_433 = arith.shrsi %get3A_358, %shift_right_arithmetic3A_432 : vector<16xi32>
          %and3A_434 = arith.constant 15 : i32
          %and3A_435 = vector.broadcast %and3A_434 : i32 to vector<16xi32>
          %and3A_436 = arith.andi %shift_right_arithmetic3A_433, %and3A_435 : vector<16xi32>
          %convert_element_type3A_437 = arith.sitofp %and3A_436 : vector<16xi32> to vector<16xf32>
          %sub3A_438 = arith.subf %convert_element_type3A_437, %get3A_372 : vector<16xf32>
          %mul3A_439 = arith.mulf %get3A_365, %sub3A_438 : vector<16xf32>
          %add3A_440 = arith.constant 256 : i32
          %add3A_441 = arith.addi %add3A_401, %add3A_440 : i32
          %swap3A_442 = arith.index_cast %add3A_441 : i32 to index
          %swap3A_443 = tpu.vector_load %arg18[%swap3A_442] {strides = array<i32>} : memref<16384xf32, #tpu.memory_space<vmem>>, vector<16xf32>,
          %swap3A_444 = vector.shape_cast %swap3A_443 : vector<16xf32> to vector<16xf32>
          %swap3A_445 = vector.shape_cast %mul3A_439 : vector<16xf32> to vector<16xf32>
          tpu.vector_store %arg18[%swap3A_442], %swap3A_445 {strides = array<i32>} : memref<16384xf32, #tpu.memory_space<vmem>>, vector<16xf32>,
          %shift_right_arithmetic3A_446 = arith.constant 12 : i32
          %shift_right_arithmetic3A_447 = vector.broadcast %shift_right_arithmetic3A_446 : i32 to vector<16xi32>
          %shift_right_arithmetic3A_448 = arith.shrsi %get3A_358, %shift_right_arithmetic3A_447 : vector<16xi32>
          %and3A_449 = arith.constant 15 : i32
          %and3A_450 = vector.broadcast %and3A_449 : i32 to vector<16xi32>
          %and3A_451 = arith.andi %shift_right_arithmetic3A_448, %and3A_450 : vector<16xi32>
          %convert_element_type3A_452 = arith.sitofp %and3A_451 : vector<16xi32> to vector<16xf32>
          %sub3A_453 = arith.subf %convert_element_type3A_452, %get3A_372 : vector<16xf32>
          %mul3A_454 = arith.mulf %get3A_365, %sub3A_453 : vector<16xf32>
          %add3A_455 = arith.constant 384 : i32
          %add3A_456 = arith.addi %add3A_401, %add3A_455 : i32
          %swap3A_457 = arith.index_cast %add3A_456 : i32 to index
          %swap3A_458 = tpu.vector_load %arg18[%swap3A_457] {strides = array<i32>} : memref<16384xf32, #tpu.memory_space<vmem>>, vector<16xf32>,
          %swap3A_459 = vector.shape_cast %swap3A_458 : vector<16xf32> to vector<16xf32>
          %swap3A_460 = vector.shape_cast %mul3A_454 : vector<16xf32> to vector<16xf32>
          tpu.vector_store %arg18[%swap3A_457], %swap3A_460 {strides = array<i32>} : memref<16384xf32, #tpu.memory_space<vmem>>, vector<16xf32>,
          %shift_right_arithmetic3A_461 = arith.constant 16 : i32
          %shift_right_arithmetic3A_462 = vector.broadcast %shift_right_arithmetic3A_461 : i32 to vector<16xi32>
          %shift_right_arithmetic3A_463 = arith.shrsi %get3A_358, %shift_right_arithmetic3A_462 : vector<16xi32>
          %and3A_464 = arith.constant 15 : i32
          %and3A_465 = vector.broadcast %and3A_464 : i32 to vector<16xi32>
          %and3A_466 = arith.andi %shift_right_arithmetic3A_463, %and3A_465 : vector<16xi32>
          %convert_element_type3A_467 = arith.sitofp %and3A_466 : vector<16xi32> to vector<16xf32>
          %sub3A_468 = arith.subf %convert_element_type3A_467, %get3A_372 : vector<16xf32>
          %mul3A_469 = arith.mulf %get3A_365, %sub3A_468 : vector<16xf32>
          %add3A_470 = arith.constant 512 : i32
          %add3A_471 = arith.addi %add3A_401, %add3A_470 : i32
          %swap3A_472 = arith.index_cast %add3A_471 : i32 to index
          %swap3A_473 = tpu.vector_load %arg18[%swap3A_472] {strides = array<i32>} : memref<16384xf32, #tpu.memory_space<vmem>>, vector<16xf32>,
          %swap3A_474 = vector.shape_cast %swap3A_473 : vector<16xf32> to vector<16xf32>
          %swap3A_475 = vector.shape_cast %mul3A_469 : vector<16xf32> to vector<16xf32>
          tpu.vector_store %arg18[%swap3A_472], %swap3A_475 {strides = array<i32>} : memref<16384xf32, #tpu.memory_space<vmem>>, vector<16xf32>,
          %shift_right_arithmetic3A_476 = arith.constant 20 : i32
          %shift_right_arithmetic3A_477 = vector.broadcast %shift_right_arithmetic3A_476 : i32 to vector<16xi32>
          %shift_right_arithmetic3A_478 = arith.shrsi %get3A_358, %shift_right_arithmetic3A_477 : vector<16xi32>
          %and3A_479 = arith.constant 15 : i32
          %and3A_480 = vector.broadcast %and3A_479 : i32 to vector<16xi32>
          %and3A_481 = arith.andi %shift_right_arithmetic3A_478, %and3A_480 : vector<16xi32>
          %convert_element_type3A_482 = arith.sitofp %and3A_481 : vector<16xi32> to vector<16xf32>
          %sub3A_483 = arith.subf %convert_element_type3A_482, %get3A_372 : vector<16xf32>
          %mul3A_484 = arith.mulf %get3A_365, %sub3A_483 : vector<16xf32>
          %add3A_485 = arith.constant 640 : i32
          %add3A_486 = arith.addi %add3A_401, %add3A_485 : i32
          %swap3A_487 = arith.index_cast %add3A_486 : i32 to index
          %swap3A_488 = tpu.vector_load %arg18[%swap3A_487] {strides = array<i32>} : memref<16384xf32, #tpu.memory_space<vmem>>, vector<16xf32>,
          %swap3A_489 = vector.shape_cast %swap3A_488 : vector<16xf32> to vector<16xf32>
          %swap3A_490 = vector.shape_cast %mul3A_484 : vector<16xf32> to vector<16xf32>
          tpu.vector_store %arg18[%swap3A_487], %swap3A_490 {strides = array<i32>} : memref<16384xf32, #tpu.memory_space<vmem>>, vector<16xf32>,
          %shift_right_arithmetic3A_491 = arith.constant 24 : i32
          %shift_right_arithmetic3A_492 = vector.broadcast %shift_right_arithmetic3A_491 : i32 to vector<16xi32>
          %shift_right_arithmetic3A_493 = arith.shrsi %get3A_358, %shift_right_arithmetic3A_492 : vector<16xi32>
          %and3A_494 = arith.constant 15 : i32
          %and3A_495 = vector.broadcast %and3A_494 : i32 to vector<16xi32>
          %and3A_496 = arith.andi %shift_right_arithmetic3A_493, %and3A_495 : vector<16xi32>
          %convert_element_type3A_497 = arith.sitofp %and3A_496 : vector<16xi32> to vector<16xf32>
          %sub3A_498 = arith.subf %convert_element_type3A_497, %get3A_372 : vector<16xf32>
          %mul3A_499 = arith.mulf %get3A_365, %sub3A_498 : vector<16xf32>
          %add3A_500 = arith.constant 768 : i32
          %add3A_501 = arith.addi %add3A_401, %add3A_500 : i32
          %swap3A_502 = arith.index_cast %add3A_501 : i32 to index
          %swap3A_503 = tpu.vector_load %arg18[%swap3A_502] {strides = array<i32>} : memref<16384xf32, #tpu.memory_space<vmem>>, vector<16xf32>,
          %swap3A_504 = vector.shape_cast %swap3A_503 : vector<16xf32> to vector<16xf32>
          %swap3A_505 = vector.shape_cast %mul3A_499 : vector<16xf32> to vector<16xf32>
          tpu.vector_store %arg18[%swap3A_502], %swap3A_505 {strides = array<i32>} : memref<16384xf32, #tpu.memory_space<vmem>>, vector<16xf32>,
          %shift_right_arithmetic3A_506 = arith.constant 28 : i32
          %shift_right_arithmetic3A_507 = vector.broadcast %shift_right_arithmetic3A_506 : i32 to vector<16xi32>
          %shift_right_arithmetic3A_508 = arith.shrsi %get3A_358, %shift_right_arithmetic3A_507 : vector<16xi32>
          %and3A_509 = arith.constant 15 : i32
          %and3A_510 = vector.broadcast %and3A_509 : i32 to vector<16xi32>
          %and3A_511 = arith.andi %shift_right_arithmetic3A_508, %and3A_510 : vector<16xi32>
          %convert_element_type3A_512 = arith.sitofp %and3A_511 : vector<16xi32> to vector<16xf32>
          %sub3A_513 = arith.subf %convert_element_type3A_512, %get3A_372 : vector<16xf32>
          %mul3A_514 = arith.mulf %get3A_365, %sub3A_513 : vector<16xf32>
          %add3A_515 = arith.constant 896 : i32
          %add3A_516 = arith.addi %add3A_401, %add3A_515 : i32
          %swap3A_517 = arith.index_cast %add3A_516 : i32 to index
          %swap3A_518 = tpu.vector_load %arg18[%swap3A_517] {strides = array<i32>} : memref<16384xf32, #tpu.memory_space<vmem>>, vector<16xf32>,
          %swap3A_519 = vector.shape_cast %swap3A_518 : vector<16xf32> to vector<16xf32>
          %swap3A_520 = vector.shape_cast %mul3A_514 : vector<16xf32> to vector<16xf32>
          tpu.vector_store %arg18[%swap3A_517], %swap3A_520 {strides = array<i32>} : memref<16384xf32, #tpu.memory_space<vmem>>, vector<16xf32>,
        }
        %scan3A_327 = arith.constant 128 : i32
        scf.yield %cond3A_321 : i32
      } else {
        %scan3A_318 = arith.constant 0 : i32
        %scan3A_319 = arith.constant 8 : i32
        %scan3A_320 = arith.addi %scan3A_318, %scan3A_319 : i32
        %scan3A_321 = arith.constant 1 : i32
        %scan3A_322 = scf.for %scan3A_324 = %scan3A_318 to %scan3A_320 step %scan3A_321 iter_args(%scan3A_325 = %cond3A_272) -> (i32)  : i32 {
          %add3A_326 = arith.addi %add3A_249, %scan3A_324 : i32
          %get3A_327 = arith.index_cast %add3A_326 : i32 to index
          %get3A_328 = tpu.vector_load %arg8[%get3A_327] {strides = array<i32>} : memref<160xi32, #tpu.memory_space<vmem>>, vector<16xi32>,
          %get3A_329 = vector.shape_cast %get3A_328 : vector<16xi32> to vector<16xi32>
          %slice3A_330 = vector.extract_strided_slice %get3A_329 {offsets = [0], sizes = [1], strides = [1]} : vector<16xi32> to vector<1xi32>
          %squeeze3A_331 = vector.extract %slice3A_330[0] : i32 from vector<1xi32>
          %ne3A = arith.cmpi ne, %squeeze3A_331, %scan3A_325 : i32
          %convert_element_type3A_332 = arith.extui %ne3A : i1 to i32
          %cond3A_333 = arith.constant 0 : i32
          %cond3A_334 = arith.cmpi ne, %convert_element_type3A_332, %cond3A_333 : i32
          %cond3A_335 = scf.if %cond3A_334 -> (i32) {
            %mul3A_342 = arith.constant 4096 : i32
            %mul3A_343 = arith.muli %squeeze3A_331, %mul3A_342 : i32
            "tpu.region"() ({
              %run_scoped3A = tpu.sem_alloc : memref<!tpu.dma_semaphore, #tpu.memory_space<semaphore_mem>>
              %dma_start3A_352 = tpu.memref_slice %arg4[%mul3A_343] : memref<131072xf32, #tpu.memory_space<hbm>> -> memref<4096xf32, #tpu.memory_space<hbm>>
              %dma_start3A_353 = tpu.memref_slice %arg4[%mul3A_343] : memref<131072xf32, #tpu.memory_space<hbm>> -> memref<4096xf32, #tpu.memory_space<hbm>>
              tpu.enqueue_dma source(%dma_start3A_353 : memref<4096xf32, #tpu.memory_space<hbm>>) target(%arg10 : memref<4096xf32, #tpu.memory_space<vmem>>) target_semaphore(%run_scoped3A : memref<!tpu.dma_semaphore, #tpu.memory_space<semaphore_mem>>)
              %dma_wait3A_354 = tpu.memref_slice %arg4[%mul3A_343] : memref<131072xf32, #tpu.memory_space<hbm>> -> memref<4096xf32, #tpu.memory_space<hbm>>
              %dma_wait3A_355 = tpu.memref_slice %arg4[%mul3A_343] : memref<131072xf32, #tpu.memory_space<hbm>> -> memref<4096xf32, #tpu.memory_space<hbm>>
              tpu.wait_dma2 semaphore(%run_scoped3A : memref<!tpu.dma_semaphore, #tpu.memory_space<semaphore_mem>>) src(%dma_wait3A_355 : memref<4096xf32, #tpu.memory_space<hbm>>) dst(%arg10 : memref<4096xf32, #tpu.memory_space<vmem>>)
              tpu.yield
            }) : () -> ()
            %mul3A_344 = arith.constant 512 : i32
            %mul3A_345 = arith.muli %squeeze3A_331, %mul3A_344 : i32
            "tpu.region"() ({
              %run_scoped3A = tpu.sem_alloc : memref<!tpu.dma_semaphore, #tpu.memory_space<semaphore_mem>>
              %dma_start3A_352 = tpu.memref_slice %arg3[%mul3A_345] : memref<16384xi32, #tpu.memory_space<hbm>> -> memref<512xi32, #tpu.memory_space<hbm>>
              %dma_start3A_353 = tpu.memref_slice %arg3[%mul3A_345] : memref<16384xi32, #tpu.memory_space<hbm>> -> memref<512xi32, #tpu.memory_space<hbm>>
              tpu.enqueue_dma source(%dma_start3A_353 : memref<512xi32, #tpu.memory_space<hbm>>) target(%arg12 : memref<512xi32, #tpu.memory_space<vmem>>) target_semaphore(%run_scoped3A : memref<!tpu.dma_semaphore, #tpu.memory_space<semaphore_mem>>)
              %dma_wait3A_354 = tpu.memref_slice %arg3[%mul3A_345] : memref<16384xi32, #tpu.memory_space<hbm>> -> memref<512xi32, #tpu.memory_space<hbm>>
              %dma_wait3A_355 = tpu.memref_slice %arg3[%mul3A_345] : memref<16384xi32, #tpu.memory_space<hbm>> -> memref<512xi32, #tpu.memory_space<hbm>>
              tpu.wait_dma2 semaphore(%run_scoped3A : memref<!tpu.dma_semaphore, #tpu.memory_space<semaphore_mem>>) src(%dma_wait3A_355 : memref<512xi32, #tpu.memory_space<hbm>>) dst(%arg12 : memref<512xi32, #tpu.memory_space<vmem>>)
              tpu.yield
            }) : () -> ()
            %scan3A_346 = arith.constant 0 : i32
            %scan3A_347 = arith.constant 0 : i32
            %scan3A_348 = arith.constant 32 : i32
            %scan3A_349 = arith.addi %scan3A_347, %scan3A_348 : i32
            %scan3A_350 = arith.constant 1 : i32
            scf.for %scan3A_352 = %scan3A_347 to %scan3A_349 step %scan3A_350  : i32 {
              %mul3A_353 = arith.constant 16 : i32
              %mul3A_354 = arith.muli %scan3A_352, %mul3A_353 : i32
              %get3A_355 = arith.index_cast %mul3A_354 : i32 to index
              %get3A_356 = tpu.vector_load %arg12[%get3A_355] {strides = array<i32>} : memref<512xi32, #tpu.memory_space<vmem>>, vector<16xi32>,
              %get3A_357 = vector.shape_cast %get3A_356 : vector<16xi32> to vector<16xi32>
              %slice3A_358 = vector.extract_strided_slice %get3A_357 {offsets = [0], sizes = [1], strides = [1]} : vector<16xi32> to vector<1xi32>
              %squeeze3A_359 = vector.extract %slice3A_358[0] : i32 from vector<1xi32>
              %slice3A_360 = vector.extract_strided_slice %get3A_357 {offsets = [1], sizes = [1], strides = [1]} : vector<16xi32> to vector<1xi32>
              %squeeze3A_361 = vector.extract %slice3A_360[0] : i32 from vector<1xi32>
              %lt3A = arith.constant 8 : i32
              %lt3A_362 = vector.broadcast %lt3A : i32 to vector<16xi32>
              %lt3A_363 = arith.cmpi slt, %iota3A, %lt3A_362 : vector<16xi32>
              %broadcast_in_dim3A = vector.broadcast %squeeze3A_359 : i32 to vector<16xi32>
              %broadcast_in_dim3A_364 = vector.broadcast %squeeze3A_361 : i32 to vector<16xi32>
              %select_n3A = arith.select %lt3A_363, %broadcast_in_dim3A, %broadcast_in_dim3A_364 : vector<16xi1>, vector<16xi32>
              %shift_right_arithmetic3A = arith.shrsi %select_n3A, %mul3A_7 : vector<16xi32>
              %and3A_365 = arith.constant 15 : i32
              %and3A_366 = vector.broadcast %and3A_365 : i32 to vector<16xi32>
              %and3A_367 = arith.andi %shift_right_arithmetic3A, %and3A_366 : vector<16xi32>
              %convert_element_type3A_368 = arith.sitofp %and3A_367 : vector<16xi32> to vector<16xf32>
              %mul3A_369 = arith.constant 8 : i32
              %mul3A_370 = arith.muli %scan3A_352, %mul3A_369 : i32
              %add3A_371 = arith.constant 0 : i32
              %add3A_372 = arith.addi %mul3A_370, %add3A_371 : i32
              %mul3A_373 = arith.constant 16 : i32
              %mul3A_374 = arith.muli %add3A_372, %mul3A_373 : i32
              %swap3A_375 = arith.index_cast %mul3A_374 : i32 to index
              %swap3A_376 = tpu.vector_load %arg11[%swap3A_375] {strides = array<i32>} : memref<4096xf32, #tpu.memory_space<vmem>>, vector<16xf32>,
              %swap3A_377 = vector.shape_cast %swap3A_376 : vector<16xf32> to vector<16xf32>
              %swap3A_378 = vector.shape_cast %convert_element_type3A_368 : vector<16xf32> to vector<16xf32>
              tpu.vector_store %arg11[%swap3A_375], %swap3A_378 {strides = array<i32>} : memref<4096xf32, #tpu.memory_space<vmem>>, vector<16xf32>,
              %slice3A_379 = vector.extract_strided_slice %get3A_357 {offsets = [2], sizes = [1], strides = [1]} : vector<16xi32> to vector<1xi32>
              %squeeze3A_380 = vector.extract %slice3A_379[0] : i32 from vector<1xi32>
              %slice3A_381 = vector.extract_strided_slice %get3A_357 {offsets = [3], sizes = [1], strides = [1]} : vector<16xi32> to vector<1xi32>
              %squeeze3A_382 = vector.extract %slice3A_381[0] : i32 from vector<1xi32>
              %lt3A_383 = arith.constant 8 : i32
              %lt3A_384 = vector.broadcast %lt3A_383 : i32 to vector<16xi32>
              %lt3A_385 = arith.cmpi slt, %iota3A, %lt3A_384 : vector<16xi32>
              %broadcast_in_dim3A_386 = vector.broadcast %squeeze3A_380 : i32 to vector<16xi32>
              %broadcast_in_dim3A_387 = vector.broadcast %squeeze3A_382 : i32 to vector<16xi32>
              %select_n3A_388 = arith.select %lt3A_385, %broadcast_in_dim3A_386, %broadcast_in_dim3A_387 : vector<16xi1>, vector<16xi32>
              %shift_right_arithmetic3A_389 = arith.shrsi %select_n3A_388, %mul3A_7 : vector<16xi32>
              %and3A_390 = arith.constant 15 : i32
              %and3A_391 = vector.broadcast %and3A_390 : i32 to vector<16xi32>
              %and3A_392 = arith.andi %shift_right_arithmetic3A_389, %and3A_391 : vector<16xi32>
              %convert_element_type3A_393 = arith.sitofp %and3A_392 : vector<16xi32> to vector<16xf32>
              %mul3A_394 = arith.constant 8 : i32
              %mul3A_395 = arith.muli %scan3A_352, %mul3A_394 : i32
              %add3A_396 = arith.constant 1 : i32
              %add3A_397 = arith.addi %mul3A_395, %add3A_396 : i32
              %mul3A_398 = arith.constant 16 : i32
              %mul3A_399 = arith.muli %add3A_397, %mul3A_398 : i32
              %swap3A_400 = arith.index_cast %mul3A_399 : i32 to index
              %swap3A_401 = tpu.vector_load %arg11[%swap3A_400] {strides = array<i32>} : memref<4096xf32, #tpu.memory_space<vmem>>, vector<16xf32>,
              %swap3A_402 = vector.shape_cast %swap3A_401 : vector<16xf32> to vector<16xf32>
              %swap3A_403 = vector.shape_cast %convert_element_type3A_393 : vector<16xf32> to vector<16xf32>
              tpu.vector_store %arg11[%swap3A_400], %swap3A_403 {strides = array<i32>} : memref<4096xf32, #tpu.memory_space<vmem>>, vector<16xf32>,
              %slice3A_404 = vector.extract_strided_slice %get3A_357 {offsets = [4], sizes = [1], strides = [1]} : vector<16xi32> to vector<1xi32>
              %squeeze3A_405 = vector.extract %slice3A_404[0] : i32 from vector<1xi32>
              %slice3A_406 = vector.extract_strided_slice %get3A_357 {offsets = [5], sizes = [1], strides = [1]} : vector<16xi32> to vector<1xi32>
              %squeeze3A_407 = vector.extract %slice3A_406[0] : i32 from vector<1xi32>
              %lt3A_408 = arith.constant 8 : i32
              %lt3A_409 = vector.broadcast %lt3A_408 : i32 to vector<16xi32>
              %lt3A_410 = arith.cmpi slt, %iota3A, %lt3A_409 : vector<16xi32>
              %broadcast_in_dim3A_411 = vector.broadcast %squeeze3A_405 : i32 to vector<16xi32>
              %broadcast_in_dim3A_412 = vector.broadcast %squeeze3A_407 : i32 to vector<16xi32>
              %select_n3A_413 = arith.select %lt3A_410, %broadcast_in_dim3A_411, %broadcast_in_dim3A_412 : vector<16xi1>, vector<16xi32>
              %shift_right_arithmetic3A_414 = arith.shrsi %select_n3A_413, %mul3A_7 : vector<16xi32>
              %and3A_415 = arith.constant 15 : i32
              %and3A_416 = vector.broadcast %and3A_415 : i32 to vector<16xi32>
              %and3A_417 = arith.andi %shift_right_arithmetic3A_414, %and3A_416 : vector<16xi32>
              %convert_element_type3A_418 = arith.sitofp %and3A_417 : vector<16xi32> to vector<16xf32>
              %mul3A_419 = arith.constant 8 : i32
              %mul3A_420 = arith.muli %scan3A_352, %mul3A_419 : i32
              %add3A_421 = arith.constant 2 : i32
              %add3A_422 = arith.addi %mul3A_420, %add3A_421 : i32
              %mul3A_423 = arith.constant 16 : i32
              %mul3A_424 = arith.muli %add3A_422, %mul3A_423 : i32
              %swap3A_425 = arith.index_cast %mul3A_424 : i32 to index
              %swap3A_426 = tpu.vector_load %arg11[%swap3A_425] {strides = array<i32>} : memref<4096xf32, #tpu.memory_space<vmem>>, vector<16xf32>,
              %swap3A_427 = vector.shape_cast %swap3A_426 : vector<16xf32> to vector<16xf32>
              %swap3A_428 = vector.shape_cast %convert_element_type3A_418 : vector<16xf32> to vector<16xf32>
              tpu.vector_store %arg11[%swap3A_425], %swap3A_428 {strides = array<i32>} : memref<4096xf32, #tpu.memory_space<vmem>>, vector<16xf32>,
              %slice3A_429 = vector.extract_strided_slice %get3A_357 {offsets = [6], sizes = [1], strides = [1]} : vector<16xi32> to vector<1xi32>
              %squeeze3A_430 = vector.extract %slice3A_429[0] : i32 from vector<1xi32>
              %slice3A_431 = vector.extract_strided_slice %get3A_357 {offsets = [7], sizes = [1], strides = [1]} : vector<16xi32> to vector<1xi32>
              %squeeze3A_432 = vector.extract %slice3A_431[0] : i32 from vector<1xi32>
              %lt3A_433 = arith.constant 8 : i32
              %lt3A_434 = vector.broadcast %lt3A_433 : i32 to vector<16xi32>
              %lt3A_435 = arith.cmpi slt, %iota3A, %lt3A_434 : vector<16xi32>
              %broadcast_in_dim3A_436 = vector.broadcast %squeeze3A_430 : i32 to vector<16xi32>
              %broadcast_in_dim3A_437 = vector.broadcast %squeeze3A_432 : i32 to vector<16xi32>
              %select_n3A_438 = arith.select %lt3A_435, %broadcast_in_dim3A_436, %broadcast_in_dim3A_437 : vector<16xi1>, vector<16xi32>
              %shift_right_arithmetic3A_439 = arith.shrsi %select_n3A_438, %mul3A_7 : vector<16xi32>
              %and3A_440 = arith.constant 15 : i32
              %and3A_441 = vector.broadcast %and3A_440 : i32 to vector<16xi32>
              %and3A_442 = arith.andi %shift_right_arithmetic3A_439, %and3A_441 : vector<16xi32>
              %convert_element_type3A_443 = arith.sitofp %and3A_442 : vector<16xi32> to vector<16xf32>
              %mul3A_444 = arith.constant 8 : i32
              %mul3A_445 = arith.muli %scan3A_352, %mul3A_444 : i32
              %add3A_446 = arith.constant 3 : i32
              %add3A_447 = arith.addi %mul3A_445, %add3A_446 : i32
              %mul3A_448 = arith.constant 16 : i32
              %mul3A_449 = arith.muli %add3A_447, %mul3A_448 : i32
              %swap3A_450 = arith.index_cast %mul3A_449 : i32 to index
              %swap3A_451 = tpu.vector_load %arg11[%swap3A_450] {strides = array<i32>} : memref<4096xf32, #tpu.memory_space<vmem>>, vector<16xf32>,
              %swap3A_452 = vector.shape_cast %swap3A_451 : vector<16xf32> to vector<16xf32>
              %swap3A_453 = vector.shape_cast %convert_element_type3A_443 : vector<16xf32> to vector<16xf32>
              tpu.vector_store %arg11[%swap3A_450], %swap3A_453 {strides = array<i32>} : memref<4096xf32, #tpu.memory_space<vmem>>, vector<16xf32>,
              %slice3A_454 = vector.extract_strided_slice %get3A_357 {offsets = [8], sizes = [1], strides = [1]} : vector<16xi32> to vector<1xi32>
              %squeeze3A_455 = vector.extract %slice3A_454[0] : i32 from vector<1xi32>
              %slice3A_456 = vector.extract_strided_slice %get3A_357 {offsets = [9], sizes = [1], strides = [1]} : vector<16xi32> to vector<1xi32>
              %squeeze3A_457 = vector.extract %slice3A_456[0] : i32 from vector<1xi32>
              %lt3A_458 = arith.constant 8 : i32
              %lt3A_459 = vector.broadcast %lt3A_458 : i32 to vector<16xi32>
              %lt3A_460 = arith.cmpi slt, %iota3A, %lt3A_459 : vector<16xi32>
              %broadcast_in_dim3A_461 = vector.broadcast %squeeze3A_455 : i32 to vector<16xi32>
              %broadcast_in_dim3A_462 = vector.broadcast %squeeze3A_457 : i32 to vector<16xi32>
              %select_n3A_463 = arith.select %lt3A_460, %broadcast_in_dim3A_461, %broadcast_in_dim3A_462 : vector<16xi1>, vector<16xi32>
              %shift_right_arithmetic3A_464 = arith.shrsi %select_n3A_463, %mul3A_7 : vector<16xi32>
              %and3A_465 = arith.constant 15 : i32
              %and3A_466 = vector.broadcast %and3A_465 : i32 to vector<16xi32>
              %and3A_467 = arith.andi %shift_right_arithmetic3A_464, %and3A_466 : vector<16xi32>
              %convert_element_type3A_468 = arith.sitofp %and3A_467 : vector<16xi32> to vector<16xf32>
              %mul3A_469 = arith.constant 8 : i32
              %mul3A_470 = arith.muli %scan3A_352, %mul3A_469 : i32
              %add3A_471 = arith.constant 4 : i32
              %add3A_472 = arith.addi %mul3A_470, %add3A_471 : i32
              %mul3A_473 = arith.constant 16 : i32
              %mul3A_474 = arith.muli %add3A_472, %mul3A_473 : i32
              %swap3A_475 = arith.index_cast %mul3A_474 : i32 to index
              %swap3A_476 = tpu.vector_load %arg11[%swap3A_475] {strides = array<i32>} : memref<4096xf32, #tpu.memory_space<vmem>>, vector<16xf32>,
              %swap3A_477 = vector.shape_cast %swap3A_476 : vector<16xf32> to vector<16xf32>
              %swap3A_478 = vector.shape_cast %convert_element_type3A_468 : vector<16xf32> to vector<16xf32>
              tpu.vector_store %arg11[%swap3A_475], %swap3A_478 {strides = array<i32>} : memref<4096xf32, #tpu.memory_space<vmem>>, vector<16xf32>,
              %slice3A_479 = vector.extract_strided_slice %get3A_357 {offsets = [10], sizes = [1], strides = [1]} : vector<16xi32> to vector<1xi32>
              %squeeze3A_480 = vector.extract %slice3A_479[0] : i32 from vector<1xi32>
              %slice3A_481 = vector.extract_strided_slice %get3A_357 {offsets = [11], sizes = [1], strides = [1]} : vector<16xi32> to vector<1xi32>
              %squeeze3A_482 = vector.extract %slice3A_481[0] : i32 from vector<1xi32>
              %lt3A_483 = arith.constant 8 : i32
              %lt3A_484 = vector.broadcast %lt3A_483 : i32 to vector<16xi32>
              %lt3A_485 = arith.cmpi slt, %iota3A, %lt3A_484 : vector<16xi32>
              %broadcast_in_dim3A_486 = vector.broadcast %squeeze3A_480 : i32 to vector<16xi32>
              %broadcast_in_dim3A_487 = vector.broadcast %squeeze3A_482 : i32 to vector<16xi32>
              %select_n3A_488 = arith.select %lt3A_485, %broadcast_in_dim3A_486, %broadcast_in_dim3A_487 : vector<16xi1>, vector<16xi32>
              %shift_right_arithmetic3A_489 = arith.shrsi %select_n3A_488, %mul3A_7 : vector<16xi32>
              %and3A_490 = arith.constant 15 : i32
              %and3A_491 = vector.broadcast %and3A_490 : i32 to vector<16xi32>
              %and3A_492 = arith.andi %shift_right_arithmetic3A_489, %and3A_491 : vector<16xi32>
              %convert_element_type3A_493 = arith.sitofp %and3A_492 : vector<16xi32> to vector<16xf32>
              %mul3A_494 = arith.constant 8 : i32
              %mul3A_495 = arith.muli %scan3A_352, %mul3A_494 : i32
              %add3A_496 = arith.constant 5 : i32
              %add3A_497 = arith.addi %mul3A_495, %add3A_496 : i32
              %mul3A_498 = arith.constant 16 : i32
              %mul3A_499 = arith.muli %add3A_497, %mul3A_498 : i32
              %swap3A_500 = arith.index_cast %mul3A_499 : i32 to index
              %swap3A_501 = tpu.vector_load %arg11[%swap3A_500] {strides = array<i32>} : memref<4096xf32, #tpu.memory_space<vmem>>, vector<16xf32>,
              %swap3A_502 = vector.shape_cast %swap3A_501 : vector<16xf32> to vector<16xf32>
              %swap3A_503 = vector.shape_cast %convert_element_type3A_493 : vector<16xf32> to vector<16xf32>
              tpu.vector_store %arg11[%swap3A_500], %swap3A_503 {strides = array<i32>} : memref<4096xf32, #tpu.memory_space<vmem>>, vector<16xf32>,
              %slice3A_504 = vector.extract_strided_slice %get3A_357 {offsets = [12], sizes = [1], strides = [1]} : vector<16xi32> to vector<1xi32>
              %squeeze3A_505 = vector.extract %slice3A_504[0] : i32 from vector<1xi32>
              %slice3A_506 = vector.extract_strided_slice %get3A_357 {offsets = [13], sizes = [1], strides = [1]} : vector<16xi32> to vector<1xi32>
              %squeeze3A_507 = vector.extract %slice3A_506[0] : i32 from vector<1xi32>
              %lt3A_508 = arith.constant 8 : i32
              %lt3A_509 = vector.broadcast %lt3A_508 : i32 to vector<16xi32>
              %lt3A_510 = arith.cmpi slt, %iota3A, %lt3A_509 : vector<16xi32>
              %broadcast_in_dim3A_511 = vector.broadcast %squeeze3A_505 : i32 to vector<16xi32>
              %broadcast_in_dim3A_512 = vector.broadcast %squeeze3A_507 : i32 to vector<16xi32>
              %select_n3A_513 = arith.select %lt3A_510, %broadcast_in_dim3A_511, %broadcast_in_dim3A_512 : vector<16xi1>, vector<16xi32>
              %shift_right_arithmetic3A_514 = arith.shrsi %select_n3A_513, %mul3A_7 : vector<16xi32>
              %and3A_515 = arith.constant 15 : i32
              %and3A_516 = vector.broadcast %and3A_515 : i32 to vector<16xi32>
              %and3A_517 = arith.andi %shift_right_arithmetic3A_514, %and3A_516 : vector<16xi32>
              %convert_element_type3A_518 = arith.sitofp %and3A_517 : vector<16xi32> to vector<16xf32>
              %mul3A_519 = arith.constant 8 : i32
              %mul3A_520 = arith.muli %scan3A_352, %mul3A_519 : i32
              %add3A_521 = arith.constant 6 : i32
              %add3A_522 = arith.addi %mul3A_520, %add3A_521 : i32
              %mul3A_523 = arith.constant 16 : i32
              %mul3A_524 = arith.muli %add3A_522, %mul3A_523 : i32
              %swap3A_525 = arith.index_cast %mul3A_524 : i32 to index
              %swap3A_526 = tpu.vector_load %arg11[%swap3A_525] {strides = array<i32>} : memref<4096xf32, #tpu.memory_space<vmem>>, vector<16xf32>,
              %swap3A_527 = vector.shape_cast %swap3A_526 : vector<16xf32> to vector<16xf32>
              %swap3A_528 = vector.shape_cast %convert_element_type3A_518 : vector<16xf32> to vector<16xf32>
              tpu.vector_store %arg11[%swap3A_525], %swap3A_528 {strides = array<i32>} : memref<4096xf32, #tpu.memory_space<vmem>>, vector<16xf32>,
              %slice3A_529 = vector.extract_strided_slice %get3A_357 {offsets = [14], sizes = [1], strides = [1]} : vector<16xi32> to vector<1xi32>
              %squeeze3A_530 = vector.extract %slice3A_529[0] : i32 from vector<1xi32>
              %slice3A_531 = vector.extract_strided_slice %get3A_357 {offsets = [15], sizes = [1], strides = [1]} : vector<16xi32> to vector<1xi32>
              %squeeze3A_532 = vector.extract %slice3A_531[0] : i32 from vector<1xi32>
              %lt3A_533 = arith.constant 8 : i32
              %lt3A_534 = vector.broadcast %lt3A_533 : i32 to vector<16xi32>
              %lt3A_535 = arith.cmpi slt, %iota3A, %lt3A_534 : vector<16xi32>
              %broadcast_in_dim3A_536 = vector.broadcast %squeeze3A_530 : i32 to vector<16xi32>
              %broadcast_in_dim3A_537 = vector.broadcast %squeeze3A_532 : i32 to vector<16xi32>
              %select_n3A_538 = arith.select %lt3A_535, %broadcast_in_dim3A_536, %broadcast_in_dim3A_537 : vector<16xi1>, vector<16xi32>
              %shift_right_arithmetic3A_539 = arith.shrsi %select_n3A_538, %mul3A_7 : vector<16xi32>
              %and3A_540 = arith.constant 15 : i32
              %and3A_541 = vector.broadcast %and3A_540 : i32 to vector<16xi32>
              %and3A_542 = arith.andi %shift_right_arithmetic3A_539, %and3A_541 : vector<16xi32>
              %convert_element_type3A_543 = arith.sitofp %and3A_542 : vector<16xi32> to vector<16xf32>
              %mul3A_544 = arith.constant 8 : i32
              %mul3A_545 = arith.muli %scan3A_352, %mul3A_544 : i32
              %add3A_546 = arith.constant 7 : i32
              %add3A_547 = arith.addi %mul3A_545, %add3A_546 : i32
              %mul3A_548 = arith.constant 16 : i32
              %mul3A_549 = arith.muli %add3A_547, %mul3A_548 : i32
              %swap3A_550 = arith.index_cast %mul3A_549 : i32 to index
              %swap3A_551 = tpu.vector_load %arg11[%swap3A_550] {strides = array<i32>} : memref<4096xf32, #tpu.memory_space<vmem>>, vector<16xf32>,
              %swap3A_552 = vector.shape_cast %swap3A_551 : vector<16xf32> to vector<16xf32>
              %swap3A_553 = vector.shape_cast %convert_element_type3A_543 : vector<16xf32> to vector<16xf32>
              tpu.vector_store %arg11[%swap3A_550], %swap3A_553 {strides = array<i32>} : memref<4096xf32, #tpu.memory_space<vmem>>, vector<16xf32>,
            }
            %scan3A_351 = arith.constant 32 : i32
            scf.yield %squeeze3A_331 : i32
          } else {
            scf.yield %scan3A_325 : i32
          }
          %scan3A_336 = arith.constant 0 : i32
          %scan3A_337 = arith.constant 0 : i32
          %scan3A_338 = arith.constant 128 : i32
          %scan3A_339 = arith.addi %scan3A_337, %scan3A_338 : i32
          %scan3A_340 = arith.constant 1 : i32
          scf.for %scan3A_342 = %scan3A_337 to %scan3A_339 step %scan3A_340  : i32 {
            %jit3A_343 = arith.constant 8 : i32
            %div3A = arith.divsi %scan3A_342, %jit3A_343 : i32
            %sign3A = arith.constant 0 : i32
            %sign3A_344 = arith.cmpi sgt, %scan3A_342, %sign3A : i32
            %sign3A_345 = arith.extui %sign3A_344 : i1 to i32
            %sign3A_346 = arith.constant 0 : i32
            %sign3A_347 = arith.cmpi slt, %scan3A_342, %sign3A_346 : i32
            %sign3A_348 = arith.extui %sign3A_347 : i1 to i32
            %sign3A_349 = arith.subi %sign3A_345, %sign3A_348 : i32
            %sign3A_350 = arith.constant 0 : i32
            %sign3A_351 = arith.cmpi sgt, %jit3A_343, %sign3A_350 : i32
            %sign3A_352 = arith.extui %sign3A_351 : i1 to i32
            %sign3A_353 = arith.constant 0 : i32
            %sign3A_354 = arith.cmpi slt, %jit3A_343, %sign3A_353 : i32
            %sign3A_355 = arith.extui %sign3A_354 : i1 to i32
            %sign3A_356 = arith.subi %sign3A_352, %sign3A_355 : i32
            %ne3A_357 = arith.cmpi ne, %sign3A_349, %sign3A_356 : i32
            %rem3A = arith.remsi %scan3A_342, %jit3A_343 : i32
            %ne3A_358 = arith.constant 0 : i32
            %ne3A_359 = arith.cmpi ne, %rem3A, %ne3A_358 : i32
            %and3A_360 = arith.andi %ne3A_357, %ne3A_359 : i1
            %sub3A = arith.constant 1 : i32
            %sub3A_361 = arith.subi %div3A, %sub3A : i32
            %select_n3A = arith.select %and3A_360, %sub3A_361, %div3A : i32
            %mul3A_362 = arith.constant 896 : i32
            %mul3A_363 = arith.muli %mul3A_362, %select_n3A : i32
            %mul3A_364 = arith.constant 16 : i32
            %mul3A_365 = arith.muli %mul3A_364, %scan3A_342 : i32
            %add3A_366 = arith.addi %mul3A_363, %mul3A_365 : i32
            %mul3A_367 = arith.constant 128 : i32
            %mul3A_368 = arith.muli %mul3A_367, %scan3A_244 : i32
            %add3A_369 = arith.addi %add3A_366, %mul3A_368 : i32
            %get3A_370 = arith.index_cast %add3A_369 : i32 to index
            %get3A_371 = tpu.vector_load %arg16[%get3A_370] {strides = array<i32>} : memref<16384xi32, #tpu.memory_space<vmem>>, vector<16xi32>,
            %get3A_372 = vector.shape_cast %get3A_371 : vector<16xi32> to vector<16xi32>
            %mul3A_373 = arith.constant 4 : i32
            %mul3A_374 = arith.muli %mul3A_373, %scan3A_324 : i32
            %shift_right_arithmetic3A = vector.broadcast %mul3A_374 : i32 to vector<16xi32>
            %shift_right_arithmetic3A_375 = arith.shrsi %get3A_372, %shift_right_arithmetic3A : vector<16xi32>
            %and3A_376 = arith.constant 15 : i32
            %and3A_377 = vector.broadcast %and3A_376 : i32 to vector<16xi32>
            %and3A_378 = arith.andi %shift_right_arithmetic3A_375, %and3A_377 : vector<16xi32>
            %convert_element_type3A_379 = arith.sitofp %and3A_378 : vector<16xi32> to vector<16xf32>
            %mul3A_380 = arith.constant 16 : i32
            %mul3A_381 = arith.muli %scan3A_342, %mul3A_380 : i32
            %add3A_382 = arith.constant 2048 : i32
            %add3A_383 = arith.addi %add3A_382, %mul3A_381 : i32
            %get3A_384 = arith.index_cast %add3A_383 : i32 to index
            %get3A_385 = tpu.vector_load %arg10[%get3A_384] {strides = array<i32>} : memref<4096xf32, #tpu.memory_space<vmem>>, vector<16xf32>,
            %get3A_386 = vector.shape_cast %get3A_385 : vector<16xf32> to vector<16xf32>
            %mul3A_387 = arith.constant 16 : i32
            %mul3A_388 = arith.muli %scan3A_342, %mul3A_387 : i32
            %add3A_389 = arith.constant 2048 : i32
            %add3A_390 = arith.addi %add3A_389, %mul3A_388 : i32
            %get3A_391 = arith.index_cast %add3A_390 : i32 to index
            %get3A_392 = tpu.vector_load %arg11[%get3A_391] {strides = array<i32>} : memref<4096xf32, #tpu.memory_space<vmem>>, vector<16xf32>,
            %get3A_393 = vector.shape_cast %get3A_392 : vector<16xf32> to vector<16xf32>
            %sub3A_394 = arith.subf %convert_element_type3A_379, %get3A_393 : vector<16xf32>
            %mul3A_395 = arith.mulf %get3A_386, %sub3A_394 : vector<16xf32>
            %jit3A_396 = arith.constant 8 : i32
            %div3A_397 = arith.divsi %scan3A_342, %jit3A_396 : i32
            %sign3A_398 = arith.constant 0 : i32
            %sign3A_399 = arith.cmpi sgt, %scan3A_342, %sign3A_398 : i32
            %sign3A_400 = arith.extui %sign3A_399 : i1 to i32
            %sign3A_401 = arith.constant 0 : i32
            %sign3A_402 = arith.cmpi slt, %scan3A_342, %sign3A_401 : i32
            %sign3A_403 = arith.extui %sign3A_402 : i1 to i32
            %sign3A_404 = arith.subi %sign3A_400, %sign3A_403 : i32
            %sign3A_405 = arith.constant 0 : i32
            %sign3A_406 = arith.cmpi sgt, %jit3A_396, %sign3A_405 : i32
            %sign3A_407 = arith.extui %sign3A_406 : i1 to i32
            %sign3A_408 = arith.constant 0 : i32
            %sign3A_409 = arith.cmpi slt, %jit3A_396, %sign3A_408 : i32
            %sign3A_410 = arith.extui %sign3A_409 : i1 to i32
            %sign3A_411 = arith.subi %sign3A_407, %sign3A_410 : i32
            %ne3A_412 = arith.cmpi ne, %sign3A_404, %sign3A_411 : i32
            %rem3A_413 = arith.remsi %scan3A_342, %jit3A_396 : i32
            %ne3A_414 = arith.constant 0 : i32
            %ne3A_415 = arith.cmpi ne, %rem3A_413, %ne3A_414 : i32
            %and3A_416 = arith.andi %ne3A_412, %ne3A_415 : i1
            %sub3A_417 = arith.constant 1 : i32
            %sub3A_418 = arith.subi %div3A_397, %sub3A_417 : i32
            %select_n3A_419 = arith.select %and3A_416, %sub3A_418, %div3A_397 : i32
            %mul3A_420 = arith.constant 896 : i32
            %mul3A_421 = arith.muli %mul3A_420, %select_n3A_419 : i32
            %mul3A_422 = arith.constant 16 : i32
            %mul3A_423 = arith.muli %mul3A_422, %scan3A_342 : i32
            %add3A_424 = arith.addi %mul3A_421, %mul3A_423 : i32
            %mul3A_425 = arith.constant 128 : i32
            %mul3A_426 = arith.muli %mul3A_425, %scan3A_324 : i32
            %add3A_427 = arith.addi %add3A_424, %mul3A_426 : i32
            %swap3A_428 = arith.index_cast %add3A_427 : i32 to index
            %swap3A_429 = tpu.vector_load %arg18[%swap3A_428] {strides = array<i32>} : memref<16384xf32, #tpu.memory_space<vmem>>, vector<16xf32>,
            %swap3A_430 = vector.shape_cast %swap3A_429 : vector<16xf32> to vector<16xf32>
            %swap3A_431 = vector.shape_cast %mul3A_395 : vector<16xf32> to vector<16xf32>
            tpu.vector_store %arg18[%swap3A_428], %swap3A_431 {strides = array<i32>} : memref<16384xf32, #tpu.memory_space<vmem>>, vector<16xf32>,
          }
          %scan3A_341 = arith.constant 128 : i32
          scf.yield %cond3A_335 : i32
        }
        %scan3A_323 = arith.constant 8 : i32
        scf.yield %scan3A_322 : i32
      }
      %mul3A_305 = arith.constant 2 : i32
      %mul3A_306 = arith.muli %mul3A_305, %add3A : i32
      %add3A_307 = arith.constant 1 : i32
      %add3A_308 = arith.addi %mul3A_306, %add3A_307 : i32
      %mul3A_309 = arith.constant 8 : i32
      %mul3A_310 = arith.muli %mul3A_309, %add3A_308 : i32
      %add3A_311 = arith.addi %mul3A_310, %scan3A_244 : i32
      %mul3A_312 = arith.constant 32768 : i32
      %mul3A_313 = arith.muli %add3A_311, %mul3A_312 : i32
      %add3A_314 = arith.constant 16384 : i32
      %add3A_315 = arith.addi %mul3A_313, %add3A_314 : i32
      %dma_start3A_316 = tpu.memref_slice %arg7[%add3A_315] : memref<16777216xf32, #tpu.memory_space<hbm>> -> memref<16384xf32, #tpu.memory_space<hbm>>
      %dma_start3A_317 = tpu.memref_slice %arg7[%add3A_315] : memref<16777216xf32, #tpu.memory_space<hbm>> -> memref<16384xf32, #tpu.memory_space<hbm>>
      tpu.enqueue_dma source(%arg18 : memref<16384xf32, #tpu.memory_space<vmem>>) target(%dma_start3A_317 : memref<16384xf32, #tpu.memory_space<hbm>>) target_semaphore(%arg24 : memref<!tpu.dma_semaphore, #tpu.memory_space<semaphore_mem>>)
      scf.yield %cond3A_304 : i32
    }
    %scan3A_215 = arith.constant 8 : i32
    %mul3A_216 = arith.constant 2 : i32
    %mul3A_217 = arith.muli %mul3A_216, %add3A : i32
    %add3A_218 = arith.constant 0 : i32
    %add3A_219 = arith.addi %mul3A_217, %add3A_218 : i32
    %mul3A_220 = arith.constant 8 : i32
    %mul3A_221 = arith.muli %mul3A_220, %add3A_219 : i32
    %add3A_222 = arith.constant 0 : i32
    %add3A_223 = arith.addi %mul3A_221, %add3A_222 : i32
    %mul3A_224 = arith.constant 32768 : i32
    %mul3A_225 = arith.muli %add3A_223, %mul3A_224 : i32
    %add3A_226 = arith.constant 0 : i32
    %add3A_227 = arith.addi %mul3A_225, %add3A_226 : i32
    %dma_wait3A_228 = tpu.memref_slice %arg7[%add3A_227] : memref<16777216xf32, #tpu.memory_space<hbm>> -> memref<16384xf32, #tpu.memory_space<hbm>>
    %dma_wait3A_229 = tpu.memref_slice %arg7[%add3A_227] : memref<16777216xf32, #tpu.memory_space<hbm>> -> memref<16384xf32, #tpu.memory_space<hbm>>
    tpu.wait_dma2 semaphore(%arg23 : memref<!tpu.dma_semaphore, #tpu.memory_space<semaphore_mem>>) src(%arg17 : memref<16384xf32, #tpu.memory_space<vmem>>) dst(%dma_wait3A_229 : memref<16384xf32, #tpu.memory_space<hbm>>)
    %mul3A_230 = arith.constant 2 : i32
    %mul3A_231 = arith.muli %mul3A_230, %add3A : i32
    %add3A_232 = arith.constant 0 : i32
    %add3A_233 = arith.addi %mul3A_231, %add3A_232 : i32
    %mul3A_234 = arith.constant 8 : i32
    %mul3A_235 = arith.muli %mul3A_234, %add3A_233 : i32
    %add3A_236 = arith.constant 0 : i32
    %add3A_237 = arith.addi %mul3A_235, %add3A_236 : i32
    %mul3A_238 = arith.constant 32768 : i32
    %mul3A_239 = arith.muli %add3A_237, %mul3A_238 : i32
    %add3A_240 = arith.constant 0 : i32
    %add3A_241 = arith.addi %mul3A_239, %add3A_240 : i32
    %dma_wait3A_242 = tpu.memref_slice %arg7[%add3A_241] : memref<16777216xf32, #tpu.memory_space<hbm>> -> memref<16384xf32, #tpu.memory_space<hbm>>
    %dma_wait3A_243 = tpu.memref_slice %arg7[%add3A_241] : memref<16777216xf32, #tpu.memory_space<hbm>> -> memref<16384xf32, #tpu.memory_space<hbm>>
    tpu.wait_dma2 semaphore(%arg24 : memref<!tpu.dma_semaphore, #tpu.memory_space<semaphore_mem>>) src(%arg18 : memref<16384xf32, #tpu.memory_space<vmem>>) dst(%dma_wait3A_243 : memref<16384xf32, #tpu.memory_space<hbm>>)
    return
  }
}

</mosaic_0001>

<sc_bundles>
// kernel: kernel.3.cloned.1.call-start
scs
__scs_entry_jumppad:
0x0: {  	(pc) =	sbr.rel $0x88, $3  }
0x1: {  	(tag) =	ssettag $0x0;
	lr =	simm.s32 $0x1  }
0x2: {  	[smem:$0x3F9C] =	sst lr;
	_ =	strace $0xD0000000  }
0x3: {  	_ = 	snop  }
0x4: {  	_ = 	snop  }
0x5: {  	_ = 	snop  }
0x6: {  	_ = 	snop  }
0x7: {  	_ = 	snop  }
__scs_overlays_trampoline_lowered:
0x8: {  	[smem:$0x3FAB] =	sst s0  }
0x9: {  	[smem:$0x3FAC] =	sst s1  }
0xa: {  	[smem:$0x3FAD] =	sst s2  }
0xb: {  	[smem:$0x3FAE] =	sst s3  }
0xc: {  	[smem:$0x3FAF] =	sst s4  }
0xd: {  	[smem:$0x3FB0] =	sst s5  }
0xe: {  	[smem:$0x3FB1] =	sst s6  }
0xf: {  	[smem:$0x3FB2] =	sst s7  }
0x10: {  	[smem:$0x3FB3] =	sst s8  }
0x11: {  	[smem:$0x3FB4] =	sst s9;
	s0 =	simm.s32 @!p0 $0x0  }
0x12: {  	s1 =	sld [smem:$0x3F9A];
	s0 =	simm.s32 @p0 $0x1  }
0x13: {  	[smem:$0x3FB5] =	sst s0;
	s0 =	simm.s32 @!p1 $0x0  }
0x14: {  	s2 =	sld [smem:$0x3F99];
	s0 =	simm.s32 @p1 $0x1  }
0x15: {  	[smem:$0x3FB6] =	sst s0;
	s0 =	simm.s32 @!p2 $0x0  }
0x16: {  	s3 =	sld [smem:$0x3FDB];
	s0 =	simm.s32 @p2 $0x1  }
0x17: {  	s4 =	simm.s32 $0x1BF5;
	[smem:$0x3FB8] =	sst s0  }
0x18: {  	s0 =	sld [smem:$0x3F9B];
	_ =	swait.ge [sflag:s4], $0x0  }
0x19: {  	s7 =	sld [smem:$0x3F9C]  }
0x1a: {  	s8 =	sadd.s32 $0xFFFFE003, lr  }
0x1b: {  	s9 =	sadd.s32 $0xFFFFFEF7, lr;
	s5 =	simm.s32 $0xFFFFFFFF;
	p2 =	slt.u32 s8, $0xFFFFF086  }
0x1c: {  	p1 =	slt.u32 s9, $0xF7A;
	s5 =	simm.s32 @!p2 $0x0  }
0x1d: {  	s5 =	simm.s32 @p1 $0x1;
	p0 =	seq.s32 s7, s2  }
0x1e: {  	s7 =	smul.u32 @!p0 $0xF7A, s2;
	p2 =	seq.s32 @!p0 s5, $0x0  }
0x1f: {  	s9 =	smul.u32 $0xF7A, s1;
	s8 =	simm.s32 @!p0 $0x1BF5;
	p2 =	por !p2, p0  }
0x20: {  	[sflag:s8] =	ssyncset.s32 @!p0 $0xFFFFF086;
	s6 =	sadd.s32 @!p0 s3, s7;
	s7 =	simm.s32 @!p0 $0x108  }
0x21: {  	s3 =	sadd.s32 s3, s9;
	s6 =	sadd.s32 @!p0 $0x88, s6;
	s7 =	simm.s32 @p2 $0x1082  }
0x22: {  	[simem:s7], [sflag:s8] =	dma.local @!p0 [hbm:s6], $0xF7A  }
0x23: {  	s9 =	sor.u32 $0xD0000000, s2;
	s6 =	simm.s32 $0x108;
	_ =	swait.ge @!p0 [sflag:s8], $0x0  }
0x24: {  	s3 =	sadd.s32 $0x88, s3;
	s6 =	simm.s32 @!p1 $0x1082;
	[sflag:s4] =	ssyncset.s32 $0xFFFFF086  }
0x25: {  	[simem:s6], [sflag:s4] =	dma.local [hbm:s3], $0xF7A  }
0x26: {  	[smem:$0x3F9C] =	sst s1;
	(tag) =	ssettag s2;
	_ =	strace s9  }
0x27: {  	s1 =	sld [smem:$0x3FAC]  }
0x28: {  	s2 =	sld [smem:$0x3FAD]  }
0x29: {  	s4 =	sld [smem:$0x3FAF]  }
0x2a: {  	p0 =	seq.s32 s5, $0x0;
	s5 =	sld [smem:$0x3FB0]  }
0x2b: {  	s6 =	sld [smem:$0x3FB1]  }
0x2c: {  	s7 =	sld [smem:$0x3FB2]  }
0x2d: {  	s3 =	simm.s32 $0x108;
	s8 =	sld [smem:$0x3FB3]  }
0x2e: {  	s3 =	simm.s32 @!p0 $0x1082;
	s9 =	sld [smem:$0x3FB4]  }
0x2f: {  	lr =	sadd.s32 s0, s3;
	s0 =	sld [smem:$0x3FAB]  }
0x30: {  	s3 =	sld [smem:$0x3FAE]  }
0x31: {  	[smem:$0x3FB7] =	sst s10  }
0x32: {  	s10 =	sld [smem:$0x3FB5];
	_ =	sdelay $0x3  }
0x33: {  	p0 =	seq.s32 s10, $0x1;
	s10 =	sld [smem:$0x3FB7];
	_ =	sdelay $0x3  }
0x34: {  	[smem:$0x3FB7] =	sst s10  }
0x35: {  	s10 =	sld [smem:$0x3FB6];
	_ =	sdelay $0x3  }
0x36: {  	p1 =	seq.s32 s10, $0x1;
	s10 =	sld [smem:$0x3FB7];
	_ =	sdelay $0x3  }
0x37: {  	[smem:$0x3FB7] =	sst s10  }
0x38: {  	s10 =	sld [smem:$0x3FB8]  }
0x39: {  	_ = 	snop;
	(pc) =	sbr.ind lr, $3  }
0x3a: {  	_ = 	snop  }
0x3b: {  	_ = 	snop  }
0x3c: {  	p2 =	seq.s32 s10, $0x1;
	s10 =	sld [smem:$0x3FB7]  }
0x3d: {  	_ =	shalt  }
0x3e: {  	_ =	shalt  }
0x3f: {  	_ =	shalt  }
0x40: {  	_ =	shalt  }
0x41: {  	_ =	shalt  }
0x42: {  	_ =	shalt  }
0x43: {  	_ =	shalt  }
0x44: {  	_ =	shalt  }
0x45: {  	_ =	shalt  }
0x46: {  	_ =	shalt  }
0x47: {  	_ =	shalt  }
0x48: {  	_ =	shalt  }
0x49: {  	_ =	shalt  }
0x4a: {  	_ =	shalt  }
0x4b: {  	_ =	shalt  }
0x4c: {  	_ =	shalt  }
0x4d: {  	_ =	shalt  }
0x4e: {  	_ =	shalt  }
0x4f: {  	_ =	shalt  }
0x50: {  	_ =	shalt  }
0x51: {  	_ =	shalt  }
0x52: {  	_ =	shalt  }
0x53: {  	_ =	shalt  }
0x54: {  	_ =	shalt  }
0x55: {  	_ =	shalt  }
0x56: {  	_ =	shalt  }
0x57: {  	_ =	shalt  }
0x58: {  	_ =	shalt  }
0x59: {  	_ =	shalt  }
0x5a: {  	_ =	shalt  }
0x5b: {  	_ =	shalt  }
0x5c: {  	_ =	shalt  }
0x5d: {  	_ =	shalt  }
0x5e: {  	_ =	shalt  }
0x5f: {  	_ =	shalt  }
0x60: {  	_ =	shalt  }
0x61: {  	_ =	shalt  }
0x62: {  	_ =	shalt  }
0x63: {  	_ =	shalt  }
0x64: {  	_ =	shalt  }
0x65: {  	_ =	shalt  }
0x66: {  	_ =	shalt  }
0x67: {  	_ =	shalt  }
0x68: {  	_ =	shalt  }
0x69: {  	_ =	shalt  }
0x6a: {  	_ =	shalt  }
0x6b: {  	_ =	shalt  }
0x6c: {  	_ =	shalt  }
0x6d: {  	_ =	shalt  }
0x6e: {  	_ =	shalt  }
0x6f: {  	_ =	shalt  }
0x70: {  	_ =	shalt  }
0x71: {  	_ =	shalt  }
0x72: {  	_ =	shalt  }
0x73: {  	_ =	shalt  }
0x74: {  	_ =	shalt  }
0x75: {  	_ =	shalt  }
0x76: {  	_ =	shalt  }
0x77: {  	_ =	shalt  }
0x78: {  	_ =	shalt  }
0x79: {  	_ =	shalt  }
0x7a: {  	_ =	shalt  }
0x7b: {  	_ =	shalt  }
0x7c: {  	_ =	shalt  }
0x7d: {  	_ =	shalt  }
0x7e: {  	_ =	shalt  }
0x7f: {  	_ =	shalt  }
0x80: {  	_ =	shalt  }
0x81: {  	_ =	shalt  }
0x82: {  	_ =	shalt  }
0x83: {  	_ =	shalt  }
0x84: {  	_ =	shalt  }
0x85: {  	_ =	shalt  }
0x86: {  	_ =	shalt  }
0x87: {  	_ =	shalt  }
.Lfunc_end0:
.L_simem_size_0:
called_computation_lowered:
.L_overlay_start_0:
0x88: {  	s2 =	sld [smem:$0x3FD9]  }
0x89: {  	s3 =	sld [smem:$0x3FFE];
	_ =	sdelay $0x1  }
0x8a: {  	s1 =	srdreg.scid  }
0x8b: {  	s0 =	sand.u32 $0x1, s1  }
0x8c: {  	s17 =	sshll.u32 s0, $0xA;
	s2 =	sadd.s32 s3, s2  }
0x8d: {  	s2 =	sadd.s32 s2, s17  }
0x8e: {  	[smem:$0x3FC3] =	sst s2  }
0x8f: {  	_ = 	snop  }
0x90: {  	s2 =	sld [smem:$0x3FC9]  }
0x91: {  	s18 =	sld [smem:$0x3FC6]  }
0x92: {  	s4 =	sld [smem:$0x3FD0];
	(tm) =	ssettm $0x1  }
0x93: {  	s5 =	sld [smem:$0x3FFB];
	_ =	sdelay $0x3  }
0x94: {  	_ =	strace s5  }
0x95: {  	s5 =	sld [smem:$0x3FFC];
	_ =	sdelay $0x3  }
0x96: {  	_ =	strace s5  }
0x97: {  	s5 =	sld [smem:$0x3FFD];
	_ =	sdelay $0x3  }
0x98: {  	_ =	strace s5  }
0x99: {  	_ =	strace $0x8FFFFFFF  }
0x9a: {  	s19 =	sld [smem:$0x3FDB];
	_ =	sdelay $0x1  }
0x9b: {  	s6 =	simm.s32 $_scs_section_size  }
0x9c: {  	s7 =	simm.s32 $_size__tile_overlayer_lowered;
	s8 =	simm.s32 $_tile_overlayer_lowered  }
0x9d: {  	s22 =	simm.s32 $0x1BFF;
	s21 =	sshll.u32 s8, $0x1;
	s5 =	sadd.s32 s6, s19  }
0x9e: {  	s9 =	simm.s32 $0x0;
	s20 =	sshll.u32 s7, $0x1;
	s7 =	sadd.s32 s21, s5  }
0x9f: {  	[timem:s9], [sflag:s22] =	dma.local [hbm:s7], s20  }
0xa0: {  	_ =	swait.ge [sflag:s22], s20  }
0xa1: {  	s6 =	ssub.s32 $0x0, s20;
	[sflag:s22] =	ssyncset.done $0x0  }
0xa2: {  	[sflag:s22] =	ssyncadd.s32 s6;
	_ =	sdelay $0x1  }
0xa3: {  	s23 =	simm.s32 $0x1B8B  }
0xa4: {  	_ =	swait.ge [sflag:s23], $0x1  }
0xa5: {  	[sflag:s23] =	ssyncset.done $0x0  }
0xa6: {  	s25 =	simm.s32 $0x1B8E;
	s24 =	sld [smem:$0x3FFE];
	[sflag:s23] =	ssyncadd.s32 $0xFFFFFFFF  }
0xa7: {  	s26 =	simm.s32 $execute0_lowered;
	[smem:$0x3FD2] =	sst s25  }
0xa8: {  	s7 =	sshll.u32 s26, $0x1;
	_ =	strace $0x80000046;
	[dreg:$0x1] =	wrdreg $0xFFFFFFFF  }
0xa9: {  	s28 =	simm.s32 $_size_execute0_lowered;
	s5 =	sadd.s32 s5, s7;
	[dreg:$0x0] =	wrdreg $0x0  }
0xaa: {  	s7 =	sshll.u32 s28, $0x1;
	[dreg:$0x2] =	wrdreg s5  }
0xab: {  	[dreg:$0x3] =	wrdreg s7  }
0xac: {  	[dreg:$0x4] =	wrdreg $0xC0  }
0xad: {  	_ =	task [dreg:s9], $0x5FFFF  }
0xae: {  	[dreg:$0x1] =	wrdreg $0xFFFFFFFF  }
0xaf: {  	[dreg:$0x0] =	wrdreg $0x60  }
0xb0: {  	[dreg:$0x2] =	wrdreg s2  }
0xb1: {  	[dreg:$0x3] =	wrdreg s24  }
0xb2: {  	[dreg:$0x4] =	wrdreg s18  }
0xb3: {  	[dreg:$0x5] =	wrdreg s4  }
0xb4: {  	[dreg:$0x6] =	wrdreg $0x9  }
0xb5: {  	_ =	task.clear_ibuf [dreg:s9], $0x7FFFF;
	_ =	strace $0x90000046  }
0xb6: {  	s29 =	simm.s32 $0x9;
	_ =	strace $0x80000048  }
0xb7: {  	_ =	swait.ge [sflag:s29], $0x1  }
0xb8: {  	[sflag:s29] =	ssyncadd.s32 $0xFFFFFFFF  }
0xb9: {  	_ =	strace $0x90000048  }
0xba: {  	_ =	sfence  }
0xbb: {  	s30 =	sld [smem:$0x0];
	_ =	sdelay $0x2  }
0xbc: {  	s31 =	sshll.u32 s1, $0xD;
	s1 =	sshrl.u32 s1, $0x2  }
0xbd: {  	s3 =	sand.u32 $0x4000, s31;
	s1 =	sadd.s32 s1, s30  }
0xbe: {  	s0 =	sor.u32 s3, s0;
	s1 =	sshll.u32 s1, $0x11  }
0xbf: {  	s0 =	sor.u32 s1, s0  }
0xc0: {  	s0 =	sadd.s32 $0x8F2B, s0  }
0xc1: {  	[sflag:s0] =	ssyncadd.remote.s32 $0x1  }
0xc2: {  	_ =	sfence.sel $0xFFFF  }
0xc3: {  	[dreg:$0x0] =	wrdreg $0xFFFFFFFF;
	(pc) =	sbr.abs _section_cstart, $3  }
0xc4: {  	[dreg:$0x1] =	wrdreg $0xFFFFFFFF  }
0xc5: {  	_ =	task.clear_ibuf [dreg:s9], $0x2FFFF;
	_ =	strace $0x9FFFFFFF  }
0xc6: {  	(tm) =	ssettm $0x7FFFFFFF  }
0xc7: {  	_ =	shalt  }
tec
execute0_lowered:
.L_overlay_start_1:
0x0: {  	(tag) =	ssettag $0x1  }
0x1: {  	s0 =	rddreg [dreg:$0x0]  }
0x2: {  	s2 =	rddreg [dreg:$0x1]  }
0x3: {  	s6 =	rddreg [dreg:$0x2]  }
0x4: {  	s1 =	rddreg [dreg:$0x3];
	s3 =	simm.s32 $0x0;
	s4 =	srdreg.scid  }
0x5: {  	s5 =	stileid.u32;
	s28 =	simm.s32 $0x16380;
	s31 =	simm.s32 $0x5  }
0x6: {  	[smem:$0x7FF] =	sst s3;
	s7 =	sand.u32 $0x1, s4;
	s4 =	sadd.s32 $0x400, s2  }
0x7: {  	s9 =	sshll.u32 s5, $0x1;
	s5 =	sadd.s32 $0xC00, s2;
	s2 =	sadd.s32 $0x4C00, s2  }
0x8: {  	s23 =	sadd.s32 $0x800, s0;
	s13 =	sadd.s32 $0x800, s1;
	_ =	strace $0x80000047  }
0x9: {  	s8 =	ssub.s32 $0x2, s7;
	s7 =	sor.u32 s7, s9;
	[dreg:$0x5] =	wrdreg s2  }
0xa: {  	s2 =	simm.s32 $0x0;
	s10 =	sshrl.u32 s8, $0x1;
	s21 =	sshll.u32 s7, $0xD  }
0xb: {  	s24 =	sshllo.u32 s7, $0x1;
	s11 =	sshll.u32 s7, $0x4;
	s12 =	sshll.u32 s7, $0x10  }
0xc: {  	s20 =	ssub.s32 s8, s10;
	s22 =	sadd.s32 s0, s21;
	s8 =	sadd.s32 s21, s23  }
0xd: {  	s25 =	sshll.u32 s24, $0xC;
	s29 =	sadd.s32 s6, s11;
	[dreg:$0x6] =	wrdreg s22  }
.Ltmp0:
0xe: {  	s14 =	sshll.u32 s24, $0xF;
	[dreg:$0x7] =	wrdreg s8;
	(pc) =	sbr.rel .LBB2_1-.Ltmp0, $4  }
0xf: {  	s21 =	simm.s32 $0x7;
	s0 =	sadd.s32 s0, s25;
	[dreg:$0xa] =	wrdreg s29  }
0x10: {  	v0 =	vlaneseq.u32;
	s24 =	simm.s32 $0x180;
	s26 =	sadd.s32 s25, s23;
	[dreg:$0x8] =	wrdreg s0  }
0x11: {  	v0 =	vand.u32 $0x7, v0;
	s30 =	smax.u32 s20, $0x1;
	s25 =	simm.s32 $0x2180;
	[dreg:$0x9] =	wrdreg s26  }
0x12: {  	vm0 =	vmmov $0xff;
	v0 =	vmul.u32 $0x4, v0;
	[dreg:$0xb] =	wrdreg s30;
	s26 =	simm.s32 $0x12380;
	s0 =	simm.s32 $0x6  }
.LBB2_69:
0x13: {  	_ =	swait.ge [sflag:s31], $0x4000  }
0x14: {  	[sflag:s31] =	ssyncset.done $0x0  }
0x15: {  	[sflag:s31] =	ssyncadd.s32 $0xFFFFC000  }
0x16: {  	_ =	swait.ge [sflag:s0], $0x4000  }
0x17: {  	s2 =	sadd.s32 $0x1, s2;
	s6 =	rddreg [dreg:$0xb]  }
0x18: {  	p0 =	sne.s32 s2, s6  }
.Ltmp1:
0x19: {  	_ = 	snop;
	(pc) =	sbr.rel @!p0 .LBB2_70-.Ltmp1, $3  }
0x1a: {  	_ =	sdelay $0x1  }
0x1b: {  	[sflag:s0] =	ssyncset.done $0x0  }
0x1c: {  	[sflag:s0] =	ssyncadd.s32 $0xFFFFC000  }
.LBB2_1:
0x1d: {  	s6 =	rddreg [dreg:$0x6];
	s7 =	simm.s32 $0x2380  }
0x1e: {  	[tilespmem:s7], [sflag:$0x1] =	stream.linear.gather [hbm4b:s6+s3], $0x4000, $0x38;
	[tilespmem:$0x1A380] =	vst v63  }
0x1f: {  	s11 =	rddreg [dreg:$0x7];
	s15 =	simm.s32 $0x6380  }
0x20: {  	[tilespmem:s15], [sflag:$0x2] =	stream.linear.gather [hbm4b:s11+s3], $0x4000, $0x38;
	[tilespmem:$0x1A380] =	vst v63  }
0x21: {  	s16 =	rddreg [dreg:$0x8];
	s17 =	simm.s32 $0xA380  }
0x22: {  	[tilespmem:s17], [sflag:$0x3] =	stream.linear.gather [hbm4b:s16+s3], $0x4000, $0x38;
	[tilespmem:$0x1A380] =	vst v63  }
0x23: {  	s18 =	rddreg [dreg:$0x9];
	s19 =	simm.s32 $0xE380  }
0x24: {  	[tilespmem:s19], [sflag:$0x4] =	stream.linear.gather [hbm4b:s18+s3], $0x4000, $0x38;
	[tilespmem:$0x1A380] =	vst v63  }
0x25: {  	s20 =	rddreg [dreg:$0x5];
	s22 =	simm.s32 $0x100  }
0x26: {  	[tilespmem:s22], [sflag:$0x7] =	stream.linear.gather [hbm4b:s20+s3], $0x80, $0x38;
	[tilespmem:$0x1A380] =	vst v63  }
0x27: {  	_ =	swait.ge [sflag:s21], $0x80  }
0x28: {  	[sflag:s21] =	ssyncset.done $0x0  }
0x29: {  	s23 =	rddreg [dreg:$0xa];
	[sflag:s21] =	ssyncadd.s32 $0xFFFFFF80  }
0x2a: {  	[tilespmem:s3], [sflag:$0x7] =	stream.linear.gather [hbm4b:s23+s3], $0x80, $0x38;
	[tilespmem:$0x1A380] =	vst v63  }
0x2b: {  	_ =	swait.ge [sflag:s21], $0x80  }
0x2c: {  	[sflag:s21] =	ssyncset.done $0x0  }
0x2d: {  	[sflag:s21] =	ssyncadd.s32 $0xFFFFFF80  }
0x2e: {  	v1 =	vld [tilespmem:$0x0]  }
0x2f: {  	v2 =	vld.msk [tilespmem:$0x100 ss:$0x0], $0xffff  }
0x30: {  	v3 =	vld [tilespmem:$0x10]  }
0x31: {  	v4 =	vld [tilespmem:$0x20]  }
0x32: {  	v5 =	vld [tilespmem:$0x30]  }
0x33: {  	v6 =	vld [tilespmem:$0x40]  }
0x34: {  	v7 =	vld [tilespmem:$0x50]  }
0x35: {  	v8 =	vld [tilespmem:$0x60]  }
0x36: {  	v9 =	vld [tilespmem:$0x70];
	_ =	sdelay $0x1  }
0x37: {  	v1 =	vadd.s32 v2, v1;
	v3 =	vadd.s32 v2, v3  }
0x38: {  	v4 =	vadd.s32 v2, v4;
	v5 =	vadd.s32 v2, v5;
	v6 =	vadd.s32 v2, v6  }
0x39: {  	v7 =	vadd.s32 v2, v7;
	v8 =	vadd.s32 v2, v8;
	vm1 =	vgt.s32 v1, $0x0  }
0x3a: {  	v2 =	vadd.s32 v2, v9;
	v1 =	vnsel vm1, $0x0, v1;
	vm1 =	vgt.s32 v3, $0x0  }
0x3b: {  	v1 =	vmin.u32 v1, $0x1F;
	v3 =	vnsel vm1, $0x0, v3;
	vm1 =	vgt.s32 v4, $0x0  }
0x3c: {  	[tilespmem:$0x0] =	vst v1;
	v1 =	vmin.u32 v3, $0x1F;
	v3 =	vnsel vm1, $0x0, v4;
	vm1 =	vgt.s32 v5, $0x0  }
0x3d: {  	[tilespmem:$0x10] =	vst v1;
	v1 =	vmin.u32 v3, $0x1F;
	v3 =	vnsel vm1, $0x0, v5;
	vm1 =	vgt.s32 v6, $0x0  }
0x3e: {  	[tilespmem:$0x20] =	vst v1;
	v1 =	vmin.u32 v3, $0x1F;
	v3 =	vnsel vm1, $0x0, v6;
	vm1 =	vgt.s32 v7, $0x0  }
0x3f: {  	[tilespmem:$0x30] =	vst v1;
	v1 =	vmin.u32 v3, $0x1F;
	v3 =	vnsel vm1, $0x0, v7;
	vm1 =	vgt.s32 v8, $0x0  }
0x40: {  	[tilespmem:$0x40] =	vst v1;
	v1 =	vmin.u32 v3, $0x1F;
	v3 =	vnsel vm1, $0x0, v8;
	vm1 =	vgt.s32 v2, $0x0  }
0x41: {  	[tilespmem:$0x50] =	vst v1;
	v1 =	vmin.u32 v3, $0x1F;
	v2 =	vnsel vm1, $0x0, v2  }
0x42: {  	[tilespmem:$0x60] =	vst v1;
	v1 =	vmin.u32 v2, $0x1F  }
0x43: {  	s29 =	simm.s32 $0x1;
	[tilespmem:$0x70] =	vst v1  }
0x44: {  	_ =	swait.ge [sflag:s29], $0x4000  }
.Ltmp2:
0x45: {  	[sflag:s29] =	ssyncset.done $0x0;
	(pc) =	sbr.rel .LBB2_2-.Ltmp2, $4  }
0x46: {  	s30 =	simm.s32 $0x2;
	[sflag:s29] =	ssyncadd.s32 $0xFFFFC000  }
0x47: {  	_ =	swait.ge [sflag:s30], $0x4000  }
0x48: {  	s16 =	simm.s32 $0x0;
	[sflag:s30] =	ssyncset.done $0x0  }
0x49: {  	s17 =	simm.s32 $0x0;
	s18 =	simm.s32 $0xFFFFFFFF;
	[sflag:s30] =	ssyncadd.s32 $0xFFFFC000  }
.LBB2_34:
0x4a: {  	s17 =	sadd.s32 $0x1, s17  }
0x4b: {  	p0 =	sne.s32 s17, $0x8  }
.Ltmp3:
0x4c: {  	_ = 	snop;
	(pc) =	sbr.rel @!p0 .LBB2_35-.Ltmp3, $3  }
0x4d: {  	_ =	sdelay $0x1  }
0x4e: {  	s6 =	sadd.s32 s6, s13;
	s16 =	sadd.s32 $0x80, s16  }
0x4f: {  	[hbm4b:s6+s3] =	stream.linear.scatter [tilespmem:s28], [sflag:$0x6], $0x4000, $0x38;
	[tilespmem:$0x1A380] =	vst v63  }
.LBB2_2:
0x50: {  	s6 =	sshll.u32 s17, $0x3  }
0x51: {  	s19 =	sand.u32 $0x3FFFFFF8, s6  }
0x52: {  	v1 =	vld [tilespmem:s19+$0x0];
	_ =	sdelay $0x4  }
0x53: {  	(v2sf) =	vpush v1, $0x0  }
0x54: {  	(v2sf) =	vpush v1, $0x7;
	_ =	sdelay $0xd  }
0x55: {  	s20 =	spop (v2sf)  }
0x56: {  	s30 =	spop (v2sf)  }
0x57: {  	p1 =	sne.s32 s20, s30  }
.Ltmp4:
0x58: {  	p0 =	seq.s32 s17, $0x0;
	(pc) =	sbr.rel @p1 .LBB2_3-.Ltmp4, $4  }
0x59: {  	s7 =	simm.s32 @!p0 $0x5  }
0x5a: {  	_ =	swait.ge @!p0 [sflag:s7], $0x4000  }
0x5b: {  	[sflag:s7] =	ssyncset.done @!p0 $0x0  }
0x5c: {  	s6 =	simm.s32 $0x0;
	[sflag:s7] =	ssyncadd.s32 @!p0 $0xFFFFC000  }
0x5d: {  	p2 =	seq.s32 s20, s18  }
.Ltmp5:
0x5e: {  	_ = 	snop;
	(pc) =	sbr.rel @p2 .LBB2_15-.Ltmp5, $1  }
0x5f: {  	_ =	sdelay $0x3  }
0x60: {  	s6 =	sshll.u32 s20, $0x9  }
0x61: {  	s6 =	sand.u32 $0x1FFFFE00, s6  }
0x62: {  	s7 =	simm.s32 $0x0;
	s6 =	sadd.s32 s5, s6  }
0x63: {  	[tilespmem:s24], [sflag:$0x7] =	stream.linear.gather [hbm4b:s6+s7], $0x1000, $0x38;
	[tilespmem:$0x1A380] =	vst v63  }
0x64: {  	s29 =	sshll.u32 s20, $0x6;
	_ =	swait.ge [sflag:s21], $0x1000  }
0x65: {  	s6 =	sand.u32 $0x1FFFFFC0, s29;
	[sflag:s21] =	ssyncset.done $0x0  }
0x66: {  	s6 =	sadd.s32 s4, s6;
	[sflag:s21] =	ssyncadd.s32 $0xFFFFF000  }
0x67: {  	[tilespmem:s25], [sflag:$0x7] =	stream.linear.gather [hbm4b:s6+s7], $0x200, $0x38;
	[tilespmem:$0x1A380] =	vst v63  }
0x68: {  	_ =	swait.ge [sflag:s21], $0x200  }
0x69: {  	[sflag:s21] =	ssyncset.done $0x0  }
0x6a: {  	s30 =	simm.s32 $0x0;
	[sflag:s21] =	ssyncadd.s32 $0xFFFFFE00  }
0x6b: {  	v2 =	vld [tilespmem:s30+$0x2180];
	_ =	sdelay $0x4  }
0x6c: {  	v1 =	vbroadcast v2, $0x1;
	v4 =	vbroadcast v2, $0x6  }
0x6d: {  	v3 =	vbroadcast v2, $0x2;
	v5 =	vbroadcast v2, $0x3  }
0x6e: {  	v7 =	vbroadcast v2, $0x4;
	v8 =	vbroadcast v2, $0x5  }
0x6f: {  	s8 =	simm.s32 $0x40;
	s7 =	simm.s32 $0x11C0;
	s6 =	simm.s32 $0x11C0;
	v6 =	vsel vm0, v3, v5;
	v5 =	vbroadcast v2, $0xB;
	v3 =	vbroadcast v2, $0xC  }
.LBB2_13:
0x70: {  	p2 =	sne.s32 s8, $0x7C0  }
0x71: {  	v7 =	vsel vm0, v7, v8;
	v8 =	vbroadcast v2, $0x8;
	v9 =	vbroadcast v2, $0xD;
	s7 =	sadd.s32 $0x80, s7;
	s9 =	smov.u32 s8;
	s8 =	sadd.s32 $0x40, s8  }
0x72: {  	v10 =	vbroadcast v2, $0x7;
	v11 =	vbroadcast v2, $0x9  }
0x73: {  	v12 =	vbroadcast v2, $0xE;
	v13 =	vbroadcast v2, $0xF;
	v7 =	vshra.s32 v7, v0  }
0x74: {  	v14 =	vbroadcast v2, $0x0;
	v2 =	vbroadcast v2, $0xA;
	v4 =	vsel vm0, v4, v10  }
0x75: {  	v6 =	vshra.s32 v6, v0;
	v8 =	vsel vm0, v8, v11;
	v4 =	vshra.s32 v4, v0  }
0x76: {  	v6 =	vand.u32 $0xF, v6;
	v1 =	vsel vm0, v14, v1;
	v2 =	vsel vm0, v2, v5  }
0x77: {  	v5 =	vcvt.s32.f32 v6;
	v6 =	vand.u32 $0xF, v7;
	v3 =	vsel vm0, v3, v9  }
0x78: {  	v6 =	vcvt.s32.f32 v6;
	v3 =	vshra.s32 v3, v0;
	v4 =	vand.u32 $0xF, v4  }
0x79: {  	v1 =	vshra.s32 v1, v0;
	v3 =	vand.u32 $0xF, v3;
	v4 =	vcvt.s32.f32 v4;
	[tilespmem:s6+$0xFFFFFFD0] =	vst v5  }
0x7a: {  	v1 =	vand.u32 $0xF, v1;
	v3 =	vcvt.s32.f32 v3;
	v5 =	vsel vm0, v12, v13  }
0x7b: {  	v1 =	vcvt.s32.f32 v1;
	v5 =	vshra.s32 v5, v0;
	[tilespmem:s6+$0xFFFFFFE0] =	vst v6;
	v6 =	vshra.s32 v8, v0  }
0x7c: {  	v2 =	vshra.s32 v2, v0;
	v6 =	vand.u32 $0xF, v6;
	[tilespmem:s6+$0x20] =	vst v3;
	v3 =	vand.u32 $0xF, v5  }
0x7d: {  	v2 =	vand.u32 $0xF, v2;
	[tilespmem:s6+$0xFFFFFFC0] =	vst v1;
	v1 =	vcvt.s32.f32 v6;
	v3 =	vcvt.s32.f32 v3  }
0x7e: {  	s9 =	sshra.s32 s9, $0x2;
	v2 =	vcvt.s32.f32 v2;
	[tilespmem:s6+$0xFFFFFFF0] =	vst v4  }
0x7f: {  	[tilespmem:s6+$0x0] =	vst v1  }
0x80: {  	[tilespmem:s6+$0x10] =	vst v2  }
0x81: {  	[tilespmem:s6+$0x30] =	vst v3;
	s6 =	smov.u32 s7  }
0x82: {  	v2 =	vld [tilespmem:s9+$0x2180];
	_ =	sdelay $0x3  }
.Ltmp6:
0x83: {  	(pc) =	sbr.rel @p2 .LBB2_13-.Ltmp6, $4  }
0x84: {  	v1 =	vbroadcast v2, $0x1;
	v4 =	vbroadcast v2, $0x6  }
0x85: {  	v3 =	vbroadcast v2, $0x2;
	v5 =	vbroadcast v2, $0x3  }
0x86: {  	v7 =	vbroadcast v2, $0x4;
	v8 =	vbroadcast v2, $0x5  }
0x87: {  	v6 =	vsel vm0, v3, v5;
	v5 =	vbroadcast v2, $0xB;
	v3 =	vbroadcast v2, $0xC  }
0x88: {  	v9 =	vbroadcast v2, $0x8  }
0x89: {  	v10 =	vbroadcast v2, $0xD;
	v11 =	vbroadcast v2, $0x7  }
0x8a: {  	v7 =	vsel vm0, v7, v8;
	v59 =	vbroadcast v2, $0x9;
	v12 =	vbroadcast v2, $0xE  }
0x8b: {  	v13 =	vbroadcast v2, $0xF;
	v14 =	vbroadcast v2, $0x0;
	v6 =	vshra.s32 v6, v0  }
0x8c: {  	v2 =	vbroadcast v2, $0xA;
	v7 =	vshra.s32 v7, v0;
	v6 =	vand.u32 $0xF, v6  }
0x8d: {  	v4 =	vsel vm0, v4, v11;
	v8 =	vsel vm0, v9, v59;
	v1 =	vsel vm0, v14, v1  }
0x8e: {  	v2 =	vsel vm0, v2, v5;
	v3 =	vsel vm0, v3, v10;
	v60 =	vcvt.s32.f32 v6  }
0x8f: {  	v61 =	vand.u32 $0xF, v7;
	v63 =	vsel vm0, v12, v13;
	v3 =	vshra.s32 v3, v0  }
0x90: {  	v6 =	vcvt.s32.f32 v61;
	v1 =	vshra.s32 v1, v0;
	v3 =	vand.u32 $0xF, v3  }
0x91: {  	v4 =	vshra.s32 v4, v0;
	[tilespmem:s6+$0xFFFFFFD0] =	vst v60;
	v1 =	vand.u32 $0xF, v1;
	v3 =	vcvt.s32.f32 v3  }
0x92: {  	v2 =	vshra.s32 v2, v0;
	v4 =	vand.u32 $0xF, v4;
	v1 =	vcvt.s32.f32 v1;
	[tilespmem:s6+$0xFFFFFFE0] =	vst v6  }
0x93: {  	v62 =	vshra.s32 v8, v0;
	v2 =	vand.u32 $0xF, v2;
	v4 =	vcvt.s32.f32 v4;
	[tilespmem:s6+$0x20] =	vst v3  }
0x94: {  	v5 =	vand.u32 $0xF, v62;
	v2 =	vcvt.s32.f32 v2;
	v3 =	vshra.s32 v63, v0;
	[tilespmem:s6+$0xFFFFFFC0] =	vst v1  }
0x95: {  	v1 =	vcvt.s32.f32 v5;
	[tilespmem:s6+$0xFFFFFFF0] =	vst v4;
	v3 =	vand.u32 $0xF, v3  }
0x96: {  	[tilespmem:s6+$0x10] =	vst v2;
	v3 =	vcvt.s32.f32 v3  }
0x97: {  	[tilespmem:s6+$0x0] =	vst v1  }
0x98: {  	[tilespmem:s6+$0x30] =	vst v3  }
.LBB2_15:
0x99: {  	s6 =	simm.s32 $0x0  }
0x9a: {  	s6 =	smul.u32 $0x380, s6;
	_ =	sdelay $0x1  }
0x9b: {  	s8 =	sadd.s32 $0x0, s6  }
0x9c: {  	s18 =	simm.s32 $0x0;
	s6 =	sadd.s32 s16, s8  }
0x9d: {  	s9 =	sand.u32 $0x70, s18;
	s6 =	sand.u32 $0xFF80, s6  }
0x9e: {  	s6 =	sor.u32 s9, s6  }
0x9f: {  	v5 =	vld [tilespmem:s6+$0x2380];
	_ =	sdelay $0x2  }
0xa0: {  	s7 =	simm.s32 $0x1180  }
0xa1: {  	v2 =	vld [tilespmem:s7+$0x0]  }
0xa2: {  	s6 =	simm.s32 $0x180;
	v3 =	vshrl.u32 v5, $0x10;
	v4 =	vshrl.u32 v5, $0x18;
	v6 =	vshrl.u32 v5, $0x14  }
0xa3: {  	v1 =	vld [tilespmem:s6+$0x0];
	v7 =	vshrl.u32 v5, $0xC;
	v8 =	vshrl.u32 v5, $0x8;
	v4 =	vand.u32 $0xF, v4  }
0xa4: {  	v3 =	vand.u32 $0xF, v3;
	v6 =	vand.u32 $0xF, v6;
	v4 =	vcvt.s32.f32 v4  }
0xa5: {  	v7 =	vand.u32 $0xF, v7;
	v3 =	vcvt.s32.f32 v3;
	v6 =	vcvt.s32.f32 v6  }
0xa6: {  	v9 =	vshrl.u32 v5, $0x4;
	v7 =	vcvt.s32.f32 v7;
	v4 =	vsub.f32 v4, v2  }
0xa7: {  	v8 =	vand.u32 $0xF, v8;
	v3 =	vsub.f32 v3, v2;
	v6 =	vsub.f32 v6, v2  }
0xa8: {  	s8 =	sand.u32 $0x7F80, s8;
	v8 =	vcvt.s32.f32 v8;
	v7 =	vsub.f32 v7, v2;
	v4 =	vmul.f32 v4, v1  }
0xa9: {  	s9 =	sor.u32 s9, s8;
	v10 =	vmul.f32 v3, v1;
	v3 =	vand.u32 $0xF, v9;
	v63 =	vmul.f32 v6, v1  }
0xaa: {  	v6 =	vand.u32 $0xF, v5;
	v11 =	vcvt.s32.f32 v3;
	v3 =	vmul.f32 v7, v1;
	[tilespmem:s9+$0x12680] =	vst v4  }
0xab: {  	v7 =	vshrl.u32 v5, $0x1C;
	v5 =	vsub.f32 v8, v2;
	v4 =	vcvt.s32.f32 v6;
	[tilespmem:s9+$0x12580] =	vst v10  }
0xac: {  	s10 =	simm.s32 $0x0;
	s8 =	simm.s32 $0x2;
	[tilespmem:s9+$0x12600] =	vst v63;
	v7 =	vcvt.s32.f32 v7;
	v6 =	vsub.f32 v11, v2  }
.LBB2_16:
0xad: {  	p2 =	seq.s32 s8, $0x7F;
	s10 =	smul.u32 $0x380, s10;
	v4 =	vsub.f32 v4, v2;
	v5 =	vmul.f32 v5, v1;
	[tilespmem:s9+$0x12500] =	vst v3  }
0xae: {  	s18 =	sadd.s32 $0x10, s18;
	v3 =	vmul.f32 v6, v1;
	v2 =	vsub.f32 v7, v2  }
0xaf: {  	s10 =	sadd.s32 s10, s18;
	v4 =	vmul.f32 v4, v1;
	[tilespmem:s9+$0x12480] =	vst v5  }
0xb0: {  	s11 =	sadd.s32 s16, s10;
	[tilespmem:s9+$0x12400] =	vst v3;
	v1 =	vmul.f32 v2, v1  }
0xb1: {  	s15 =	sand.u32 $0x70, s18;
	s11 =	sand.u32 $0xFF80, s11;
	[tilespmem:s9+$0x12380] =	vst v4  }
0xb2: {  	s11 =	sor.u32 s15, s11;
	[tilespmem:s9+$0x12700] =	vst v1  }
0xb3: {  	v6 =	vld [tilespmem:s11+$0x2380];
	_ =	sdelay $0x2  }
0xb4: {  	s7 =	sadd.s32 $0x10, s7  }
0xb5: {  	v2 =	vld [tilespmem:s7+$0x0]  }
0xb6: {  	s6 =	sadd.s32 $0x10, s6;
	v3 =	vshrl.u32 v6, $0x10;
	v4 =	vshrl.u32 v6, $0x14;
	v5 =	vshrl.u32 v6, $0x18  }
0xb7: {  	v1 =	vld [tilespmem:s6+$0x0];
	v3 =	vand.u32 $0xF, v3;
	v4 =	vand.u32 $0xF, v4;
	v5 =	vand.u32 $0xF, v5  }
0xb8: {  	v7 =	vshrl.u32 v6, $0xC;
	v3 =	vcvt.s32.f32 v3;
	v5 =	vcvt.s32.f32 v5  }
0xb9: {  	v8 =	vshrl.u32 v6, $0x8;
	v7 =	vand.u32 $0xF, v7;
	v4 =	vcvt.s32.f32 v4  }
0xba: {  	v7 =	vcvt.s32.f32 v7;
	v3 =	vsub.f32 v3, v2;
	v5 =	vsub.f32 v5, v2  }
0xbb: {  	v9 =	vshrl.u32 v6, $0x4;
	v8 =	vand.u32 $0xF, v8;
	v4 =	vsub.f32 v4, v2  }
.Ltmp7:
0xbc: {  	s9 =	sand.u32 $0x7F80, s10;
	v7 =	vsub.f32 v7, v2;
	v10 =	vmul.f32 v3, v1;
	v5 =	vmul.f32 v5, v1;
	(pc) =	sbr.rel @!p2 .LBB2_16-.Ltmp7, $4  }
0xbd: {  	s9 =	sor.u32 s15, s9;
	v8 =	vcvt.s32.f32 v8;
	v3 =	vand.u32 $0xF, v9;
	v9 =	vmul.f32 v4, v1  }
0xbe: {  	v4 =	vand.u32 $0xF, v6;
	v11 =	vcvt.s32.f32 v3;
	v3 =	vmul.f32 v7, v1;
	[tilespmem:s9+$0x12680] =	vst v5  }
0xbf: {  	v4 =	vcvt.s32.f32 v4;
	v7 =	vshrl.u32 v6, $0x1C;
	v5 =	vsub.f32 v8, v2;
	[tilespmem:s9+$0x12580] =	vst v10  }
0xc0: {  	s10 =	sshrl.u32 s8, $0x3;
	s8 =	sadd.s32 $0x1, s8;
	v7 =	vcvt.s32.f32 v7;
	v6 =	vsub.f32 v11, v2;
	[tilespmem:s9+$0x12600] =	vst v9  }
0xc1: {  	s8 =	smul.u32 $0x380, s10;
	v4 =	vsub.f32 v4, v2;
	v5 =	vmul.f32 v5, v1  }
0xc2: {  	[tilespmem:s9+$0x12500] =	vst v3;
	s29 =	sadd.s32 $0x10, s18;
	v3 =	vmul.f32 v6, v1;
	v2 =	vsub.f32 v7, v2  }
0xc3: {  	s8 =	sadd.s32 s8, s29;
	v4 =	vmul.f32 v4, v1;
	[tilespmem:s9+$0x12480] =	vst v5  }
0xc4: {  	s11 =	sadd.s32 s16, s8;
	[tilespmem:s9+$0x12400] =	vst v3;
	v1 =	vmul.f32 v2, v1  }
0xc5: {  	s10 =	sand.u32 $0x70, s29;
	s11 =	sand.u32 $0xFF80, s11;
	[tilespmem:s9+$0x12380] =	vst v4  }
0xc6: {  	s11 =	sor.u32 s10, s11;
	[tilespmem:s9+$0x12700] =	vst v1  }
0xc7: {  	v1 =	vld [tilespmem:s11+$0x2380];
	_ =	sdelay $0x3  }
0xc8: {  	s7 =	sadd.s32 $0x10, s7  }
0xc9: {  	v2 =	vld [tilespmem:s7+$0x0];
	v3 =	vshrl.u32 v1, $0x10;
	v57 =	vshrl.u32 v1, $0x14  }
0xca: {  	s6 =	sadd.s32 $0x10, s6;
	v58 =	vshrl.u32 v1, $0x18;
	v60 =	vshrl.u32 v1, $0xC;
	v8 =	vshrl.u32 v1, $0x8  }
0xcb: {  	v59 =	vld [tilespmem:s6+$0x0];
	v9 =	vshrl.u32 v1, $0x4;
	v10 =	vand.u32 $0xF, v1;
	v1 =	vshrl.u32 v1, $0x1C  }
0xcc: {  	v3 =	vand.u32 $0xF, v3;
	v5 =	vand.u32 $0xF, v58;
	v1 =	vcvt.s32.f32 v1  }
0xcd: {  	v4 =	vand.u32 $0xF, v57;
	v7 =	vand.u32 $0xF, v60;
	v5 =	vcvt.s32.f32 v5  }
0xce: {  	v8 =	vand.u32 $0xF, v8;
	v3 =	vcvt.s32.f32 v3;
	v1 =	vsub.f32 v1, v2  }
0xcf: {  	v9 =	vand.u32 $0xF, v9;
	v4 =	vcvt.s32.f32 v4;
	v5 =	vsub.f32 v5, v2  }
0xd0: {  	s30 =	sand.u32 $0x7F80, s8;
	v7 =	vcvt.s32.f32 v7;
	v3 =	vsub.f32 v3, v2;
	v1 =	vmul.f32 v1, v59  }
0xd1: {  	s6 =	sor.u32 s10, s30;
	v8 =	vcvt.s32.f32 v8;
	v4 =	vsub.f32 v4, v2;
	v5 =	vmul.f32 v5, v59  }
0xd2: {  	v61 =	vcvt.s32.f32 v10;
	v7 =	vsub.f32 v7, v2;
	v3 =	vmul.f32 v3, v59;
	[tilespmem:s6+$0x12700] =	vst v1  }
0xd3: {  	v9 =	vcvt.s32.f32 v9;
	v8 =	vsub.f32 v8, v2;
	v4 =	vmul.f32 v4, v59;
	[tilespmem:s6+$0x12680] =	vst v5  }
0xd4: {  	v62 =	vsub.f32 v61, v2;
	v7 =	vmul.f32 v7, v59;
	[tilespmem:s6+$0x12580] =	vst v3  }
.Ltmp8:
0xd5: {  	v63 =	vmul.f32 v8, v59;
	v3 =	vsub.f32 v9, v2;
	[tilespmem:s6+$0x12600] =	vst v4;
	(pc) =	sbr.rel .LBB2_18-.Ltmp8, $4  }
0xd6: {  	[tilespmem:s6+$0x12500] =	vst v7;
	v2 =	vmul.f32 v62, v59  }
0xd7: {  	[tilespmem:s6+$0x12480] =	vst v63;
	v3 =	vmul.f32 v3, v59  }
0xd8: {  	[tilespmem:s6+$0x12380] =	vst v2  }
0xd9: {  	s18 =	smov.u32 s20;
	[tilespmem:s6+$0x12400] =	vst v3  }
.LBB2_3:
0xda: {  	s7 =	simm.s32 $0x0  }
.LBB2_4:
0xdb: {  	s8 =	sadd.s32 s7, s19  }
0xdc: {  	v1 =	vld [tilespmem:s8+$0x0];
	_ =	sdelay $0x4  }
0xdd: {  	(v2sf) =	vpush v1, $0x0;
	_ =	sdelay $0xe  }
0xde: {  	s30 =	smov.u32 s18;
	s18 =	spop (v2sf)  }
0xdf: {  	p2 =	seq.s32 s18, s30  }
.Ltmp9:
0xe0: {  	_ = 	snop;
	(pc) =	sbr.rel @p2 .LBB2_8-.Ltmp9, $1  }
0xe1: {  	_ =	sdelay $0x3  }
0xe2: {  	s8 =	sshll.u32 s18, $0x9  }
0xe3: {  	s8 =	sand.u32 $0x1FFFFE00, s8  }
0xe4: {  	s9 =	simm.s32 $0x0;
	s8 =	sadd.s32 s5, s8  }
0xe5: {  	[tilespmem:s24], [sflag:$0x7] =	stream.linear.gather [hbm4b:s8+s9], $0x1000, $0x38;
	[tilespmem:$0x1A380] =	vst v63  }
0xe6: {  	s29 =	sshll.u32 s18, $0x6;
	_ =	swait.ge [sflag:s21], $0x1000  }
0xe7: {  	s8 =	sand.u32 $0x1FFFFFC0, s29;
	[sflag:s21] =	ssyncset.done $0x0  }
0xe8: {  	s8 =	sadd.s32 s4, s8;
	[sflag:s21] =	ssyncadd.s32 $0xFFFFF000  }
0xe9: {  	[tilespmem:s25], [sflag:$0x7] =	stream.linear.gather [hbm4b:s8+s9], $0x200, $0x38;
	[tilespmem:$0x1A380] =	vst v63  }
0xea: {  	_ =	swait.ge [sflag:s21], $0x200  }
0xeb: {  	[sflag:s21] =	ssyncset.done $0x0  }
0xec: {  	s30 =	simm.s32 $0x0;
	[sflag:s21] =	ssyncadd.s32 $0xFFFFFE00  }
0xed: {  	v2 =	vld [tilespmem:s30+$0x2180];
	_ =	sdelay $0x4  }
0xee: {  	v1 =	vbroadcast v2, $0x1;
	v4 =	vbroadcast v2, $0x6  }
0xef: {  	v3 =	vbroadcast v2, $0x2;
	v5 =	vbroadcast v2, $0x3  }
0xf0: {  	v7 =	vbroadcast v2, $0x4;
	v8 =	vbroadcast v2, $0x5  }
0xf1: {  	s10 =	simm.s32 $0x40;
	s9 =	simm.s32 $0x11C0;
	s8 =	simm.s32 $0x11C0;
	v6 =	vsel vm0, v3, v5;
	v5 =	vbroadcast v2, $0xB;
	v3 =	vbroadcast v2, $0xC  }
.LBB2_6:
0xf2: {  	p2 =	sne.s32 s10, $0x7C0  }
0xf3: {  	v7 =	vsel vm0, v7, v8;
	v8 =	vbroadcast v2, $0x8;
	v9 =	vbroadcast v2, $0xD;
	s9 =	sadd.s32 $0x80, s9;
	s11 =	smov.u32 s10;
	s10 =	sadd.s32 $0x40, s10  }
0xf4: {  	v10 =	vbroadcast v2, $0x7;
	v11 =	vbroadcast v2, $0x9  }
0xf5: {  	v12 =	vbroadcast v2, $0xE;
	v13 =	vbroadcast v2, $0xF;
	v7 =	vshra.s32 v7, v0  }
0xf6: {  	v14 =	vbroadcast v2, $0x0;
	v2 =	vbroadcast v2, $0xA;
	v4 =	vsel vm0, v4, v10  }
0xf7: {  	v6 =	vshra.s32 v6, v0;
	v8 =	vsel vm0, v8, v11;
	v4 =	vshra.s32 v4, v0  }
0xf8: {  	v6 =	vand.u32 $0xF, v6;
	v1 =	vsel vm0, v14, v1;
	v2 =	vsel vm0, v2, v5  }
0xf9: {  	v5 =	vcvt.s32.f32 v6;
	v6 =	vand.u32 $0xF, v7;
	v3 =	vsel vm0, v3, v9  }
0xfa: {  	v6 =	vcvt.s32.f32 v6;
	v3 =	vshra.s32 v3, v0;
	v4 =	vand.u32 $0xF, v4  }
0xfb: {  	v1 =	vshra.s32 v1, v0;
	v3 =	vand.u32 $0xF, v3;
	v4 =	vcvt.s32.f32 v4;
	[tilespmem:s8+$0xFFFFFFD0] =	vst v5  }
0xfc: {  	v1 =	vand.u32 $0xF, v1;
	v3 =	vcvt.s32.f32 v3;
	v5 =	vsel vm0, v12, v13  }
0xfd: {  	v1 =	vcvt.s32.f32 v1;
	v5 =	vshra.s32 v5, v0;
	[tilespmem:s8+$0xFFFFFFE0] =	vst v6;
	v6 =	vshra.s32 v8, v0  }
0xfe: {  	v2 =	vshra.s32 v2, v0;
	v6 =	vand.u32 $0xF, v6;
	[tilespmem:s8+$0x20] =	vst v3;
	v3 =	vand.u32 $0xF, v5  }
0xff: {  	v2 =	vand.u32 $0xF, v2;
	[tilespmem:s8+$0xFFFFFFC0] =	vst v1;
	v1 =	vcvt.s32.f32 v6;
	v3 =	vcvt.s32.f32 v3  }
0x100: {  	s11 =	sshra.s32 s11, $0x2;
	v2 =	vcvt.s32.f32 v2;
	[tilespmem:s8+$0xFFFFFFF0] =	vst v4  }
0x101: {  	[tilespmem:s8+$0x0] =	vst v1  }
0x102: {  	[tilespmem:s8+$0x10] =	vst v2  }
0x103: {  	[tilespmem:s8+$0x30] =	vst v3;
	s8 =	smov.u32 s9  }
0x104: {  	v2 =	vld [tilespmem:s11+$0x2180];
	_ =	sdelay $0x3  }
.Ltmp10:
0x105: {  	(pc) =	sbr.rel @p2 .LBB2_6-.Ltmp10, $4  }
0x106: {  	v1 =	vbroadcast v2, $0x1;
	v4 =	vbroadcast v2, $0x6  }
0x107: {  	v3 =	vbroadcast v2, $0x2;
	v5 =	vbroadcast v2, $0x3  }
0x108: {  	v7 =	vbroadcast v2, $0x4;
	v8 =	vbroadcast v2, $0x5  }
0x109: {  	v6 =	vsel vm0, v3, v5;
	v5 =	vbroadcast v2, $0xB;
	v3 =	vbroadcast v2, $0xC  }
0x10a: {  	v9 =	vbroadcast v2, $0x8  }
0x10b: {  	v10 =	vbroadcast v2, $0xD;
	v11 =	vbroadcast v2, $0x7  }
0x10c: {  	v7 =	vsel vm0, v7, v8;
	v59 =	vbroadcast v2, $0x9;
	v12 =	vbroadcast v2, $0xE  }
0x10d: {  	v13 =	vbroadcast v2, $0xF;
	v14 =	vbroadcast v2, $0x0;
	v6 =	vshra.s32 v6, v0  }
0x10e: {  	v2 =	vbroadcast v2, $0xA;
	v7 =	vshra.s32 v7, v0;
	v6 =	vand.u32 $0xF, v6  }
0x10f: {  	v4 =	vsel vm0, v4, v11;
	v8 =	vsel vm0, v9, v59;
	v1 =	vsel vm0, v14, v1  }
0x110: {  	v2 =	vsel vm0, v2, v5;
	v3 =	vsel vm0, v3, v10;
	v60 =	vcvt.s32.f32 v6  }
0x111: {  	v61 =	vand.u32 $0xF, v7;
	v63 =	vsel vm0, v12, v13;
	v3 =	vshra.s32 v3, v0  }
0x112: {  	v6 =	vcvt.s32.f32 v61;
	v1 =	vshra.s32 v1, v0;
	v3 =	vand.u32 $0xF, v3  }
0x113: {  	v4 =	vshra.s32 v4, v0;
	[tilespmem:s8+$0xFFFFFFD0] =	vst v60;
	v1 =	vand.u32 $0xF, v1;
	v3 =	vcvt.s32.f32 v3  }
0x114: {  	v2 =	vshra.s32 v2, v0;
	v4 =	vand.u32 $0xF, v4;
	v1 =	vcvt.s32.f32 v1;
	[tilespmem:s8+$0xFFFFFFE0] =	vst v6  }
0x115: {  	v62 =	vshra.s32 v8, v0;
	v2 =	vand.u32 $0xF, v2;
	v4 =	vcvt.s32.f32 v4;
	[tilespmem:s8+$0x20] =	vst v3  }
0x116: {  	v5 =	vand.u32 $0xF, v62;
	v2 =	vcvt.s32.f32 v2;
	v3 =	vshra.s32 v63, v0;
	[tilespmem:s8+$0xFFFFFFC0] =	vst v1  }
0x117: {  	v1 =	vcvt.s32.f32 v5;
	[tilespmem:s8+$0xFFFFFFF0] =	vst v4;
	v3 =	vand.u32 $0xF, v3  }
0x118: {  	[tilespmem:s8+$0x10] =	vst v2;
	v3 =	vcvt.s32.f32 v3  }
0x119: {  	[tilespmem:s8+$0x0] =	vst v1  }
0x11a: {  	[tilespmem:s8+$0x30] =	vst v3  }
.LBB2_8:
0x11b: {  	s8 =	simm.s32 $0x0  }
0x11c: {  	s15 =	smul.u32 $0x380, s8;
	_ =	sdelay $0x1  }
0x11d: {  	s8 =	sadd.s32 s15, s16  }
0x11e: {  	s11 =	simm.s32 $0x0;
	s9 =	sadd.s32 $0x0, s8  }
0x11f: {  	s8 =	sand.u32 $0x70, s11;
	s9 =	sand.u32 $0xFF80, s9  }
0x120: {  	s9 =	sor.u32 s8, s9  }
0x121: {  	v2 =	vld [tilespmem:s9+$0x2380];
	_ =	sdelay $0x2  }
0x122: {  	s30 =	sshll.u32 s7, $0x2;
	s10 =	simm.s32 $0x1180  }
0x123: {  	v1 =	vmov s30;
	v3 =	vld [tilespmem:s10+$0x0]  }
0x124: {  	s9 =	simm.s32 $0x180;
	v2 =	vshra.s32 v2, v1  }
0x125: {  	v4 =	vand.u32 $0xF, v2;
	v2 =	vld [tilespmem:s9+$0x0]  }
0x126: {  	s23 =	simm.s32 $0x0;
	s22 =	simm.s32 $0x2;
	v4 =	vcvt.s32.f32 v4  }
.LBB2_9:
0x127: {  	p2 =	sne.s32 s22, $0x7F;
	s23 =	smul.u32 $0x380, s23  }
0x128: {  	s15 =	sadd.s32 s15, s6;
	v3 =	vsub.f32 v4, v3  }
0x129: {  	s15 =	sadd.s32 s15, s11;
	s11 =	sadd.s32 $0x10, s11;
	s29 =	sadd.s32 s23, s16  }
0x12a: {  	s30 =	sand.u32 $0xFF80, s15;
	s15 =	smov.u32 s23;
	s29 =	sadd.s32 s29, s11;
	v2 =	vmul.f32 v3, v2  }
0x12b: {  	s23 =	sand.u32 $0xFF80, s29;
	s29 =	sor.u32 s8, s30;
	s8 =	sand.u32 $0x70, s11  }
0x12c: {  	s23 =	sor.u32 s8, s23;
	[tilespmem:s29+$0x12380] =	vst v2  }
0x12d: {  	v2 =	vld [tilespmem:s23+$0x2380];
	_ =	sdelay $0x2  }
.Ltmp11:
0x12e: {  	s10 =	sadd.s32 $0x10, s10;
	(pc) =	sbr.rel @p2 .LBB2_9-.Ltmp11, $4  }
0x12f: {  	v3 =	vld [tilespmem:s10+$0x0]  }
0x130: {  	s9 =	sadd.s32 $0x10, s9;
	v2 =	vshra.s32 v2, v1  }
0x131: {  	v4 =	vand.u32 $0xF, v2;
	v2 =	vld [tilespmem:s9+$0x0]  }
0x132: {  	s23 =	sshrl.u32 s22, $0x3;
	s22 =	sadd.s32 $0x1, s22;
	v4 =	vcvt.s32.f32 v4  }
0x133: {  	s22 =	smul.u32 $0x380, s23  }
0x134: {  	s15 =	sadd.s32 s15, s6;
	v3 =	vsub.f32 v4, v3  }
0x135: {  	s15 =	sadd.s32 s15, s11;
	s11 =	sadd.s32 $0x10, s11;
	s23 =	sadd.s32 s22, s16  }
0x136: {  	s15 =	sand.u32 $0xFF80, s15;
	s23 =	sadd.s32 s23, s11;
	v2 =	vmul.f32 v3, v2  }
0x137: {  	s29 =	sand.u32 $0x70, s11;
	s8 =	sor.u32 s8, s15;
	s23 =	sand.u32 $0xFF80, s23  }
0x138: {  	s30 =	sor.u32 s29, s23;
	[tilespmem:s8+$0x12380] =	vst v2  }
0x139: {  	v2 =	vld [tilespmem:s30+$0x2380];
	_ =	sdelay $0x2  }
0x13a: {  	s15 =	sadd.s32 $0x10, s10  }
0x13b: {  	v3 =	vld [tilespmem:s15+$0x0]  }
0x13c: {  	s23 =	sadd.s32 $0x10, s9;
	v1 =	vshra.s32 v2, v1  }
0x13d: {  	v2 =	vld [tilespmem:s23+$0x0];
	v1 =	vand.u32 $0xF, v1  }
0x13e: {  	s7 =	sadd.s32 $0x1, s7;
	v1 =	vcvt.s32.f32 v1  }
0x13f: {  	p2 =	sne.s32 s7, $0x8  }
.Ltmp12:
0x140: {  	s30 =	sadd.s32 s22, s6;
	v1 =	vsub.f32 v1, v3;
	(pc) =	sbr.rel @p2 .LBB2_4-.Ltmp12, $4  }
0x141: {  	s8 =	sadd.s32 s30, s11  }
0x142: {  	s8 =	sand.u32 $0xFF80, s8;
	v1 =	vmul.f32 v1, v2  }
0x143: {  	s8 =	sor.u32 s29, s8  }
0x144: {  	s6 =	sadd.s32 $0x80, s6;
	[tilespmem:s8+$0x12380] =	vst v1  }
.LBB2_18:
0x145: {  	s6 =	sshll.u32 s17, $0xC  }
0x146: {  	s6 =	sadd.s32 s12, s6  }
0x147: {  	s7 =	sadd.s32 s1, s6  }
0x148: {  	[hbm4b:s7+s3] =	stream.linear.scatter [tilespmem:s26], [sflag:$0x5], $0x4000, $0x38;
	[tilespmem:$0x1A380] =	vst v63  }
.Ltmp13:
0x149: {  	_ = 	snop;
	(pc) =	sbr.rel @p1 .LBB2_19-.Ltmp13, $4  }
0x14a: {  	s7 =	simm.s32 @!p0 $0x6  }
0x14b: {  	_ =	swait.ge @!p0 [sflag:s7], $0x4000  }
0x14c: {  	[sflag:s7] =	ssyncset.done @!p0 $0x0  }
0x14d: {  	[sflag:s7] =	ssyncadd.s32 @!p0 $0xFFFFC000;
	s7 =	simm.s32 $0x0  }
0x14e: {  	p0 =	seq.s32 s20, s18  }
.Ltmp14:
0x14f: {  	_ = 	snop;
	(pc) =	sbr.rel @p0 .LBB2_31-.Ltmp14, $1  }
0x150: {  	_ =	sdelay $0x3  }
0x151: {  	s7 =	sshll.u32 s20, $0x9  }
0x152: {  	s7 =	sand.u32 $0x1FFFFE00, s7  }
0x153: {  	s8 =	simm.s32 $0x0;
	s7 =	sadd.s32 s5, s7  }
0x154: {  	[tilespmem:s24], [sflag:$0x7] =	stream.linear.gather [hbm4b:s7+s8], $0x1000, $0x38;
	[tilespmem:$0x1A380] =	vst v63  }
0x155: {  	s29 =	sshll.u32 s20, $0x6;
	_ =	swait.ge [sflag:s21], $0x1000  }
0x156: {  	s7 =	sand.u32 $0x1FFFFFC0, s29;
	[sflag:s21] =	ssyncset.done $0x0  }
0x157: {  	s7 =	sadd.s32 s4, s7;
	[sflag:s21] =	ssyncadd.s32 $0xFFFFF000  }
0x158: {  	[tilespmem:s25], [sflag:$0x7] =	stream.linear.gather [hbm4b:s7+s8], $0x200, $0x38;
	[tilespmem:$0x1A380] =	vst v63  }
0x159: {  	_ =	swait.ge [sflag:s21], $0x200  }
0x15a: {  	[sflag:s21] =	ssyncset.done $0x0  }
0x15b: {  	s30 =	simm.s32 $0x0;
	[sflag:s21] =	ssyncadd.s32 $0xFFFFFE00  }
0x15c: {  	v2 =	vld [tilespmem:s30+$0x2180];
	_ =	sdelay $0x4  }
0x15d: {  	v1 =	vbroadcast v2, $0x1;
	v4 =	vbroadcast v2, $0x6  }
0x15e: {  	v3 =	vbroadcast v2, $0x2;
	v5 =	vbroadcast v2, $0x3  }
0x15f: {  	v7 =	vbroadcast v2, $0x4;
	v8 =	vbroadcast v2, $0x5  }
0x160: {  	s9 =	simm.s32 $0x40;
	s8 =	simm.s32 $0x11C0;
	s7 =	simm.s32 $0x11C0;
	v6 =	vsel vm0, v3, v5;
	v5 =	vbroadcast v2, $0xB;
	v3 =	vbroadcast v2, $0xC  }
.LBB2_29:
0x161: {  	p0 =	sne.s32 s9, $0x7C0  }
0x162: {  	v7 =	vsel vm0, v7, v8;
	v8 =	vbroadcast v2, $0x8;
	v9 =	vbroadcast v2, $0xD;
	s8 =	sadd.s32 $0x80, s8;
	s10 =	smov.u32 s9;
	s9 =	sadd.s32 $0x40, s9  }
0x163: {  	v10 =	vbroadcast v2, $0x7;
	v11 =	vbroadcast v2, $0x9  }
0x164: {  	v12 =	vbroadcast v2, $0xE;
	v13 =	vbroadcast v2, $0xF;
	v7 =	vshra.s32 v7, v0  }
0x165: {  	v14 =	vbroadcast v2, $0x0;
	v2 =	vbroadcast v2, $0xA;
	v4 =	vsel vm0, v4, v10  }
0x166: {  	v6 =	vshra.s32 v6, v0;
	v8 =	vsel vm0, v8, v11;
	v4 =	vshra.s32 v4, v0  }
0x167: {  	v6 =	vand.u32 $0xF, v6;
	v1 =	vsel vm0, v14, v1;
	v2 =	vsel vm0, v2, v5  }
0x168: {  	v5 =	vcvt.s32.f32 v6;
	v6 =	vand.u32 $0xF, v7;
	v3 =	vsel vm0, v3, v9  }
0x169: {  	v6 =	vcvt.s32.f32 v6;
	v3 =	vshra.s32 v3, v0;
	v4 =	vand.u32 $0xF, v4  }
0x16a: {  	v1 =	vshra.s32 v1, v0;
	v3 =	vand.u32 $0xF, v3;
	v4 =	vcvt.s32.f32 v4;
	[tilespmem:s7+$0xFFFFFFD0] =	vst v5  }
0x16b: {  	v1 =	vand.u32 $0xF, v1;
	v3 =	vcvt.s32.f32 v3;
	v5 =	vsel vm0, v12, v13  }
0x16c: {  	v1 =	vcvt.s32.f32 v1;
	v5 =	vshra.s32 v5, v0;
	[tilespmem:s7+$0xFFFFFFE0] =	vst v6;
	v6 =	vshra.s32 v8, v0  }
0x16d: {  	v2 =	vshra.s32 v2, v0;
	v6 =	vand.u32 $0xF, v6;
	[tilespmem:s7+$0x20] =	vst v3;
	v3 =	vand.u32 $0xF, v5  }
0x16e: {  	v2 =	vand.u32 $0xF, v2;
	[tilespmem:s7+$0xFFFFFFC0] =	vst v1;
	v1 =	vcvt.s32.f32 v6;
	v3 =	vcvt.s32.f32 v3  }
0x16f: {  	s10 =	sshra.s32 s10, $0x2;
	v2 =	vcvt.s32.f32 v2;
	[tilespmem:s7+$0xFFFFFFF0] =	vst v4  }
0x170: {  	[tilespmem:s7+$0x0] =	vst v1  }
0x171: {  	[tilespmem:s7+$0x10] =	vst v2  }
0x172: {  	[tilespmem:s7+$0x30] =	vst v3;
	s7 =	smov.u32 s8  }
0x173: {  	v2 =	vld [tilespmem:s10+$0x2180];
	_ =	sdelay $0x3  }
.Ltmp15:
0x174: {  	(pc) =	sbr.rel @p0 .LBB2_29-.Ltmp15, $4  }
0x175: {  	v1 =	vbroadcast v2, $0x1;
	v4 =	vbroadcast v2, $0x6  }
0x176: {  	v3 =	vbroadcast v2, $0x2;
	v5 =	vbroadcast v2, $0x3  }
0x177: {  	v7 =	vbroadcast v2, $0x4;
	v8 =	vbroadcast v2, $0x5  }
0x178: {  	v6 =	vsel vm0, v3, v5;
	v5 =	vbroadcast v2, $0xB;
	v3 =	vbroadcast v2, $0xC  }
0x179: {  	v9 =	vbroadcast v2, $0x8  }
0x17a: {  	v10 =	vbroadcast v2, $0xD;
	v11 =	vbroadcast v2, $0x7  }
0x17b: {  	v7 =	vsel vm0, v7, v8;
	v59 =	vbroadcast v2, $0x9;
	v12 =	vbroadcast v2, $0xE  }
0x17c: {  	v13 =	vbroadcast v2, $0xF;
	v14 =	vbroadcast v2, $0x0;
	v6 =	vshra.s32 v6, v0  }
0x17d: {  	v2 =	vbroadcast v2, $0xA;
	v7 =	vshra.s32 v7, v0;
	v6 =	vand.u32 $0xF, v6  }
0x17e: {  	v4 =	vsel vm0, v4, v11;
	v8 =	vsel vm0, v9, v59;
	v1 =	vsel vm0, v14, v1  }
0x17f: {  	v2 =	vsel vm0, v2, v5;
	v3 =	vsel vm0, v3, v10;
	v60 =	vcvt.s32.f32 v6  }
0x180: {  	v61 =	vand.u32 $0xF, v7;
	v63 =	vsel vm0, v12, v13;
	v3 =	vshra.s32 v3, v0  }
0x181: {  	v6 =	vcvt.s32.f32 v61;
	v1 =	vshra.s32 v1, v0;
	v3 =	vand.u32 $0xF, v3  }
0x182: {  	v4 =	vshra.s32 v4, v0;
	[tilespmem:s7+$0xFFFFFFD0] =	vst v60;
	v1 =	vand.u32 $0xF, v1;
	v3 =	vcvt.s32.f32 v3  }
0x183: {  	v2 =	vshra.s32 v2, v0;
	v4 =	vand.u32 $0xF, v4;
	v1 =	vcvt.s32.f32 v1;
	[tilespmem:s7+$0xFFFFFFE0] =	vst v6  }
0x184: {  	v62 =	vshra.s32 v8, v0;
	v2 =	vand.u32 $0xF, v2;
	v4 =	vcvt.s32.f32 v4;
	[tilespmem:s7+$0x20] =	vst v3  }
0x185: {  	v5 =	vand.u32 $0xF, v62;
	v2 =	vcvt.s32.f32 v2;
	v3 =	vshra.s32 v63, v0;
	[tilespmem:s7+$0xFFFFFFC0] =	vst v1  }
0x186: {  	v1 =	vcvt.s32.f32 v5;
	[tilespmem:s7+$0xFFFFFFF0] =	vst v4;
	v3 =	vand.u32 $0xF, v3  }
0x187: {  	[tilespmem:s7+$0x10] =	vst v2;
	v3 =	vcvt.s32.f32 v3  }
0x188: {  	[tilespmem:s7+$0x0] =	vst v1  }
0x189: {  	[tilespmem:s7+$0x30] =	vst v3  }
.LBB2_31:
0x18a: {  	s7 =	simm.s32 $0x0  }
0x18b: {  	s7 =	smul.u32 $0x380, s7;
	_ =	sdelay $0x1  }
0x18c: {  	s8 =	sadd.s32 $0x0, s7  }
0x18d: {  	s19 =	simm.s32 $0x0;
	s7 =	sadd.s32 s16, s8  }
0x18e: {  	s9 =	sand.u32 $0x70, s19;
	s7 =	sand.u32 $0xFF80, s7  }
0x18f: {  	s7 =	sor.u32 s9, s7  }
0x190: {  	v5 =	vld [tilespmem:s7+$0x6380];
	_ =	sdelay $0x2  }
0x191: {  	s18 =	simm.s32 $0x1980  }
0x192: {  	v2 =	vld [tilespmem:s18+$0x0]  }
0x193: {  	s7 =	simm.s32 $0x980;
	v3 =	vshrl.u32 v5, $0x10;
	v4 =	vshrl.u32 v5, $0x18;
	v6 =	vshrl.u32 v5, $0x14  }
0x194: {  	v1 =	vld [tilespmem:s7+$0x0];
	v7 =	vshrl.u32 v5, $0xC;
	v8 =	vshrl.u32 v5, $0x8;
	v4 =	vand.u32 $0xF, v4  }
0x195: {  	v3 =	vand.u32 $0xF, v3;
	v6 =	vand.u32 $0xF, v6;
	v4 =	vcvt.s32.f32 v4  }
0x196: {  	v7 =	vand.u32 $0xF, v7;
	v3 =	vcvt.s32.f32 v3;
	v6 =	vcvt.s32.f32 v6  }
0x197: {  	v9 =	vshrl.u32 v5, $0x4;
	v7 =	vcvt.s32.f32 v7;
	v4 =	vsub.f32 v4, v2  }
0x198: {  	v8 =	vand.u32 $0xF, v8;
	v3 =	vsub.f32 v3, v2;
	v6 =	vsub.f32 v6, v2  }
0x199: {  	s8 =	sand.u32 $0x7F80, s8;
	v8 =	vcvt.s32.f32 v8;
	v7 =	vsub.f32 v7, v2;
	v4 =	vmul.f32 v4, v1  }
0x19a: {  	s9 =	sor.u32 s9, s8;
	v10 =	vmul.f32 v3, v1;
	v3 =	vand.u32 $0xF, v9;
	v63 =	vmul.f32 v6, v1  }
0x19b: {  	v6 =	vand.u32 $0xF, v5;
	v11 =	vcvt.s32.f32 v3;
	v3 =	vmul.f32 v7, v1;
	[tilespmem:s9+$0x16680] =	vst v4  }
0x19c: {  	v7 =	vshrl.u32 v5, $0x1C;
	v5 =	vsub.f32 v8, v2;
	v4 =	vcvt.s32.f32 v6;
	[tilespmem:s9+$0x16580] =	vst v10  }
0x19d: {  	s10 =	simm.s32 $0x0;
	s8 =	simm.s32 $0x2;
	[tilespmem:s9+$0x16600] =	vst v63;
	v7 =	vcvt.s32.f32 v7;
	v6 =	vsub.f32 v11, v2  }
.LBB2_32:
0x19e: {  	p0 =	seq.s32 s8, $0x7F;
	s10 =	smul.u32 $0x380, s10;
	v4 =	vsub.f32 v4, v2;
	v5 =	vmul.f32 v5, v1;
	[tilespmem:s9+$0x16500] =	vst v3  }
0x19f: {  	s19 =	sadd.s32 $0x10, s19;
	v3 =	vmul.f32 v6, v1;
	v2 =	vsub.f32 v7, v2  }
0x1a0: {  	s10 =	sadd.s32 s10, s19;
	v4 =	vmul.f32 v4, v1;
	[tilespmem:s9+$0x16480] =	vst v5  }
0x1a1: {  	s11 =	sadd.s32 s16, s10;
	[tilespmem:s9+$0x16400] =	vst v3;
	v1 =	vmul.f32 v2, v1  }
0x1a2: {  	s15 =	sand.u32 $0x70, s19;
	s11 =	sand.u32 $0xFF80, s11;
	[tilespmem:s9+$0x16380] =	vst v4  }
0x1a3: {  	s11 =	sor.u32 s15, s11;
	[tilespmem:s9+$0x16700] =	vst v1  }
0x1a4: {  	v6 =	vld [tilespmem:s11+$0x6380];
	_ =	sdelay $0x2  }
0x1a5: {  	s18 =	sadd.s32 $0x10, s18  }
0x1a6: {  	v2 =	vld [tilespmem:s18+$0x0]  }
0x1a7: {  	s7 =	sadd.s32 $0x10, s7;
	v3 =	vshrl.u32 v6, $0x10;
	v4 =	vshrl.u32 v6, $0x14;
	v5 =	vshrl.u32 v6, $0x18  }
0x1a8: {  	v1 =	vld [tilespmem:s7+$0x0];
	v3 =	vand.u32 $0xF, v3;
	v4 =	vand.u32 $0xF, v4;
	v5 =	vand.u32 $0xF, v5  }
0x1a9: {  	v7 =	vshrl.u32 v6, $0xC;
	v3 =	vcvt.s32.f32 v3;
	v5 =	vcvt.s32.f32 v5  }
0x1aa: {  	v8 =	vshrl.u32 v6, $0x8;
	v7 =	vand.u32 $0xF, v7;
	v4 =	vcvt.s32.f32 v4  }
0x1ab: {  	v7 =	vcvt.s32.f32 v7;
	v3 =	vsub.f32 v3, v2;
	v5 =	vsub.f32 v5, v2  }
0x1ac: {  	v9 =	vshrl.u32 v6, $0x4;
	v8 =	vand.u32 $0xF, v8;
	v4 =	vsub.f32 v4, v2  }
.Ltmp16:
0x1ad: {  	s9 =	sand.u32 $0x7F80, s10;
	v7 =	vsub.f32 v7, v2;
	v10 =	vmul.f32 v3, v1;
	v5 =	vmul.f32 v5, v1;
	(pc) =	sbr.rel @!p0 .LBB2_32-.Ltmp16, $4  }
0x1ae: {  	s9 =	sor.u32 s15, s9;
	v8 =	vcvt.s32.f32 v8;
	v3 =	vand.u32 $0xF, v9;
	v9 =	vmul.f32 v4, v1  }
0x1af: {  	v4 =	vand.u32 $0xF, v6;
	v11 =	vcvt.s32.f32 v3;
	v3 =	vmul.f32 v7, v1;
	[tilespmem:s9+$0x16680] =	vst v5  }
0x1b0: {  	v4 =	vcvt.s32.f32 v4;
	v7 =	vshrl.u32 v6, $0x1C;
	v5 =	vsub.f32 v8, v2;
	[tilespmem:s9+$0x16580] =	vst v10  }
0x1b1: {  	s10 =	sshrl.u32 s8, $0x3;
	s8 =	sadd.s32 $0x1, s8;
	v7 =	vcvt.s32.f32 v7;
	v6 =	vsub.f32 v11, v2;
	[tilespmem:s9+$0x16600] =	vst v9  }
0x1b2: {  	s8 =	smul.u32 $0x380, s10;
	v4 =	vsub.f32 v4, v2;
	v5 =	vmul.f32 v5, v1  }
0x1b3: {  	[tilespmem:s9+$0x16500] =	vst v3;
	s23 =	sadd.s32 $0x10, s19;
	v3 =	vmul.f32 v6, v1;
	v2 =	vsub.f32 v7, v2  }
0x1b4: {  	s8 =	sadd.s32 s8, s23;
	v4 =	vmul.f32 v4, v1;
	[tilespmem:s9+$0x16480] =	vst v5  }
0x1b5: {  	s11 =	sadd.s32 s16, s8;
	[tilespmem:s9+$0x16400] =	vst v3;
	v1 =	vmul.f32 v2, v1  }
0x1b6: {  	s10 =	sand.u32 $0x70, s23;
	s11 =	sand.u32 $0xFF80, s11;
	[tilespmem:s9+$0x16380] =	vst v4  }
0x1b7: {  	s11 =	sor.u32 s10, s11;
	[tilespmem:s9+$0x16700] =	vst v1  }
0x1b8: {  	v1 =	vld [tilespmem:s11+$0x6380];
	_ =	sdelay $0x3  }
0x1b9: {  	s29 =	sadd.s32 $0x10, s18  }
0x1ba: {  	v2 =	vld [tilespmem:s29+$0x0];
	v3 =	vshrl.u32 v1, $0x10;
	v57 =	vshrl.u32 v1, $0x14  }
0x1bb: {  	s7 =	sadd.s32 $0x10, s7;
	v58 =	vshrl.u32 v1, $0x18;
	v60 =	vshrl.u32 v1, $0xC;
	v8 =	vshrl.u32 v1, $0x8  }
0x1bc: {  	v59 =	vld [tilespmem:s7+$0x0];
	v9 =	vshrl.u32 v1, $0x4;
	v10 =	vand.u32 $0xF, v1;
	v1 =	vshrl.u32 v1, $0x1C  }
0x1bd: {  	v3 =	vand.u32 $0xF, v3;
	v5 =	vand.u32 $0xF, v58;
	v1 =	vcvt.s32.f32 v1  }
0x1be: {  	v4 =	vand.u32 $0xF, v57;
	v7 =	vand.u32 $0xF, v60;
	v5 =	vcvt.s32.f32 v5  }
0x1bf: {  	v8 =	vand.u32 $0xF, v8;
	v3 =	vcvt.s32.f32 v3;
	v1 =	vsub.f32 v1, v2  }
0x1c0: {  	v9 =	vand.u32 $0xF, v9;
	v4 =	vcvt.s32.f32 v4;
	v5 =	vsub.f32 v5, v2  }
0x1c1: {  	s30 =	sand.u32 $0x7F80, s8;
	v7 =	vcvt.s32.f32 v7;
	v3 =	vsub.f32 v3, v2;
	v1 =	vmul.f32 v1, v59  }
0x1c2: {  	s7 =	sor.u32 s10, s30;
	v8 =	vcvt.s32.f32 v8;
	v4 =	vsub.f32 v4, v2;
	v5 =	vmul.f32 v5, v59  }
0x1c3: {  	v61 =	vcvt.s32.f32 v10;
	v7 =	vsub.f32 v7, v2;
	v3 =	vmul.f32 v3, v59;
	[tilespmem:s7+$0x16700] =	vst v1  }
0x1c4: {  	v9 =	vcvt.s32.f32 v9;
	v8 =	vsub.f32 v8, v2;
	v4 =	vmul.f32 v4, v59;
	[tilespmem:s7+$0x16680] =	vst v5  }
0x1c5: {  	v62 =	vsub.f32 v61, v2;
	v7 =	vmul.f32 v7, v59;
	[tilespmem:s7+$0x16580] =	vst v3  }
.Ltmp17:
0x1c6: {  	v63 =	vmul.f32 v8, v59;
	v3 =	vsub.f32 v9, v2;
	[tilespmem:s7+$0x16600] =	vst v4;
	(pc) =	sbr.rel .LBB2_34-.Ltmp17, $4  }
0x1c7: {  	[tilespmem:s7+$0x16500] =	vst v7;
	v2 =	vmul.f32 v62, v59  }
0x1c8: {  	[tilespmem:s7+$0x16480] =	vst v63;
	v3 =	vmul.f32 v3, v59  }
0x1c9: {  	[tilespmem:s7+$0x16380] =	vst v2  }
0x1ca: {  	s18 =	smov.u32 s20;
	[tilespmem:s7+$0x16400] =	vst v3  }
.LBB2_19:
0x1cb: {  	s20 =	simm.s32 $0x0  }
.LBB2_20:
0x1cc: {  	s8 =	sadd.s32 s20, s19  }
0x1cd: {  	v1 =	vld [tilespmem:s8+$0x0];
	_ =	sdelay $0x4  }
0x1ce: {  	(v2sf) =	vpush v1, $0x0;
	_ =	sdelay $0xe  }
0x1cf: {  	s30 =	smov.u32 s18;
	s18 =	spop (v2sf)  }
0x1d0: {  	p0 =	seq.s32 s18, s30  }
.Ltmp18:
0x1d1: {  	_ = 	snop;
	(pc) =	sbr.rel @p0 .LBB2_24-.Ltmp18, $1  }
0x1d2: {  	_ =	sdelay $0x3  }
0x1d3: {  	s8 =	sshll.u32 s18, $0x9  }
0x1d4: {  	s8 =	sand.u32 $0x1FFFFE00, s8  }
0x1d5: {  	s9 =	simm.s32 $0x0;
	s8 =	sadd.s32 s5, s8  }
0x1d6: {  	[tilespmem:s24], [sflag:$0x7] =	stream.linear.gather [hbm4b:s8+s9], $0x1000, $0x38;
	[tilespmem:$0x1A380] =	vst v63  }
0x1d7: {  	s29 =	sshll.u32 s18, $0x6;
	_ =	swait.ge [sflag:s21], $0x1000  }
0x1d8: {  	s8 =	sand.u32 $0x1FFFFFC0, s29;
	[sflag:s21] =	ssyncset.done $0x0  }
0x1d9: {  	s8 =	sadd.s32 s4, s8;
	[sflag:s21] =	ssyncadd.s32 $0xFFFFF000  }
0x1da: {  	[tilespmem:s25], [sflag:$0x7] =	stream.linear.gather [hbm4b:s8+s9], $0x200, $0x38;
	[tilespmem:$0x1A380] =	vst v63  }
0x1db: {  	_ =	swait.ge [sflag:s21], $0x200  }
0x1dc: {  	[sflag:s21] =	ssyncset.done $0x0  }
0x1dd: {  	s30 =	simm.s32 $0x0;
	[sflag:s21] =	ssyncadd.s32 $0xFFFFFE00  }
0x1de: {  	v2 =	vld [tilespmem:s30+$0x2180];
	_ =	sdelay $0x4  }
0x1df: {  	v1 =	vbroadcast v2, $0x1;
	v4 =	vbroadcast v2, $0x6  }
0x1e0: {  	v3 =	vbroadcast v2, $0x2;
	v5 =	vbroadcast v2, $0x3  }
0x1e1: {  	v7 =	vbroadcast v2, $0x4;
	v8 =	vbroadcast v2, $0x5  }
0x1e2: {  	s10 =	simm.s32 $0x40;
	s9 =	simm.s32 $0x11C0;
	s8 =	simm.s32 $0x11C0;
	v6 =	vsel vm0, v3, v5;
	v5 =	vbroadcast v2, $0xB;
	v3 =	vbroadcast v2, $0xC  }
.LBB2_22:
0x1e3: {  	p0 =	sne.s32 s10, $0x7C0  }
0x1e4: {  	v7 =	vsel vm0, v7, v8;
	v8 =	vbroadcast v2, $0x8;
	v9 =	vbroadcast v2, $0xD;
	s9 =	sadd.s32 $0x80, s9;
	s11 =	smov.u32 s10;
	s10 =	sadd.s32 $0x40, s10  }
0x1e5: {  	v10 =	vbroadcast v2, $0x7;
	v11 =	vbroadcast v2, $0x9  }
0x1e6: {  	v12 =	vbroadcast v2, $0xE;
	v13 =	vbroadcast v2, $0xF;
	v7 =	vshra.s32 v7, v0  }
0x1e7: {  	v14 =	vbroadcast v2, $0x0;
	v2 =	vbroadcast v2, $0xA;
	v4 =	vsel vm0, v4, v10  }
0x1e8: {  	v6 =	vshra.s32 v6, v0;
	v8 =	vsel vm0, v8, v11;
	v4 =	vshra.s32 v4, v0  }
0x1e9: {  	v6 =	vand.u32 $0xF, v6;
	v1 =	vsel vm0, v14, v1;
	v2 =	vsel vm0, v2, v5  }
0x1ea: {  	v5 =	vcvt.s32.f32 v6;
	v6 =	vand.u32 $0xF, v7;
	v3 =	vsel vm0, v3, v9  }
0x1eb: {  	v6 =	vcvt.s32.f32 v6;
	v3 =	vshra.s32 v3, v0;
	v4 =	vand.u32 $0xF, v4  }
0x1ec: {  	v1 =	vshra.s32 v1, v0;
	v3 =	vand.u32 $0xF, v3;
	v4 =	vcvt.s32.f32 v4;
	[tilespmem:s8+$0xFFFFFFD0] =	vst v5  }
0x1ed: {  	v1 =	vand.u32 $0xF, v1;
	v3 =	vcvt.s32.f32 v3;
	v5 =	vsel vm0, v12, v13  }
0x1ee: {  	v1 =	vcvt.s32.f32 v1;
	v5 =	vshra.s32 v5, v0;
	[tilespmem:s8+$0xFFFFFFE0] =	vst v6;
	v6 =	vshra.s32 v8, v0  }
0x1ef: {  	v2 =	vshra.s32 v2, v0;
	v6 =	vand.u32 $0xF, v6;
	[tilespmem:s8+$0x20] =	vst v3;
	v3 =	vand.u32 $0xF, v5  }
0x1f0: {  	v2 =	vand.u32 $0xF, v2;
	[tilespmem:s8+$0xFFFFFFC0] =	vst v1;
	v1 =	vcvt.s32.f32 v6;
	v3 =	vcvt.s32.f32 v3  }
0x1f1: {  	s11 =	sshra.s32 s11, $0x2;
	v2 =	vcvt.s32.f32 v2;
	[tilespmem:s8+$0xFFFFFFF0] =	vst v4  }
0x1f2: {  	[tilespmem:s8+$0x0] =	vst v1  }
0x1f3: {  	[tilespmem:s8+$0x10] =	vst v2  }
0x1f4: {  	[tilespmem:s8+$0x30] =	vst v3;
	s8 =	smov.u32 s9  }
0x1f5: {  	v2 =	vld [tilespmem:s11+$0x2180];
	_ =	sdelay $0x3  }
.Ltmp19:
0x1f6: {  	(pc) =	sbr.rel @p0 .LBB2_22-.Ltmp19, $4  }
0x1f7: {  	v1 =	vbroadcast v2, $0x1;
	v4 =	vbroadcast v2, $0x6  }
0x1f8: {  	v3 =	vbroadcast v2, $0x2;
	v5 =	vbroadcast v2, $0x3  }
0x1f9: {  	v7 =	vbroadcast v2, $0x4;
	v8 =	vbroadcast v2, $0x5  }
0x1fa: {  	v6 =	vsel vm0, v3, v5;
	v5 =	vbroadcast v2, $0xB;
	v3 =	vbroadcast v2, $0xC  }
0x1fb: {  	v9 =	vbroadcast v2, $0x8  }
0x1fc: {  	v10 =	vbroadcast v2, $0xD;
	v11 =	vbroadcast v2, $0x7  }
0x1fd: {  	v7 =	vsel vm0, v7, v8;
	v59 =	vbroadcast v2, $0x9;
	v12 =	vbroadcast v2, $0xE  }
0x1fe: {  	v13 =	vbroadcast v2, $0xF;
	v14 =	vbroadcast v2, $0x0;
	v6 =	vshra.s32 v6, v0  }
0x1ff: {  	v2 =	vbroadcast v2, $0xA;
	v7 =	vshra.s32 v7, v0;
	v6 =	vand.u32 $0xF, v6  }
0x200: {  	v4 =	vsel vm0, v4, v11;
	v8 =	vsel vm0, v9, v59;
	v1 =	vsel vm0, v14, v1  }
0x201: {  	v2 =	vsel vm0, v2, v5;
	v3 =	vsel vm0, v3, v10;
	v60 =	vcvt.s32.f32 v6  }
0x202: {  	v61 =	vand.u32 $0xF, v7;
	v63 =	vsel vm0, v12, v13;
	v3 =	vshra.s32 v3, v0  }
0x203: {  	v6 =	vcvt.s32.f32 v61;
	v1 =	vshra.s32 v1, v0;
	v3 =	vand.u32 $0xF, v3  }
0x204: {  	v4 =	vshra.s32 v4, v0;
	[tilespmem:s8+$0xFFFFFFD0] =	vst v60;
	v1 =	vand.u32 $0xF, v1;
	v3 =	vcvt.s32.f32 v3  }
0x205: {  	v2 =	vshra.s32 v2, v0;
	v4 =	vand.u32 $0xF, v4;
	v1 =	vcvt.s32.f32 v1;
	[tilespmem:s8+$0xFFFFFFE0] =	vst v6  }
0x206: {  	v62 =	vshra.s32 v8, v0;
	v2 =	vand.u32 $0xF, v2;
	v4 =	vcvt.s32.f32 v4;
	[tilespmem:s8+$0x20] =	vst v3  }
0x207: {  	v5 =	vand.u32 $0xF, v62;
	v2 =	vcvt.s32.f32 v2;
	v3 =	vshra.s32 v63, v0;
	[tilespmem:s8+$0xFFFFFFC0] =	vst v1  }
0x208: {  	v1 =	vcvt.s32.f32 v5;
	[tilespmem:s8+$0xFFFFFFF0] =	vst v4;
	v3 =	vand.u32 $0xF, v3  }
0x209: {  	[tilespmem:s8+$0x10] =	vst v2;
	v3 =	vcvt.s32.f32 v3  }
0x20a: {  	[tilespmem:s8+$0x0] =	vst v1  }
0x20b: {  	[tilespmem:s8+$0x30] =	vst v3  }
.LBB2_24:
0x20c: {  	s8 =	simm.s32 $0x0  }
0x20d: {  	s15 =	smul.u32 $0x380, s8;
	_ =	sdelay $0x1  }
0x20e: {  	s8 =	sadd.s32 s15, s16  }
0x20f: {  	s11 =	simm.s32 $0x0;
	s9 =	sadd.s32 $0x0, s8  }
0x210: {  	s8 =	sand.u32 $0x70, s11;
	s9 =	sand.u32 $0xFF80, s9  }
0x211: {  	s9 =	sor.u32 s8, s9  }
0x212: {  	v2 =	vld [tilespmem:s9+$0x6380];
	_ =	sdelay $0x2  }
0x213: {  	s30 =	sshll.u32 s20, $0x2;
	s10 =	simm.s32 $0x1980  }
0x214: {  	v1 =	vmov s30;
	v3 =	vld [tilespmem:s10+$0x0]  }
0x215: {  	s9 =	simm.s32 $0x980;
	v2 =	vshra.s32 v2, v1  }
0x216: {  	v4 =	vand.u32 $0xF, v2;
	v2 =	vld [tilespmem:s9+$0x0]  }
0x217: {  	s23 =	simm.s32 $0x0;
	s22 =	simm.s32 $0x2;
	v4 =	vcvt.s32.f32 v4  }
.LBB2_25:
0x218: {  	p0 =	sne.s32 s22, $0x7F;
	s23 =	smul.u32 $0x380, s23  }
0x219: {  	s15 =	sadd.s32 s15, s7;
	v3 =	vsub.f32 v4, v3  }
0x21a: {  	s15 =	sadd.s32 s15, s11;
	s11 =	sadd.s32 $0x10, s11;
	s29 =	sadd.s32 s23, s16  }
0x21b: {  	s30 =	sand.u32 $0xFF80, s15;
	s15 =	smov.u32 s23;
	s29 =	sadd.s32 s29, s11;
	v2 =	vmul.f32 v3, v2  }
0x21c: {  	s23 =	sand.u32 $0xFF80, s29;
	s29 =	sor.u32 s8, s30;
	s8 =	sand.u32 $0x70, s11  }
0x21d: {  	s23 =	sor.u32 s8, s23;
	[tilespmem:s29+$0x16380] =	vst v2  }
0x21e: {  	v2 =	vld [tilespmem:s23+$0x6380];
	_ =	sdelay $0x2  }
.Ltmp20:
0x21f: {  	s10 =	sadd.s32 $0x10, s10;
	(pc) =	sbr.rel @p0 .LBB2_25-.Ltmp20, $4  }
0x220: {  	v3 =	vld [tilespmem:s10+$0x0]  }
0x221: {  	s9 =	sadd.s32 $0x10, s9;
	v2 =	vshra.s32 v2, v1  }
0x222: {  	v4 =	vand.u32 $0xF, v2;
	v2 =	vld [tilespmem:s9+$0x0]  }
0x223: {  	s23 =	sshrl.u32 s22, $0x3;
	s22 =	sadd.s32 $0x1, s22;
	v4 =	vcvt.s32.f32 v4  }
0x224: {  	s22 =	smul.u32 $0x380, s23  }
0x225: {  	s15 =	sadd.s32 s15, s7;
	v3 =	vsub.f32 v4, v3  }
0x226: {  	s15 =	sadd.s32 s15, s11;
	s11 =	sadd.s32 $0x10, s11;
	s23 =	sadd.s32 s22, s16  }
0x227: {  	s15 =	sand.u32 $0xFF80, s15;
	s23 =	sadd.s32 s23, s11;
	v2 =	vmul.f32 v3, v2  }
0x228: {  	s29 =	sand.u32 $0x70, s11;
	s8 =	sor.u32 s8, s15;
	s23 =	sand.u32 $0xFF80, s23  }
0x229: {  	s30 =	sor.u32 s29, s23;
	[tilespmem:s8+$0x16380] =	vst v2  }
0x22a: {  	v2 =	vld [tilespmem:s30+$0x6380];
	_ =	sdelay $0x2  }
0x22b: {  	s15 =	sadd.s32 $0x10, s10  }
0x22c: {  	v3 =	vld [tilespmem:s15+$0x0]  }
0x22d: {  	s23 =	sadd.s32 $0x10, s9;
	v1 =	vshra.s32 v2, v1  }
0x22e: {  	v2 =	vld [tilespmem:s23+$0x0];
	v1 =	vand.u32 $0xF, v1  }
0x22f: {  	s20 =	sadd.s32 $0x1, s20;
	v1 =	vcvt.s32.f32 v1  }
0x230: {  	p0 =	sne.s32 s20, $0x8  }
.Ltmp21:
0x231: {  	s30 =	sadd.s32 s22, s7;
	v1 =	vsub.f32 v1, v3;
	(pc) =	sbr.rel @p0 .LBB2_20-.Ltmp21, $4  }
.Ltmp22:
0x232: {  	s8 =	sadd.s32 s30, s11;
	(pc) =	sbr.rel @!p0 .LBB2_34-.Ltmp22, $4  }
0x233: {  	s8 =	sand.u32 $0xFF80, s8;
	v1 =	vmul.f32 v1, v2  }
0x234: {  	s8 =	sor.u32 s29, s8  }
0x235: {  	s7 =	sadd.s32 $0x80, s7;
	[tilespmem:s8+$0x16380] =	vst v1  }
0x236: {  	_ = 	snop  }
.LBB2_35:
0x237: {  	s6 =	simm.s32 $0x3  }
0x238: {  	_ =	swait.ge [sflag:s6], $0x4000  }
.Ltmp23:
0x239: {  	[sflag:s6] =	ssyncset.done $0x0;
	(pc) =	sbr.rel .LBB2_36-.Ltmp23, $4  }
0x23a: {  	s30 =	simm.s32 $0x4;
	[sflag:s6] =	ssyncadd.s32 $0xFFFFC000  }
0x23b: {  	_ =	swait.ge [sflag:s30], $0x4000  }
0x23c: {  	[sflag:s30] =	ssyncset.done $0x0  }
0x23d: {  	s16 =	simm.s32 $0x0;
	s17 =	simm.s32 $0x0;
	[sflag:s30] =	ssyncadd.s32 $0xFFFFC000  }
.LBB2_68:
0x23e: {  	s17 =	sadd.s32 $0x1, s17  }
0x23f: {  	p0 =	sne.s32 s17, $0x8  }
.Ltmp24:
0x240: {  	_ = 	snop;
	(pc) =	sbr.rel @!p0 .LBB2_69-.Ltmp24, $3  }
0x241: {  	_ =	sdelay $0x1  }
0x242: {  	s6 =	sadd.s32 s6, s13;
	s16 =	sadd.s32 $0x80, s16;
	s18 =	smov.u32 s20  }
0x243: {  	[hbm4b:s6+s3] =	stream.linear.scatter [tilespmem:s28], [sflag:$0x6], $0x4000, $0x38;
	[tilespmem:$0x1A380] =	vst v63  }
.LBB2_36:
0x244: {  	s6 =	sshll.u32 s17, $0x3  }
0x245: {  	s6 =	sand.u32 $0x3FFFFFF8, s6  }
0x246: {  	v1 =	vld [tilespmem:s6+$0x40];
	_ =	sdelay $0x4  }
0x247: {  	(v2sf) =	vpush v1, $0x0  }
0x248: {  	(v2sf) =	vpush v1, $0x7;
	_ =	sdelay $0xd  }
0x249: {  	s20 =	spop (v2sf)  }
0x24a: {  	s7 =	spop (v2sf)  }
0x24b: {  	p0 =	sne.s32 s20, s7  }
.Ltmp25:
0x24c: {  	_ = 	snop;
	(pc) =	sbr.rel @p0 .LBB2_37-.Ltmp25, $4  }
0x24d: {  	_ = 	snop  }
0x24e: {  	_ =	swait.ge [sflag:s31], $0x4000  }
0x24f: {  	[sflag:s31] =	ssyncset.done $0x0  }
0x250: {  	s19 =	sadd.s32 $0x40, s6;
	[sflag:s31] =	ssyncadd.s32 $0xFFFFC000  }
0x251: {  	p1 =	seq.s32 s20, s18  }
.Ltmp26:
0x252: {  	_ = 	snop;
	(pc) =	sbr.rel @p1 .LBB2_49-.Ltmp26, $1  }
0x253: {  	_ =	sdelay $0x3  }
0x254: {  	s6 =	sshll.u32 s20, $0x9  }
0x255: {  	s6 =	sand.u32 $0x1FFFFE00, s6  }
0x256: {  	s7 =	simm.s32 $0x0;
	s6 =	sadd.s32 s5, s6  }
0x257: {  	[tilespmem:s24], [sflag:$0x7] =	stream.linear.gather [hbm4b:s6+s7], $0x1000, $0x38;
	[tilespmem:$0x1A380] =	vst v63  }
0x258: {  	s29 =	sshll.u32 s20, $0x6;
	_ =	swait.ge [sflag:s21], $0x1000  }
0x259: {  	s6 =	sand.u32 $0x1FFFFFC0, s29;
	[sflag:s21] =	ssyncset.done $0x0  }
0x25a: {  	s6 =	sadd.s32 s4, s6;
	[sflag:s21] =	ssyncadd.s32 $0xFFFFF000  }
0x25b: {  	[tilespmem:s25], [sflag:$0x7] =	stream.linear.gather [hbm4b:s6+s7], $0x200, $0x38;
	[tilespmem:$0x1A380] =	vst v63  }
0x25c: {  	_ =	swait.ge [sflag:s21], $0x200  }
0x25d: {  	[sflag:s21] =	ssyncset.done $0x0  }
0x25e: {  	s30 =	simm.s32 $0x0;
	[sflag:s21] =	ssyncadd.s32 $0xFFFFFE00  }
0x25f: {  	v2 =	vld [tilespmem:s30+$0x2180];
	_ =	sdelay $0x4  }
0x260: {  	v1 =	vbroadcast v2, $0x1;
	v4 =	vbroadcast v2, $0x6  }
0x261: {  	v3 =	vbroadcast v2, $0x2;
	v5 =	vbroadcast v2, $0x3  }
0x262: {  	v7 =	vbroadcast v2, $0x4;
	v8 =	vbroadcast v2, $0x5  }
0x263: {  	s8 =	simm.s32 $0x40;
	s7 =	simm.s32 $0x11C0;
	s6 =	simm.s32 $0x11C0;
	v6 =	vsel vm0, v3, v5;
	v5 =	vbroadcast v2, $0xB;
	v3 =	vbroadcast v2, $0xC  }
.LBB2_47:
0x264: {  	p1 =	sne.s32 s8, $0x7C0  }
0x265: {  	v7 =	vsel vm0, v7, v8;
	v8 =	vbroadcast v2, $0x8;
	v9 =	vbroadcast v2, $0xD;
	s7 =	sadd.s32 $0x80, s7;
	s9 =	smov.u32 s8;
	s8 =	sadd.s32 $0x40, s8  }
0x266: {  	v10 =	vbroadcast v2, $0x7;
	v11 =	vbroadcast v2, $0x9  }
0x267: {  	v12 =	vbroadcast v2, $0xE;
	v13 =	vbroadcast v2, $0xF;
	v7 =	vshra.s32 v7, v0  }
0x268: {  	v14 =	vbroadcast v2, $0x0;
	v2 =	vbroadcast v2, $0xA;
	v4 =	vsel vm0, v4, v10  }
0x269: {  	v6 =	vshra.s32 v6, v0;
	v8 =	vsel vm0, v8, v11;
	v4 =	vshra.s32 v4, v0  }
0x26a: {  	v6 =	vand.u32 $0xF, v6;
	v1 =	vsel vm0, v14, v1;
	v2 =	vsel vm0, v2, v5  }
0x26b: {  	v5 =	vcvt.s32.f32 v6;
	v6 =	vand.u32 $0xF, v7;
	v3 =	vsel vm0, v3, v9  }
0x26c: {  	v6 =	vcvt.s32.f32 v6;
	v3 =	vshra.s32 v3, v0;
	v4 =	vand.u32 $0xF, v4  }
0x26d: {  	v1 =	vshra.s32 v1, v0;
	v3 =	vand.u32 $0xF, v3;
	v4 =	vcvt.s32.f32 v4;
	[tilespmem:s6+$0xFFFFFFD0] =	vst v5  }
0x26e: {  	v1 =	vand.u32 $0xF, v1;
	v3 =	vcvt.s32.f32 v3;
	v5 =	vsel vm0, v12, v13  }
0x26f: {  	v1 =	vcvt.s32.f32 v1;
	v5 =	vshra.s32 v5, v0;
	[tilespmem:s6+$0xFFFFFFE0] =	vst v6;
	v6 =	vshra.s32 v8, v0  }
0x270: {  	v2 =	vshra.s32 v2, v0;
	v6 =	vand.u32 $0xF, v6;
	[tilespmem:s6+$0x20] =	vst v3;
	v3 =	vand.u32 $0xF, v5  }
0x271: {  	v2 =	vand.u32 $0xF, v2;
	[tilespmem:s6+$0xFFFFFFC0] =	vst v1;
	v1 =	vcvt.s32.f32 v6;
	v3 =	vcvt.s32.f32 v3  }
0x272: {  	s9 =	sshra.s32 s9, $0x2;
	v2 =	vcvt.s32.f32 v2;
	[tilespmem:s6+$0xFFFFFFF0] =	vst v4  }
0x273: {  	[tilespmem:s6+$0x0] =	vst v1  }
0x274: {  	[tilespmem:s6+$0x10] =	vst v2  }
0x275: {  	[tilespmem:s6+$0x30] =	vst v3;
	s6 =	smov.u32 s7  }
0x276: {  	v2 =	vld [tilespmem:s9+$0x2180];
	_ =	sdelay $0x3  }
.Ltmp27:
0x277: {  	(pc) =	sbr.rel @p1 .LBB2_47-.Ltmp27, $4  }
0x278: {  	v1 =	vbroadcast v2, $0x1;
	v4 =	vbroadcast v2, $0x6  }
0x279: {  	v3 =	vbroadcast v2, $0x2;
	v5 =	vbroadcast v2, $0x3  }
0x27a: {  	v7 =	vbroadcast v2, $0x4;
	v8 =	vbroadcast v2, $0x5  }
0x27b: {  	v6 =	vsel vm0, v3, v5;
	v5 =	vbroadcast v2, $0xB;
	v3 =	vbroadcast v2, $0xC  }
0x27c: {  	v9 =	vbroadcast v2, $0x8  }
0x27d: {  	v10 =	vbroadcast v2, $0xD;
	v11 =	vbroadcast v2, $0x7  }
0x27e: {  	v7 =	vsel vm0, v7, v8;
	v59 =	vbroadcast v2, $0x9;
	v12 =	vbroadcast v2, $0xE  }
0x27f: {  	v13 =	vbroadcast v2, $0xF;
	v14 =	vbroadcast v2, $0x0;
	v6 =	vshra.s32 v6, v0  }
0x280: {  	v2 =	vbroadcast v2, $0xA;
	v7 =	vshra.s32 v7, v0;
	v6 =	vand.u32 $0xF, v6  }
0x281: {  	v4 =	vsel vm0, v4, v11;
	v8 =	vsel vm0, v9, v59;
	v1 =	vsel vm0, v14, v1  }
0x282: {  	v2 =	vsel vm0, v2, v5;
	v3 =	vsel vm0, v3, v10;
	v60 =	vcvt.s32.f32 v6  }
0x283: {  	v61 =	vand.u32 $0xF, v7;
	v63 =	vsel vm0, v12, v13;
	v3 =	vshra.s32 v3, v0  }
0x284: {  	v6 =	vcvt.s32.f32 v61;
	v1 =	vshra.s32 v1, v0;
	v3 =	vand.u32 $0xF, v3  }
0x285: {  	v4 =	vshra.s32 v4, v0;
	[tilespmem:s6+$0xFFFFFFD0] =	vst v60;
	v1 =	vand.u32 $0xF, v1;
	v3 =	vcvt.s32.f32 v3  }
0x286: {  	v2 =	vshra.s32 v2, v0;
	v4 =	vand.u32 $0xF, v4;
	v1 =	vcvt.s32.f32 v1;
	[tilespmem:s6+$0xFFFFFFE0] =	vst v6  }
0x287: {  	v62 =	vshra.s32 v8, v0;
	v2 =	vand.u32 $0xF, v2;
	v4 =	vcvt.s32.f32 v4;
	[tilespmem:s6+$0x20] =	vst v3  }
0x288: {  	v5 =	vand.u32 $0xF, v62;
	v2 =	vcvt.s32.f32 v2;
	v3 =	vshra.s32 v63, v0;
	[tilespmem:s6+$0xFFFFFFC0] =	vst v1  }
0x289: {  	v1 =	vcvt.s32.f32 v5;
	[tilespmem:s6+$0xFFFFFFF0] =	vst v4;
	v3 =	vand.u32 $0xF, v3  }
0x28a: {  	[tilespmem:s6+$0x10] =	vst v2;
	v3 =	vcvt.s32.f32 v3  }
0x28b: {  	[tilespmem:s6+$0x0] =	vst v1  }
0x28c: {  	[tilespmem:s6+$0x30] =	vst v3  }
.LBB2_49:
0x28d: {  	s6 =	simm.s32 $0x0  }
0x28e: {  	s6 =	smul.u32 $0x380, s6;
	_ =	sdelay $0x1  }
0x28f: {  	s8 =	sadd.s32 $0x0, s6  }
0x290: {  	s18 =	simm.s32 $0x0;
	s6 =	sadd.s32 s16, s8  }
0x291: {  	s9 =	sand.u32 $0x70, s18;
	s6 =	sand.u32 $0xFF80, s6  }
0x292: {  	s6 =	sor.u32 s9, s6  }
0x293: {  	v5 =	vld [tilespmem:s6+$0xA380];
	_ =	sdelay $0x2  }
0x294: {  	s7 =	simm.s32 $0x1180  }
0x295: {  	v2 =	vld [tilespmem:s7+$0x0]  }
0x296: {  	s6 =	simm.s32 $0x180;
	v3 =	vshrl.u32 v5, $0x10;
	v4 =	vshrl.u32 v5, $0x18;
	v6 =	vshrl.u32 v5, $0x14  }
0x297: {  	v1 =	vld [tilespmem:s6+$0x0];
	v7 =	vshrl.u32 v5, $0xC;
	v8 =	vshrl.u32 v5, $0x8;
	v4 =	vand.u32 $0xF, v4  }
0x298: {  	v3 =	vand.u32 $0xF, v3;
	v6 =	vand.u32 $0xF, v6;
	v4 =	vcvt.s32.f32 v4  }
0x299: {  	v7 =	vand.u32 $0xF, v7;
	v3 =	vcvt.s32.f32 v3;
	v6 =	vcvt.s32.f32 v6  }
0x29a: {  	v9 =	vshrl.u32 v5, $0x4;
	v7 =	vcvt.s32.f32 v7;
	v4 =	vsub.f32 v4, v2  }
0x29b: {  	v8 =	vand.u32 $0xF, v8;
	v3 =	vsub.f32 v3, v2;
	v6 =	vsub.f32 v6, v2  }
0x29c: {  	s8 =	sand.u32 $0x7F80, s8;
	v8 =	vcvt.s32.f32 v8;
	v7 =	vsub.f32 v7, v2;
	v4 =	vmul.f32 v4, v1  }
0x29d: {  	s9 =	sor.u32 s9, s8;
	v10 =	vmul.f32 v3, v1;
	v3 =	vand.u32 $0xF, v9;
	v63 =	vmul.f32 v6, v1  }
0x29e: {  	v6 =	vand.u32 $0xF, v5;
	v11 =	vcvt.s32.f32 v3;
	v3 =	vmul.f32 v7, v1;
	[tilespmem:s9+$0x12680] =	vst v4  }
0x29f: {  	v7 =	vshrl.u32 v5, $0x1C;
	v5 =	vsub.f32 v8, v2;
	v4 =	vcvt.s32.f32 v6;
	[tilespmem:s9+$0x12580] =	vst v10  }
0x2a0: {  	s10 =	simm.s32 $0x0;
	s8 =	simm.s32 $0x2;
	[tilespmem:s9+$0x12600] =	vst v63;
	v7 =	vcvt.s32.f32 v7;
	v6 =	vsub.f32 v11, v2  }
.LBB2_50:
0x2a1: {  	p1 =	seq.s32 s8, $0x7F;
	s10 =	smul.u32 $0x380, s10;
	v4 =	vsub.f32 v4, v2;
	v5 =	vmul.f32 v5, v1;
	[tilespmem:s9+$0x12500] =	vst v3  }
0x2a2: {  	s18 =	sadd.s32 $0x10, s18;
	v3 =	vmul.f32 v6, v1;
	v2 =	vsub.f32 v7, v2  }
0x2a3: {  	s10 =	sadd.s32 s10, s18;
	v4 =	vmul.f32 v4, v1;
	[tilespmem:s9+$0x12480] =	vst v5  }
0x2a4: {  	s11 =	sadd.s32 s16, s10;
	[tilespmem:s9+$0x12400] =	vst v3;
	v1 =	vmul.f32 v2, v1  }
0x2a5: {  	s15 =	sand.u32 $0x70, s18;
	s11 =	sand.u32 $0xFF80, s11;
	[tilespmem:s9+$0x12380] =	vst v4  }
0x2a6: {  	s11 =	sor.u32 s15, s11;
	[tilespmem:s9+$0x12700] =	vst v1  }
0x2a7: {  	v6 =	vld [tilespmem:s11+$0xA380];
	_ =	sdelay $0x2  }
0x2a8: {  	s7 =	sadd.s32 $0x10, s7  }
0x2a9: {  	v2 =	vld [tilespmem:s7+$0x0]  }
0x2aa: {  	s6 =	sadd.s32 $0x10, s6;
	v3 =	vshrl.u32 v6, $0x10;
	v4 =	vshrl.u32 v6, $0x14;
	v5 =	vshrl.u32 v6, $0x18  }
0x2ab: {  	v1 =	vld [tilespmem:s6+$0x0];
	v3 =	vand.u32 $0xF, v3;
	v4 =	vand.u32 $0xF, v4;
	v5 =	vand.u32 $0xF, v5  }
0x2ac: {  	v7 =	vshrl.u32 v6, $0xC;
	v3 =	vcvt.s32.f32 v3;
	v5 =	vcvt.s32.f32 v5  }
0x2ad: {  	v8 =	vshrl.u32 v6, $0x8;
	v7 =	vand.u32 $0xF, v7;
	v4 =	vcvt.s32.f32 v4  }
0x2ae: {  	v7 =	vcvt.s32.f32 v7;
	v3 =	vsub.f32 v3, v2;
	v5 =	vsub.f32 v5, v2  }
0x2af: {  	v9 =	vshrl.u32 v6, $0x4;
	v8 =	vand.u32 $0xF, v8;
	v4 =	vsub.f32 v4, v2  }
.Ltmp28:
0x2b0: {  	s9 =	sand.u32 $0x7F80, s10;
	v7 =	vsub.f32 v7, v2;
	v10 =	vmul.f32 v3, v1;
	v5 =	vmul.f32 v5, v1;
	(pc) =	sbr.rel @!p1 .LBB2_50-.Ltmp28, $4  }
0x2b1: {  	s9 =	sor.u32 s15, s9;
	v8 =	vcvt.s32.f32 v8;
	v3 =	vand.u32 $0xF, v9;
	v9 =	vmul.f32 v4, v1  }
0x2b2: {  	v4 =	vand.u32 $0xF, v6;
	v11 =	vcvt.s32.f32 v3;
	v3 =	vmul.f32 v7, v1;
	[tilespmem:s9+$0x12680] =	vst v5  }
0x2b3: {  	v4 =	vcvt.s32.f32 v4;
	v7 =	vshrl.u32 v6, $0x1C;
	v5 =	vsub.f32 v8, v2;
	[tilespmem:s9+$0x12580] =	vst v10  }
0x2b4: {  	s10 =	sshrl.u32 s8, $0x3;
	s8 =	sadd.s32 $0x1, s8;
	v7 =	vcvt.s32.f32 v7;
	v6 =	vsub.f32 v11, v2;
	[tilespmem:s9+$0x12600] =	vst v9  }
0x2b5: {  	s8 =	smul.u32 $0x380, s10;
	v4 =	vsub.f32 v4, v2;
	v5 =	vmul.f32 v5, v1  }
0x2b6: {  	[tilespmem:s9+$0x12500] =	vst v3;
	s29 =	sadd.s32 $0x10, s18;
	v3 =	vmul.f32 v6, v1;
	v2 =	vsub.f32 v7, v2  }
0x2b7: {  	s8 =	sadd.s32 s8, s29;
	v4 =	vmul.f32 v4, v1;
	[tilespmem:s9+$0x12480] =	vst v5  }
0x2b8: {  	s11 =	sadd.s32 s16, s8;
	[tilespmem:s9+$0x12400] =	vst v3;
	v1 =	vmul.f32 v2, v1  }
0x2b9: {  	s10 =	sand.u32 $0x70, s29;
	s11 =	sand.u32 $0xFF80, s11;
	[tilespmem:s9+$0x12380] =	vst v4  }
0x2ba: {  	s11 =	sor.u32 s10, s11;
	[tilespmem:s9+$0x12700] =	vst v1  }
0x2bb: {  	v1 =	vld [tilespmem:s11+$0xA380];
	_ =	sdelay $0x3  }
0x2bc: {  	s7 =	sadd.s32 $0x10, s7  }
0x2bd: {  	v2 =	vld [tilespmem:s7+$0x0];
	v3 =	vshrl.u32 v1, $0x10;
	v57 =	vshrl.u32 v1, $0x14  }
0x2be: {  	s6 =	sadd.s32 $0x10, s6;
	v58 =	vshrl.u32 v1, $0x18;
	v60 =	vshrl.u32 v1, $0xC;
	v8 =	vshrl.u32 v1, $0x8  }
0x2bf: {  	v59 =	vld [tilespmem:s6+$0x0];
	v9 =	vshrl.u32 v1, $0x4;
	v10 =	vand.u32 $0xF, v1;
	v1 =	vshrl.u32 v1, $0x1C  }
0x2c0: {  	v3 =	vand.u32 $0xF, v3;
	v5 =	vand.u32 $0xF, v58;
	v1 =	vcvt.s32.f32 v1  }
0x2c1: {  	v4 =	vand.u32 $0xF, v57;
	v7 =	vand.u32 $0xF, v60;
	v5 =	vcvt.s32.f32 v5  }
0x2c2: {  	v8 =	vand.u32 $0xF, v8;
	v3 =	vcvt.s32.f32 v3;
	v1 =	vsub.f32 v1, v2  }
0x2c3: {  	v9 =	vand.u32 $0xF, v9;
	v4 =	vcvt.s32.f32 v4;
	v5 =	vsub.f32 v5, v2  }
0x2c4: {  	s30 =	sand.u32 $0x7F80, s8;
	v7 =	vcvt.s32.f32 v7;
	v3 =	vsub.f32 v3, v2;
	v1 =	vmul.f32 v1, v59  }
0x2c5: {  	s6 =	sor.u32 s10, s30;
	v8 =	vcvt.s32.f32 v8;
	v4 =	vsub.f32 v4, v2;
	v5 =	vmul.f32 v5, v59  }
0x2c6: {  	v61 =	vcvt.s32.f32 v10;
	v7 =	vsub.f32 v7, v2;
	v3 =	vmul.f32 v3, v59;
	[tilespmem:s6+$0x12700] =	vst v1  }
0x2c7: {  	v9 =	vcvt.s32.f32 v9;
	v8 =	vsub.f32 v8, v2;
	v4 =	vmul.f32 v4, v59;
	[tilespmem:s6+$0x12680] =	vst v5  }
0x2c8: {  	v62 =	vsub.f32 v61, v2;
	v7 =	vmul.f32 v7, v59;
	[tilespmem:s6+$0x12580] =	vst v3  }
.Ltmp29:
0x2c9: {  	v63 =	vmul.f32 v8, v59;
	v3 =	vsub.f32 v9, v2;
	[tilespmem:s6+$0x12600] =	vst v4;
	(pc) =	sbr.rel .LBB2_52-.Ltmp29, $4  }
0x2ca: {  	[tilespmem:s6+$0x12500] =	vst v7;
	v2 =	vmul.f32 v62, v59  }
0x2cb: {  	[tilespmem:s6+$0x12480] =	vst v63;
	v3 =	vmul.f32 v3, v59  }
0x2cc: {  	[tilespmem:s6+$0x12380] =	vst v2  }
0x2cd: {  	s18 =	smov.u32 s20;
	[tilespmem:s6+$0x12400] =	vst v3  }
.LBB2_37:
0x2ce: {  	s6 =	simm.s32 $0x0;
	s7 =	simm.s32 $0x0  }
.LBB2_38:
0x2cf: {  	s8 =	sadd.s32 s7, s19  }
0x2d0: {  	v1 =	vld [tilespmem:s8+$0x0];
	_ =	sdelay $0x4  }
0x2d1: {  	(v2sf) =	vpush v1, $0x0;
	_ =	sdelay $0xe  }
0x2d2: {  	s30 =	smov.u32 s18;
	s18 =	spop (v2sf)  }
0x2d3: {  	p1 =	seq.s32 s18, s30  }
.Ltmp30:
0x2d4: {  	_ = 	snop;
	(pc) =	sbr.rel @p1 .LBB2_42-.Ltmp30, $1  }
0x2d5: {  	_ =	sdelay $0x3  }
0x2d6: {  	s8 =	sshll.u32 s18, $0x9  }
0x2d7: {  	s8 =	sand.u32 $0x1FFFFE00, s8  }
0x2d8: {  	s9 =	simm.s32 $0x0;
	s8 =	sadd.s32 s5, s8  }
0x2d9: {  	[tilespmem:s24], [sflag:$0x7] =	stream.linear.gather [hbm4b:s8+s9], $0x1000, $0x38;
	[tilespmem:$0x1A380] =	vst v63  }
0x2da: {  	s29 =	sshll.u32 s18, $0x6;
	_ =	swait.ge [sflag:s21], $0x1000  }
0x2db: {  	s8 =	sand.u32 $0x1FFFFFC0, s29;
	[sflag:s21] =	ssyncset.done $0x0  }
0x2dc: {  	s8 =	sadd.s32 s4, s8;
	[sflag:s21] =	ssyncadd.s32 $0xFFFFF000  }
0x2dd: {  	[tilespmem:s25], [sflag:$0x7] =	stream.linear.gather [hbm4b:s8+s9], $0x200, $0x38;
	[tilespmem:$0x1A380] =	vst v63  }
0x2de: {  	_ =	swait.ge [sflag:s21], $0x200  }
0x2df: {  	[sflag:s21] =	ssyncset.done $0x0  }
0x2e0: {  	s30 =	simm.s32 $0x0;
	[sflag:s21] =	ssyncadd.s32 $0xFFFFFE00  }
0x2e1: {  	v2 =	vld [tilespmem:s30+$0x2180];
	_ =	sdelay $0x4  }
0x2e2: {  	v1 =	vbroadcast v2, $0x1;
	v4 =	vbroadcast v2, $0x6  }
0x2e3: {  	v3 =	vbroadcast v2, $0x2;
	v5 =	vbroadcast v2, $0x3  }
0x2e4: {  	v7 =	vbroadcast v2, $0x4;
	v8 =	vbroadcast v2, $0x5  }
0x2e5: {  	s10 =	simm.s32 $0x40;
	s9 =	simm.s32 $0x11C0;
	s8 =	simm.s32 $0x11C0;
	v6 =	vsel vm0, v3, v5;
	v5 =	vbroadcast v2, $0xB;
	v3 =	vbroadcast v2, $0xC  }
.LBB2_40:
0x2e6: {  	p1 =	sne.s32 s10, $0x7C0  }
0x2e7: {  	v7 =	vsel vm0, v7, v8;
	v8 =	vbroadcast v2, $0x8;
	v9 =	vbroadcast v2, $0xD;
	s9 =	sadd.s32 $0x80, s9;
	s11 =	smov.u32 s10;
	s10 =	sadd.s32 $0x40, s10  }
0x2e8: {  	v10 =	vbroadcast v2, $0x7;
	v11 =	vbroadcast v2, $0x9  }
0x2e9: {  	v12 =	vbroadcast v2, $0xE;
	v13 =	vbroadcast v2, $0xF;
	v7 =	vshra.s32 v7, v0  }
0x2ea: {  	v14 =	vbroadcast v2, $0x0;
	v2 =	vbroadcast v2, $0xA;
	v4 =	vsel vm0, v4, v10  }
0x2eb: {  	v6 =	vshra.s32 v6, v0;
	v8 =	vsel vm0, v8, v11;
	v4 =	vshra.s32 v4, v0  }
0x2ec: {  	v6 =	vand.u32 $0xF, v6;
	v1 =	vsel vm0, v14, v1;
	v2 =	vsel vm0, v2, v5  }
0x2ed: {  	v5 =	vcvt.s32.f32 v6;
	v6 =	vand.u32 $0xF, v7;
	v3 =	vsel vm0, v3, v9  }
0x2ee: {  	v6 =	vcvt.s32.f32 v6;
	v3 =	vshra.s32 v3, v0;
	v4 =	vand.u32 $0xF, v4  }
0x2ef: {  	v1 =	vshra.s32 v1, v0;
	v3 =	vand.u32 $0xF, v3;
	v4 =	vcvt.s32.f32 v4;
	[tilespmem:s8+$0xFFFFFFD0] =	vst v5  }
0x2f0: {  	v1 =	vand.u32 $0xF, v1;
	v3 =	vcvt.s32.f32 v3;
	v5 =	vsel vm0, v12, v13  }
0x2f1: {  	v1 =	vcvt.s32.f32 v1;
	v5 =	vshra.s32 v5, v0;
	[tilespmem:s8+$0xFFFFFFE0] =	vst v6;
	v6 =	vshra.s32 v8, v0  }
0x2f2: {  	v2 =	vshra.s32 v2, v0;
	v6 =	vand.u32 $0xF, v6;
	[tilespmem:s8+$0x20] =	vst v3;
	v3 =	vand.u32 $0xF, v5  }
0x2f3: {  	v2 =	vand.u32 $0xF, v2;
	[tilespmem:s8+$0xFFFFFFC0] =	vst v1;
	v1 =	vcvt.s32.f32 v6;
	v3 =	vcvt.s32.f32 v3  }
0x2f4: {  	s11 =	sshra.s32 s11, $0x2;
	v2 =	vcvt.s32.f32 v2;
	[tilespmem:s8+$0xFFFFFFF0] =	vst v4  }
0x2f5: {  	[tilespmem:s8+$0x0] =	vst v1  }
0x2f6: {  	[tilespmem:s8+$0x10] =	vst v2  }
0x2f7: {  	[tilespmem:s8+$0x30] =	vst v3;
	s8 =	smov.u32 s9  }
0x2f8: {  	v2 =	vld [tilespmem:s11+$0x2180];
	_ =	sdelay $0x3  }
.Ltmp31:
0x2f9: {  	(pc) =	sbr.rel @p1 .LBB2_40-.Ltmp31, $4  }
0x2fa: {  	v1 =	vbroadcast v2, $0x1;
	v4 =	vbroadcast v2, $0x6  }
0x2fb: {  	v3 =	vbroadcast v2, $0x2;
	v5 =	vbroadcast v2, $0x3  }
0x2fc: {  	v7 =	vbroadcast v2, $0x4;
	v8 =	vbroadcast v2, $0x5  }
0x2fd: {  	v6 =	vsel vm0, v3, v5;
	v5 =	vbroadcast v2, $0xB;
	v3 =	vbroadcast v2, $0xC  }
0x2fe: {  	v9 =	vbroadcast v2, $0x8  }
0x2ff: {  	v10 =	vbroadcast v2, $0xD;
	v11 =	vbroadcast v2, $0x7  }
0x300: {  	v7 =	vsel vm0, v7, v8;
	v59 =	vbroadcast v2, $0x9;
	v12 =	vbroadcast v2, $0xE  }
0x301: {  	v13 =	vbroadcast v2, $0xF;
	v14 =	vbroadcast v2, $0x0;
	v6 =	vshra.s32 v6, v0  }
0x302: {  	v2 =	vbroadcast v2, $0xA;
	v7 =	vshra.s32 v7, v0;
	v6 =	vand.u32 $0xF, v6  }
0x303: {  	v4 =	vsel vm0, v4, v11;
	v8 =	vsel vm0, v9, v59;
	v1 =	vsel vm0, v14, v1  }
0x304: {  	v2 =	vsel vm0, v2, v5;
	v3 =	vsel vm0, v3, v10;
	v60 =	vcvt.s32.f32 v6  }
0x305: {  	v61 =	vand.u32 $0xF, v7;
	v63 =	vsel vm0, v12, v13;
	v3 =	vshra.s32 v3, v0  }
0x306: {  	v6 =	vcvt.s32.f32 v61;
	v1 =	vshra.s32 v1, v0;
	v3 =	vand.u32 $0xF, v3  }
0x307: {  	v4 =	vshra.s32 v4, v0;
	[tilespmem:s8+$0xFFFFFFD0] =	vst v60;
	v1 =	vand.u32 $0xF, v1;
	v3 =	vcvt.s32.f32 v3  }
0x308: {  	v2 =	vshra.s32 v2, v0;
	v4 =	vand.u32 $0xF, v4;
	v1 =	vcvt.s32.f32 v1;
	[tilespmem:s8+$0xFFFFFFE0] =	vst v6  }
0x309: {  	v62 =	vshra.s32 v8, v0;
	v2 =	vand.u32 $0xF, v2;
	v4 =	vcvt.s32.f32 v4;
	[tilespmem:s8+$0x20] =	vst v3  }
0x30a: {  	v5 =	vand.u32 $0xF, v62;
	v2 =	vcvt.s32.f32 v2;
	v3 =	vshra.s32 v63, v0;
	[tilespmem:s8+$0xFFFFFFC0] =	vst v1  }
0x30b: {  	v1 =	vcvt.s32.f32 v5;
	[tilespmem:s8+$0xFFFFFFF0] =	vst v4;
	v3 =	vand.u32 $0xF, v3  }
0x30c: {  	[tilespmem:s8+$0x10] =	vst v2;
	v3 =	vcvt.s32.f32 v3  }
0x30d: {  	[tilespmem:s8+$0x0] =	vst v1  }
0x30e: {  	[tilespmem:s8+$0x30] =	vst v3  }
.LBB2_42:
0x30f: {  	s8 =	simm.s32 $0x0  }
0x310: {  	s15 =	smul.u32 $0x380, s8;
	_ =	sdelay $0x1  }
0x311: {  	s8 =	sadd.s32 s15, s16  }
0x312: {  	s11 =	simm.s32 $0x0;
	s9 =	sadd.s32 $0x0, s8  }
0x313: {  	s8 =	sand.u32 $0x70, s11;
	s9 =	sand.u32 $0xFF80, s9  }
0x314: {  	s9 =	sor.u32 s8, s9  }
0x315: {  	v2 =	vld [tilespmem:s9+$0xA380];
	_ =	sdelay $0x2  }
0x316: {  	s30 =	sshll.u32 s7, $0x2;
	s10 =	simm.s32 $0x1180  }
0x317: {  	v1 =	vmov s30;
	v3 =	vld [tilespmem:s10+$0x0]  }
0x318: {  	s9 =	simm.s32 $0x180;
	v2 =	vshra.s32 v2, v1  }
0x319: {  	v4 =	vand.u32 $0xF, v2;
	v2 =	vld [tilespmem:s9+$0x0]  }
0x31a: {  	s23 =	simm.s32 $0x0;
	s22 =	simm.s32 $0x2;
	v4 =	vcvt.s32.f32 v4  }
.LBB2_43:
0x31b: {  	p1 =	sne.s32 s22, $0x7F;
	s23 =	smul.u32 $0x380, s23  }
0x31c: {  	s15 =	sadd.s32 s15, s6;
	v3 =	vsub.f32 v4, v3  }
0x31d: {  	s15 =	sadd.s32 s15, s11;
	s11 =	sadd.s32 $0x10, s11;
	s29 =	sadd.s32 s23, s16  }
0x31e: {  	s30 =	sand.u32 $0xFF80, s15;
	s15 =	smov.u32 s23;
	s29 =	sadd.s32 s29, s11;
	v2 =	vmul.f32 v3, v2  }
0x31f: {  	s23 =	sand.u32 $0xFF80, s29;
	s29 =	sor.u32 s8, s30;
	s8 =	sand.u32 $0x70, s11  }
0x320: {  	s23 =	sor.u32 s8, s23;
	[tilespmem:s29+$0x12380] =	vst v2  }
0x321: {  	v2 =	vld [tilespmem:s23+$0xA380];
	_ =	sdelay $0x2  }
.Ltmp32:
0x322: {  	s10 =	sadd.s32 $0x10, s10;
	(pc) =	sbr.rel @p1 .LBB2_43-.Ltmp32, $4  }
0x323: {  	v3 =	vld [tilespmem:s10+$0x0]  }
0x324: {  	s9 =	sadd.s32 $0x10, s9;
	v2 =	vshra.s32 v2, v1  }
0x325: {  	v4 =	vand.u32 $0xF, v2;
	v2 =	vld [tilespmem:s9+$0x0]  }
0x326: {  	s23 =	sshrl.u32 s22, $0x3;
	s22 =	sadd.s32 $0x1, s22;
	v4 =	vcvt.s32.f32 v4  }
0x327: {  	s22 =	smul.u32 $0x380, s23  }
0x328: {  	s15 =	sadd.s32 s15, s6;
	v3 =	vsub.f32 v4, v3  }
0x329: {  	s15 =	sadd.s32 s15, s11;
	s11 =	sadd.s32 $0x10, s11;
	s23 =	sadd.s32 s22, s16  }
0x32a: {  	s15 =	sand.u32 $0xFF80, s15;
	s23 =	sadd.s32 s23, s11;
	v2 =	vmul.f32 v3, v2  }
0x32b: {  	s29 =	sand.u32 $0x70, s11;
	s8 =	sor.u32 s8, s15;
	s23 =	sand.u32 $0xFF80, s23  }
0x32c: {  	s30 =	sor.u32 s29, s23;
	[tilespmem:s8+$0x12380] =	vst v2  }
0x32d: {  	v2 =	vld [tilespmem:s30+$0xA380];
	_ =	sdelay $0x2  }
0x32e: {  	s15 =	sadd.s32 $0x10, s10  }
0x32f: {  	v3 =	vld [tilespmem:s15+$0x0]  }
0x330: {  	s23 =	sadd.s32 $0x10, s9;
	v1 =	vshra.s32 v2, v1  }
0x331: {  	v2 =	vld [tilespmem:s23+$0x0];
	v1 =	vand.u32 $0xF, v1  }
0x332: {  	s7 =	sadd.s32 $0x1, s7;
	v1 =	vcvt.s32.f32 v1  }
0x333: {  	p1 =	sne.s32 s7, $0x8  }
.Ltmp33:
0x334: {  	s30 =	sadd.s32 s22, s6;
	v1 =	vsub.f32 v1, v3;
	(pc) =	sbr.rel @p1 .LBB2_38-.Ltmp33, $4  }
0x335: {  	s8 =	sadd.s32 s30, s11  }
0x336: {  	s8 =	sand.u32 $0xFF80, s8;
	v1 =	vmul.f32 v1, v2  }
0x337: {  	s8 =	sor.u32 s29, s8  }
0x338: {  	s6 =	sadd.s32 $0x80, s6;
	[tilespmem:s8+$0x12380] =	vst v1  }
.LBB2_52:
0x339: {  	s6 =	sshll.u32 s17, $0xC  }
0x33a: {  	s6 =	sadd.s32 s14, s6  }
.Ltmp34:
0x33b: {  	s7 =	simm.s32 $0x0;
	s8 =	sadd.s32 s1, s6;
	(pc) =	sbr.rel @p0 .LBB2_53-.Ltmp34, $4  }
0x33c: {  	[hbm4b:s8+s7] =	stream.linear.scatter [tilespmem:s26], [sflag:$0x5], $0x4000, $0x38;
	[tilespmem:$0x1A380] =	vst v63  }
0x33d: {  	_ =	swait.ge [sflag:s0], $0x4000  }
0x33e: {  	[sflag:s0] =	ssyncset.done $0x0  }
0x33f: {  	[sflag:s0] =	ssyncadd.s32 $0xFFFFC000  }
0x340: {  	p0 =	seq.s32 s20, s18  }
.Ltmp35:
0x341: {  	_ = 	snop;
	(pc) =	sbr.rel @p0 .LBB2_65-.Ltmp35, $1  }
0x342: {  	_ =	sdelay $0x3  }
0x343: {  	s7 =	sshll.u32 s20, $0x9  }
0x344: {  	s7 =	sand.u32 $0x1FFFFE00, s7  }
0x345: {  	s8 =	simm.s32 $0x0;
	s7 =	sadd.s32 s5, s7  }
0x346: {  	[tilespmem:s24], [sflag:$0x7] =	stream.linear.gather [hbm4b:s7+s8], $0x1000, $0x38;
	[tilespmem:$0x1A380] =	vst v63  }
0x347: {  	s29 =	sshll.u32 s20, $0x6;
	_ =	swait.ge [sflag:s21], $0x1000  }
0x348: {  	s7 =	sand.u32 $0x1FFFFFC0, s29;
	[sflag:s21] =	ssyncset.done $0x0  }
0x349: {  	s7 =	sadd.s32 s4, s7;
	[sflag:s21] =	ssyncadd.s32 $0xFFFFF000  }
0x34a: {  	[tilespmem:s25], [sflag:$0x7] =	stream.linear.gather [hbm4b:s7+s8], $0x200, $0x38;
	[tilespmem:$0x1A380] =	vst v63  }
0x34b: {  	_ =	swait.ge [sflag:s21], $0x200  }
0x34c: {  	[sflag:s21] =	ssyncset.done $0x0  }
0x34d: {  	s30 =	simm.s32 $0x0;
	[sflag:s21] =	ssyncadd.s32 $0xFFFFFE00  }
0x34e: {  	v2 =	vld [tilespmem:s30+$0x2180];
	_ =	sdelay $0x4  }
0x34f: {  	v1 =	vbroadcast v2, $0x1;
	v4 =	vbroadcast v2, $0x6  }
0x350: {  	v3 =	vbroadcast v2, $0x2;
	v5 =	vbroadcast v2, $0x3  }
0x351: {  	v7 =	vbroadcast v2, $0x4;
	v8 =	vbroadcast v2, $0x5  }
0x352: {  	s9 =	simm.s32 $0x40;
	s8 =	simm.s32 $0x11C0;
	s7 =	simm.s32 $0x11C0;
	v6 =	vsel vm0, v3, v5;
	v5 =	vbroadcast v2, $0xB;
	v3 =	vbroadcast v2, $0xC  }
.LBB2_63:
0x353: {  	p0 =	sne.s32 s9, $0x7C0  }
0x354: {  	v7 =	vsel vm0, v7, v8;
	v8 =	vbroadcast v2, $0x8;
	v9 =	vbroadcast v2, $0xD;
	s8 =	sadd.s32 $0x80, s8;
	s10 =	smov.u32 s9;
	s9 =	sadd.s32 $0x40, s9  }
0x355: {  	v10 =	vbroadcast v2, $0x7;
	v11 =	vbroadcast v2, $0x9  }
0x356: {  	v12 =	vbroadcast v2, $0xE;
	v13 =	vbroadcast v2, $0xF;
	v7 =	vshra.s32 v7, v0  }
0x357: {  	v14 =	vbroadcast v2, $0x0;
	v2 =	vbroadcast v2, $0xA;
	v4 =	vsel vm0, v4, v10  }
0x358: {  	v6 =	vshra.s32 v6, v0;
	v8 =	vsel vm0, v8, v11;
	v4 =	vshra.s32 v4, v0  }
0x359: {  	v6 =	vand.u32 $0xF, v6;
	v1 =	vsel vm0, v14, v1;
	v2 =	vsel vm0, v2, v5  }
0x35a: {  	v5 =	vcvt.s32.f32 v6;
	v6 =	vand.u32 $0xF, v7;
	v3 =	vsel vm0, v3, v9  }
0x35b: {  	v6 =	vcvt.s32.f32 v6;
	v3 =	vshra.s32 v3, v0;
	v4 =	vand.u32 $0xF, v4  }
0x35c: {  	v1 =	vshra.s32 v1, v0;
	v3 =	vand.u32 $0xF, v3;
	v4 =	vcvt.s32.f32 v4;
	[tilespmem:s7+$0xFFFFFFD0] =	vst v5  }
0x35d: {  	v1 =	vand.u32 $0xF, v1;
	v3 =	vcvt.s32.f32 v3;
	v5 =	vsel vm0, v12, v13  }
0x35e: {  	v1 =	vcvt.s32.f32 v1;
	v5 =	vshra.s32 v5, v0;
	[tilespmem:s7+$0xFFFFFFE0] =	vst v6;
	v6 =	vshra.s32 v8, v0  }
0x35f: {  	v2 =	vshra.s32 v2, v0;
	v6 =	vand.u32 $0xF, v6;
	[tilespmem:s7+$0x20] =	vst v3;
	v3 =	vand.u32 $0xF, v5  }
0x360: {  	v2 =	vand.u32 $0xF, v2;
	[tilespmem:s7+$0xFFFFFFC0] =	vst v1;
	v1 =	vcvt.s32.f32 v6;
	v3 =	vcvt.s32.f32 v3  }
0x361: {  	s10 =	sshra.s32 s10, $0x2;
	v2 =	vcvt.s32.f32 v2;
	[tilespmem:s7+$0xFFFFFFF0] =	vst v4  }
0x362: {  	[tilespmem:s7+$0x0] =	vst v1  }
0x363: {  	[tilespmem:s7+$0x10] =	vst v2  }
0x364: {  	[tilespmem:s7+$0x30] =	vst v3;
	s7 =	smov.u32 s8  }
0x365: {  	v2 =	vld [tilespmem:s10+$0x2180];
	_ =	sdelay $0x3  }
.Ltmp36:
0x366: {  	(pc) =	sbr.rel @p0 .LBB2_63-.Ltmp36, $4  }
0x367: {  	v1 =	vbroadcast v2, $0x1;
	v4 =	vbroadcast v2, $0x6  }
0x368: {  	v3 =	vbroadcast v2, $0x2;
	v5 =	vbroadcast v2, $0x3  }
0x369: {  	v7 =	vbroadcast v2, $0x4;
	v8 =	vbroadcast v2, $0x5  }
0x36a: {  	v6 =	vsel vm0, v3, v5;
	v5 =	vbroadcast v2, $0xB;
	v3 =	vbroadcast v2, $0xC  }
0x36b: {  	v9 =	vbroadcast v2, $0x8  }
0x36c: {  	v10 =	vbroadcast v2, $0xD;
	v11 =	vbroadcast v2, $0x7  }
0x36d: {  	v7 =	vsel vm0, v7, v8;
	v59 =	vbroadcast v2, $0x9;
	v12 =	vbroadcast v2, $0xE  }
0x36e: {  	v13 =	vbroadcast v2, $0xF;
	v14 =	vbroadcast v2, $0x0;
	v6 =	vshra.s32 v6, v0  }
0x36f: {  	v2 =	vbroadcast v2, $0xA;
	v7 =	vshra.s32 v7, v0;
	v6 =	vand.u32 $0xF, v6  }
0x370: {  	v4 =	vsel vm0, v4, v11;
	v8 =	vsel vm0, v9, v59;
	v1 =	vsel vm0, v14, v1  }
0x371: {  	v2 =	vsel vm0, v2, v5;
	v3 =	vsel vm0, v3, v10;
	v60 =	vcvt.s32.f32 v6  }
0x372: {  	v61 =	vand.u32 $0xF, v7;
	v63 =	vsel vm0, v12, v13;
	v3 =	vshra.s32 v3, v0  }
0x373: {  	v6 =	vcvt.s32.f32 v61;
	v1 =	vshra.s32 v1, v0;
	v3 =	vand.u32 $0xF, v3  }
0x374: {  	v4 =	vshra.s32 v4, v0;
	[tilespmem:s7+$0xFFFFFFD0] =	vst v60;
	v1 =	vand.u32 $0xF, v1;
	v3 =	vcvt.s32.f32 v3  }
0x375: {  	v2 =	vshra.s32 v2, v0;
	v4 =	vand.u32 $0xF, v4;
	v1 =	vcvt.s32.f32 v1;
	[tilespmem:s7+$0xFFFFFFE0] =	vst v6  }
0x376: {  	v62 =	vshra.s32 v8, v0;
	v2 =	vand.u32 $0xF, v2;
	v4 =	vcvt.s32.f32 v4;
	[tilespmem:s7+$0x20] =	vst v3  }
0x377: {  	v5 =	vand.u32 $0xF, v62;
	v2 =	vcvt.s32.f32 v2;
	v3 =	vshra.s32 v63, v0;
	[tilespmem:s7+$0xFFFFFFC0] =	vst v1  }
0x378: {  	v1 =	vcvt.s32.f32 v5;
	[tilespmem:s7+$0xFFFFFFF0] =	vst v4;
	v3 =	vand.u32 $0xF, v3  }
0x379: {  	[tilespmem:s7+$0x10] =	vst v2;
	v3 =	vcvt.s32.f32 v3  }
0x37a: {  	[tilespmem:s7+$0x0] =	vst v1  }
0x37b: {  	[tilespmem:s7+$0x30] =	vst v3  }
.LBB2_65:
0x37c: {  	s7 =	simm.s32 $0x0  }
0x37d: {  	s7 =	smul.u32 $0x380, s7;
	_ =	sdelay $0x1  }
0x37e: {  	s8 =	sadd.s32 $0x0, s7  }
0x37f: {  	s19 =	simm.s32 $0x0;
	s7 =	sadd.s32 s16, s8  }
0x380: {  	s9 =	sand.u32 $0x70, s19;
	s7 =	sand.u32 $0xFF80, s7  }
0x381: {  	s7 =	sor.u32 s9, s7  }
0x382: {  	v5 =	vld [tilespmem:s7+$0xE380];
	_ =	sdelay $0x2  }
0x383: {  	s18 =	simm.s32 $0x1980  }
0x384: {  	v2 =	vld [tilespmem:s18+$0x0]  }
0x385: {  	s7 =	simm.s32 $0x980;
	v3 =	vshrl.u32 v5, $0x10;
	v4 =	vshrl.u32 v5, $0x18;
	v6 =	vshrl.u32 v5, $0x14  }
0x386: {  	v1 =	vld [tilespmem:s7+$0x0];
	v7 =	vshrl.u32 v5, $0xC;
	v8 =	vshrl.u32 v5, $0x8;
	v4 =	vand.u32 $0xF, v4  }
0x387: {  	v3 =	vand.u32 $0xF, v3;
	v6 =	vand.u32 $0xF, v6;
	v4 =	vcvt.s32.f32 v4  }
0x388: {  	v7 =	vand.u32 $0xF, v7;
	v3 =	vcvt.s32.f32 v3;
	v6 =	vcvt.s32.f32 v6  }
0x389: {  	v9 =	vshrl.u32 v5, $0x4;
	v7 =	vcvt.s32.f32 v7;
	v4 =	vsub.f32 v4, v2  }
0x38a: {  	v8 =	vand.u32 $0xF, v8;
	v3 =	vsub.f32 v3, v2;
	v6 =	vsub.f32 v6, v2  }
0x38b: {  	s8 =	sand.u32 $0x7F80, s8;
	v8 =	vcvt.s32.f32 v8;
	v7 =	vsub.f32 v7, v2;
	v4 =	vmul.f32 v4, v1  }
0x38c: {  	s9 =	sor.u32 s9, s8;
	v10 =	vmul.f32 v3, v1;
	v3 =	vand.u32 $0xF, v9;
	v63 =	vmul.f32 v6, v1  }
0x38d: {  	v6 =	vand.u32 $0xF, v5;
	v11 =	vcvt.s32.f32 v3;
	v3 =	vmul.f32 v7, v1;
	[tilespmem:s9+$0x16680] =	vst v4  }
0x38e: {  	v7 =	vshrl.u32 v5, $0x1C;
	v5 =	vsub.f32 v8, v2;
	v4 =	vcvt.s32.f32 v6;
	[tilespmem:s9+$0x16580] =	vst v10  }
0x38f: {  	s10 =	simm.s32 $0x0;
	s8 =	simm.s32 $0x2;
	[tilespmem:s9+$0x16600] =	vst v63;
	v7 =	vcvt.s32.f32 v7;
	v6 =	vsub.f32 v11, v2  }
.LBB2_66:
0x390: {  	p0 =	seq.s32 s8, $0x7F;
	s10 =	smul.u32 $0x380, s10;
	v4 =	vsub.f32 v4, v2;
	v5 =	vmul.f32 v5, v1;
	[tilespmem:s9+$0x16500] =	vst v3  }
0x391: {  	s19 =	sadd.s32 $0x10, s19;
	v3 =	vmul.f32 v6, v1;
	v2 =	vsub.f32 v7, v2  }
0x392: {  	s10 =	sadd.s32 s10, s19;
	v4 =	vmul.f32 v4, v1;
	[tilespmem:s9+$0x16480] =	vst v5  }
0x393: {  	s11 =	sadd.s32 s16, s10;
	[tilespmem:s9+$0x16400] =	vst v3;
	v1 =	vmul.f32 v2, v1  }
0x394: {  	s15 =	sand.u32 $0x70, s19;
	s11 =	sand.u32 $0xFF80, s11;
	[tilespmem:s9+$0x16380] =	vst v4  }
0x395: {  	s11 =	sor.u32 s15, s11;
	[tilespmem:s9+$0x16700] =	vst v1  }
0x396: {  	v6 =	vld [tilespmem:s11+$0xE380];
	_ =	sdelay $0x2  }
0x397: {  	s18 =	sadd.s32 $0x10, s18  }
0x398: {  	v2 =	vld [tilespmem:s18+$0x0]  }
0x399: {  	s7 =	sadd.s32 $0x10, s7;
	v3 =	vshrl.u32 v6, $0x10;
	v4 =	vshrl.u32 v6, $0x14;
	v5 =	vshrl.u32 v6, $0x18  }
0x39a: {  	v1 =	vld [tilespmem:s7+$0x0];
	v3 =	vand.u32 $0xF, v3;
	v4 =	vand.u32 $0xF, v4;
	v5 =	vand.u32 $0xF, v5  }
0x39b: {  	v7 =	vshrl.u32 v6, $0xC;
	v3 =	vcvt.s32.f32 v3;
	v5 =	vcvt.s32.f32 v5  }
0x39c: {  	v8 =	vshrl.u32 v6, $0x8;
	v7 =	vand.u32 $0xF, v7;
	v4 =	vcvt.s32.f32 v4  }
0x39d: {  	v7 =	vcvt.s32.f32 v7;
	v3 =	vsub.f32 v3, v2;
	v5 =	vsub.f32 v5, v2  }
0x39e: {  	v9 =	vshrl.u32 v6, $0x4;
	v8 =	vand.u32 $0xF, v8;
	v4 =	vsub.f32 v4, v2  }
.Ltmp37:
0x39f: {  	s9 =	sand.u32 $0x7F80, s10;
	v7 =	vsub.f32 v7, v2;
	v10 =	vmul.f32 v3, v1;
	v5 =	vmul.f32 v5, v1;
	(pc) =	sbr.rel @!p0 .LBB2_66-.Ltmp37, $4  }
0x3a0: {  	s9 =	sor.u32 s15, s9;
	v8 =	vcvt.s32.f32 v8;
	v3 =	vand.u32 $0xF, v9;
	v9 =	vmul.f32 v4, v1  }
0x3a1: {  	v4 =	vand.u32 $0xF, v6;
	v11 =	vcvt.s32.f32 v3;
	v3 =	vmul.f32 v7, v1;
	[tilespmem:s9+$0x16680] =	vst v5  }
0x3a2: {  	v4 =	vcvt.s32.f32 v4;
	v7 =	vshrl.u32 v6, $0x1C;
	v5 =	vsub.f32 v8, v2;
	[tilespmem:s9+$0x16580] =	vst v10  }
0x3a3: {  	s10 =	sshrl.u32 s8, $0x3;
	s8 =	sadd.s32 $0x1, s8;
	v7 =	vcvt.s32.f32 v7;
	v6 =	vsub.f32 v11, v2;
	[tilespmem:s9+$0x16600] =	vst v9  }
0x3a4: {  	s8 =	smul.u32 $0x380, s10;
	v4 =	vsub.f32 v4, v2;
	v5 =	vmul.f32 v5, v1  }
0x3a5: {  	[tilespmem:s9+$0x16500] =	vst v3;
	s23 =	sadd.s32 $0x10, s19;
	v3 =	vmul.f32 v6, v1;
	v2 =	vsub.f32 v7, v2  }
0x3a6: {  	s8 =	sadd.s32 s8, s23;
	v4 =	vmul.f32 v4, v1;
	[tilespmem:s9+$0x16480] =	vst v5  }
0x3a7: {  	s11 =	sadd.s32 s16, s8;
	[tilespmem:s9+$0x16400] =	vst v3;
	v1 =	vmul.f32 v2, v1  }
0x3a8: {  	s10 =	sand.u32 $0x70, s23;
	s11 =	sand.u32 $0xFF80, s11;
	[tilespmem:s9+$0x16380] =	vst v4  }
0x3a9: {  	s11 =	sor.u32 s10, s11;
	[tilespmem:s9+$0x16700] =	vst v1  }
0x3aa: {  	v1 =	vld [tilespmem:s11+$0xE380];
	_ =	sdelay $0x3  }
0x3ab: {  	s29 =	sadd.s32 $0x10, s18  }
0x3ac: {  	v2 =	vld [tilespmem:s29+$0x0];
	v3 =	vshrl.u32 v1, $0x10;
	v57 =	vshrl.u32 v1, $0x14  }
0x3ad: {  	s7 =	sadd.s32 $0x10, s7;
	v58 =	vshrl.u32 v1, $0x18;
	v60 =	vshrl.u32 v1, $0xC;
	v8 =	vshrl.u32 v1, $0x8  }
0x3ae: {  	v59 =	vld [tilespmem:s7+$0x0];
	v9 =	vshrl.u32 v1, $0x4;
	v10 =	vand.u32 $0xF, v1;
	v1 =	vshrl.u32 v1, $0x1C  }
0x3af: {  	v3 =	vand.u32 $0xF, v3;
	v5 =	vand.u32 $0xF, v58;
	v1 =	vcvt.s32.f32 v1  }
0x3b0: {  	v4 =	vand.u32 $0xF, v57;
	v7 =	vand.u32 $0xF, v60;
	v5 =	vcvt.s32.f32 v5  }
0x3b1: {  	v8 =	vand.u32 $0xF, v8;
	v3 =	vcvt.s32.f32 v3;
	v1 =	vsub.f32 v1, v2  }
0x3b2: {  	v9 =	vand.u32 $0xF, v9;
	v4 =	vcvt.s32.f32 v4;
	v5 =	vsub.f32 v5, v2  }
0x3b3: {  	s30 =	sand.u32 $0x7F80, s8;
	v7 =	vcvt.s32.f32 v7;
	v3 =	vsub.f32 v3, v2;
	v1 =	vmul.f32 v1, v59  }
0x3b4: {  	s7 =	sor.u32 s10, s30;
	v8 =	vcvt.s32.f32 v8;
	v4 =	vsub.f32 v4, v2;
	v5 =	vmul.f32 v5, v59  }
0x3b5: {  	v61 =	vcvt.s32.f32 v10;
	v7 =	vsub.f32 v7, v2;
	v3 =	vmul.f32 v3, v59;
	[tilespmem:s7+$0x16700] =	vst v1  }
0x3b6: {  	v9 =	vcvt.s32.f32 v9;
	v8 =	vsub.f32 v8, v2;
	v4 =	vmul.f32 v4, v59;
	[tilespmem:s7+$0x16680] =	vst v5  }
0x3b7: {  	v62 =	vsub.f32 v61, v2;
	v7 =	vmul.f32 v7, v59;
	[tilespmem:s7+$0x16580] =	vst v3  }
.Ltmp38:
0x3b8: {  	v63 =	vmul.f32 v8, v59;
	v3 =	vsub.f32 v9, v2;
	[tilespmem:s7+$0x16600] =	vst v4;
	(pc) =	sbr.rel .LBB2_68-.Ltmp38, $4  }
0x3b9: {  	[tilespmem:s7+$0x16500] =	vst v7;
	v2 =	vmul.f32 v62, v59  }
0x3ba: {  	[tilespmem:s7+$0x16480] =	vst v63;
	v3 =	vmul.f32 v3, v59  }
0x3bb: {  	[tilespmem:s7+$0x16380] =	vst v2  }
0x3bc: {  	[tilespmem:s7+$0x16400] =	vst v3  }
.LBB2_53:
0x3bd: {  	s20 =	smov.u32 s18;
	s18 =	simm.s32 $0x0  }
.LBB2_54:
0x3be: {  	s8 =	sadd.s32 s18, s19  }
0x3bf: {  	v1 =	vld [tilespmem:s8+$0x0];
	_ =	sdelay $0x4  }
0x3c0: {  	(v2sf) =	vpush v1, $0x0;
	_ =	sdelay $0xe  }
0x3c1: {  	s30 =	smov.u32 s20;
	s20 =	spop (v2sf)  }
0x3c2: {  	p0 =	seq.s32 s20, s30  }
.Ltmp39:
0x3c3: {  	_ = 	snop;
	(pc) =	sbr.rel @p0 .LBB2_58-.Ltmp39, $1  }
0x3c4: {  	_ =	sdelay $0x3  }
0x3c5: {  	s8 =	sshll.u32 s20, $0x9  }
0x3c6: {  	s8 =	sand.u32 $0x1FFFFE00, s8  }
0x3c7: {  	s9 =	simm.s32 $0x0;
	s8 =	sadd.s32 s5, s8  }
0x3c8: {  	[tilespmem:s24], [sflag:$0x7] =	stream.linear.gather [hbm4b:s8+s9], $0x1000, $0x38;
	[tilespmem:$0x1A380] =	vst v63  }
0x3c9: {  	s29 =	sshll.u32 s20, $0x6;
	_ =	swait.ge [sflag:s21], $0x1000  }
0x3ca: {  	s8 =	sand.u32 $0x1FFFFFC0, s29;
	[sflag:s21] =	ssyncset.done $0x0  }
0x3cb: {  	s8 =	sadd.s32 s4, s8;
	[sflag:s21] =	ssyncadd.s32 $0xFFFFF000  }
0x3cc: {  	[tilespmem:s25], [sflag:$0x7] =	stream.linear.gather [hbm4b:s8+s9], $0x200, $0x38;
	[tilespmem:$0x1A380] =	vst v63  }
0x3cd: {  	_ =	swait.ge [sflag:s21], $0x200  }
0x3ce: {  	[sflag:s21] =	ssyncset.done $0x0  }
0x3cf: {  	s30 =	simm.s32 $0x0;
	[sflag:s21] =	ssyncadd.s32 $0xFFFFFE00  }
0x3d0: {  	v2 =	vld [tilespmem:s30+$0x2180];
	_ =	sdelay $0x4  }
0x3d1: {  	v1 =	vbroadcast v2, $0x1;
	v4 =	vbroadcast v2, $0x6  }
0x3d2: {  	v3 =	vbroadcast v2, $0x2;
	v5 =	vbroadcast v2, $0x3  }
0x3d3: {  	v7 =	vbroadcast v2, $0x4;
	v8 =	vbroadcast v2, $0x5  }
0x3d4: {  	s10 =	simm.s32 $0x40;
	s9 =	simm.s32 $0x11C0;
	s8 =	simm.s32 $0x11C0;
	v6 =	vsel vm0, v3, v5;
	v5 =	vbroadcast v2, $0xB;
	v3 =	vbroadcast v2, $0xC  }
.LBB2_56:
0x3d5: {  	p0 =	sne.s32 s10, $0x7C0  }
0x3d6: {  	v7 =	vsel vm0, v7, v8;
	v8 =	vbroadcast v2, $0x8;
	v9 =	vbroadcast v2, $0xD;
	s9 =	sadd.s32 $0x80, s9;
	s11 =	smov.u32 s10;
	s10 =	sadd.s32 $0x40, s10  }
0x3d7: {  	v10 =	vbroadcast v2, $0x7;
	v11 =	vbroadcast v2, $0x9  }
0x3d8: {  	v12 =	vbroadcast v2, $0xE;
	v13 =	vbroadcast v2, $0xF;
	v7 =	vshra.s32 v7, v0  }
0x3d9: {  	v14 =	vbroadcast v2, $0x0;
	v2 =	vbroadcast v2, $0xA;
	v4 =	vsel vm0, v4, v10  }
0x3da: {  	v6 =	vshra.s32 v6, v0;
	v8 =	vsel vm0, v8, v11;
	v4 =	vshra.s32 v4, v0  }
0x3db: {  	v6 =	vand.u32 $0xF, v6;
	v1 =	vsel vm0, v14, v1;
	v2 =	vsel vm0, v2, v5  }
0x3dc: {  	v5 =	vcvt.s32.f32 v6;
	v6 =	vand.u32 $0xF, v7;
	v3 =	vsel vm0, v3, v9  }
0x3dd: {  	v6 =	vcvt.s32.f32 v6;
	v3 =	vshra.s32 v3, v0;
	v4 =	vand.u32 $0xF, v4  }
0x3de: {  	v1 =	vshra.s32 v1, v0;
	v3 =	vand.u32 $0xF, v3;
	v4 =	vcvt.s32.f32 v4;
	[tilespmem:s8+$0xFFFFFFD0] =	vst v5  }
0x3df: {  	v1 =	vand.u32 $0xF, v1;
	v3 =	vcvt.s32.f32 v3;
	v5 =	vsel vm0, v12, v13  }
0x3e0: {  	v1 =	vcvt.s32.f32 v1;
	v5 =	vshra.s32 v5, v0;
	[tilespmem:s8+$0xFFFFFFE0] =	vst v6;
	v6 =	vshra.s32 v8, v0  }
0x3e1: {  	v2 =	vshra.s32 v2, v0;
	v6 =	vand.u32 $0xF, v6;
	[tilespmem:s8+$0x20] =	vst v3;
	v3 =	vand.u32 $0xF, v5  }
0x3e2: {  	v2 =	vand.u32 $0xF, v2;
	[tilespmem:s8+$0xFFFFFFC0] =	vst v1;
	v1 =	vcvt.s32.f32 v6;
	v3 =	vcvt.s32.f32 v3  }
0x3e3: {  	s11 =	sshra.s32 s11, $0x2;
	v2 =	vcvt.s32.f32 v2;
	[tilespmem:s8+$0xFFFFFFF0] =	vst v4  }
0x3e4: {  	[tilespmem:s8+$0x0] =	vst v1  }
0x3e5: {  	[tilespmem:s8+$0x10] =	vst v2  }
0x3e6: {  	[tilespmem:s8+$0x30] =	vst v3;
	s8 =	smov.u32 s9  }
0x3e7: {  	v2 =	vld [tilespmem:s11+$0x2180];
	_ =	sdelay $0x3  }
.Ltmp40:
0x3e8: {  	(pc) =	sbr.rel @p0 .LBB2_56-.Ltmp40, $4  }
0x3e9: {  	v1 =	vbroadcast v2, $0x1;
	v4 =	vbroadcast v2, $0x6  }
0x3ea: {  	v3 =	vbroadcast v2, $0x2;
	v5 =	vbroadcast v2, $0x3  }
0x3eb: {  	v7 =	vbroadcast v2, $0x4;
	v8 =	vbroadcast v2, $0x5  }
0x3ec: {  	v6 =	vsel vm0, v3, v5;
	v5 =	vbroadcast v2, $0xB;
	v3 =	vbroadcast v2, $0xC  }
0x3ed: {  	v9 =	vbroadcast v2, $0x8  }
0x3ee: {  	v10 =	vbroadcast v2, $0xD;
	v11 =	vbroadcast v2, $0x7  }
0x3ef: {  	v7 =	vsel vm0, v7, v8;
	v59 =	vbroadcast v2, $0x9;
	v12 =	vbroadcast v2, $0xE  }
0x3f0: {  	v13 =	vbroadcast v2, $0xF;
	v14 =	vbroadcast v2, $0x0;
	v6 =	vshra.s32 v6, v0  }
0x3f1: {  	v2 =	vbroadcast v2, $0xA;
	v7 =	vshra.s32 v7, v0;
	v6 =	vand.u32 $0xF, v6  }
0x3f2: {  	v4 =	vsel vm0, v4, v11;
	v8 =	vsel vm0, v9, v59;
	v1 =	vsel vm0, v14, v1  }
0x3f3: {  	v2 =	vsel vm0, v2, v5;
	v3 =	vsel vm0, v3, v10;
	v60 =	vcvt.s32.f32 v6  }
0x3f4: {  	v61 =	vand.u32 $0xF, v7;
	v63 =	vsel vm0, v12, v13;
	v3 =	vshra.s32 v3, v0  }
0x3f5: {  	v6 =	vcvt.s32.f32 v61;
	v1 =	vshra.s32 v1, v0;
	v3 =	vand.u32 $0xF, v3  }
0x3f6: {  	v4 =	vshra.s32 v4, v0;
	[tilespmem:s8+$0xFFFFFFD0] =	vst v60;
	v1 =	vand.u32 $0xF, v1;
	v3 =	vcvt.s32.f32 v3  }
0x3f7: {  	v2 =	vshra.s32 v2, v0;
	v4 =	vand.u32 $0xF, v4;
	v1 =	vcvt.s32.f32 v1;
	[tilespmem:s8+$0xFFFFFFE0] =	vst v6  }
0x3f8: {  	v62 =	vshra.s32 v8, v0;
	v2 =	vand.u32 $0xF, v2;
	v4 =	vcvt.s32.f32 v4;
	[tilespmem:s8+$0x20] =	vst v3  }
0x3f9: {  	v5 =	vand.u32 $0xF, v62;
	v2 =	vcvt.s32.f32 v2;
	v3 =	vshra.s32 v63, v0;
	[tilespmem:s8+$0xFFFFFFC0] =	vst v1  }
0x3fa: {  	v1 =	vcvt.s32.f32 v5;
	[tilespmem:s8+$0xFFFFFFF0] =	vst v4;
	v3 =	vand.u32 $0xF, v3  }
0x3fb: {  	[tilespmem:s8+$0x10] =	vst v2;
	v3 =	vcvt.s32.f32 v3  }
0x3fc: {  	[tilespmem:s8+$0x0] =	vst v1  }
0x3fd: {  	[tilespmem:s8+$0x30] =	vst v3  }
.LBB2_58:
0x3fe: {  	s8 =	simm.s32 $0x0  }
0x3ff: {  	s15 =	smul.u32 $0x380, s8;
	_ =	sdelay $0x1  }
0x400: {  	s8 =	sadd.s32 s15, s16  }
0x401: {  	s11 =	simm.s32 $0x0;
	s9 =	sadd.s32 $0x0, s8  }
0x402: {  	s8 =	sand.u32 $0x70, s11;
	s9 =	sand.u32 $0xFF80, s9  }
0x403: {  	s9 =	sor.u32 s8, s9  }
0x404: {  	v2 =	vld [tilespmem:s9+$0xE380];
	_ =	sdelay $0x2  }
0x405: {  	s30 =	sshll.u32 s18, $0x2;
	s10 =	simm.s32 $0x1980  }
0x406: {  	v1 =	vmov s30;
	v3 =	vld [tilespmem:s10+$0x0]  }
0x407: {  	s9 =	simm.s32 $0x980;
	v2 =	vshra.s32 v2, v1  }
0x408: {  	v4 =	vand.u32 $0xF, v2;
	v2 =	vld [tilespmem:s9+$0x0]  }
0x409: {  	s23 =	simm.s32 $0x0;
	s22 =	simm.s32 $0x2;
	v4 =	vcvt.s32.f32 v4  }
.LBB2_59:
0x40a: {  	p0 =	sne.s32 s22, $0x7F;
	s23 =	smul.u32 $0x380, s23  }
0x40b: {  	s15 =	sadd.s32 s15, s7;
	v3 =	vsub.f32 v4, v3  }
0x40c: {  	s15 =	sadd.s32 s15, s11;
	s11 =	sadd.s32 $0x10, s11;
	s29 =	sadd.s32 s23, s16  }
0x40d: {  	s30 =	sand.u32 $0xFF80, s15;
	s15 =	smov.u32 s23;
	s29 =	sadd.s32 s29, s11;
	v2 =	vmul.f32 v3, v2  }
0x40e: {  	s23 =	sand.u32 $0xFF80, s29;
	s29 =	sor.u32 s8, s30;
	s8 =	sand.u32 $0x70, s11  }
0x40f: {  	s23 =	sor.u32 s8, s23;
	[tilespmem:s29+$0x16380] =	vst v2  }
0x410: {  	v2 =	vld [tilespmem:s23+$0xE380];
	_ =	sdelay $0x2  }
.Ltmp41:
0x411: {  	s10 =	sadd.s32 $0x10, s10;
	(pc) =	sbr.rel @p0 .LBB2_59-.Ltmp41, $4  }
0x412: {  	v3 =	vld [tilespmem:s10+$0x0]  }
0x413: {  	s9 =	sadd.s32 $0x10, s9;
	v2 =	vshra.s32 v2, v1  }
0x414: {  	v4 =	vand.u32 $0xF, v2;
	v2 =	vld [tilespmem:s9+$0x0]  }
0x415: {  	s23 =	sshrl.u32 s22, $0x3;
	s22 =	sadd.s32 $0x1, s22;
	v4 =	vcvt.s32.f32 v4  }
0x416: {  	s22 =	smul.u32 $0x380, s23  }
0x417: {  	s15 =	sadd.s32 s15, s7;
	v3 =	vsub.f32 v4, v3  }
0x418: {  	s15 =	sadd.s32 s15, s11;
	s11 =	sadd.s32 $0x10, s11;
	s23 =	sadd.s32 s22, s16  }
0x419: {  	s15 =	sand.u32 $0xFF80, s15;
	s23 =	sadd.s32 s23, s11;
	v2 =	vmul.f32 v3, v2  }
0x41a: {  	s29 =	sand.u32 $0x70, s11;
	s8 =	sor.u32 s8, s15;
	s23 =	sand.u32 $0xFF80, s23  }
0x41b: {  	s30 =	sor.u32 s29, s23;
	[tilespmem:s8+$0x16380] =	vst v2  }
0x41c: {  	v2 =	vld [tilespmem:s30+$0xE380];
	_ =	sdelay $0x2  }
0x41d: {  	s15 =	sadd.s32 $0x10, s10  }
0x41e: {  	v3 =	vld [tilespmem:s15+$0x0]  }
0x41f: {  	s23 =	sadd.s32 $0x10, s9;
	v1 =	vshra.s32 v2, v1  }
0x420: {  	v2 =	vld [tilespmem:s23+$0x0];
	v1 =	vand.u32 $0xF, v1  }
0x421: {  	s18 =	sadd.s32 $0x1, s18;
	v1 =	vcvt.s32.f32 v1  }
0x422: {  	p0 =	sne.s32 s18, $0x8  }
.Ltmp42:
0x423: {  	s30 =	sadd.s32 s22, s7;
	v1 =	vsub.f32 v1, v3;
	(pc) =	sbr.rel @p0 .LBB2_54-.Ltmp42, $4  }
.Ltmp43:
0x424: {  	s8 =	sadd.s32 s30, s11;
	(pc) =	sbr.rel @!p0 .LBB2_68-.Ltmp43, $4  }
0x425: {  	s8 =	sand.u32 $0xFF80, s8;
	v1 =	vmul.f32 v1, v2  }
0x426: {  	s8 =	sor.u32 s29, s8  }
0x427: {  	s7 =	sadd.s32 $0x80, s7;
	[tilespmem:s8+$0x16380] =	vst v1  }
0x428: {  	_ = 	snop  }
.LBB2_70:
0x429: {  	_ =	sfence.sel $0x180000  }
0x42a: {  	[bflag:$0x0] =	sbarrier.arrive $0xFFFF  }
0x42b: {  	_ =	strace $0x90000047  }
0x42c: {  	s0 =	stileid.u32;
	[bflag:$0x2] =	sbarrier.arrive $0xFFFF  }
0x42d: {  	p0 =	sne.s32 s0, $0x0;
	s0 =	rddreg [dreg:$0x4]  }
0x42e: {  	s0 =	sadd.s32 @!p0 $0x100000, s0  }
0x42f: {  	[sflag:s0] =	ssyncadd.tile.s32 @!p0 $0x1;
	_ =	shalt  }
.Lfunc_end2:
_tile_overlayer_lowered:
.L_overlay_start_2:
0x430: {  	(tag) =	ssettag $0x2  }
0x431: {  	s0 =	rddreg [dreg:$0x0];
	s2 =	stileid.u32  }
0x432: {  	s1 =	rddreg [dreg:$0x1];
	p0 =	sne.s32 s2, $0x0  }
0x433: {  	s3 =	rddreg [dreg:$0x2];
	[bflag:$0x3] =	sbarrier.arrive $0xFFFF;
	s2 =	simm.s32 @!p0 $0x1C07  }
0x434: {  	[timem:s3], [sflag:s2] =	dma.local @!p0 [hbm:s0], s1  }
0x435: {  	s0 =	simm.s32 @!p0 $0x7  }
0x436: {  	_ =	swait.ge @!p0 [sflag:s0], s1  }
0x437: {  	s1 =	ssub.s32 @!p0 $0x0, s1;
	[sflag:s0] =	ssyncset.done @!p0 $0x0  }
0x438: {  	[sflag:s0] =	ssyncadd.s32 @!p0 s1  }
0x439: {  	[bflag:$0x3] =	sbarrier.arrive $0xFFFF  }
0x43a: {  	_ =	shalt  }

</sc_bundles>
